<compile_context>
chip_gen: v7x
topology: tpu7x:2x2x1
jax: 0.10.2.dev20260603
libtpu: 0.0.44.dev20260713+nightly
codegen_flags: <defaults>
</compile_context>

<pallas_src>
import functools

import jax
import jax.numpy as jnp
from jax import lax
from jax.experimental import pallas as pl
from jax.experimental.pallas import tpu as pltpu
from jax.experimental.pallas import tpu_sc as plsc

N = 100000
VEC = 256
NC = 2
NS = 16
NW = NC * NS
CH = 136
NCH = 23
BPW = CH * NCH
BTOT = BPW * NW
TAIL = N - (NW - 1) * BPW - (NCH - 1) * CH


@functools.partial(
    pl.kernel,
    out_type=jax.ShapeDtypeStruct((N, VEC), jnp.float32),
    mesh=plsc.VectorSubcoreMesh(core_axis_name="c", subcore_axis_name="s"),
    scratch_types=[
        pltpu.VMEM((BPW,), jnp.int32),
        pltpu.VMEM((CH, VEC), jnp.float32),
        pltpu.VMEM((CH, VEC), jnp.float32),
        pltpu.VMEM((CH, VEC), jnp.float32),
        pltpu.SemaphoreType.DMA,
        pltpu.SemaphoreType.DMA,
    ],
)
def _emb_lookup(x_hbm, table_hbm, out_hbm, idx_v, rows_a, rows_b, rows_c,
                gsem, osem):
    wid = lax.axis_index("s") * NC + lax.axis_index("c")
    base = wid * BPW
    pltpu.sync_copy(x_hbm.at[pl.ds(base, BPW)], idx_v)

    bufs = (rows_a, rows_b, rows_c)

    H = 72

    class _Pair:
        def __init__(self, a, b):
            self.a, self.b = a, b

        def wait(self):
            self.a.wait()
            self.b.wait()

    def gather(c):
        buf = bufs[c % 3]
        a = pltpu.async_copy(
            table_hbm.at[idx_v.at[pl.ds(c * CH, H)]], buf.at[pl.ds(0, H)],
            gsem)
        b = pltpu.async_copy(
            table_hbm.at[idx_v.at[pl.ds(c * CH + H, CH - H)]],
            buf.at[pl.ds(H, CH - H)], gsem)
        return _Pair(a, b)

    def store(c):
        return pltpu.async_copy(
            bufs[c % 3], out_hbm.at[pl.ds(base + c * CH, CH)], osem)

    g = [None] * NCH
    s = [None] * NCH
    g[0] = gather(0)
    g[1] = gather(1)
    for c in range(NCH - 1):
        g[c].wait()
        s[c] = store(c)
        if c + 2 < NCH:
            if c >= 1:
                s[c - 1].wait()
            g[c + 2] = gather(c + 2)
    s[NCH - 3].wait()
    s[NCH - 2].wait()

    g[NCH - 1].wait()
    last = NCH - 1
    is_tail = wid == NW - 1

    @pl.when(is_tail)
    def _():
        pltpu.sync_copy(bufs[last % 3].at[pl.ds(0, TAIL)],
                        out_hbm.at[pl.ds(base + last * CH, TAIL)])

    @pl.when(jnp.logical_not(is_tail))
    def _():
        pltpu.sync_copy(bufs[last % 3],
                        out_hbm.at[pl.ds(base + last * CH, CH)])


REP = 64


def kernel(x, table):
    idx = x.astype(jnp.int32)
    idx_p = jnp.concatenate([idx, jnp.zeros((BTOT - N,), jnp.int32)])
    shift = (jnp.arange(BTOT, dtype=jnp.int32) % REP) * table.shape[0]
    table_rep = jnp.tile(table, (REP, 1))
    return _emb_lookup(idx_p + shift, table_rep)

# --- scband reference (transcript-rebuilt; emitter-appended) ---
"""Pipeline reference for scband-node-emb-1090921693338 (READ-ONLY COPY).

The authoritative reference and input builder live on the scoring server;
editing this copy changes nothing except your own understanding.
"""

import jax, jax.numpy as jnp
import numpy as np

VEC_DIM = 256
NUM_EMB = 120
N = 100000

def setup_inputs(seed: int = 0) -> dict:
    key = jax.random.key(seed)
    k1, k2 = jax.random.split(key)
    x = jax.random.randint(k1, (N,), 0, NUM_EMB, dtype=jnp.int64 if jax.config.jax_enable_x64 else jnp.int32)
    table = jax.random.normal(k2, (NUM_EMB, VEC_DIM), dtype=jnp.float32)
    return {"x": x, "table": table}

def reference(x, table):
    # NodeEmb with emb_type='atom': self.x_emb(x.int())
    idx = x.astype(jnp.int32)
    return jnp.take(table, idx, axis=0)

if __name__ == "__main__":
    import jax
    _d = setup_inputs()
    print(jax.jit(kernel)(*tuple(_d.values())))

</pallas_src>

<mosaic_0001>
#map = affine_map<(d0, d1) -> (0)>
#map1 = affine_map<(d0, d1) -> (0, 0)>
module attributes {stable_mosaic.version = 14 : i64} {
  func.func @_emb_lookup(%arg0: i32, %arg1: i32, %arg2: memref<100096xi32, #tpu.memory_space<hbm>>, %arg3: memref<7680x256xf32, #tpu.memory_space<hbm>>, %arg4: memref<100000x256xf32, #tpu.memory_space<hbm>>, %arg5: memref<3128xi32, #tpu.memory_space<vmem>>, %arg6: memref<136x256xf32, #tpu.memory_space<vmem>>, %arg7: memref<136x256xf32, #tpu.memory_space<vmem>>, %arg8: memref<136x256xf32, #tpu.memory_space<vmem>>, %arg9: memref<!tpu.dma_semaphore, #tpu.memory_space<semaphore_mem>>, %arg10: memref<!tpu.dma_semaphore, #tpu.memory_space<semaphore_mem>>) attributes {dimension_semantics = [#tpu.dimension_semantics<core_parallel>, #tpu.dimension_semantics<subcore_parallel>], iteration_bounds = array<i64: 2, 16>, scalar_prefetch = 0 : i64, scratch_operands = 6 : i64, tpu.core_type = #tpu.core_type<sc_vector_subcore>, window_params = [{transform_indices = #map}, {transform_indices = #map1}, {transform_indices = #map1}]} {
    %mul3A = arith.constant 2 : i32
    %mul3A_0 = arith.muli %arg1, %mul3A : i32
    %add3A = arith.addi %mul3A_0, %arg0 : i32
    %mul3A_1 = arith.constant 3128 : i32
    %mul3A_2 = arith.muli %add3A, %mul3A_1 : i32
    "tpu.region"() ({
      %run_scoped3A = tpu.sem_alloc : memref<!tpu.dma_semaphore, #tpu.memory_space<semaphore_mem>>
      %dma_start3A_963 = tpu.memref_slice %arg2[%mul3A_2] : memref<100096xi32, #tpu.memory_space<hbm>> -> memref<3128xi32, #tpu.memory_space<hbm>>
      %dma_start3A_964 = tpu.memref_slice %arg2[%mul3A_2] : memref<100096xi32, #tpu.memory_space<hbm>> -> memref<3128xi32, #tpu.memory_space<hbm>>
      tpu.enqueue_dma source(%dma_start3A_964 : memref<3128xi32, #tpu.memory_space<hbm>>) target(%arg5 : memref<3128xi32, #tpu.memory_space<vmem>>) target_semaphore(%run_scoped3A : memref<!tpu.dma_semaphore, #tpu.memory_space<semaphore_mem>>)
      %dma_wait3A_965 = tpu.memref_slice %arg2[%mul3A_2] : memref<100096xi32, #tpu.memory_space<hbm>> -> memref<3128xi32, #tpu.memory_space<hbm>>
      %dma_wait3A_966 = tpu.memref_slice %arg2[%mul3A_2] : memref<100096xi32, #tpu.memory_space<hbm>> -> memref<3128xi32, #tpu.memory_space<hbm>>
      tpu.wait_dma2 semaphore(%run_scoped3A : memref<!tpu.dma_semaphore, #tpu.memory_space<semaphore_mem>>) src(%dma_wait3A_966 : memref<3128xi32, #tpu.memory_space<hbm>>) dst(%arg5 : memref<3128xi32, #tpu.memory_space<vmem>>)
      tpu.yield
    }) : () -> ()
    %dma_start3A = arith.constant 0 : i32
    %dma_start3A_3 = arith.constant 0 : i32
    %dma_start3A_4 = tpu.memref_slice %arg6[%dma_start3A, %dma_start3A_3] : memref<136x256xf32, #tpu.memory_space<vmem>> -> memref<72x256xf32, #tpu.memory_space<vmem>>
    %dma_start3A_5 = arith.constant 0 : i32
    %dma_start3A_6 = tpu.memref_slice %arg5[%dma_start3A_5] : memref<3128xi32, #tpu.memory_space<vmem>> -> memref<72xi32, #tpu.memory_space<vmem>>
    %dma_start3A_7 = arith.constant 0 : i32
    %dma_start3A_8 = arith.constant 0 : i32
    %dma_start3A_9 = tpu.memref_slice %arg3[%dma_start3A_7, %dma_start3A_8] : memref<7680x256xf32, #tpu.memory_space<hbm>> -> memref<7680x256xf32, #tpu.memory_space<hbm>>
    tpu.enqueue_indirect_dma source(%dma_start3A_9 : memref<7680x256xf32, #tpu.memory_space<hbm>>) target(%dma_start3A_4 : memref<72x256xf32, #tpu.memory_space<vmem>>) offsets(%dma_start3A_6 : memref<72xi32, #tpu.memory_space<vmem>>) semaphore(%arg9 : memref<!tpu.dma_semaphore, #tpu.memory_space<semaphore_mem>>)
    %dma_start3A_10 = arith.constant 72 : i32
    %dma_start3A_11 = arith.constant 0 : i32
    %dma_start3A_12 = tpu.memref_slice %arg6[%dma_start3A_10, %dma_start3A_11] : memref<136x256xf32, #tpu.memory_space<vmem>> -> memref<64x256xf32, #tpu.memory_space<vmem>>
    %dma_start3A_13 = arith.constant 72 : i32
    %dma_start3A_14 = tpu.memref_slice %arg5[%dma_start3A_13] : memref<3128xi32, #tpu.memory_space<vmem>> -> memref<64xi32, #tpu.memory_space<vmem>>
    %dma_start3A_15 = arith.constant 0 : i32
    %dma_start3A_16 = arith.constant 0 : i32
    %dma_start3A_17 = tpu.memref_slice %arg3[%dma_start3A_15, %dma_start3A_16] : memref<7680x256xf32, #tpu.memory_space<hbm>> -> memref<7680x256xf32, #tpu.memory_space<hbm>>
    tpu.enqueue_indirect_dma source(%dma_start3A_17 : memref<7680x256xf32, #tpu.memory_space<hbm>>) target(%dma_start3A_12 : memref<64x256xf32, #tpu.memory_space<vmem>>) offsets(%dma_start3A_14 : memref<64xi32, #tpu.memory_space<vmem>>) semaphore(%arg9 : memref<!tpu.dma_semaphore, #tpu.memory_space<semaphore_mem>>)
    %dma_start3A_18 = arith.constant 0 : i32
    %dma_start3A_19 = arith.constant 0 : i32
    %dma_start3A_20 = tpu.memref_slice %arg7[%dma_start3A_18, %dma_start3A_19] : memref<136x256xf32, #tpu.memory_space<vmem>> -> memref<72x256xf32, #tpu.memory_space<vmem>>
    %dma_start3A_21 = arith.constant 136 : i32
    %dma_start3A_22 = tpu.memref_slice %arg5[%dma_start3A_21] : memref<3128xi32, #tpu.memory_space<vmem>> -> memref<72xi32, #tpu.memory_space<vmem>>
    %dma_start3A_23 = arith.constant 0 : i32
    %dma_start3A_24 = arith.constant 0 : i32
    %dma_start3A_25 = tpu.memref_slice %arg3[%dma_start3A_23, %dma_start3A_24] : memref<7680x256xf32, #tpu.memory_space<hbm>> -> memref<7680x256xf32, #tpu.memory_space<hbm>>
    tpu.enqueue_indirect_dma source(%dma_start3A_25 : memref<7680x256xf32, #tpu.memory_space<hbm>>) target(%dma_start3A_20 : memref<72x256xf32, #tpu.memory_space<vmem>>) offsets(%dma_start3A_22 : memref<72xi32, #tpu.memory_space<vmem>>) semaphore(%arg9 : memref<!tpu.dma_semaphore, #tpu.memory_space<semaphore_mem>>)
    %dma_start3A_26 = arith.constant 72 : i32
    %dma_start3A_27 = arith.constant 0 : i32
    %dma_start3A_28 = tpu.memref_slice %arg7[%dma_start3A_26, %dma_start3A_27] : memref<136x256xf32, #tpu.memory_space<vmem>> -> memref<64x256xf32, #tpu.memory_space<vmem>>
    %dma_start3A_29 = arith.constant 208 : i32
    %dma_start3A_30 = tpu.memref_slice %arg5[%dma_start3A_29] : memref<3128xi32, #tpu.memory_space<vmem>> -> memref<64xi32, #tpu.memory_space<vmem>>
    %dma_start3A_31 = arith.constant 0 : i32
    %dma_start3A_32 = arith.constant 0 : i32
    %dma_start3A_33 = tpu.memref_slice %arg3[%dma_start3A_31, %dma_start3A_32] : memref<7680x256xf32, #tpu.memory_space<hbm>> -> memref<7680x256xf32, #tpu.memory_space<hbm>>
    tpu.enqueue_indirect_dma source(%dma_start3A_33 : memref<7680x256xf32, #tpu.memory_space<hbm>>) target(%dma_start3A_28 : memref<64x256xf32, #tpu.memory_space<vmem>>) offsets(%dma_start3A_30 : memref<64xi32, #tpu.memory_space<vmem>>) semaphore(%arg9 : memref<!tpu.dma_semaphore, #tpu.memory_space<semaphore_mem>>)
    %dma_wait3A = arith.constant 0 : i32
    %dma_wait3A_34 = arith.constant 0 : i32
    %dma_wait3A_35 = tpu.memref_slice %arg6[%dma_wait3A, %dma_wait3A_34] : memref<136x256xf32, #tpu.memory_space<vmem>> -> memref<72x256xf32, #tpu.memory_space<vmem>>
    %dma_wait3A_36 = arith.constant 0 : i32
    %dma_wait3A_37 = tpu.memref_slice %arg5[%dma_wait3A_36] : memref<3128xi32, #tpu.memory_space<vmem>> -> memref<72xi32, #tpu.memory_space<vmem>>
    %dma_wait3A_38 = arith.constant 0 : i32
    %dma_wait3A_39 = arith.constant 0 : i32
    %dma_wait3A_40 = tpu.memref_slice %arg3[%dma_wait3A_38, %dma_wait3A_39] : memref<7680x256xf32, #tpu.memory_space<hbm>> -> memref<7680x256xf32, #tpu.memory_space<hbm>>
    tpu.wait_indirect_dma semaphore(%arg9 : memref<!tpu.dma_semaphore, #tpu.memory_space<semaphore_mem>>) src(%dma_wait3A_40 : memref<7680x256xf32, #tpu.memory_space<hbm>>) dst(%dma_wait3A_35 : memref<72x256xf32, #tpu.memory_space<vmem>>)
    %dma_wait3A_41 = arith.constant 72 : i32
    %dma_wait3A_42 = arith.constant 0 : i32
    %dma_wait3A_43 = tpu.memref_slice %arg6[%dma_wait3A_41, %dma_wait3A_42] : memref<136x256xf32, #tpu.memory_space<vmem>> -> memref<64x256xf32, #tpu.memory_space<vmem>>
    %dma_wait3A_44 = arith.constant 72 : i32
    %dma_wait3A_45 = tpu.memref_slice %arg5[%dma_wait3A_44] : memref<3128xi32, #tpu.memory_space<vmem>> -> memref<64xi32, #tpu.memory_space<vmem>>
    %dma_wait3A_46 = arith.constant 0 : i32
    %dma_wait3A_47 = arith.constant 0 : i32
    %dma_wait3A_48 = tpu.memref_slice %arg3[%dma_wait3A_46, %dma_wait3A_47] : memref<7680x256xf32, #tpu.memory_space<hbm>> -> memref<7680x256xf32, #tpu.memory_space<hbm>>
    tpu.wait_indirect_dma semaphore(%arg9 : memref<!tpu.dma_semaphore, #tpu.memory_space<semaphore_mem>>) src(%dma_wait3A_48 : memref<7680x256xf32, #tpu.memory_space<hbm>>) dst(%dma_wait3A_43 : memref<64x256xf32, #tpu.memory_space<vmem>>)
    %add3A_49 = arith.constant 0 : i32
    %add3A_50 = arith.addi %mul3A_2, %add3A_49 : i32
    %dma_start3A_51 = arith.constant 0 : i32
    %dma_start3A_52 = tpu.memref_slice %arg4[%add3A_50, %dma_start3A_51] : memref<100000x256xf32, #tpu.memory_space<hbm>> -> memref<136x256xf32, #tpu.memory_space<hbm>>
    %dma_start3A_53 = arith.constant 0 : i32
    %dma_start3A_54 = tpu.memref_slice %arg4[%add3A_50, %dma_start3A_53] : memref<100000x256xf32, #tpu.memory_space<hbm>> -> memref<136x256xf32, #tpu.memory_space<hbm>>
    tpu.enqueue_dma source(%arg6 : memref<136x256xf32, #tpu.memory_space<vmem>>) target(%dma_start3A_54 : memref<136x256xf32, #tpu.memory_space<hbm>>) target_semaphore(%arg10 : memref<!tpu.dma_semaphore, #tpu.memory_space<semaphore_mem>>)
    %dma_start3A_55 = arith.constant 0 : i32
    %dma_start3A_56 = arith.constant 0 : i32
    %dma_start3A_57 = tpu.memref_slice %arg8[%dma_start3A_55, %dma_start3A_56] : memref<136x256xf32, #tpu.memory_space<vmem>> -> memref<72x256xf32, #tpu.memory_space<vmem>>
    %dma_start3A_58 = arith.constant 272 : i32
    %dma_start3A_59 = tpu.memref_slice %arg5[%dma_start3A_58] : memref<3128xi32, #tpu.memory_space<vmem>> -> memref<72xi32, #tpu.memory_space<vmem>>
    %dma_start3A_60 = arith.constant 0 : i32
    %dma_start3A_61 = arith.constant 0 : i32
    %dma_start3A_62 = tpu.memref_slice %arg3[%dma_start3A_60, %dma_start3A_61] : memref<7680x256xf32, #tpu.memory_space<hbm>> -> memref<7680x256xf32, #tpu.memory_space<hbm>>
    tpu.enqueue_indirect_dma source(%dma_start3A_62 : memref<7680x256xf32, #tpu.memory_space<hbm>>) target(%dma_start3A_57 : memref<72x256xf32, #tpu.memory_space<vmem>>) offsets(%dma_start3A_59 : memref<72xi32, #tpu.memory_space<vmem>>) semaphore(%arg9 : memref<!tpu.dma_semaphore, #tpu.memory_space<semaphore_mem>>)
    %dma_start3A_63 = arith.constant 72 : i32
    %dma_start3A_64 = arith.constant 0 : i32
    %dma_start3A_65 = tpu.memref_slice %arg8[%dma_start3A_63, %dma_start3A_64] : memref<136x256xf32, #tpu.memory_space<vmem>> -> memref<64x256xf32, #tpu.memory_space<vmem>>
    %dma_start3A_66 = arith.constant 344 : i32
    %dma_start3A_67 = tpu.memref_slice %arg5[%dma_start3A_66] : memref<3128xi32, #tpu.memory_space<vmem>> -> memref<64xi32, #tpu.memory_space<vmem>>
    %dma_start3A_68 = arith.constant 0 : i32
    %dma_start3A_69 = arith.constant 0 : i32
    %dma_start3A_70 = tpu.memref_slice %arg3[%dma_start3A_68, %dma_start3A_69] : memref<7680x256xf32, #tpu.memory_space<hbm>> -> memref<7680x256xf32, #tpu.memory_space<hbm>>
    tpu.enqueue_indirect_dma source(%dma_start3A_70 : memref<7680x256xf32, #tpu.memory_space<hbm>>) target(%dma_start3A_65 : memref<64x256xf32, #tpu.memory_space<vmem>>) offsets(%dma_start3A_67 : memref<64xi32, #tpu.memory_space<vmem>>) semaphore(%arg9 : memref<!tpu.dma_semaphore, #tpu.memory_space<semaphore_mem>>)
    %dma_wait3A_71 = arith.constant 0 : i32
    %dma_wait3A_72 = arith.constant 0 : i32
    %dma_wait3A_73 = tpu.memref_slice %arg7[%dma_wait3A_71, %dma_wait3A_72] : memref<136x256xf32, #tpu.memory_space<vmem>> -> memref<72x256xf32, #tpu.memory_space<vmem>>
    %dma_wait3A_74 = arith.constant 136 : i32
    %dma_wait3A_75 = tpu.memref_slice %arg5[%dma_wait3A_74] : memref<3128xi32, #tpu.memory_space<vmem>> -> memref<72xi32, #tpu.memory_space<vmem>>
    %dma_wait3A_76 = arith.constant 0 : i32
    %dma_wait3A_77 = arith.constant 0 : i32
    %dma_wait3A_78 = tpu.memref_slice %arg3[%dma_wait3A_76, %dma_wait3A_77] : memref<7680x256xf32, #tpu.memory_space<hbm>> -> memref<7680x256xf32, #tpu.memory_space<hbm>>
    tpu.wait_indirect_dma semaphore(%arg9 : memref<!tpu.dma_semaphore, #tpu.memory_space<semaphore_mem>>) src(%dma_wait3A_78 : memref<7680x256xf32, #tpu.memory_space<hbm>>) dst(%dma_wait3A_73 : memref<72x256xf32, #tpu.memory_space<vmem>>)
    %dma_wait3A_79 = arith.constant 72 : i32
    %dma_wait3A_80 = arith.constant 0 : i32
    %dma_wait3A_81 = tpu.memref_slice %arg7[%dma_wait3A_79, %dma_wait3A_80] : memref<136x256xf32, #tpu.memory_space<vmem>> -> memref<64x256xf32, #tpu.memory_space<vmem>>
    %dma_wait3A_82 = arith.constant 208 : i32
    %dma_wait3A_83 = tpu.memref_slice %arg5[%dma_wait3A_82] : memref<3128xi32, #tpu.memory_space<vmem>> -> memref<64xi32, #tpu.memory_space<vmem>>
    %dma_wait3A_84 = arith.constant 0 : i32
    %dma_wait3A_85 = arith.constant 0 : i32
    %dma_wait3A_86 = tpu.memref_slice %arg3[%dma_wait3A_84, %dma_wait3A_85] : memref<7680x256xf32, #tpu.memory_space<hbm>> -> memref<7680x256xf32, #tpu.memory_space<hbm>>
    tpu.wait_indirect_dma semaphore(%arg9 : memref<!tpu.dma_semaphore, #tpu.memory_space<semaphore_mem>>) src(%dma_wait3A_86 : memref<7680x256xf32, #tpu.memory_space<hbm>>) dst(%dma_wait3A_81 : memref<64x256xf32, #tpu.memory_space<vmem>>)
    %add3A_87 = arith.constant 136 : i32
    %add3A_88 = arith.addi %mul3A_2, %add3A_87 : i32
    %dma_start3A_89 = arith.constant 0 : i32
    %dma_start3A_90 = tpu.memref_slice %arg4[%add3A_88, %dma_start3A_89] : memref<100000x256xf32, #tpu.memory_space<hbm>> -> memref<136x256xf32, #tpu.memory_space<hbm>>
    %dma_start3A_91 = arith.constant 0 : i32
    %dma_start3A_92 = tpu.memref_slice %arg4[%add3A_88, %dma_start3A_91] : memref<100000x256xf32, #tpu.memory_space<hbm>> -> memref<136x256xf32, #tpu.memory_space<hbm>>
    tpu.enqueue_dma source(%arg7 : memref<136x256xf32, #tpu.memory_space<vmem>>) target(%dma_start3A_92 : memref<136x256xf32, #tpu.memory_space<hbm>>) target_semaphore(%arg10 : memref<!tpu.dma_semaphore, #tpu.memory_space<semaphore_mem>>)
    %dma_wait3A_93 = arith.constant 0 : i32
    %dma_wait3A_94 = tpu.memref_slice %arg4[%add3A_50, %dma_wait3A_93] : memref<100000x256xf32, #tpu.memory_space<hbm>> -> memref<136x256xf32, #tpu.memory_space<hbm>>
    %dma_wait3A_95 = arith.constant 0 : i32
    %dma_wait3A_96 = tpu.memref_slice %arg4[%add3A_50, %dma_wait3A_95] : memref<100000x256xf32, #tpu.memory_space<hbm>> -> memref<136x256xf32, #tpu.memory_space<hbm>>
    tpu.wait_dma2 semaphore(%arg10 : memref<!tpu.dma_semaphore, #tpu.memory_space<semaphore_mem>>) src(%arg6 : memref<136x256xf32, #tpu.memory_space<vmem>>) dst(%dma_wait3A_96 : memref<136x256xf32, #tpu.memory_space<hbm>>)
    %dma_start3A_97 = arith.constant 0 : i32
    %dma_start3A_98 = arith.constant 0 : i32
    %dma_start3A_99 = tpu.memref_slice %arg6[%dma_start3A_97, %dma_start3A_98] : memref<136x256xf32, #tpu.memory_space<vmem>> -> memref<72x256xf32, #tpu.memory_space<vmem>>
    %dma_start3A_100 = arith.constant 408 : i32
    %dma_start3A_101 = tpu.memref_slice %arg5[%dma_start3A_100] : memref<3128xi32, #tpu.memory_space<vmem>> -> memref<72xi32, #tpu.memory_space<vmem>>
    %dma_start3A_102 = arith.constant 0 : i32
    %dma_start3A_103 = arith.constant 0 : i32
    %dma_start3A_104 = tpu.memref_slice %arg3[%dma_start3A_102, %dma_start3A_103] : memref<7680x256xf32, #tpu.memory_space<hbm>> -> memref<7680x256xf32, #tpu.memory_space<hbm>>
    tpu.enqueue_indirect_dma source(%dma_start3A_104 : memref<7680x256xf32, #tpu.memory_space<hbm>>) target(%dma_start3A_99 : memref<72x256xf32, #tpu.memory_space<vmem>>) offsets(%dma_start3A_101 : memref<72xi32, #tpu.memory_space<vmem>>) semaphore(%arg9 : memref<!tpu.dma_semaphore, #tpu.memory_space<semaphore_mem>>)
    %dma_start3A_105 = arith.constant 72 : i32
    %dma_start3A_106 = arith.constant 0 : i32
    %dma_start3A_107 = tpu.memref_slice %arg6[%dma_start3A_105, %dma_start3A_106] : memref<136x256xf32, #tpu.memory_space<vmem>> -> memref<64x256xf32, #tpu.memory_space<vmem>>
    %dma_start3A_108 = arith.constant 480 : i32
    %dma_start3A_109 = tpu.memref_slice %arg5[%dma_start3A_108] : memref<3128xi32, #tpu.memory_space<vmem>> -> memref<64xi32, #tpu.memory_space<vmem>>
    %dma_start3A_110 = arith.constant 0 : i32
    %dma_start3A_111 = arith.constant 0 : i32
    %dma_start3A_112 = tpu.memref_slice %arg3[%dma_start3A_110, %dma_start3A_111] : memref<7680x256xf32, #tpu.memory_space<hbm>> -> memref<7680x256xf32, #tpu.memory_space<hbm>>
    tpu.enqueue_indirect_dma source(%dma_start3A_112 : memref<7680x256xf32, #tpu.memory_space<hbm>>) target(%dma_start3A_107 : memref<64x256xf32, #tpu.memory_space<vmem>>) offsets(%dma_start3A_109 : memref<64xi32, #tpu.memory_space<vmem>>) semaphore(%arg9 : memref<!tpu.dma_semaphore, #tpu.memory_space<semaphore_mem>>)
    %dma_wait3A_113 = arith.constant 0 : i32
    %dma_wait3A_114 = arith.constant 0 : i32
    %dma_wait3A_115 = tpu.memref_slice %arg8[%dma_wait3A_113, %dma_wait3A_114] : memref<136x256xf32, #tpu.memory_space<vmem>> -> memref<72x256xf32, #tpu.memory_space<vmem>>
    %dma_wait3A_116 = arith.constant 272 : i32
    %dma_wait3A_117 = tpu.memref_slice %arg5[%dma_wait3A_116] : memref<3128xi32, #tpu.memory_space<vmem>> -> memref<72xi32, #tpu.memory_space<vmem>>
    %dma_wait3A_118 = arith.constant 0 : i32
    %dma_wait3A_119 = arith.constant 0 : i32
    %dma_wait3A_120 = tpu.memref_slice %arg3[%dma_wait3A_118, %dma_wait3A_119] : memref<7680x256xf32, #tpu.memory_space<hbm>> -> memref<7680x256xf32, #tpu.memory_space<hbm>>
    tpu.wait_indirect_dma semaphore(%arg9 : memref<!tpu.dma_semaphore, #tpu.memory_space<semaphore_mem>>) src(%dma_wait3A_120 : memref<7680x256xf32, #tpu.memory_space<hbm>>) dst(%dma_wait3A_115 : memref<72x256xf32, #tpu.memory_space<vmem>>)
    %dma_wait3A_121 = arith.constant 72 : i32
    %dma_wait3A_122 = arith.constant 0 : i32
    %dma_wait3A_123 = tpu.memref_slice %arg8[%dma_wait3A_121, %dma_wait3A_122] : memref<136x256xf32, #tpu.memory_space<vmem>> -> memref<64x256xf32, #tpu.memory_space<vmem>>
    %dma_wait3A_124 = arith.constant 344 : i32
    %dma_wait3A_125 = tpu.memref_slice %arg5[%dma_wait3A_124] : memref<3128xi32, #tpu.memory_space<vmem>> -> memref<64xi32, #tpu.memory_space<vmem>>
    %dma_wait3A_126 = arith.constant 0 : i32
    %dma_wait3A_127 = arith.constant 0 : i32
    %dma_wait3A_128 = tpu.memref_slice %arg3[%dma_wait3A_126, %dma_wait3A_127] : memref<7680x256xf32, #tpu.memory_space<hbm>> -> memref<7680x256xf32, #tpu.memory_space<hbm>>
    tpu.wait_indirect_dma semaphore(%arg9 : memref<!tpu.dma_semaphore, #tpu.memory_space<semaphore_mem>>) src(%dma_wait3A_128 : memref<7680x256xf32, #tpu.memory_space<hbm>>) dst(%dma_wait3A_123 : memref<64x256xf32, #tpu.memory_space<vmem>>)
    %add3A_129 = arith.constant 272 : i32
    %add3A_130 = arith.addi %mul3A_2, %add3A_129 : i32
    %dma_start3A_131 = arith.constant 0 : i32
    %dma_start3A_132 = tpu.memref_slice %arg4[%add3A_130, %dma_start3A_131] : memref<100000x256xf32, #tpu.memory_space<hbm>> -> memref<136x256xf32, #tpu.memory_space<hbm>>
    %dma_start3A_133 = arith.constant 0 : i32
    %dma_start3A_134 = tpu.memref_slice %arg4[%add3A_130, %dma_start3A_133] : memref<100000x256xf32, #tpu.memory_space<hbm>> -> memref<136x256xf32, #tpu.memory_space<hbm>>
    tpu.enqueue_dma source(%arg8 : memref<136x256xf32, #tpu.memory_space<vmem>>) target(%dma_start3A_134 : memref<136x256xf32, #tpu.memory_space<hbm>>) target_semaphore(%arg10 : memref<!tpu.dma_semaphore, #tpu.memory_space<semaphore_mem>>)
    %dma_wait3A_135 = arith.constant 0 : i32
    %dma_wait3A_136 = tpu.memref_slice %arg4[%add3A_88, %dma_wait3A_135] : memref<100000x256xf32, #tpu.memory_space<hbm>> -> memref<136x256xf32, #tpu.memory_space<hbm>>
    %dma_wait3A_137 = arith.constant 0 : i32
    %dma_wait3A_138 = tpu.memref_slice %arg4[%add3A_88, %dma_wait3A_137] : memref<100000x256xf32, #tpu.memory_space<hbm>> -> memref<136x256xf32, #tpu.memory_space<hbm>>
    tpu.wait_dma2 semaphore(%arg10 : memref<!tpu.dma_semaphore, #tpu.memory_space<semaphore_mem>>) src(%arg7 : memref<136x256xf32, #tpu.memory_space<vmem>>) dst(%dma_wait3A_138 : memref<136x256xf32, #tpu.memory_space<hbm>>)
    %dma_start3A_139 = arith.constant 0 : i32
    %dma_start3A_140 = arith.constant 0 : i32
    %dma_start3A_141 = tpu.memref_slice %arg7[%dma_start3A_139, %dma_start3A_140] : memref<136x256xf32, #tpu.memory_space<vmem>> -> memref<72x256xf32, #tpu.memory_space<vmem>>
    %dma_start3A_142 = arith.constant 544 : i32
    %dma_start3A_143 = tpu.memref_slice %arg5[%dma_start3A_142] : memref<3128xi32, #tpu.memory_space<vmem>> -> memref<72xi32, #tpu.memory_space<vmem>>
    %dma_start3A_144 = arith.constant 0 : i32
    %dma_start3A_145 = arith.constant 0 : i32
    %dma_start3A_146 = tpu.memref_slice %arg3[%dma_start3A_144, %dma_start3A_145] : memref<7680x256xf32, #tpu.memory_space<hbm>> -> memref<7680x256xf32, #tpu.memory_space<hbm>>
    tpu.enqueue_indirect_dma source(%dma_start3A_146 : memref<7680x256xf32, #tpu.memory_space<hbm>>) target(%dma_start3A_141 : memref<72x256xf32, #tpu.memory_space<vmem>>) offsets(%dma_start3A_143 : memref<72xi32, #tpu.memory_space<vmem>>) semaphore(%arg9 : memref<!tpu.dma_semaphore, #tpu.memory_space<semaphore_mem>>)
    %dma_start3A_147 = arith.constant 72 : i32
    %dma_start3A_148 = arith.constant 0 : i32
    %dma_start3A_149 = tpu.memref_slice %arg7[%dma_start3A_147, %dma_start3A_148] : memref<136x256xf32, #tpu.memory_space<vmem>> -> memref<64x256xf32, #tpu.memory_space<vmem>>
    %dma_start3A_150 = arith.constant 616 : i32
    %dma_start3A_151 = tpu.memref_slice %arg5[%dma_start3A_150] : memref<3128xi32, #tpu.memory_space<vmem>> -> memref<64xi32, #tpu.memory_space<vmem>>
    %dma_start3A_152 = arith.constant 0 : i32
    %dma_start3A_153 = arith.constant 0 : i32
    %dma_start3A_154 = tpu.memref_slice %arg3[%dma_start3A_152, %dma_start3A_153] : memref<7680x256xf32, #tpu.memory_space<hbm>> -> memref<7680x256xf32, #tpu.memory_space<hbm>>
    tpu.enqueue_indirect_dma source(%dma_start3A_154 : memref<7680x256xf32, #tpu.memory_space<hbm>>) target(%dma_start3A_149 : memref<64x256xf32, #tpu.memory_space<vmem>>) offsets(%dma_start3A_151 : memref<64xi32, #tpu.memory_space<vmem>>) semaphore(%arg9 : memref<!tpu.dma_semaphore, #tpu.memory_space<semaphore_mem>>)
    %dma_wait3A_155 = arith.constant 0 : i32
    %dma_wait3A_156 = arith.constant 0 : i32
    %dma_wait3A_157 = tpu.memref_slice %arg6[%dma_wait3A_155, %dma_wait3A_156] : memref<136x256xf32, #tpu.memory_space<vmem>> -> memref<72x256xf32, #tpu.memory_space<vmem>>
    %dma_wait3A_158 = arith.constant 408 : i32
    %dma_wait3A_159 = tpu.memref_slice %arg5[%dma_wait3A_158] : memref<3128xi32, #tpu.memory_space<vmem>> -> memref<72xi32, #tpu.memory_space<vmem>>
    %dma_wait3A_160 = arith.constant 0 : i32
    %dma_wait3A_161 = arith.constant 0 : i32
    %dma_wait3A_162 = tpu.memref_slice %arg3[%dma_wait3A_160, %dma_wait3A_161] : memref<7680x256xf32, #tpu.memory_space<hbm>> -> memref<7680x256xf32, #tpu.memory_space<hbm>>
    tpu.wait_indirect_dma semaphore(%arg9 : memref<!tpu.dma_semaphore, #tpu.memory_space<semaphore_mem>>) src(%dma_wait3A_162 : memref<7680x256xf32, #tpu.memory_space<hbm>>) dst(%dma_wait3A_157 : memref<72x256xf32, #tpu.memory_space<vmem>>)
    %dma_wait3A_163 = arith.constant 72 : i32
    %dma_wait3A_164 = arith.constant 0 : i32
    %dma_wait3A_165 = tpu.memref_slice %arg6[%dma_wait3A_163, %dma_wait3A_164] : memref<136x256xf32, #tpu.memory_space<vmem>> -> memref<64x256xf32, #tpu.memory_space<vmem>>
    %dma_wait3A_166 = arith.constant 480 : i32
    %dma_wait3A_167 = tpu.memref_slice %arg5[%dma_wait3A_166] : memref<3128xi32, #tpu.memory_space<vmem>> -> memref<64xi32, #tpu.memory_space<vmem>>
    %dma_wait3A_168 = arith.constant 0 : i32
    %dma_wait3A_169 = arith.constant 0 : i32
    %dma_wait3A_170 = tpu.memref_slice %arg3[%dma_wait3A_168, %dma_wait3A_169] : memref<7680x256xf32, #tpu.memory_space<hbm>> -> memref<7680x256xf32, #tpu.memory_space<hbm>>
    tpu.wait_indirect_dma semaphore(%arg9 : memref<!tpu.dma_semaphore, #tpu.memory_space<semaphore_mem>>) src(%dma_wait3A_170 : memref<7680x256xf32, #tpu.memory_space<hbm>>) dst(%dma_wait3A_165 : memref<64x256xf32, #tpu.memory_space<vmem>>)
    %add3A_171 = arith.constant 408 : i32
    %add3A_172 = arith.addi %mul3A_2, %add3A_171 : i32
    %dma_start3A_173 = arith.constant 0 : i32
    %dma_start3A_174 = tpu.memref_slice %arg4[%add3A_172, %dma_start3A_173] : memref<100000x256xf32, #tpu.memory_space<hbm>> -> memref<136x256xf32, #tpu.memory_space<hbm>>
    %dma_start3A_175 = arith.constant 0 : i32
    %dma_start3A_176 = tpu.memref_slice %arg4[%add3A_172, %dma_start3A_175] : memref<100000x256xf32, #tpu.memory_space<hbm>> -> memref<136x256xf32, #tpu.memory_space<hbm>>
    tpu.enqueue_dma source(%arg6 : memref<136x256xf32, #tpu.memory_space<vmem>>) target(%dma_start3A_176 : memref<136x256xf32, #tpu.memory_space<hbm>>) target_semaphore(%arg10 : memref<!tpu.dma_semaphore, #tpu.memory_space<semaphore_mem>>)
    %dma_wait3A_177 = arith.constant 0 : i32
    %dma_wait3A_178 = tpu.memref_slice %arg4[%add3A_130, %dma_wait3A_177] : memref<100000x256xf32, #tpu.memory_space<hbm>> -> memref<136x256xf32, #tpu.memory_space<hbm>>
    %dma_wait3A_179 = arith.constant 0 : i32
    %dma_wait3A_180 = tpu.memref_slice %arg4[%add3A_130, %dma_wait3A_179] : memref<100000x256xf32, #tpu.memory_space<hbm>> -> memref<136x256xf32, #tpu.memory_space<hbm>>
    tpu.wait_dma2 semaphore(%arg10 : memref<!tpu.dma_semaphore, #tpu.memory_space<semaphore_mem>>) src(%arg8 : memref<136x256xf32, #tpu.memory_space<vmem>>) dst(%dma_wait3A_180 : memref<136x256xf32, #tpu.memory_space<hbm>>)
    %dma_start3A_181 = arith.constant 0 : i32
    %dma_start3A_182 = arith.constant 0 : i32
    %dma_start3A_183 = tpu.memref_slice %arg8[%dma_start3A_181, %dma_start3A_182] : memref<136x256xf32, #tpu.memory_space<vmem>> -> memref<72x256xf32, #tpu.memory_space<vmem>>
    %dma_start3A_184 = arith.constant 680 : i32
    %dma_start3A_185 = tpu.memref_slice %arg5[%dma_start3A_184] : memref<3128xi32, #tpu.memory_space<vmem>> -> memref<72xi32, #tpu.memory_space<vmem>>
    %dma_start3A_186 = arith.constant 0 : i32
    %dma_start3A_187 = arith.constant 0 : i32
    %dma_start3A_188 = tpu.memref_slice %arg3[%dma_start3A_186, %dma_start3A_187] : memref<7680x256xf32, #tpu.memory_space<hbm>> -> memref<7680x256xf32, #tpu.memory_space<hbm>>
    tpu.enqueue_indirect_dma source(%dma_start3A_188 : memref<7680x256xf32, #tpu.memory_space<hbm>>) target(%dma_start3A_183 : memref<72x256xf32, #tpu.memory_space<vmem>>) offsets(%dma_start3A_185 : memref<72xi32, #tpu.memory_space<vmem>>) semaphore(%arg9 : memref<!tpu.dma_semaphore, #tpu.memory_space<semaphore_mem>>)
    %dma_start3A_189 = arith.constant 72 : i32
    %dma_start3A_190 = arith.constant 0 : i32
    %dma_start3A_191 = tpu.memref_slice %arg8[%dma_start3A_189, %dma_start3A_190] : memref<136x256xf32, #tpu.memory_space<vmem>> -> memref<64x256xf32, #tpu.memory_space<vmem>>
    %dma_start3A_192 = arith.constant 752 : i32
    %dma_start3A_193 = tpu.memref_slice %arg5[%dma_start3A_192] : memref<3128xi32, #tpu.memory_space<vmem>> -> memref<64xi32, #tpu.memory_space<vmem>>
    %dma_start3A_194 = arith.constant 0 : i32
    %dma_start3A_195 = arith.constant 0 : i32
    %dma_start3A_196 = tpu.memref_slice %arg3[%dma_start3A_194, %dma_start3A_195] : memref<7680x256xf32, #tpu.memory_space<hbm>> -> memref<7680x256xf32, #tpu.memory_space<hbm>>
    tpu.enqueue_indirect_dma source(%dma_start3A_196 : memref<7680x256xf32, #tpu.memory_space<hbm>>) target(%dma_start3A_191 : memref<64x256xf32, #tpu.memory_space<vmem>>) offsets(%dma_start3A_193 : memref<64xi32, #tpu.memory_space<vmem>>) semaphore(%arg9 : memref<!tpu.dma_semaphore, #tpu.memory_space<semaphore_mem>>)
    %dma_wait3A_197 = arith.constant 0 : i32
    %dma_wait3A_198 = arith.constant 0 : i32
    %dma_wait3A_199 = tpu.memref_slice %arg7[%dma_wait3A_197, %dma_wait3A_198] : memref<136x256xf32, #tpu.memory_space<vmem>> -> memref<72x256xf32, #tpu.memory_space<vmem>>
    %dma_wait3A_200 = arith.constant 544 : i32
    %dma_wait3A_201 = tpu.memref_slice %arg5[%dma_wait3A_200] : memref<3128xi32, #tpu.memory_space<vmem>> -> memref<72xi32, #tpu.memory_space<vmem>>
    %dma_wait3A_202 = arith.constant 0 : i32
    %dma_wait3A_203 = arith.constant 0 : i32
    %dma_wait3A_204 = tpu.memref_slice %arg3[%dma_wait3A_202, %dma_wait3A_203] : memref<7680x256xf32, #tpu.memory_space<hbm>> -> memref<7680x256xf32, #tpu.memory_space<hbm>>
    tpu.wait_indirect_dma semaphore(%arg9 : memref<!tpu.dma_semaphore, #tpu.memory_space<semaphore_mem>>) src(%dma_wait3A_204 : memref<7680x256xf32, #tpu.memory_space<hbm>>) dst(%dma_wait3A_199 : memref<72x256xf32, #tpu.memory_space<vmem>>)
    %dma_wait3A_205 = arith.constant 72 : i32
    %dma_wait3A_206 = arith.constant 0 : i32
    %dma_wait3A_207 = tpu.memref_slice %arg7[%dma_wait3A_205, %dma_wait3A_206] : memref<136x256xf32, #tpu.memory_space<vmem>> -> memref<64x256xf32, #tpu.memory_space<vmem>>
    %dma_wait3A_208 = arith.constant 616 : i32
    %dma_wait3A_209 = tpu.memref_slice %arg5[%dma_wait3A_208] : memref<3128xi32, #tpu.memory_space<vmem>> -> memref<64xi32, #tpu.memory_space<vmem>>
    %dma_wait3A_210 = arith.constant 0 : i32
    %dma_wait3A_211 = arith.constant 0 : i32
    %dma_wait3A_212 = tpu.memref_slice %arg3[%dma_wait3A_210, %dma_wait3A_211] : memref<7680x256xf32, #tpu.memory_space<hbm>> -> memref<7680x256xf32, #tpu.memory_space<hbm>>
    tpu.wait_indirect_dma semaphore(%arg9 : memref<!tpu.dma_semaphore, #tpu.memory_space<semaphore_mem>>) src(%dma_wait3A_212 : memref<7680x256xf32, #tpu.memory_space<hbm>>) dst(%dma_wait3A_207 : memref<64x256xf32, #tpu.memory_space<vmem>>)
    %add3A_213 = arith.constant 544 : i32
    %add3A_214 = arith.addi %mul3A_2, %add3A_213 : i32
    %dma_start3A_215 = arith.constant 0 : i32
    %dma_start3A_216 = tpu.memref_slice %arg4[%add3A_214, %dma_start3A_215] : memref<100000x256xf32, #tpu.memory_space<hbm>> -> memref<136x256xf32, #tpu.memory_space<hbm>>
    %dma_start3A_217 = arith.constant 0 : i32
    %dma_start3A_218 = tpu.memref_slice %arg4[%add3A_214, %dma_start3A_217] : memref<100000x256xf32, #tpu.memory_space<hbm>> -> memref<136x256xf32, #tpu.memory_space<hbm>>
    tpu.enqueue_dma source(%arg7 : memref<136x256xf32, #tpu.memory_space<vmem>>) target(%dma_start3A_218 : memref<136x256xf32, #tpu.memory_space<hbm>>) target_semaphore(%arg10 : memref<!tpu.dma_semaphore, #tpu.memory_space<semaphore_mem>>)
    %dma_wait3A_219 = arith.constant 0 : i32
    %dma_wait3A_220 = tpu.memref_slice %arg4[%add3A_172, %dma_wait3A_219] : memref<100000x256xf32, #tpu.memory_space<hbm>> -> memref<136x256xf32, #tpu.memory_space<hbm>>
    %dma_wait3A_221 = arith.constant 0 : i32
    %dma_wait3A_222 = tpu.memref_slice %arg4[%add3A_172, %dma_wait3A_221] : memref<100000x256xf32, #tpu.memory_space<hbm>> -> memref<136x256xf32, #tpu.memory_space<hbm>>
    tpu.wait_dma2 semaphore(%arg10 : memref<!tpu.dma_semaphore, #tpu.memory_space<semaphore_mem>>) src(%arg6 : memref<136x256xf32, #tpu.memory_space<vmem>>) dst(%dma_wait3A_222 : memref<136x256xf32, #tpu.memory_space<hbm>>)
    %dma_start3A_223 = arith.constant 0 : i32
    %dma_start3A_224 = arith.constant 0 : i32
    %dma_start3A_225 = tpu.memref_slice %arg6[%dma_start3A_223, %dma_start3A_224] : memref<136x256xf32, #tpu.memory_space<vmem>> -> memref<72x256xf32, #tpu.memory_space<vmem>>
    %dma_start3A_226 = arith.constant 816 : i32
    %dma_start3A_227 = tpu.memref_slice %arg5[%dma_start3A_226] : memref<3128xi32, #tpu.memory_space<vmem>> -> memref<72xi32, #tpu.memory_space<vmem>>
    %dma_start3A_228 = arith.constant 0 : i32
    %dma_start3A_229 = arith.constant 0 : i32
    %dma_start3A_230 = tpu.memref_slice %arg3[%dma_start3A_228, %dma_start3A_229] : memref<7680x256xf32, #tpu.memory_space<hbm>> -> memref<7680x256xf32, #tpu.memory_space<hbm>>
    tpu.enqueue_indirect_dma source(%dma_start3A_230 : memref<7680x256xf32, #tpu.memory_space<hbm>>) target(%dma_start3A_225 : memref<72x256xf32, #tpu.memory_space<vmem>>) offsets(%dma_start3A_227 : memref<72xi32, #tpu.memory_space<vmem>>) semaphore(%arg9 : memref<!tpu.dma_semaphore, #tpu.memory_space<semaphore_mem>>)
    %dma_start3A_231 = arith.constant 72 : i32
    %dma_start3A_232 = arith.constant 0 : i32
    %dma_start3A_233 = tpu.memref_slice %arg6[%dma_start3A_231, %dma_start3A_232] : memref<136x256xf32, #tpu.memory_space<vmem>> -> memref<64x256xf32, #tpu.memory_space<vmem>>
    %dma_start3A_234 = arith.constant 888 : i32
    %dma_start3A_235 = tpu.memref_slice %arg5[%dma_start3A_234] : memref<3128xi32, #tpu.memory_space<vmem>> -> memref<64xi32, #tpu.memory_space<vmem>>
    %dma_start3A_236 = arith.constant 0 : i32
    %dma_start3A_237 = arith.constant 0 : i32
    %dma_start3A_238 = tpu.memref_slice %arg3[%dma_start3A_236, %dma_start3A_237] : memref<7680x256xf32, #tpu.memory_space<hbm>> -> memref<7680x256xf32, #tpu.memory_space<hbm>>
    tpu.enqueue_indirect_dma source(%dma_start3A_238 : memref<7680x256xf32, #tpu.memory_space<hbm>>) target(%dma_start3A_233 : memref<64x256xf32, #tpu.memory_space<vmem>>) offsets(%dma_start3A_235 : memref<64xi32, #tpu.memory_space<vmem>>) semaphore(%arg9 : memref<!tpu.dma_semaphore, #tpu.memory_space<semaphore_mem>>)
    %dma_wait3A_239 = arith.constant 0 : i32
    %dma_wait3A_240 = arith.constant 0 : i32
    %dma_wait3A_241 = tpu.memref_slice %arg8[%dma_wait3A_239, %dma_wait3A_240] : memref<136x256xf32, #tpu.memory_space<vmem>> -> memref<72x256xf32, #tpu.memory_space<vmem>>
    %dma_wait3A_242 = arith.constant 680 : i32
    %dma_wait3A_243 = tpu.memref_slice %arg5[%dma_wait3A_242] : memref<3128xi32, #tpu.memory_space<vmem>> -> memref<72xi32, #tpu.memory_space<vmem>>
    %dma_wait3A_244 = arith.constant 0 : i32
    %dma_wait3A_245 = arith.constant 0 : i32
    %dma_wait3A_246 = tpu.memref_slice %arg3[%dma_wait3A_244, %dma_wait3A_245] : memref<7680x256xf32, #tpu.memory_space<hbm>> -> memref<7680x256xf32, #tpu.memory_space<hbm>>
    tpu.wait_indirect_dma semaphore(%arg9 : memref<!tpu.dma_semaphore, #tpu.memory_space<semaphore_mem>>) src(%dma_wait3A_246 : memref<7680x256xf32, #tpu.memory_space<hbm>>) dst(%dma_wait3A_241 : memref<72x256xf32, #tpu.memory_space<vmem>>)
    %dma_wait3A_247 = arith.constant 72 : i32
    %dma_wait3A_248 = arith.constant 0 : i32
    %dma_wait3A_249 = tpu.memref_slice %arg8[%dma_wait3A_247, %dma_wait3A_248] : memref<136x256xf32, #tpu.memory_space<vmem>> -> memref<64x256xf32, #tpu.memory_space<vmem>>
    %dma_wait3A_250 = arith.constant 752 : i32
    %dma_wait3A_251 = tpu.memref_slice %arg5[%dma_wait3A_250] : memref<3128xi32, #tpu.memory_space<vmem>> -> memref<64xi32, #tpu.memory_space<vmem>>
    %dma_wait3A_252 = arith.constant 0 : i32
    %dma_wait3A_253 = arith.constant 0 : i32
    %dma_wait3A_254 = tpu.memref_slice %arg3[%dma_wait3A_252, %dma_wait3A_253] : memref<7680x256xf32, #tpu.memory_space<hbm>> -> memref<7680x256xf32, #tpu.memory_space<hbm>>
    tpu.wait_indirect_dma semaphore(%arg9 : memref<!tpu.dma_semaphore, #tpu.memory_space<semaphore_mem>>) src(%dma_wait3A_254 : memref<7680x256xf32, #tpu.memory_space<hbm>>) dst(%dma_wait3A_249 : memref<64x256xf32, #tpu.memory_space<vmem>>)
    %add3A_255 = arith.constant 680 : i32
    %add3A_256 = arith.addi %mul3A_2, %add3A_255 : i32
    %dma_start3A_257 = arith.constant 0 : i32
    %dma_start3A_258 = tpu.memref_slice %arg4[%add3A_256, %dma_start3A_257] : memref<100000x256xf32, #tpu.memory_space<hbm>> -> memref<136x256xf32, #tpu.memory_space<hbm>>
    %dma_start3A_259 = arith.constant 0 : i32
    %dma_start3A_260 = tpu.memref_slice %arg4[%add3A_256, %dma_start3A_259] : memref<100000x256xf32, #tpu.memory_space<hbm>> -> memref<136x256xf32, #tpu.memory_space<hbm>>
    tpu.enqueue_dma source(%arg8 : memref<136x256xf32, #tpu.memory_space<vmem>>) target(%dma_start3A_260 : memref<136x256xf32, #tpu.memory_space<hbm>>) target_semaphore(%arg10 : memref<!tpu.dma_semaphore, #tpu.memory_space<semaphore_mem>>)
    %dma_wait3A_261 = arith.constant 0 : i32
    %dma_wait3A_262 = tpu.memref_slice %arg4[%add3A_214, %dma_wait3A_261] : memref<100000x256xf32, #tpu.memory_space<hbm>> -> memref<136x256xf32, #tpu.memory_space<hbm>>
    %dma_wait3A_263 = arith.constant 0 : i32
    %dma_wait3A_264 = tpu.memref_slice %arg4[%add3A_214, %dma_wait3A_263] : memref<100000x256xf32, #tpu.memory_space<hbm>> -> memref<136x256xf32, #tpu.memory_space<hbm>>
    tpu.wait_dma2 semaphore(%arg10 : memref<!tpu.dma_semaphore, #tpu.memory_space<semaphore_mem>>) src(%arg7 : memref<136x256xf32, #tpu.memory_space<vmem>>) dst(%dma_wait3A_264 : memref<136x256xf32, #tpu.memory_space<hbm>>)
    %dma_start3A_265 = arith.constant 0 : i32
    %dma_start3A_266 = arith.constant 0 : i32
    %dma_start3A_267 = tpu.memref_slice %arg7[%dma_start3A_265, %dma_start3A_266] : memref<136x256xf32, #tpu.memory_space<vmem>> -> memref<72x256xf32, #tpu.memory_space<vmem>>
    %dma_start3A_268 = arith.constant 952 : i32
    %dma_start3A_269 = tpu.memref_slice %arg5[%dma_start3A_268] : memref<3128xi32, #tpu.memory_space<vmem>> -> memref<72xi32, #tpu.memory_space<vmem>>
    %dma_start3A_270 = arith.constant 0 : i32
    %dma_start3A_271 = arith.constant 0 : i32
    %dma_start3A_272 = tpu.memref_slice %arg3[%dma_start3A_270, %dma_start3A_271] : memref<7680x256xf32, #tpu.memory_space<hbm>> -> memref<7680x256xf32, #tpu.memory_space<hbm>>
    tpu.enqueue_indirect_dma source(%dma_start3A_272 : memref<7680x256xf32, #tpu.memory_space<hbm>>) target(%dma_start3A_267 : memref<72x256xf32, #tpu.memory_space<vmem>>) offsets(%dma_start3A_269 : memref<72xi32, #tpu.memory_space<vmem>>) semaphore(%arg9 : memref<!tpu.dma_semaphore, #tpu.memory_space<semaphore_mem>>)
    %dma_start3A_273 = arith.constant 72 : i32
    %dma_start3A_274 = arith.constant 0 : i32
    %dma_start3A_275 = tpu.memref_slice %arg7[%dma_start3A_273, %dma_start3A_274] : memref<136x256xf32, #tpu.memory_space<vmem>> -> memref<64x256xf32, #tpu.memory_space<vmem>>
    %dma_start3A_276 = arith.constant 1024 : i32
    %dma_start3A_277 = tpu.memref_slice %arg5[%dma_start3A_276] : memref<3128xi32, #tpu.memory_space<vmem>> -> memref<64xi32, #tpu.memory_space<vmem>>
    %dma_start3A_278 = arith.constant 0 : i32
    %dma_start3A_279 = arith.constant 0 : i32
    %dma_start3A_280 = tpu.memref_slice %arg3[%dma_start3A_278, %dma_start3A_279] : memref<7680x256xf32, #tpu.memory_space<hbm>> -> memref<7680x256xf32, #tpu.memory_space<hbm>>
    tpu.enqueue_indirect_dma source(%dma_start3A_280 : memref<7680x256xf32, #tpu.memory_space<hbm>>) target(%dma_start3A_275 : memref<64x256xf32, #tpu.memory_space<vmem>>) offsets(%dma_start3A_277 : memref<64xi32, #tpu.memory_space<vmem>>) semaphore(%arg9 : memref<!tpu.dma_semaphore, #tpu.memory_space<semaphore_mem>>)
    %dma_wait3A_281 = arith.constant 0 : i32
    %dma_wait3A_282 = arith.constant 0 : i32
    %dma_wait3A_283 = tpu.memref_slice %arg6[%dma_wait3A_281, %dma_wait3A_282] : memref<136x256xf32, #tpu.memory_space<vmem>> -> memref<72x256xf32, #tpu.memory_space<vmem>>
    %dma_wait3A_284 = arith.constant 816 : i32
    %dma_wait3A_285 = tpu.memref_slice %arg5[%dma_wait3A_284] : memref<3128xi32, #tpu.memory_space<vmem>> -> memref<72xi32, #tpu.memory_space<vmem>>
    %dma_wait3A_286 = arith.constant 0 : i32
    %dma_wait3A_287 = arith.constant 0 : i32
    %dma_wait3A_288 = tpu.memref_slice %arg3[%dma_wait3A_286, %dma_wait3A_287] : memref<7680x256xf32, #tpu.memory_space<hbm>> -> memref<7680x256xf32, #tpu.memory_space<hbm>>
    tpu.wait_indirect_dma semaphore(%arg9 : memref<!tpu.dma_semaphore, #tpu.memory_space<semaphore_mem>>) src(%dma_wait3A_288 : memref<7680x256xf32, #tpu.memory_space<hbm>>) dst(%dma_wait3A_283 : memref<72x256xf32, #tpu.memory_space<vmem>>)
    %dma_wait3A_289 = arith.constant 72 : i32
    %dma_wait3A_290 = arith.constant 0 : i32
    %dma_wait3A_291 = tpu.memref_slice %arg6[%dma_wait3A_289, %dma_wait3A_290] : memref<136x256xf32, #tpu.memory_space<vmem>> -> memref<64x256xf32, #tpu.memory_space<vmem>>
    %dma_wait3A_292 = arith.constant 888 : i32
    %dma_wait3A_293 = tpu.memref_slice %arg5[%dma_wait3A_292] : memref<3128xi32, #tpu.memory_space<vmem>> -> memref<64xi32, #tpu.memory_space<vmem>>
    %dma_wait3A_294 = arith.constant 0 : i32
    %dma_wait3A_295 = arith.constant 0 : i32
    %dma_wait3A_296 = tpu.memref_slice %arg3[%dma_wait3A_294, %dma_wait3A_295] : memref<7680x256xf32, #tpu.memory_space<hbm>> -> memref<7680x256xf32, #tpu.memory_space<hbm>>
    tpu.wait_indirect_dma semaphore(%arg9 : memref<!tpu.dma_semaphore, #tpu.memory_space<semaphore_mem>>) src(%dma_wait3A_296 : memref<7680x256xf32, #tpu.memory_space<hbm>>) dst(%dma_wait3A_291 : memref<64x256xf32, #tpu.memory_space<vmem>>)
    %add3A_297 = arith.constant 816 : i32
    %add3A_298 = arith.addi %mul3A_2, %add3A_297 : i32
    %dma_start3A_299 = arith.constant 0 : i32
    %dma_start3A_300 = tpu.memref_slice %arg4[%add3A_298, %dma_start3A_299] : memref<100000x256xf32, #tpu.memory_space<hbm>> -> memref<136x256xf32, #tpu.memory_space<hbm>>
    %dma_start3A_301 = arith.constant 0 : i32
    %dma_start3A_302 = tpu.memref_slice %arg4[%add3A_298, %dma_start3A_301] : memref<100000x256xf32, #tpu.memory_space<hbm>> -> memref<136x256xf32, #tpu.memory_space<hbm>>
    tpu.enqueue_dma source(%arg6 : memref<136x256xf32, #tpu.memory_space<vmem>>) target(%dma_start3A_302 : memref<136x256xf32, #tpu.memory_space<hbm>>) target_semaphore(%arg10 : memref<!tpu.dma_semaphore, #tpu.memory_space<semaphore_mem>>)
    %dma_wait3A_303 = arith.constant 0 : i32
    %dma_wait3A_304 = tpu.memref_slice %arg4[%add3A_256, %dma_wait3A_303] : memref<100000x256xf32, #tpu.memory_space<hbm>> -> memref<136x256xf32, #tpu.memory_space<hbm>>
    %dma_wait3A_305 = arith.constant 0 : i32
    %dma_wait3A_306 = tpu.memref_slice %arg4[%add3A_256, %dma_wait3A_305] : memref<100000x256xf32, #tpu.memory_space<hbm>> -> memref<136x256xf32, #tpu.memory_space<hbm>>
    tpu.wait_dma2 semaphore(%arg10 : memref<!tpu.dma_semaphore, #tpu.memory_space<semaphore_mem>>) src(%arg8 : memref<136x256xf32, #tpu.memory_space<vmem>>) dst(%dma_wait3A_306 : memref<136x256xf32, #tpu.memory_space<hbm>>)
    %dma_start3A_307 = arith.constant 0 : i32
    %dma_start3A_308 = arith.constant 0 : i32
    %dma_start3A_309 = tpu.memref_slice %arg8[%dma_start3A_307, %dma_start3A_308] : memref<136x256xf32, #tpu.memory_space<vmem>> -> memref<72x256xf32, #tpu.memory_space<vmem>>
    %dma_start3A_310 = arith.constant 1088 : i32
    %dma_start3A_311 = tpu.memref_slice %arg5[%dma_start3A_310] : memref<3128xi32, #tpu.memory_space<vmem>> -> memref<72xi32, #tpu.memory_space<vmem>>
    %dma_start3A_312 = arith.constant 0 : i32
    %dma_start3A_313 = arith.constant 0 : i32
    %dma_start3A_314 = tpu.memref_slice %arg3[%dma_start3A_312, %dma_start3A_313] : memref<7680x256xf32, #tpu.memory_space<hbm>> -> memref<7680x256xf32, #tpu.memory_space<hbm>>
    tpu.enqueue_indirect_dma source(%dma_start3A_314 : memref<7680x256xf32, #tpu.memory_space<hbm>>) target(%dma_start3A_309 : memref<72x256xf32, #tpu.memory_space<vmem>>) offsets(%dma_start3A_311 : memref<72xi32, #tpu.memory_space<vmem>>) semaphore(%arg9 : memref<!tpu.dma_semaphore, #tpu.memory_space<semaphore_mem>>)
    %dma_start3A_315 = arith.constant 72 : i32
    %dma_start3A_316 = arith.constant 0 : i32
    %dma_start3A_317 = tpu.memref_slice %arg8[%dma_start3A_315, %dma_start3A_316] : memref<136x256xf32, #tpu.memory_space<vmem>> -> memref<64x256xf32, #tpu.memory_space<vmem>>
    %dma_start3A_318 = arith.constant 1160 : i32
    %dma_start3A_319 = tpu.memref_slice %arg5[%dma_start3A_318] : memref<3128xi32, #tpu.memory_space<vmem>> -> memref<64xi32, #tpu.memory_space<vmem>>
    %dma_start3A_320 = arith.constant 0 : i32
    %dma_start3A_321 = arith.constant 0 : i32
    %dma_start3A_322 = tpu.memref_slice %arg3[%dma_start3A_320, %dma_start3A_321] : memref<7680x256xf32, #tpu.memory_space<hbm>> -> memref<7680x256xf32, #tpu.memory_space<hbm>>
    tpu.enqueue_indirect_dma source(%dma_start3A_322 : memref<7680x256xf32, #tpu.memory_space<hbm>>) target(%dma_start3A_317 : memref<64x256xf32, #tpu.memory_space<vmem>>) offsets(%dma_start3A_319 : memref<64xi32, #tpu.memory_space<vmem>>) semaphore(%arg9 : memref<!tpu.dma_semaphore, #tpu.memory_space<semaphore_mem>>)
    %dma_wait3A_323 = arith.constant 0 : i32
    %dma_wait3A_324 = arith.constant 0 : i32
    %dma_wait3A_325 = tpu.memref_slice %arg7[%dma_wait3A_323, %dma_wait3A_324] : memref<136x256xf32, #tpu.memory_space<vmem>> -> memref<72x256xf32, #tpu.memory_space<vmem>>
    %dma_wait3A_326 = arith.constant 952 : i32
    %dma_wait3A_327 = tpu.memref_slice %arg5[%dma_wait3A_326] : memref<3128xi32, #tpu.memory_space<vmem>> -> memref<72xi32, #tpu.memory_space<vmem>>
    %dma_wait3A_328 = arith.constant 0 : i32
    %dma_wait3A_329 = arith.constant 0 : i32
    %dma_wait3A_330 = tpu.memref_slice %arg3[%dma_wait3A_328, %dma_wait3A_329] : memref<7680x256xf32, #tpu.memory_space<hbm>> -> memref<7680x256xf32, #tpu.memory_space<hbm>>
    tpu.wait_indirect_dma semaphore(%arg9 : memref<!tpu.dma_semaphore, #tpu.memory_space<semaphore_mem>>) src(%dma_wait3A_330 : memref<7680x256xf32, #tpu.memory_space<hbm>>) dst(%dma_wait3A_325 : memref<72x256xf32, #tpu.memory_space<vmem>>)
    %dma_wait3A_331 = arith.constant 72 : i32
    %dma_wait3A_332 = arith.constant 0 : i32
    %dma_wait3A_333 = tpu.memref_slice %arg7[%dma_wait3A_331, %dma_wait3A_332] : memref<136x256xf32, #tpu.memory_space<vmem>> -> memref<64x256xf32, #tpu.memory_space<vmem>>
    %dma_wait3A_334 = arith.constant 1024 : i32
    %dma_wait3A_335 = tpu.memref_slice %arg5[%dma_wait3A_334] : memref<3128xi32, #tpu.memory_space<vmem>> -> memref<64xi32, #tpu.memory_space<vmem>>
    %dma_wait3A_336 = arith.constant 0 : i32
    %dma_wait3A_337 = arith.constant 0 : i32
    %dma_wait3A_338 = tpu.memref_slice %arg3[%dma_wait3A_336, %dma_wait3A_337] : memref<7680x256xf32, #tpu.memory_space<hbm>> -> memref<7680x256xf32, #tpu.memory_space<hbm>>
    tpu.wait_indirect_dma semaphore(%arg9 : memref<!tpu.dma_semaphore, #tpu.memory_space<semaphore_mem>>) src(%dma_wait3A_338 : memref<7680x256xf32, #tpu.memory_space<hbm>>) dst(%dma_wait3A_333 : memref<64x256xf32, #tpu.memory_space<vmem>>)
    %add3A_339 = arith.constant 952 : i32
    %add3A_340 = arith.addi %mul3A_2, %add3A_339 : i32
    %dma_start3A_341 = arith.constant 0 : i32
    %dma_start3A_342 = tpu.memref_slice %arg4[%add3A_340, %dma_start3A_341] : memref<100000x256xf32, #tpu.memory_space<hbm>> -> memref<136x256xf32, #tpu.memory_space<hbm>>
    %dma_start3A_343 = arith.constant 0 : i32
    %dma_start3A_344 = tpu.memref_slice %arg4[%add3A_340, %dma_start3A_343] : memref<100000x256xf32, #tpu.memory_space<hbm>> -> memref<136x256xf32, #tpu.memory_space<hbm>>
    tpu.enqueue_dma source(%arg7 : memref<136x256xf32, #tpu.memory_space<vmem>>) target(%dma_start3A_344 : memref<136x256xf32, #tpu.memory_space<hbm>>) target_semaphore(%arg10 : memref<!tpu.dma_semaphore, #tpu.memory_space<semaphore_mem>>)
    %dma_wait3A_345 = arith.constant 0 : i32
    %dma_wait3A_346 = tpu.memref_slice %arg4[%add3A_298, %dma_wait3A_345] : memref<100000x256xf32, #tpu.memory_space<hbm>> -> memref<136x256xf32, #tpu.memory_space<hbm>>
    %dma_wait3A_347 = arith.constant 0 : i32
    %dma_wait3A_348 = tpu.memref_slice %arg4[%add3A_298, %dma_wait3A_347] : memref<100000x256xf32, #tpu.memory_space<hbm>> -> memref<136x256xf32, #tpu.memory_space<hbm>>
    tpu.wait_dma2 semaphore(%arg10 : memref<!tpu.dma_semaphore, #tpu.memory_space<semaphore_mem>>) src(%arg6 : memref<136x256xf32, #tpu.memory_space<vmem>>) dst(%dma_wait3A_348 : memref<136x256xf32, #tpu.memory_space<hbm>>)
    %dma_start3A_349 = arith.constant 0 : i32
    %dma_start3A_350 = arith.constant 0 : i32
    %dma_start3A_351 = tpu.memref_slice %arg6[%dma_start3A_349, %dma_start3A_350] : memref<136x256xf32, #tpu.memory_space<vmem>> -> memref<72x256xf32, #tpu.memory_space<vmem>>
    %dma_start3A_352 = arith.constant 1224 : i32
    %dma_start3A_353 = tpu.memref_slice %arg5[%dma_start3A_352] : memref<3128xi32, #tpu.memory_space<vmem>> -> memref<72xi32, #tpu.memory_space<vmem>>
    %dma_start3A_354 = arith.constant 0 : i32
    %dma_start3A_355 = arith.constant 0 : i32
    %dma_start3A_356 = tpu.memref_slice %arg3[%dma_start3A_354, %dma_start3A_355] : memref<7680x256xf32, #tpu.memory_space<hbm>> -> memref<7680x256xf32, #tpu.memory_space<hbm>>
    tpu.enqueue_indirect_dma source(%dma_start3A_356 : memref<7680x256xf32, #tpu.memory_space<hbm>>) target(%dma_start3A_351 : memref<72x256xf32, #tpu.memory_space<vmem>>) offsets(%dma_start3A_353 : memref<72xi32, #tpu.memory_space<vmem>>) semaphore(%arg9 : memref<!tpu.dma_semaphore, #tpu.memory_space<semaphore_mem>>)
    %dma_start3A_357 = arith.constant 72 : i32
    %dma_start3A_358 = arith.constant 0 : i32
    %dma_start3A_359 = tpu.memref_slice %arg6[%dma_start3A_357, %dma_start3A_358] : memref<136x256xf32, #tpu.memory_space<vmem>> -> memref<64x256xf32, #tpu.memory_space<vmem>>
    %dma_start3A_360 = arith.constant 1296 : i32
    %dma_start3A_361 = tpu.memref_slice %arg5[%dma_start3A_360] : memref<3128xi32, #tpu.memory_space<vmem>> -> memref<64xi32, #tpu.memory_space<vmem>>
    %dma_start3A_362 = arith.constant 0 : i32
    %dma_start3A_363 = arith.constant 0 : i32
    %dma_start3A_364 = tpu.memref_slice %arg3[%dma_start3A_362, %dma_start3A_363] : memref<7680x256xf32, #tpu.memory_space<hbm>> -> memref<7680x256xf32, #tpu.memory_space<hbm>>
    tpu.enqueue_indirect_dma source(%dma_start3A_364 : memref<7680x256xf32, #tpu.memory_space<hbm>>) target(%dma_start3A_359 : memref<64x256xf32, #tpu.memory_space<vmem>>) offsets(%dma_start3A_361 : memref<64xi32, #tpu.memory_space<vmem>>) semaphore(%arg9 : memref<!tpu.dma_semaphore, #tpu.memory_space<semaphore_mem>>)
    %dma_wait3A_365 = arith.constant 0 : i32
    %dma_wait3A_366 = arith.constant 0 : i32
    %dma_wait3A_367 = tpu.memref_slice %arg8[%dma_wait3A_365, %dma_wait3A_366] : memref<136x256xf32, #tpu.memory_space<vmem>> -> memref<72x256xf32, #tpu.memory_space<vmem>>
    %dma_wait3A_368 = arith.constant 1088 : i32
    %dma_wait3A_369 = tpu.memref_slice %arg5[%dma_wait3A_368] : memref<3128xi32, #tpu.memory_space<vmem>> -> memref<72xi32, #tpu.memory_space<vmem>>
    %dma_wait3A_370 = arith.constant 0 : i32
    %dma_wait3A_371 = arith.constant 0 : i32
    %dma_wait3A_372 = tpu.memref_slice %arg3[%dma_wait3A_370, %dma_wait3A_371] : memref<7680x256xf32, #tpu.memory_space<hbm>> -> memref<7680x256xf32, #tpu.memory_space<hbm>>
    tpu.wait_indirect_dma semaphore(%arg9 : memref<!tpu.dma_semaphore, #tpu.memory_space<semaphore_mem>>) src(%dma_wait3A_372 : memref<7680x256xf32, #tpu.memory_space<hbm>>) dst(%dma_wait3A_367 : memref<72x256xf32, #tpu.memory_space<vmem>>)
    %dma_wait3A_373 = arith.constant 72 : i32
    %dma_wait3A_374 = arith.constant 0 : i32
    %dma_wait3A_375 = tpu.memref_slice %arg8[%dma_wait3A_373, %dma_wait3A_374] : memref<136x256xf32, #tpu.memory_space<vmem>> -> memref<64x256xf32, #tpu.memory_space<vmem>>
    %dma_wait3A_376 = arith.constant 1160 : i32
    %dma_wait3A_377 = tpu.memref_slice %arg5[%dma_wait3A_376] : memref<3128xi32, #tpu.memory_space<vmem>> -> memref<64xi32, #tpu.memory_space<vmem>>
    %dma_wait3A_378 = arith.constant 0 : i32
    %dma_wait3A_379 = arith.constant 0 : i32
    %dma_wait3A_380 = tpu.memref_slice %arg3[%dma_wait3A_378, %dma_wait3A_379] : memref<7680x256xf32, #tpu.memory_space<hbm>> -> memref<7680x256xf32, #tpu.memory_space<hbm>>
    tpu.wait_indirect_dma semaphore(%arg9 : memref<!tpu.dma_semaphore, #tpu.memory_space<semaphore_mem>>) src(%dma_wait3A_380 : memref<7680x256xf32, #tpu.memory_space<hbm>>) dst(%dma_wait3A_375 : memref<64x256xf32, #tpu.memory_space<vmem>>)
    %add3A_381 = arith.constant 1088 : i32
    %add3A_382 = arith.addi %mul3A_2, %add3A_381 : i32
    %dma_start3A_383 = arith.constant 0 : i32
    %dma_start3A_384 = tpu.memref_slice %arg4[%add3A_382, %dma_start3A_383] : memref<100000x256xf32, #tpu.memory_space<hbm>> -> memref<136x256xf32, #tpu.memory_space<hbm>>
    %dma_start3A_385 = arith.constant 0 : i32
    %dma_start3A_386 = tpu.memref_slice %arg4[%add3A_382, %dma_start3A_385] : memref<100000x256xf32, #tpu.memory_space<hbm>> -> memref<136x256xf32, #tpu.memory_space<hbm>>
    tpu.enqueue_dma source(%arg8 : memref<136x256xf32, #tpu.memory_space<vmem>>) target(%dma_start3A_386 : memref<136x256xf32, #tpu.memory_space<hbm>>) target_semaphore(%arg10 : memref<!tpu.dma_semaphore, #tpu.memory_space<semaphore_mem>>)
    %dma_wait3A_387 = arith.constant 0 : i32
    %dma_wait3A_388 = tpu.memref_slice %arg4[%add3A_340, %dma_wait3A_387] : memref<100000x256xf32, #tpu.memory_space<hbm>> -> memref<136x256xf32, #tpu.memory_space<hbm>>
    %dma_wait3A_389 = arith.constant 0 : i32
    %dma_wait3A_390 = tpu.memref_slice %arg4[%add3A_340, %dma_wait3A_389] : memref<100000x256xf32, #tpu.memory_space<hbm>> -> memref<136x256xf32, #tpu.memory_space<hbm>>
    tpu.wait_dma2 semaphore(%arg10 : memref<!tpu.dma_semaphore, #tpu.memory_space<semaphore_mem>>) src(%arg7 : memref<136x256xf32, #tpu.memory_space<vmem>>) dst(%dma_wait3A_390 : memref<136x256xf32, #tpu.memory_space<hbm>>)
    %dma_start3A_391 = arith.constant 0 : i32
    %dma_start3A_392 = arith.constant 0 : i32
    %dma_start3A_393 = tpu.memref_slice %arg7[%dma_start3A_391, %dma_start3A_392] : memref<136x256xf32, #tpu.memory_space<vmem>> -> memref<72x256xf32, #tpu.memory_space<vmem>>
    %dma_start3A_394 = arith.constant 1360 : i32
    %dma_start3A_395 = tpu.memref_slice %arg5[%dma_start3A_394] : memref<3128xi32, #tpu.memory_space<vmem>> -> memref<72xi32, #tpu.memory_space<vmem>>
    %dma_start3A_396 = arith.constant 0 : i32
    %dma_start3A_397 = arith.constant 0 : i32
    %dma_start3A_398 = tpu.memref_slice %arg3[%dma_start3A_396, %dma_start3A_397] : memref<7680x256xf32, #tpu.memory_space<hbm>> -> memref<7680x256xf32, #tpu.memory_space<hbm>>
    tpu.enqueue_indirect_dma source(%dma_start3A_398 : memref<7680x256xf32, #tpu.memory_space<hbm>>) target(%dma_start3A_393 : memref<72x256xf32, #tpu.memory_space<vmem>>) offsets(%dma_start3A_395 : memref<72xi32, #tpu.memory_space<vmem>>) semaphore(%arg9 : memref<!tpu.dma_semaphore, #tpu.memory_space<semaphore_mem>>)
    %dma_start3A_399 = arith.constant 72 : i32
    %dma_start3A_400 = arith.constant 0 : i32
    %dma_start3A_401 = tpu.memref_slice %arg7[%dma_start3A_399, %dma_start3A_400] : memref<136x256xf32, #tpu.memory_space<vmem>> -> memref<64x256xf32, #tpu.memory_space<vmem>>
    %dma_start3A_402 = arith.constant 1432 : i32
    %dma_start3A_403 = tpu.memref_slice %arg5[%dma_start3A_402] : memref<3128xi32, #tpu.memory_space<vmem>> -> memref<64xi32, #tpu.memory_space<vmem>>
    %dma_start3A_404 = arith.constant 0 : i32
    %dma_start3A_405 = arith.constant 0 : i32
    %dma_start3A_406 = tpu.memref_slice %arg3[%dma_start3A_404, %dma_start3A_405] : memref<7680x256xf32, #tpu.memory_space<hbm>> -> memref<7680x256xf32, #tpu.memory_space<hbm>>
    tpu.enqueue_indirect_dma source(%dma_start3A_406 : memref<7680x256xf32, #tpu.memory_space<hbm>>) target(%dma_start3A_401 : memref<64x256xf32, #tpu.memory_space<vmem>>) offsets(%dma_start3A_403 : memref<64xi32, #tpu.memory_space<vmem>>) semaphore(%arg9 : memref<!tpu.dma_semaphore, #tpu.memory_space<semaphore_mem>>)
    %dma_wait3A_407 = arith.constant 0 : i32
    %dma_wait3A_408 = arith.constant 0 : i32
    %dma_wait3A_409 = tpu.memref_slice %arg6[%dma_wait3A_407, %dma_wait3A_408] : memref<136x256xf32, #tpu.memory_space<vmem>> -> memref<72x256xf32, #tpu.memory_space<vmem>>
    %dma_wait3A_410 = arith.constant 1224 : i32
    %dma_wait3A_411 = tpu.memref_slice %arg5[%dma_wait3A_410] : memref<3128xi32, #tpu.memory_space<vmem>> -> memref<72xi32, #tpu.memory_space<vmem>>
    %dma_wait3A_412 = arith.constant 0 : i32
    %dma_wait3A_413 = arith.constant 0 : i32
    %dma_wait3A_414 = tpu.memref_slice %arg3[%dma_wait3A_412, %dma_wait3A_413] : memref<7680x256xf32, #tpu.memory_space<hbm>> -> memref<7680x256xf32, #tpu.memory_space<hbm>>
    tpu.wait_indirect_dma semaphore(%arg9 : memref<!tpu.dma_semaphore, #tpu.memory_space<semaphore_mem>>) src(%dma_wait3A_414 : memref<7680x256xf32, #tpu.memory_space<hbm>>) dst(%dma_wait3A_409 : memref<72x256xf32, #tpu.memory_space<vmem>>)
    %dma_wait3A_415 = arith.constant 72 : i32
    %dma_wait3A_416 = arith.constant 0 : i32
    %dma_wait3A_417 = tpu.memref_slice %arg6[%dma_wait3A_415, %dma_wait3A_416] : memref<136x256xf32, #tpu.memory_space<vmem>> -> memref<64x256xf32, #tpu.memory_space<vmem>>
    %dma_wait3A_418 = arith.constant 1296 : i32
    %dma_wait3A_419 = tpu.memref_slice %arg5[%dma_wait3A_418] : memref<3128xi32, #tpu.memory_space<vmem>> -> memref<64xi32, #tpu.memory_space<vmem>>
    %dma_wait3A_420 = arith.constant 0 : i32
    %dma_wait3A_421 = arith.constant 0 : i32
    %dma_wait3A_422 = tpu.memref_slice %arg3[%dma_wait3A_420, %dma_wait3A_421] : memref<7680x256xf32, #tpu.memory_space<hbm>> -> memref<7680x256xf32, #tpu.memory_space<hbm>>
    tpu.wait_indirect_dma semaphore(%arg9 : memref<!tpu.dma_semaphore, #tpu.memory_space<semaphore_mem>>) src(%dma_wait3A_422 : memref<7680x256xf32, #tpu.memory_space<hbm>>) dst(%dma_wait3A_417 : memref<64x256xf32, #tpu.memory_space<vmem>>)
    %add3A_423 = arith.constant 1224 : i32
    %add3A_424 = arith.addi %mul3A_2, %add3A_423 : i32
    %dma_start3A_425 = arith.constant 0 : i32
    %dma_start3A_426 = tpu.memref_slice %arg4[%add3A_424, %dma_start3A_425] : memref<100000x256xf32, #tpu.memory_space<hbm>> -> memref<136x256xf32, #tpu.memory_space<hbm>>
    %dma_start3A_427 = arith.constant 0 : i32
    %dma_start3A_428 = tpu.memref_slice %arg4[%add3A_424, %dma_start3A_427] : memref<100000x256xf32, #tpu.memory_space<hbm>> -> memref<136x256xf32, #tpu.memory_space<hbm>>
    tpu.enqueue_dma source(%arg6 : memref<136x256xf32, #tpu.memory_space<vmem>>) target(%dma_start3A_428 : memref<136x256xf32, #tpu.memory_space<hbm>>) target_semaphore(%arg10 : memref<!tpu.dma_semaphore, #tpu.memory_space<semaphore_mem>>)
    %dma_wait3A_429 = arith.constant 0 : i32
    %dma_wait3A_430 = tpu.memref_slice %arg4[%add3A_382, %dma_wait3A_429] : memref<100000x256xf32, #tpu.memory_space<hbm>> -> memref<136x256xf32, #tpu.memory_space<hbm>>
    %dma_wait3A_431 = arith.constant 0 : i32
    %dma_wait3A_432 = tpu.memref_slice %arg4[%add3A_382, %dma_wait3A_431] : memref<100000x256xf32, #tpu.memory_space<hbm>> -> memref<136x256xf32, #tpu.memory_space<hbm>>
    tpu.wait_dma2 semaphore(%arg10 : memref<!tpu.dma_semaphore, #tpu.memory_space<semaphore_mem>>) src(%arg8 : memref<136x256xf32, #tpu.memory_space<vmem>>) dst(%dma_wait3A_432 : memref<136x256xf32, #tpu.memory_space<hbm>>)
    %dma_start3A_433 = arith.constant 0 : i32
    %dma_start3A_434 = arith.constant 0 : i32
    %dma_start3A_435 = tpu.memref_slice %arg8[%dma_start3A_433, %dma_start3A_434] : memref<136x256xf32, #tpu.memory_space<vmem>> -> memref<72x256xf32, #tpu.memory_space<vmem>>
    %dma_start3A_436 = arith.constant 1496 : i32
    %dma_start3A_437 = tpu.memref_slice %arg5[%dma_start3A_436] : memref<3128xi32, #tpu.memory_space<vmem>> -> memref<72xi32, #tpu.memory_space<vmem>>
    %dma_start3A_438 = arith.constant 0 : i32
    %dma_start3A_439 = arith.constant 0 : i32
    %dma_start3A_440 = tpu.memref_slice %arg3[%dma_start3A_438, %dma_start3A_439] : memref<7680x256xf32, #tpu.memory_space<hbm>> -> memref<7680x256xf32, #tpu.memory_space<hbm>>
    tpu.enqueue_indirect_dma source(%dma_start3A_440 : memref<7680x256xf32, #tpu.memory_space<hbm>>) target(%dma_start3A_435 : memref<72x256xf32, #tpu.memory_space<vmem>>) offsets(%dma_start3A_437 : memref<72xi32, #tpu.memory_space<vmem>>) semaphore(%arg9 : memref<!tpu.dma_semaphore, #tpu.memory_space<semaphore_mem>>)
    %dma_start3A_441 = arith.constant 72 : i32
    %dma_start3A_442 = arith.constant 0 : i32
    %dma_start3A_443 = tpu.memref_slice %arg8[%dma_start3A_441, %dma_start3A_442] : memref<136x256xf32, #tpu.memory_space<vmem>> -> memref<64x256xf32, #tpu.memory_space<vmem>>
    %dma_start3A_444 = arith.constant 1568 : i32
    %dma_start3A_445 = tpu.memref_slice %arg5[%dma_start3A_444] : memref<3128xi32, #tpu.memory_space<vmem>> -> memref<64xi32, #tpu.memory_space<vmem>>
    %dma_start3A_446 = arith.constant 0 : i32
    %dma_start3A_447 = arith.constant 0 : i32
    %dma_start3A_448 = tpu.memref_slice %arg3[%dma_start3A_446, %dma_start3A_447] : memref<7680x256xf32, #tpu.memory_space<hbm>> -> memref<7680x256xf32, #tpu.memory_space<hbm>>
    tpu.enqueue_indirect_dma source(%dma_start3A_448 : memref<7680x256xf32, #tpu.memory_space<hbm>>) target(%dma_start3A_443 : memref<64x256xf32, #tpu.memory_space<vmem>>) offsets(%dma_start3A_445 : memref<64xi32, #tpu.memory_space<vmem>>) semaphore(%arg9 : memref<!tpu.dma_semaphore, #tpu.memory_space<semaphore_mem>>)
    %dma_wait3A_449 = arith.constant 0 : i32
    %dma_wait3A_450 = arith.constant 0 : i32
    %dma_wait3A_451 = tpu.memref_slice %arg7[%dma_wait3A_449, %dma_wait3A_450] : memref<136x256xf32, #tpu.memory_space<vmem>> -> memref<72x256xf32, #tpu.memory_space<vmem>>
    %dma_wait3A_452 = arith.constant 1360 : i32
    %dma_wait3A_453 = tpu.memref_slice %arg5[%dma_wait3A_452] : memref<3128xi32, #tpu.memory_space<vmem>> -> memref<72xi32, #tpu.memory_space<vmem>>
    %dma_wait3A_454 = arith.constant 0 : i32
    %dma_wait3A_455 = arith.constant 0 : i32
    %dma_wait3A_456 = tpu.memref_slice %arg3[%dma_wait3A_454, %dma_wait3A_455] : memref<7680x256xf32, #tpu.memory_space<hbm>> -> memref<7680x256xf32, #tpu.memory_space<hbm>>
    tpu.wait_indirect_dma semaphore(%arg9 : memref<!tpu.dma_semaphore, #tpu.memory_space<semaphore_mem>>) src(%dma_wait3A_456 : memref<7680x256xf32, #tpu.memory_space<hbm>>) dst(%dma_wait3A_451 : memref<72x256xf32, #tpu.memory_space<vmem>>)
    %dma_wait3A_457 = arith.constant 72 : i32
    %dma_wait3A_458 = arith.constant 0 : i32
    %dma_wait3A_459 = tpu.memref_slice %arg7[%dma_wait3A_457, %dma_wait3A_458] : memref<136x256xf32, #tpu.memory_space<vmem>> -> memref<64x256xf32, #tpu.memory_space<vmem>>
    %dma_wait3A_460 = arith.constant 1432 : i32
    %dma_wait3A_461 = tpu.memref_slice %arg5[%dma_wait3A_460] : memref<3128xi32, #tpu.memory_space<vmem>> -> memref<64xi32, #tpu.memory_space<vmem>>
    %dma_wait3A_462 = arith.constant 0 : i32
    %dma_wait3A_463 = arith.constant 0 : i32
    %dma_wait3A_464 = tpu.memref_slice %arg3[%dma_wait3A_462, %dma_wait3A_463] : memref<7680x256xf32, #tpu.memory_space<hbm>> -> memref<7680x256xf32, #tpu.memory_space<hbm>>
    tpu.wait_indirect_dma semaphore(%arg9 : memref<!tpu.dma_semaphore, #tpu.memory_space<semaphore_mem>>) src(%dma_wait3A_464 : memref<7680x256xf32, #tpu.memory_space<hbm>>) dst(%dma_wait3A_459 : memref<64x256xf32, #tpu.memory_space<vmem>>)
    %add3A_465 = arith.constant 1360 : i32
    %add3A_466 = arith.addi %mul3A_2, %add3A_465 : i32
    %dma_start3A_467 = arith.constant 0 : i32
    %dma_start3A_468 = tpu.memref_slice %arg4[%add3A_466, %dma_start3A_467] : memref<100000x256xf32, #tpu.memory_space<hbm>> -> memref<136x256xf32, #tpu.memory_space<hbm>>
    %dma_start3A_469 = arith.constant 0 : i32
    %dma_start3A_470 = tpu.memref_slice %arg4[%add3A_466, %dma_start3A_469] : memref<100000x256xf32, #tpu.memory_space<hbm>> -> memref<136x256xf32, #tpu.memory_space<hbm>>
    tpu.enqueue_dma source(%arg7 : memref<136x256xf32, #tpu.memory_space<vmem>>) target(%dma_start3A_470 : memref<136x256xf32, #tpu.memory_space<hbm>>) target_semaphore(%arg10 : memref<!tpu.dma_semaphore, #tpu.memory_space<semaphore_mem>>)
    %dma_wait3A_471 = arith.constant 0 : i32
    %dma_wait3A_472 = tpu.memref_slice %arg4[%add3A_424, %dma_wait3A_471] : memref<100000x256xf32, #tpu.memory_space<hbm>> -> memref<136x256xf32, #tpu.memory_space<hbm>>
    %dma_wait3A_473 = arith.constant 0 : i32
    %dma_wait3A_474 = tpu.memref_slice %arg4[%add3A_424, %dma_wait3A_473] : memref<100000x256xf32, #tpu.memory_space<hbm>> -> memref<136x256xf32, #tpu.memory_space<hbm>>
    tpu.wait_dma2 semaphore(%arg10 : memref<!tpu.dma_semaphore, #tpu.memory_space<semaphore_mem>>) src(%arg6 : memref<136x256xf32, #tpu.memory_space<vmem>>) dst(%dma_wait3A_474 : memref<136x256xf32, #tpu.memory_space<hbm>>)
    %dma_start3A_475 = arith.constant 0 : i32
    %dma_start3A_476 = arith.constant 0 : i32
    %dma_start3A_477 = tpu.memref_slice %arg6[%dma_start3A_475, %dma_start3A_476] : memref<136x256xf32, #tpu.memory_space<vmem>> -> memref<72x256xf32, #tpu.memory_space<vmem>>
    %dma_start3A_478 = arith.constant 1632 : i32
    %dma_start3A_479 = tpu.memref_slice %arg5[%dma_start3A_478] : memref<3128xi32, #tpu.memory_space<vmem>> -> memref<72xi32, #tpu.memory_space<vmem>>
    %dma_start3A_480 = arith.constant 0 : i32
    %dma_start3A_481 = arith.constant 0 : i32
    %dma_start3A_482 = tpu.memref_slice %arg3[%dma_start3A_480, %dma_start3A_481] : memref<7680x256xf32, #tpu.memory_space<hbm>> -> memref<7680x256xf32, #tpu.memory_space<hbm>>
    tpu.enqueue_indirect_dma source(%dma_start3A_482 : memref<7680x256xf32, #tpu.memory_space<hbm>>) target(%dma_start3A_477 : memref<72x256xf32, #tpu.memory_space<vmem>>) offsets(%dma_start3A_479 : memref<72xi32, #tpu.memory_space<vmem>>) semaphore(%arg9 : memref<!tpu.dma_semaphore, #tpu.memory_space<semaphore_mem>>)
    %dma_start3A_483 = arith.constant 72 : i32
    %dma_start3A_484 = arith.constant 0 : i32
    %dma_start3A_485 = tpu.memref_slice %arg6[%dma_start3A_483, %dma_start3A_484] : memref<136x256xf32, #tpu.memory_space<vmem>> -> memref<64x256xf32, #tpu.memory_space<vmem>>
    %dma_start3A_486 = arith.constant 1704 : i32
    %dma_start3A_487 = tpu.memref_slice %arg5[%dma_start3A_486] : memref<3128xi32, #tpu.memory_space<vmem>> -> memref<64xi32, #tpu.memory_space<vmem>>
    %dma_start3A_488 = arith.constant 0 : i32
    %dma_start3A_489 = arith.constant 0 : i32
    %dma_start3A_490 = tpu.memref_slice %arg3[%dma_start3A_488, %dma_start3A_489] : memref<7680x256xf32, #tpu.memory_space<hbm>> -> memref<7680x256xf32, #tpu.memory_space<hbm>>
    tpu.enqueue_indirect_dma source(%dma_start3A_490 : memref<7680x256xf32, #tpu.memory_space<hbm>>) target(%dma_start3A_485 : memref<64x256xf32, #tpu.memory_space<vmem>>) offsets(%dma_start3A_487 : memref<64xi32, #tpu.memory_space<vmem>>) semaphore(%arg9 : memref<!tpu.dma_semaphore, #tpu.memory_space<semaphore_mem>>)
    %dma_wait3A_491 = arith.constant 0 : i32
    %dma_wait3A_492 = arith.constant 0 : i32
    %dma_wait3A_493 = tpu.memref_slice %arg8[%dma_wait3A_491, %dma_wait3A_492] : memref<136x256xf32, #tpu.memory_space<vmem>> -> memref<72x256xf32, #tpu.memory_space<vmem>>
    %dma_wait3A_494 = arith.constant 1496 : i32
    %dma_wait3A_495 = tpu.memref_slice %arg5[%dma_wait3A_494] : memref<3128xi32, #tpu.memory_space<vmem>> -> memref<72xi32, #tpu.memory_space<vmem>>
    %dma_wait3A_496 = arith.constant 0 : i32
    %dma_wait3A_497 = arith.constant 0 : i32
    %dma_wait3A_498 = tpu.memref_slice %arg3[%dma_wait3A_496, %dma_wait3A_497] : memref<7680x256xf32, #tpu.memory_space<hbm>> -> memref<7680x256xf32, #tpu.memory_space<hbm>>
    tpu.wait_indirect_dma semaphore(%arg9 : memref<!tpu.dma_semaphore, #tpu.memory_space<semaphore_mem>>) src(%dma_wait3A_498 : memref<7680x256xf32, #tpu.memory_space<hbm>>) dst(%dma_wait3A_493 : memref<72x256xf32, #tpu.memory_space<vmem>>)
    %dma_wait3A_499 = arith.constant 72 : i32
    %dma_wait3A_500 = arith.constant 0 : i32
    %dma_wait3A_501 = tpu.memref_slice %arg8[%dma_wait3A_499, %dma_wait3A_500] : memref<136x256xf32, #tpu.memory_space<vmem>> -> memref<64x256xf32, #tpu.memory_space<vmem>>
    %dma_wait3A_502 = arith.constant 1568 : i32
    %dma_wait3A_503 = tpu.memref_slice %arg5[%dma_wait3A_502] : memref<3128xi32, #tpu.memory_space<vmem>> -> memref<64xi32, #tpu.memory_space<vmem>>
    %dma_wait3A_504 = arith.constant 0 : i32
    %dma_wait3A_505 = arith.constant 0 : i32
    %dma_wait3A_506 = tpu.memref_slice %arg3[%dma_wait3A_504, %dma_wait3A_505] : memref<7680x256xf32, #tpu.memory_space<hbm>> -> memref<7680x256xf32, #tpu.memory_space<hbm>>
    tpu.wait_indirect_dma semaphore(%arg9 : memref<!tpu.dma_semaphore, #tpu.memory_space<semaphore_mem>>) src(%dma_wait3A_506 : memref<7680x256xf32, #tpu.memory_space<hbm>>) dst(%dma_wait3A_501 : memref<64x256xf32, #tpu.memory_space<vmem>>)
    %add3A_507 = arith.constant 1496 : i32
    %add3A_508 = arith.addi %mul3A_2, %add3A_507 : i32
    %dma_start3A_509 = arith.constant 0 : i32
    %dma_start3A_510 = tpu.memref_slice %arg4[%add3A_508, %dma_start3A_509] : memref<100000x256xf32, #tpu.memory_space<hbm>> -> memref<136x256xf32, #tpu.memory_space<hbm>>
    %dma_start3A_511 = arith.constant 0 : i32
    %dma_start3A_512 = tpu.memref_slice %arg4[%add3A_508, %dma_start3A_511] : memref<100000x256xf32, #tpu.memory_space<hbm>> -> memref<136x256xf32, #tpu.memory_space<hbm>>
    tpu.enqueue_dma source(%arg8 : memref<136x256xf32, #tpu.memory_space<vmem>>) target(%dma_start3A_512 : memref<136x256xf32, #tpu.memory_space<hbm>>) target_semaphore(%arg10 : memref<!tpu.dma_semaphore, #tpu.memory_space<semaphore_mem>>)
    %dma_wait3A_513 = arith.constant 0 : i32
    %dma_wait3A_514 = tpu.memref_slice %arg4[%add3A_466, %dma_wait3A_513] : memref<100000x256xf32, #tpu.memory_space<hbm>> -> memref<136x256xf32, #tpu.memory_space<hbm>>
    %dma_wait3A_515 = arith.constant 0 : i32
    %dma_wait3A_516 = tpu.memref_slice %arg4[%add3A_466, %dma_wait3A_515] : memref<100000x256xf32, #tpu.memory_space<hbm>> -> memref<136x256xf32, #tpu.memory_space<hbm>>
    tpu.wait_dma2 semaphore(%arg10 : memref<!tpu.dma_semaphore, #tpu.memory_space<semaphore_mem>>) src(%arg7 : memref<136x256xf32, #tpu.memory_space<vmem>>) dst(%dma_wait3A_516 : memref<136x256xf32, #tpu.memory_space<hbm>>)
    %dma_start3A_517 = arith.constant 0 : i32
    %dma_start3A_518 = arith.constant 0 : i32
    %dma_start3A_519 = tpu.memref_slice %arg7[%dma_start3A_517, %dma_start3A_518] : memref<136x256xf32, #tpu.memory_space<vmem>> -> memref<72x256xf32, #tpu.memory_space<vmem>>
    %dma_start3A_520 = arith.constant 1768 : i32
    %dma_start3A_521 = tpu.memref_slice %arg5[%dma_start3A_520] : memref<3128xi32, #tpu.memory_space<vmem>> -> memref<72xi32, #tpu.memory_space<vmem>>
    %dma_start3A_522 = arith.constant 0 : i32
    %dma_start3A_523 = arith.constant 0 : i32
    %dma_start3A_524 = tpu.memref_slice %arg3[%dma_start3A_522, %dma_start3A_523] : memref<7680x256xf32, #tpu.memory_space<hbm>> -> memref<7680x256xf32, #tpu.memory_space<hbm>>
    tpu.enqueue_indirect_dma source(%dma_start3A_524 : memref<7680x256xf32, #tpu.memory_space<hbm>>) target(%dma_start3A_519 : memref<72x256xf32, #tpu.memory_space<vmem>>) offsets(%dma_start3A_521 : memref<72xi32, #tpu.memory_space<vmem>>) semaphore(%arg9 : memref<!tpu.dma_semaphore, #tpu.memory_space<semaphore_mem>>)
    %dma_start3A_525 = arith.constant 72 : i32
    %dma_start3A_526 = arith.constant 0 : i32
    %dma_start3A_527 = tpu.memref_slice %arg7[%dma_start3A_525, %dma_start3A_526] : memref<136x256xf32, #tpu.memory_space<vmem>> -> memref<64x256xf32, #tpu.memory_space<vmem>>
    %dma_start3A_528 = arith.constant 1840 : i32
    %dma_start3A_529 = tpu.memref_slice %arg5[%dma_start3A_528] : memref<3128xi32, #tpu.memory_space<vmem>> -> memref<64xi32, #tpu.memory_space<vmem>>
    %dma_start3A_530 = arith.constant 0 : i32
    %dma_start3A_531 = arith.constant 0 : i32
    %dma_start3A_532 = tpu.memref_slice %arg3[%dma_start3A_530, %dma_start3A_531] : memref<7680x256xf32, #tpu.memory_space<hbm>> -> memref<7680x256xf32, #tpu.memory_space<hbm>>
    tpu.enqueue_indirect_dma source(%dma_start3A_532 : memref<7680x256xf32, #tpu.memory_space<hbm>>) target(%dma_start3A_527 : memref<64x256xf32, #tpu.memory_space<vmem>>) offsets(%dma_start3A_529 : memref<64xi32, #tpu.memory_space<vmem>>) semaphore(%arg9 : memref<!tpu.dma_semaphore, #tpu.memory_space<semaphore_mem>>)
    %dma_wait3A_533 = arith.constant 0 : i32
    %dma_wait3A_534 = arith.constant 0 : i32
    %dma_wait3A_535 = tpu.memref_slice %arg6[%dma_wait3A_533, %dma_wait3A_534] : memref<136x256xf32, #tpu.memory_space<vmem>> -> memref<72x256xf32, #tpu.memory_space<vmem>>
    %dma_wait3A_536 = arith.constant 1632 : i32
    %dma_wait3A_537 = tpu.memref_slice %arg5[%dma_wait3A_536] : memref<3128xi32, #tpu.memory_space<vmem>> -> memref<72xi32, #tpu.memory_space<vmem>>
    %dma_wait3A_538 = arith.constant 0 : i32
    %dma_wait3A_539 = arith.constant 0 : i32
    %dma_wait3A_540 = tpu.memref_slice %arg3[%dma_wait3A_538, %dma_wait3A_539] : memref<7680x256xf32, #tpu.memory_space<hbm>> -> memref<7680x256xf32, #tpu.memory_space<hbm>>
    tpu.wait_indirect_dma semaphore(%arg9 : memref<!tpu.dma_semaphore, #tpu.memory_space<semaphore_mem>>) src(%dma_wait3A_540 : memref<7680x256xf32, #tpu.memory_space<hbm>>) dst(%dma_wait3A_535 : memref<72x256xf32, #tpu.memory_space<vmem>>)
    %dma_wait3A_541 = arith.constant 72 : i32
    %dma_wait3A_542 = arith.constant 0 : i32
    %dma_wait3A_543 = tpu.memref_slice %arg6[%dma_wait3A_541, %dma_wait3A_542] : memref<136x256xf32, #tpu.memory_space<vmem>> -> memref<64x256xf32, #tpu.memory_space<vmem>>
    %dma_wait3A_544 = arith.constant 1704 : i32
    %dma_wait3A_545 = tpu.memref_slice %arg5[%dma_wait3A_544] : memref<3128xi32, #tpu.memory_space<vmem>> -> memref<64xi32, #tpu.memory_space<vmem>>
    %dma_wait3A_546 = arith.constant 0 : i32
    %dma_wait3A_547 = arith.constant 0 : i32
    %dma_wait3A_548 = tpu.memref_slice %arg3[%dma_wait3A_546, %dma_wait3A_547] : memref<7680x256xf32, #tpu.memory_space<hbm>> -> memref<7680x256xf32, #tpu.memory_space<hbm>>
    tpu.wait_indirect_dma semaphore(%arg9 : memref<!tpu.dma_semaphore, #tpu.memory_space<semaphore_mem>>) src(%dma_wait3A_548 : memref<7680x256xf32, #tpu.memory_space<hbm>>) dst(%dma_wait3A_543 : memref<64x256xf32, #tpu.memory_space<vmem>>)
    %add3A_549 = arith.constant 1632 : i32
    %add3A_550 = arith.addi %mul3A_2, %add3A_549 : i32
    %dma_start3A_551 = arith.constant 0 : i32
    %dma_start3A_552 = tpu.memref_slice %arg4[%add3A_550, %dma_start3A_551] : memref<100000x256xf32, #tpu.memory_space<hbm>> -> memref<136x256xf32, #tpu.memory_space<hbm>>
    %dma_start3A_553 = arith.constant 0 : i32
    %dma_start3A_554 = tpu.memref_slice %arg4[%add3A_550, %dma_start3A_553] : memref<100000x256xf32, #tpu.memory_space<hbm>> -> memref<136x256xf32, #tpu.memory_space<hbm>>
    tpu.enqueue_dma source(%arg6 : memref<136x256xf32, #tpu.memory_space<vmem>>) target(%dma_start3A_554 : memref<136x256xf32, #tpu.memory_space<hbm>>) target_semaphore(%arg10 : memref<!tpu.dma_semaphore, #tpu.memory_space<semaphore_mem>>)
    %dma_wait3A_555 = arith.constant 0 : i32
    %dma_wait3A_556 = tpu.memref_slice %arg4[%add3A_508, %dma_wait3A_555] : memref<100000x256xf32, #tpu.memory_space<hbm>> -> memref<136x256xf32, #tpu.memory_space<hbm>>
    %dma_wait3A_557 = arith.constant 0 : i32
    %dma_wait3A_558 = tpu.memref_slice %arg4[%add3A_508, %dma_wait3A_557] : memref<100000x256xf32, #tpu.memory_space<hbm>> -> memref<136x256xf32, #tpu.memory_space<hbm>>
    tpu.wait_dma2 semaphore(%arg10 : memref<!tpu.dma_semaphore, #tpu.memory_space<semaphore_mem>>) src(%arg8 : memref<136x256xf32, #tpu.memory_space<vmem>>) dst(%dma_wait3A_558 : memref<136x256xf32, #tpu.memory_space<hbm>>)
    %dma_start3A_559 = arith.constant 0 : i32
    %dma_start3A_560 = arith.constant 0 : i32
    %dma_start3A_561 = tpu.memref_slice %arg8[%dma_start3A_559, %dma_start3A_560] : memref<136x256xf32, #tpu.memory_space<vmem>> -> memref<72x256xf32, #tpu.memory_space<vmem>>
    %dma_start3A_562 = arith.constant 1904 : i32
    %dma_start3A_563 = tpu.memref_slice %arg5[%dma_start3A_562] : memref<3128xi32, #tpu.memory_space<vmem>> -> memref<72xi32, #tpu.memory_space<vmem>>
    %dma_start3A_564 = arith.constant 0 : i32
    %dma_start3A_565 = arith.constant 0 : i32
    %dma_start3A_566 = tpu.memref_slice %arg3[%dma_start3A_564, %dma_start3A_565] : memref<7680x256xf32, #tpu.memory_space<hbm>> -> memref<7680x256xf32, #tpu.memory_space<hbm>>
    tpu.enqueue_indirect_dma source(%dma_start3A_566 : memref<7680x256xf32, #tpu.memory_space<hbm>>) target(%dma_start3A_561 : memref<72x256xf32, #tpu.memory_space<vmem>>) offsets(%dma_start3A_563 : memref<72xi32, #tpu.memory_space<vmem>>) semaphore(%arg9 : memref<!tpu.dma_semaphore, #tpu.memory_space<semaphore_mem>>)
    %dma_start3A_567 = arith.constant 72 : i32
    %dma_start3A_568 = arith.constant 0 : i32
    %dma_start3A_569 = tpu.memref_slice %arg8[%dma_start3A_567, %dma_start3A_568] : memref<136x256xf32, #tpu.memory_space<vmem>> -> memref<64x256xf32, #tpu.memory_space<vmem>>
    %dma_start3A_570 = arith.constant 1976 : i32
    %dma_start3A_571 = tpu.memref_slice %arg5[%dma_start3A_570] : memref<3128xi32, #tpu.memory_space<vmem>> -> memref<64xi32, #tpu.memory_space<vmem>>
    %dma_start3A_572 = arith.constant 0 : i32
    %dma_start3A_573 = arith.constant 0 : i32
    %dma_start3A_574 = tpu.memref_slice %arg3[%dma_start3A_572, %dma_start3A_573] : memref<7680x256xf32, #tpu.memory_space<hbm>> -> memref<7680x256xf32, #tpu.memory_space<hbm>>
    tpu.enqueue_indirect_dma source(%dma_start3A_574 : memref<7680x256xf32, #tpu.memory_space<hbm>>) target(%dma_start3A_569 : memref<64x256xf32, #tpu.memory_space<vmem>>) offsets(%dma_start3A_571 : memref<64xi32, #tpu.memory_space<vmem>>) semaphore(%arg9 : memref<!tpu.dma_semaphore, #tpu.memory_space<semaphore_mem>>)
    %dma_wait3A_575 = arith.constant 0 : i32
    %dma_wait3A_576 = arith.constant 0 : i32
    %dma_wait3A_577 = tpu.memref_slice %arg7[%dma_wait3A_575, %dma_wait3A_576] : memref<136x256xf32, #tpu.memory_space<vmem>> -> memref<72x256xf32, #tpu.memory_space<vmem>>
    %dma_wait3A_578 = arith.constant 1768 : i32
    %dma_wait3A_579 = tpu.memref_slice %arg5[%dma_wait3A_578] : memref<3128xi32, #tpu.memory_space<vmem>> -> memref<72xi32, #tpu.memory_space<vmem>>
    %dma_wait3A_580 = arith.constant 0 : i32
    %dma_wait3A_581 = arith.constant 0 : i32
    %dma_wait3A_582 = tpu.memref_slice %arg3[%dma_wait3A_580, %dma_wait3A_581] : memref<7680x256xf32, #tpu.memory_space<hbm>> -> memref<7680x256xf32, #tpu.memory_space<hbm>>
    tpu.wait_indirect_dma semaphore(%arg9 : memref<!tpu.dma_semaphore, #tpu.memory_space<semaphore_mem>>) src(%dma_wait3A_582 : memref<7680x256xf32, #tpu.memory_space<hbm>>) dst(%dma_wait3A_577 : memref<72x256xf32, #tpu.memory_space<vmem>>)
    %dma_wait3A_583 = arith.constant 72 : i32
    %dma_wait3A_584 = arith.constant 0 : i32
    %dma_wait3A_585 = tpu.memref_slice %arg7[%dma_wait3A_583, %dma_wait3A_584] : memref<136x256xf32, #tpu.memory_space<vmem>> -> memref<64x256xf32, #tpu.memory_space<vmem>>
    %dma_wait3A_586 = arith.constant 1840 : i32
    %dma_wait3A_587 = tpu.memref_slice %arg5[%dma_wait3A_586] : memref<3128xi32, #tpu.memory_space<vmem>> -> memref<64xi32, #tpu.memory_space<vmem>>
    %dma_wait3A_588 = arith.constant 0 : i32
    %dma_wait3A_589 = arith.constant 0 : i32
    %dma_wait3A_590 = tpu.memref_slice %arg3[%dma_wait3A_588, %dma_wait3A_589] : memref<7680x256xf32, #tpu.memory_space<hbm>> -> memref<7680x256xf32, #tpu.memory_space<hbm>>
    tpu.wait_indirect_dma semaphore(%arg9 : memref<!tpu.dma_semaphore, #tpu.memory_space<semaphore_mem>>) src(%dma_wait3A_590 : memref<7680x256xf32, #tpu.memory_space<hbm>>) dst(%dma_wait3A_585 : memref<64x256xf32, #tpu.memory_space<vmem>>)
    %add3A_591 = arith.constant 1768 : i32
    %add3A_592 = arith.addi %mul3A_2, %add3A_591 : i32
    %dma_start3A_593 = arith.constant 0 : i32
    %dma_start3A_594 = tpu.memref_slice %arg4[%add3A_592, %dma_start3A_593] : memref<100000x256xf32, #tpu.memory_space<hbm>> -> memref<136x256xf32, #tpu.memory_space<hbm>>
    %dma_start3A_595 = arith.constant 0 : i32
    %dma_start3A_596 = tpu.memref_slice %arg4[%add3A_592, %dma_start3A_595] : memref<100000x256xf32, #tpu.memory_space<hbm>> -> memref<136x256xf32, #tpu.memory_space<hbm>>
    tpu.enqueue_dma source(%arg7 : memref<136x256xf32, #tpu.memory_space<vmem>>) target(%dma_start3A_596 : memref<136x256xf32, #tpu.memory_space<hbm>>) target_semaphore(%arg10 : memref<!tpu.dma_semaphore, #tpu.memory_space<semaphore_mem>>)
    %dma_wait3A_597 = arith.constant 0 : i32
    %dma_wait3A_598 = tpu.memref_slice %arg4[%add3A_550, %dma_wait3A_597] : memref<100000x256xf32, #tpu.memory_space<hbm>> -> memref<136x256xf32, #tpu.memory_space<hbm>>
    %dma_wait3A_599 = arith.constant 0 : i32
    %dma_wait3A_600 = tpu.memref_slice %arg4[%add3A_550, %dma_wait3A_599] : memref<100000x256xf32, #tpu.memory_space<hbm>> -> memref<136x256xf32, #tpu.memory_space<hbm>>
    tpu.wait_dma2 semaphore(%arg10 : memref<!tpu.dma_semaphore, #tpu.memory_space<semaphore_mem>>) src(%arg6 : memref<136x256xf32, #tpu.memory_space<vmem>>) dst(%dma_wait3A_600 : memref<136x256xf32, #tpu.memory_space<hbm>>)
    %dma_start3A_601 = arith.constant 0 : i32
    %dma_start3A_602 = arith.constant 0 : i32
    %dma_start3A_603 = tpu.memref_slice %arg6[%dma_start3A_601, %dma_start3A_602] : memref<136x256xf32, #tpu.memory_space<vmem>> -> memref<72x256xf32, #tpu.memory_space<vmem>>
    %dma_start3A_604 = arith.constant 2040 : i32
    %dma_start3A_605 = tpu.memref_slice %arg5[%dma_start3A_604] : memref<3128xi32, #tpu.memory_space<vmem>> -> memref<72xi32, #tpu.memory_space<vmem>>
    %dma_start3A_606 = arith.constant 0 : i32
    %dma_start3A_607 = arith.constant 0 : i32
    %dma_start3A_608 = tpu.memref_slice %arg3[%dma_start3A_606, %dma_start3A_607] : memref<7680x256xf32, #tpu.memory_space<hbm>> -> memref<7680x256xf32, #tpu.memory_space<hbm>>
    tpu.enqueue_indirect_dma source(%dma_start3A_608 : memref<7680x256xf32, #tpu.memory_space<hbm>>) target(%dma_start3A_603 : memref<72x256xf32, #tpu.memory_space<vmem>>) offsets(%dma_start3A_605 : memref<72xi32, #tpu.memory_space<vmem>>) semaphore(%arg9 : memref<!tpu.dma_semaphore, #tpu.memory_space<semaphore_mem>>)
    %dma_start3A_609 = arith.constant 72 : i32
    %dma_start3A_610 = arith.constant 0 : i32
    %dma_start3A_611 = tpu.memref_slice %arg6[%dma_start3A_609, %dma_start3A_610] : memref<136x256xf32, #tpu.memory_space<vmem>> -> memref<64x256xf32, #tpu.memory_space<vmem>>
    %dma_start3A_612 = arith.constant 2112 : i32
    %dma_start3A_613 = tpu.memref_slice %arg5[%dma_start3A_612] : memref<3128xi32, #tpu.memory_space<vmem>> -> memref<64xi32, #tpu.memory_space<vmem>>
    %dma_start3A_614 = arith.constant 0 : i32
    %dma_start3A_615 = arith.constant 0 : i32
    %dma_start3A_616 = tpu.memref_slice %arg3[%dma_start3A_614, %dma_start3A_615] : memref<7680x256xf32, #tpu.memory_space<hbm>> -> memref<7680x256xf32, #tpu.memory_space<hbm>>
    tpu.enqueue_indirect_dma source(%dma_start3A_616 : memref<7680x256xf32, #tpu.memory_space<hbm>>) target(%dma_start3A_611 : memref<64x256xf32, #tpu.memory_space<vmem>>) offsets(%dma_start3A_613 : memref<64xi32, #tpu.memory_space<vmem>>) semaphore(%arg9 : memref<!tpu.dma_semaphore, #tpu.memory_space<semaphore_mem>>)
    %dma_wait3A_617 = arith.constant 0 : i32
    %dma_wait3A_618 = arith.constant 0 : i32
    %dma_wait3A_619 = tpu.memref_slice %arg8[%dma_wait3A_617, %dma_wait3A_618] : memref<136x256xf32, #tpu.memory_space<vmem>> -> memref<72x256xf32, #tpu.memory_space<vmem>>
    %dma_wait3A_620 = arith.constant 1904 : i32
    %dma_wait3A_621 = tpu.memref_slice %arg5[%dma_wait3A_620] : memref<3128xi32, #tpu.memory_space<vmem>> -> memref<72xi32, #tpu.memory_space<vmem>>
    %dma_wait3A_622 = arith.constant 0 : i32
    %dma_wait3A_623 = arith.constant 0 : i32
    %dma_wait3A_624 = tpu.memref_slice %arg3[%dma_wait3A_622, %dma_wait3A_623] : memref<7680x256xf32, #tpu.memory_space<hbm>> -> memref<7680x256xf32, #tpu.memory_space<hbm>>
    tpu.wait_indirect_dma semaphore(%arg9 : memref<!tpu.dma_semaphore, #tpu.memory_space<semaphore_mem>>) src(%dma_wait3A_624 : memref<7680x256xf32, #tpu.memory_space<hbm>>) dst(%dma_wait3A_619 : memref<72x256xf32, #tpu.memory_space<vmem>>)
    %dma_wait3A_625 = arith.constant 72 : i32
    %dma_wait3A_626 = arith.constant 0 : i32
    %dma_wait3A_627 = tpu.memref_slice %arg8[%dma_wait3A_625, %dma_wait3A_626] : memref<136x256xf32, #tpu.memory_space<vmem>> -> memref<64x256xf32, #tpu.memory_space<vmem>>
    %dma_wait3A_628 = arith.constant 1976 : i32
    %dma_wait3A_629 = tpu.memref_slice %arg5[%dma_wait3A_628] : memref<3128xi32, #tpu.memory_space<vmem>> -> memref<64xi32, #tpu.memory_space<vmem>>
    %dma_wait3A_630 = arith.constant 0 : i32
    %dma_wait3A_631 = arith.constant 0 : i32
    %dma_wait3A_632 = tpu.memref_slice %arg3[%dma_wait3A_630, %dma_wait3A_631] : memref<7680x256xf32, #tpu.memory_space<hbm>> -> memref<7680x256xf32, #tpu.memory_space<hbm>>
    tpu.wait_indirect_dma semaphore(%arg9 : memref<!tpu.dma_semaphore, #tpu.memory_space<semaphore_mem>>) src(%dma_wait3A_632 : memref<7680x256xf32, #tpu.memory_space<hbm>>) dst(%dma_wait3A_627 : memref<64x256xf32, #tpu.memory_space<vmem>>)
    %add3A_633 = arith.constant 1904 : i32
    %add3A_634 = arith.addi %mul3A_2, %add3A_633 : i32
    %dma_start3A_635 = arith.constant 0 : i32
    %dma_start3A_636 = tpu.memref_slice %arg4[%add3A_634, %dma_start3A_635] : memref<100000x256xf32, #tpu.memory_space<hbm>> -> memref<136x256xf32, #tpu.memory_space<hbm>>
    %dma_start3A_637 = arith.constant 0 : i32
    %dma_start3A_638 = tpu.memref_slice %arg4[%add3A_634, %dma_start3A_637] : memref<100000x256xf32, #tpu.memory_space<hbm>> -> memref<136x256xf32, #tpu.memory_space<hbm>>
    tpu.enqueue_dma source(%arg8 : memref<136x256xf32, #tpu.memory_space<vmem>>) target(%dma_start3A_638 : memref<136x256xf32, #tpu.memory_space<hbm>>) target_semaphore(%arg10 : memref<!tpu.dma_semaphore, #tpu.memory_space<semaphore_mem>>)
    %dma_wait3A_639 = arith.constant 0 : i32
    %dma_wait3A_640 = tpu.memref_slice %arg4[%add3A_592, %dma_wait3A_639] : memref<100000x256xf32, #tpu.memory_space<hbm>> -> memref<136x256xf32, #tpu.memory_space<hbm>>
    %dma_wait3A_641 = arith.constant 0 : i32
    %dma_wait3A_642 = tpu.memref_slice %arg4[%add3A_592, %dma_wait3A_641] : memref<100000x256xf32, #tpu.memory_space<hbm>> -> memref<136x256xf32, #tpu.memory_space<hbm>>
    tpu.wait_dma2 semaphore(%arg10 : memref<!tpu.dma_semaphore, #tpu.memory_space<semaphore_mem>>) src(%arg7 : memref<136x256xf32, #tpu.memory_space<vmem>>) dst(%dma_wait3A_642 : memref<136x256xf32, #tpu.memory_space<hbm>>)
    %dma_start3A_643 = arith.constant 0 : i32
    %dma_start3A_644 = arith.constant 0 : i32
    %dma_start3A_645 = tpu.memref_slice %arg7[%dma_start3A_643, %dma_start3A_644] : memref<136x256xf32, #tpu.memory_space<vmem>> -> memref<72x256xf32, #tpu.memory_space<vmem>>
    %dma_start3A_646 = arith.constant 2176 : i32
    %dma_start3A_647 = tpu.memref_slice %arg5[%dma_start3A_646] : memref<3128xi32, #tpu.memory_space<vmem>> -> memref<72xi32, #tpu.memory_space<vmem>>
    %dma_start3A_648 = arith.constant 0 : i32
    %dma_start3A_649 = arith.constant 0 : i32
    %dma_start3A_650 = tpu.memref_slice %arg3[%dma_start3A_648, %dma_start3A_649] : memref<7680x256xf32, #tpu.memory_space<hbm>> -> memref<7680x256xf32, #tpu.memory_space<hbm>>
    tpu.enqueue_indirect_dma source(%dma_start3A_650 : memref<7680x256xf32, #tpu.memory_space<hbm>>) target(%dma_start3A_645 : memref<72x256xf32, #tpu.memory_space<vmem>>) offsets(%dma_start3A_647 : memref<72xi32, #tpu.memory_space<vmem>>) semaphore(%arg9 : memref<!tpu.dma_semaphore, #tpu.memory_space<semaphore_mem>>)
    %dma_start3A_651 = arith.constant 72 : i32
    %dma_start3A_652 = arith.constant 0 : i32
    %dma_start3A_653 = tpu.memref_slice %arg7[%dma_start3A_651, %dma_start3A_652] : memref<136x256xf32, #tpu.memory_space<vmem>> -> memref<64x256xf32, #tpu.memory_space<vmem>>
    %dma_start3A_654 = arith.constant 2248 : i32
    %dma_start3A_655 = tpu.memref_slice %arg5[%dma_start3A_654] : memref<3128xi32, #tpu.memory_space<vmem>> -> memref<64xi32, #tpu.memory_space<vmem>>
    %dma_start3A_656 = arith.constant 0 : i32
    %dma_start3A_657 = arith.constant 0 : i32
    %dma_start3A_658 = tpu.memref_slice %arg3[%dma_start3A_656, %dma_start3A_657] : memref<7680x256xf32, #tpu.memory_space<hbm>> -> memref<7680x256xf32, #tpu.memory_space<hbm>>
    tpu.enqueue_indirect_dma source(%dma_start3A_658 : memref<7680x256xf32, #tpu.memory_space<hbm>>) target(%dma_start3A_653 : memref<64x256xf32, #tpu.memory_space<vmem>>) offsets(%dma_start3A_655 : memref<64xi32, #tpu.memory_space<vmem>>) semaphore(%arg9 : memref<!tpu.dma_semaphore, #tpu.memory_space<semaphore_mem>>)
    %dma_wait3A_659 = arith.constant 0 : i32
    %dma_wait3A_660 = arith.constant 0 : i32
    %dma_wait3A_661 = tpu.memref_slice %arg6[%dma_wait3A_659, %dma_wait3A_660] : memref<136x256xf32, #tpu.memory_space<vmem>> -> memref<72x256xf32, #tpu.memory_space<vmem>>
    %dma_wait3A_662 = arith.constant 2040 : i32
    %dma_wait3A_663 = tpu.memref_slice %arg5[%dma_wait3A_662] : memref<3128xi32, #tpu.memory_space<vmem>> -> memref<72xi32, #tpu.memory_space<vmem>>
    %dma_wait3A_664 = arith.constant 0 : i32
    %dma_wait3A_665 = arith.constant 0 : i32
    %dma_wait3A_666 = tpu.memref_slice %arg3[%dma_wait3A_664, %dma_wait3A_665] : memref<7680x256xf32, #tpu.memory_space<hbm>> -> memref<7680x256xf32, #tpu.memory_space<hbm>>
    tpu.wait_indirect_dma semaphore(%arg9 : memref<!tpu.dma_semaphore, #tpu.memory_space<semaphore_mem>>) src(%dma_wait3A_666 : memref<7680x256xf32, #tpu.memory_space<hbm>>) dst(%dma_wait3A_661 : memref<72x256xf32, #tpu.memory_space<vmem>>)
    %dma_wait3A_667 = arith.constant 72 : i32
    %dma_wait3A_668 = arith.constant 0 : i32
    %dma_wait3A_669 = tpu.memref_slice %arg6[%dma_wait3A_667, %dma_wait3A_668] : memref<136x256xf32, #tpu.memory_space<vmem>> -> memref<64x256xf32, #tpu.memory_space<vmem>>
    %dma_wait3A_670 = arith.constant 2112 : i32
    %dma_wait3A_671 = tpu.memref_slice %arg5[%dma_wait3A_670] : memref<3128xi32, #tpu.memory_space<vmem>> -> memref<64xi32, #tpu.memory_space<vmem>>
    %dma_wait3A_672 = arith.constant 0 : i32
    %dma_wait3A_673 = arith.constant 0 : i32
    %dma_wait3A_674 = tpu.memref_slice %arg3[%dma_wait3A_672, %dma_wait3A_673] : memref<7680x256xf32, #tpu.memory_space<hbm>> -> memref<7680x256xf32, #tpu.memory_space<hbm>>
    tpu.wait_indirect_dma semaphore(%arg9 : memref<!tpu.dma_semaphore, #tpu.memory_space<semaphore_mem>>) src(%dma_wait3A_674 : memref<7680x256xf32, #tpu.memory_space<hbm>>) dst(%dma_wait3A_669 : memref<64x256xf32, #tpu.memory_space<vmem>>)
    %add3A_675 = arith.constant 2040 : i32
    %add3A_676 = arith.addi %mul3A_2, %add3A_675 : i32
    %dma_start3A_677 = arith.constant 0 : i32
    %dma_start3A_678 = tpu.memref_slice %arg4[%add3A_676, %dma_start3A_677] : memref<100000x256xf32, #tpu.memory_space<hbm>> -> memref<136x256xf32, #tpu.memory_space<hbm>>
    %dma_start3A_679 = arith.constant 0 : i32
    %dma_start3A_680 = tpu.memref_slice %arg4[%add3A_676, %dma_start3A_679] : memref<100000x256xf32, #tpu.memory_space<hbm>> -> memref<136x256xf32, #tpu.memory_space<hbm>>
    tpu.enqueue_dma source(%arg6 : memref<136x256xf32, #tpu.memory_space<vmem>>) target(%dma_start3A_680 : memref<136x256xf32, #tpu.memory_space<hbm>>) target_semaphore(%arg10 : memref<!tpu.dma_semaphore, #tpu.memory_space<semaphore_mem>>)
    %dma_wait3A_681 = arith.constant 0 : i32
    %dma_wait3A_682 = tpu.memref_slice %arg4[%add3A_634, %dma_wait3A_681] : memref<100000x256xf32, #tpu.memory_space<hbm>> -> memref<136x256xf32, #tpu.memory_space<hbm>>
    %dma_wait3A_683 = arith.constant 0 : i32
    %dma_wait3A_684 = tpu.memref_slice %arg4[%add3A_634, %dma_wait3A_683] : memref<100000x256xf32, #tpu.memory_space<hbm>> -> memref<136x256xf32, #tpu.memory_space<hbm>>
    tpu.wait_dma2 semaphore(%arg10 : memref<!tpu.dma_semaphore, #tpu.memory_space<semaphore_mem>>) src(%arg8 : memref<136x256xf32, #tpu.memory_space<vmem>>) dst(%dma_wait3A_684 : memref<136x256xf32, #tpu.memory_space<hbm>>)
    %dma_start3A_685 = arith.constant 0 : i32
    %dma_start3A_686 = arith.constant 0 : i32
    %dma_start3A_687 = tpu.memref_slice %arg8[%dma_start3A_685, %dma_start3A_686] : memref<136x256xf32, #tpu.memory_space<vmem>> -> memref<72x256xf32, #tpu.memory_space<vmem>>
    %dma_start3A_688 = arith.constant 2312 : i32
    %dma_start3A_689 = tpu.memref_slice %arg5[%dma_start3A_688] : memref<3128xi32, #tpu.memory_space<vmem>> -> memref<72xi32, #tpu.memory_space<vmem>>
    %dma_start3A_690 = arith.constant 0 : i32
    %dma_start3A_691 = arith.constant 0 : i32
    %dma_start3A_692 = tpu.memref_slice %arg3[%dma_start3A_690, %dma_start3A_691] : memref<7680x256xf32, #tpu.memory_space<hbm>> -> memref<7680x256xf32, #tpu.memory_space<hbm>>
    tpu.enqueue_indirect_dma source(%dma_start3A_692 : memref<7680x256xf32, #tpu.memory_space<hbm>>) target(%dma_start3A_687 : memref<72x256xf32, #tpu.memory_space<vmem>>) offsets(%dma_start3A_689 : memref<72xi32, #tpu.memory_space<vmem>>) semaphore(%arg9 : memref<!tpu.dma_semaphore, #tpu.memory_space<semaphore_mem>>)
    %dma_start3A_693 = arith.constant 72 : i32
    %dma_start3A_694 = arith.constant 0 : i32
    %dma_start3A_695 = tpu.memref_slice %arg8[%dma_start3A_693, %dma_start3A_694] : memref<136x256xf32, #tpu.memory_space<vmem>> -> memref<64x256xf32, #tpu.memory_space<vmem>>
    %dma_start3A_696 = arith.constant 2384 : i32
    %dma_start3A_697 = tpu.memref_slice %arg5[%dma_start3A_696] : memref<3128xi32, #tpu.memory_space<vmem>> -> memref<64xi32, #tpu.memory_space<vmem>>
    %dma_start3A_698 = arith.constant 0 : i32
    %dma_start3A_699 = arith.constant 0 : i32
    %dma_start3A_700 = tpu.memref_slice %arg3[%dma_start3A_698, %dma_start3A_699] : memref<7680x256xf32, #tpu.memory_space<hbm>> -> memref<7680x256xf32, #tpu.memory_space<hbm>>
    tpu.enqueue_indirect_dma source(%dma_start3A_700 : memref<7680x256xf32, #tpu.memory_space<hbm>>) target(%dma_start3A_695 : memref<64x256xf32, #tpu.memory_space<vmem>>) offsets(%dma_start3A_697 : memref<64xi32, #tpu.memory_space<vmem>>) semaphore(%arg9 : memref<!tpu.dma_semaphore, #tpu.memory_space<semaphore_mem>>)
    %dma_wait3A_701 = arith.constant 0 : i32
    %dma_wait3A_702 = arith.constant 0 : i32
    %dma_wait3A_703 = tpu.memref_slice %arg7[%dma_wait3A_701, %dma_wait3A_702] : memref<136x256xf32, #tpu.memory_space<vmem>> -> memref<72x256xf32, #tpu.memory_space<vmem>>
    %dma_wait3A_704 = arith.constant 2176 : i32
    %dma_wait3A_705 = tpu.memref_slice %arg5[%dma_wait3A_704] : memref<3128xi32, #tpu.memory_space<vmem>> -> memref<72xi32, #tpu.memory_space<vmem>>
    %dma_wait3A_706 = arith.constant 0 : i32
    %dma_wait3A_707 = arith.constant 0 : i32
    %dma_wait3A_708 = tpu.memref_slice %arg3[%dma_wait3A_706, %dma_wait3A_707] : memref<7680x256xf32, #tpu.memory_space<hbm>> -> memref<7680x256xf32, #tpu.memory_space<hbm>>
    tpu.wait_indirect_dma semaphore(%arg9 : memref<!tpu.dma_semaphore, #tpu.memory_space<semaphore_mem>>) src(%dma_wait3A_708 : memref<7680x256xf32, #tpu.memory_space<hbm>>) dst(%dma_wait3A_703 : memref<72x256xf32, #tpu.memory_space<vmem>>)
    %dma_wait3A_709 = arith.constant 72 : i32
    %dma_wait3A_710 = arith.constant 0 : i32
    %dma_wait3A_711 = tpu.memref_slice %arg7[%dma_wait3A_709, %dma_wait3A_710] : memref<136x256xf32, #tpu.memory_space<vmem>> -> memref<64x256xf32, #tpu.memory_space<vmem>>
    %dma_wait3A_712 = arith.constant 2248 : i32
    %dma_wait3A_713 = tpu.memref_slice %arg5[%dma_wait3A_712] : memref<3128xi32, #tpu.memory_space<vmem>> -> memref<64xi32, #tpu.memory_space<vmem>>
    %dma_wait3A_714 = arith.constant 0 : i32
    %dma_wait3A_715 = arith.constant 0 : i32
    %dma_wait3A_716 = tpu.memref_slice %arg3[%dma_wait3A_714, %dma_wait3A_715] : memref<7680x256xf32, #tpu.memory_space<hbm>> -> memref<7680x256xf32, #tpu.memory_space<hbm>>
    tpu.wait_indirect_dma semaphore(%arg9 : memref<!tpu.dma_semaphore, #tpu.memory_space<semaphore_mem>>) src(%dma_wait3A_716 : memref<7680x256xf32, #tpu.memory_space<hbm>>) dst(%dma_wait3A_711 : memref<64x256xf32, #tpu.memory_space<vmem>>)
    %add3A_717 = arith.constant 2176 : i32
    %add3A_718 = arith.addi %mul3A_2, %add3A_717 : i32
    %dma_start3A_719 = arith.constant 0 : i32
    %dma_start3A_720 = tpu.memref_slice %arg4[%add3A_718, %dma_start3A_719] : memref<100000x256xf32, #tpu.memory_space<hbm>> -> memref<136x256xf32, #tpu.memory_space<hbm>>
    %dma_start3A_721 = arith.constant 0 : i32
    %dma_start3A_722 = tpu.memref_slice %arg4[%add3A_718, %dma_start3A_721] : memref<100000x256xf32, #tpu.memory_space<hbm>> -> memref<136x256xf32, #tpu.memory_space<hbm>>
    tpu.enqueue_dma source(%arg7 : memref<136x256xf32, #tpu.memory_space<vmem>>) target(%dma_start3A_722 : memref<136x256xf32, #tpu.memory_space<hbm>>) target_semaphore(%arg10 : memref<!tpu.dma_semaphore, #tpu.memory_space<semaphore_mem>>)
    %dma_wait3A_723 = arith.constant 0 : i32
    %dma_wait3A_724 = tpu.memref_slice %arg4[%add3A_676, %dma_wait3A_723] : memref<100000x256xf32, #tpu.memory_space<hbm>> -> memref<136x256xf32, #tpu.memory_space<hbm>>
    %dma_wait3A_725 = arith.constant 0 : i32
    %dma_wait3A_726 = tpu.memref_slice %arg4[%add3A_676, %dma_wait3A_725] : memref<100000x256xf32, #tpu.memory_space<hbm>> -> memref<136x256xf32, #tpu.memory_space<hbm>>
    tpu.wait_dma2 semaphore(%arg10 : memref<!tpu.dma_semaphore, #tpu.memory_space<semaphore_mem>>) src(%arg6 : memref<136x256xf32, #tpu.memory_space<vmem>>) dst(%dma_wait3A_726 : memref<136x256xf32, #tpu.memory_space<hbm>>)
    %dma_start3A_727 = arith.constant 0 : i32
    %dma_start3A_728 = arith.constant 0 : i32
    %dma_start3A_729 = tpu.memref_slice %arg6[%dma_start3A_727, %dma_start3A_728] : memref<136x256xf32, #tpu.memory_space<vmem>> -> memref<72x256xf32, #tpu.memory_space<vmem>>
    %dma_start3A_730 = arith.constant 2448 : i32
    %dma_start3A_731 = tpu.memref_slice %arg5[%dma_start3A_730] : memref<3128xi32, #tpu.memory_space<vmem>> -> memref<72xi32, #tpu.memory_space<vmem>>
    %dma_start3A_732 = arith.constant 0 : i32
    %dma_start3A_733 = arith.constant 0 : i32
    %dma_start3A_734 = tpu.memref_slice %arg3[%dma_start3A_732, %dma_start3A_733] : memref<7680x256xf32, #tpu.memory_space<hbm>> -> memref<7680x256xf32, #tpu.memory_space<hbm>>
    tpu.enqueue_indirect_dma source(%dma_start3A_734 : memref<7680x256xf32, #tpu.memory_space<hbm>>) target(%dma_start3A_729 : memref<72x256xf32, #tpu.memory_space<vmem>>) offsets(%dma_start3A_731 : memref<72xi32, #tpu.memory_space<vmem>>) semaphore(%arg9 : memref<!tpu.dma_semaphore, #tpu.memory_space<semaphore_mem>>)
    %dma_start3A_735 = arith.constant 72 : i32
    %dma_start3A_736 = arith.constant 0 : i32
    %dma_start3A_737 = tpu.memref_slice %arg6[%dma_start3A_735, %dma_start3A_736] : memref<136x256xf32, #tpu.memory_space<vmem>> -> memref<64x256xf32, #tpu.memory_space<vmem>>
    %dma_start3A_738 = arith.constant 2520 : i32
    %dma_start3A_739 = tpu.memref_slice %arg5[%dma_start3A_738] : memref<3128xi32, #tpu.memory_space<vmem>> -> memref<64xi32, #tpu.memory_space<vmem>>
    %dma_start3A_740 = arith.constant 0 : i32
    %dma_start3A_741 = arith.constant 0 : i32
    %dma_start3A_742 = tpu.memref_slice %arg3[%dma_start3A_740, %dma_start3A_741] : memref<7680x256xf32, #tpu.memory_space<hbm>> -> memref<7680x256xf32, #tpu.memory_space<hbm>>
    tpu.enqueue_indirect_dma source(%dma_start3A_742 : memref<7680x256xf32, #tpu.memory_space<hbm>>) target(%dma_start3A_737 : memref<64x256xf32, #tpu.memory_space<vmem>>) offsets(%dma_start3A_739 : memref<64xi32, #tpu.memory_space<vmem>>) semaphore(%arg9 : memref<!tpu.dma_semaphore, #tpu.memory_space<semaphore_mem>>)
    %dma_wait3A_743 = arith.constant 0 : i32
    %dma_wait3A_744 = arith.constant 0 : i32
    %dma_wait3A_745 = tpu.memref_slice %arg8[%dma_wait3A_743, %dma_wait3A_744] : memref<136x256xf32, #tpu.memory_space<vmem>> -> memref<72x256xf32, #tpu.memory_space<vmem>>
    %dma_wait3A_746 = arith.constant 2312 : i32
    %dma_wait3A_747 = tpu.memref_slice %arg5[%dma_wait3A_746] : memref<3128xi32, #tpu.memory_space<vmem>> -> memref<72xi32, #tpu.memory_space<vmem>>
    %dma_wait3A_748 = arith.constant 0 : i32
    %dma_wait3A_749 = arith.constant 0 : i32
    %dma_wait3A_750 = tpu.memref_slice %arg3[%dma_wait3A_748, %dma_wait3A_749] : memref<7680x256xf32, #tpu.memory_space<hbm>> -> memref<7680x256xf32, #tpu.memory_space<hbm>>
    tpu.wait_indirect_dma semaphore(%arg9 : memref<!tpu.dma_semaphore, #tpu.memory_space<semaphore_mem>>) src(%dma_wait3A_750 : memref<7680x256xf32, #tpu.memory_space<hbm>>) dst(%dma_wait3A_745 : memref<72x256xf32, #tpu.memory_space<vmem>>)
    %dma_wait3A_751 = arith.constant 72 : i32
    %dma_wait3A_752 = arith.constant 0 : i32
    %dma_wait3A_753 = tpu.memref_slice %arg8[%dma_wait3A_751, %dma_wait3A_752] : memref<136x256xf32, #tpu.memory_space<vmem>> -> memref<64x256xf32, #tpu.memory_space<vmem>>
    %dma_wait3A_754 = arith.constant 2384 : i32
    %dma_wait3A_755 = tpu.memref_slice %arg5[%dma_wait3A_754] : memref<3128xi32, #tpu.memory_space<vmem>> -> memref<64xi32, #tpu.memory_space<vmem>>
    %dma_wait3A_756 = arith.constant 0 : i32
    %dma_wait3A_757 = arith.constant 0 : i32
    %dma_wait3A_758 = tpu.memref_slice %arg3[%dma_wait3A_756, %dma_wait3A_757] : memref<7680x256xf32, #tpu.memory_space<hbm>> -> memref<7680x256xf32, #tpu.memory_space<hbm>>
    tpu.wait_indirect_dma semaphore(%arg9 : memref<!tpu.dma_semaphore, #tpu.memory_space<semaphore_mem>>) src(%dma_wait3A_758 : memref<7680x256xf32, #tpu.memory_space<hbm>>) dst(%dma_wait3A_753 : memref<64x256xf32, #tpu.memory_space<vmem>>)
    %add3A_759 = arith.constant 2312 : i32
    %add3A_760 = arith.addi %mul3A_2, %add3A_759 : i32
    %dma_start3A_761 = arith.constant 0 : i32
    %dma_start3A_762 = tpu.memref_slice %arg4[%add3A_760, %dma_start3A_761] : memref<100000x256xf32, #tpu.memory_space<hbm>> -> memref<136x256xf32, #tpu.memory_space<hbm>>
    %dma_start3A_763 = arith.constant 0 : i32
    %dma_start3A_764 = tpu.memref_slice %arg4[%add3A_760, %dma_start3A_763] : memref<100000x256xf32, #tpu.memory_space<hbm>> -> memref<136x256xf32, #tpu.memory_space<hbm>>
    tpu.enqueue_dma source(%arg8 : memref<136x256xf32, #tpu.memory_space<vmem>>) target(%dma_start3A_764 : memref<136x256xf32, #tpu.memory_space<hbm>>) target_semaphore(%arg10 : memref<!tpu.dma_semaphore, #tpu.memory_space<semaphore_mem>>)
    %dma_wait3A_765 = arith.constant 0 : i32
    %dma_wait3A_766 = tpu.memref_slice %arg4[%add3A_718, %dma_wait3A_765] : memref<100000x256xf32, #tpu.memory_space<hbm>> -> memref<136x256xf32, #tpu.memory_space<hbm>>
    %dma_wait3A_767 = arith.constant 0 : i32
    %dma_wait3A_768 = tpu.memref_slice %arg4[%add3A_718, %dma_wait3A_767] : memref<100000x256xf32, #tpu.memory_space<hbm>> -> memref<136x256xf32, #tpu.memory_space<hbm>>
    tpu.wait_dma2 semaphore(%arg10 : memref<!tpu.dma_semaphore, #tpu.memory_space<semaphore_mem>>) src(%arg7 : memref<136x256xf32, #tpu.memory_space<vmem>>) dst(%dma_wait3A_768 : memref<136x256xf32, #tpu.memory_space<hbm>>)
    %dma_start3A_769 = arith.constant 0 : i32
    %dma_start3A_770 = arith.constant 0 : i32
    %dma_start3A_771 = tpu.memref_slice %arg7[%dma_start3A_769, %dma_start3A_770] : memref<136x256xf32, #tpu.memory_space<vmem>> -> memref<72x256xf32, #tpu.memory_space<vmem>>
    %dma_start3A_772 = arith.constant 2584 : i32
    %dma_start3A_773 = tpu.memref_slice %arg5[%dma_start3A_772] : memref<3128xi32, #tpu.memory_space<vmem>> -> memref<72xi32, #tpu.memory_space<vmem>>
    %dma_start3A_774 = arith.constant 0 : i32
    %dma_start3A_775 = arith.constant 0 : i32
    %dma_start3A_776 = tpu.memref_slice %arg3[%dma_start3A_774, %dma_start3A_775] : memref<7680x256xf32, #tpu.memory_space<hbm>> -> memref<7680x256xf32, #tpu.memory_space<hbm>>
    tpu.enqueue_indirect_dma source(%dma_start3A_776 : memref<7680x256xf32, #tpu.memory_space<hbm>>) target(%dma_start3A_771 : memref<72x256xf32, #tpu.memory_space<vmem>>) offsets(%dma_start3A_773 : memref<72xi32, #tpu.memory_space<vmem>>) semaphore(%arg9 : memref<!tpu.dma_semaphore, #tpu.memory_space<semaphore_mem>>)
    %dma_start3A_777 = arith.constant 72 : i32
    %dma_start3A_778 = arith.constant 0 : i32
    %dma_start3A_779 = tpu.memref_slice %arg7[%dma_start3A_777, %dma_start3A_778] : memref<136x256xf32, #tpu.memory_space<vmem>> -> memref<64x256xf32, #tpu.memory_space<vmem>>
    %dma_start3A_780 = arith.constant 2656 : i32
    %dma_start3A_781 = tpu.memref_slice %arg5[%dma_start3A_780] : memref<3128xi32, #tpu.memory_space<vmem>> -> memref<64xi32, #tpu.memory_space<vmem>>
    %dma_start3A_782 = arith.constant 0 : i32
    %dma_start3A_783 = arith.constant 0 : i32
    %dma_start3A_784 = tpu.memref_slice %arg3[%dma_start3A_782, %dma_start3A_783] : memref<7680x256xf32, #tpu.memory_space<hbm>> -> memref<7680x256xf32, #tpu.memory_space<hbm>>
    tpu.enqueue_indirect_dma source(%dma_start3A_784 : memref<7680x256xf32, #tpu.memory_space<hbm>>) target(%dma_start3A_779 : memref<64x256xf32, #tpu.memory_space<vmem>>) offsets(%dma_start3A_781 : memref<64xi32, #tpu.memory_space<vmem>>) semaphore(%arg9 : memref<!tpu.dma_semaphore, #tpu.memory_space<semaphore_mem>>)
    %dma_wait3A_785 = arith.constant 0 : i32
    %dma_wait3A_786 = arith.constant 0 : i32
    %dma_wait3A_787 = tpu.memref_slice %arg6[%dma_wait3A_785, %dma_wait3A_786] : memref<136x256xf32, #tpu.memory_space<vmem>> -> memref<72x256xf32, #tpu.memory_space<vmem>>
    %dma_wait3A_788 = arith.constant 2448 : i32
    %dma_wait3A_789 = tpu.memref_slice %arg5[%dma_wait3A_788] : memref<3128xi32, #tpu.memory_space<vmem>> -> memref<72xi32, #tpu.memory_space<vmem>>
    %dma_wait3A_790 = arith.constant 0 : i32
    %dma_wait3A_791 = arith.constant 0 : i32
    %dma_wait3A_792 = tpu.memref_slice %arg3[%dma_wait3A_790, %dma_wait3A_791] : memref<7680x256xf32, #tpu.memory_space<hbm>> -> memref<7680x256xf32, #tpu.memory_space<hbm>>
    tpu.wait_indirect_dma semaphore(%arg9 : memref<!tpu.dma_semaphore, #tpu.memory_space<semaphore_mem>>) src(%dma_wait3A_792 : memref<7680x256xf32, #tpu.memory_space<hbm>>) dst(%dma_wait3A_787 : memref<72x256xf32, #tpu.memory_space<vmem>>)
    %dma_wait3A_793 = arith.constant 72 : i32
    %dma_wait3A_794 = arith.constant 0 : i32
    %dma_wait3A_795 = tpu.memref_slice %arg6[%dma_wait3A_793, %dma_wait3A_794] : memref<136x256xf32, #tpu.memory_space<vmem>> -> memref<64x256xf32, #tpu.memory_space<vmem>>
    %dma_wait3A_796 = arith.constant 2520 : i32
    %dma_wait3A_797 = tpu.memref_slice %arg5[%dma_wait3A_796] : memref<3128xi32, #tpu.memory_space<vmem>> -> memref<64xi32, #tpu.memory_space<vmem>>
    %dma_wait3A_798 = arith.constant 0 : i32
    %dma_wait3A_799 = arith.constant 0 : i32
    %dma_wait3A_800 = tpu.memref_slice %arg3[%dma_wait3A_798, %dma_wait3A_799] : memref<7680x256xf32, #tpu.memory_space<hbm>> -> memref<7680x256xf32, #tpu.memory_space<hbm>>
    tpu.wait_indirect_dma semaphore(%arg9 : memref<!tpu.dma_semaphore, #tpu.memory_space<semaphore_mem>>) src(%dma_wait3A_800 : memref<7680x256xf32, #tpu.memory_space<hbm>>) dst(%dma_wait3A_795 : memref<64x256xf32, #tpu.memory_space<vmem>>)
    %add3A_801 = arith.constant 2448 : i32
    %add3A_802 = arith.addi %mul3A_2, %add3A_801 : i32
    %dma_start3A_803 = arith.constant 0 : i32
    %dma_start3A_804 = tpu.memref_slice %arg4[%add3A_802, %dma_start3A_803] : memref<100000x256xf32, #tpu.memory_space<hbm>> -> memref<136x256xf32, #tpu.memory_space<hbm>>
    %dma_start3A_805 = arith.constant 0 : i32
    %dma_start3A_806 = tpu.memref_slice %arg4[%add3A_802, %dma_start3A_805] : memref<100000x256xf32, #tpu.memory_space<hbm>> -> memref<136x256xf32, #tpu.memory_space<hbm>>
    tpu.enqueue_dma source(%arg6 : memref<136x256xf32, #tpu.memory_space<vmem>>) target(%dma_start3A_806 : memref<136x256xf32, #tpu.memory_space<hbm>>) target_semaphore(%arg10 : memref<!tpu.dma_semaphore, #tpu.memory_space<semaphore_mem>>)
    %dma_wait3A_807 = arith.constant 0 : i32
    %dma_wait3A_808 = tpu.memref_slice %arg4[%add3A_760, %dma_wait3A_807] : memref<100000x256xf32, #tpu.memory_space<hbm>> -> memref<136x256xf32, #tpu.memory_space<hbm>>
    %dma_wait3A_809 = arith.constant 0 : i32
    %dma_wait3A_810 = tpu.memref_slice %arg4[%add3A_760, %dma_wait3A_809] : memref<100000x256xf32, #tpu.memory_space<hbm>> -> memref<136x256xf32, #tpu.memory_space<hbm>>
    tpu.wait_dma2 semaphore(%arg10 : memref<!tpu.dma_semaphore, #tpu.memory_space<semaphore_mem>>) src(%arg8 : memref<136x256xf32, #tpu.memory_space<vmem>>) dst(%dma_wait3A_810 : memref<136x256xf32, #tpu.memory_space<hbm>>)
    %dma_start3A_811 = arith.constant 0 : i32
    %dma_start3A_812 = arith.constant 0 : i32
    %dma_start3A_813 = tpu.memref_slice %arg8[%dma_start3A_811, %dma_start3A_812] : memref<136x256xf32, #tpu.memory_space<vmem>> -> memref<72x256xf32, #tpu.memory_space<vmem>>
    %dma_start3A_814 = arith.constant 2720 : i32
    %dma_start3A_815 = tpu.memref_slice %arg5[%dma_start3A_814] : memref<3128xi32, #tpu.memory_space<vmem>> -> memref<72xi32, #tpu.memory_space<vmem>>
    %dma_start3A_816 = arith.constant 0 : i32
    %dma_start3A_817 = arith.constant 0 : i32
    %dma_start3A_818 = tpu.memref_slice %arg3[%dma_start3A_816, %dma_start3A_817] : memref<7680x256xf32, #tpu.memory_space<hbm>> -> memref<7680x256xf32, #tpu.memory_space<hbm>>
    tpu.enqueue_indirect_dma source(%dma_start3A_818 : memref<7680x256xf32, #tpu.memory_space<hbm>>) target(%dma_start3A_813 : memref<72x256xf32, #tpu.memory_space<vmem>>) offsets(%dma_start3A_815 : memref<72xi32, #tpu.memory_space<vmem>>) semaphore(%arg9 : memref<!tpu.dma_semaphore, #tpu.memory_space<semaphore_mem>>)
    %dma_start3A_819 = arith.constant 72 : i32
    %dma_start3A_820 = arith.constant 0 : i32
    %dma_start3A_821 = tpu.memref_slice %arg8[%dma_start3A_819, %dma_start3A_820] : memref<136x256xf32, #tpu.memory_space<vmem>> -> memref<64x256xf32, #tpu.memory_space<vmem>>
    %dma_start3A_822 = arith.constant 2792 : i32
    %dma_start3A_823 = tpu.memref_slice %arg5[%dma_start3A_822] : memref<3128xi32, #tpu.memory_space<vmem>> -> memref<64xi32, #tpu.memory_space<vmem>>
    %dma_start3A_824 = arith.constant 0 : i32
    %dma_start3A_825 = arith.constant 0 : i32
    %dma_start3A_826 = tpu.memref_slice %arg3[%dma_start3A_824, %dma_start3A_825] : memref<7680x256xf32, #tpu.memory_space<hbm>> -> memref<7680x256xf32, #tpu.memory_space<hbm>>
    tpu.enqueue_indirect_dma source(%dma_start3A_826 : memref<7680x256xf32, #tpu.memory_space<hbm>>) target(%dma_start3A_821 : memref<64x256xf32, #tpu.memory_space<vmem>>) offsets(%dma_start3A_823 : memref<64xi32, #tpu.memory_space<vmem>>) semaphore(%arg9 : memref<!tpu.dma_semaphore, #tpu.memory_space<semaphore_mem>>)
    %dma_wait3A_827 = arith.constant 0 : i32
    %dma_wait3A_828 = arith.constant 0 : i32
    %dma_wait3A_829 = tpu.memref_slice %arg7[%dma_wait3A_827, %dma_wait3A_828] : memref<136x256xf32, #tpu.memory_space<vmem>> -> memref<72x256xf32, #tpu.memory_space<vmem>>
    %dma_wait3A_830 = arith.constant 2584 : i32
    %dma_wait3A_831 = tpu.memref_slice %arg5[%dma_wait3A_830] : memref<3128xi32, #tpu.memory_space<vmem>> -> memref<72xi32, #tpu.memory_space<vmem>>
    %dma_wait3A_832 = arith.constant 0 : i32
    %dma_wait3A_833 = arith.constant 0 : i32
    %dma_wait3A_834 = tpu.memref_slice %arg3[%dma_wait3A_832, %dma_wait3A_833] : memref<7680x256xf32, #tpu.memory_space<hbm>> -> memref<7680x256xf32, #tpu.memory_space<hbm>>
    tpu.wait_indirect_dma semaphore(%arg9 : memref<!tpu.dma_semaphore, #tpu.memory_space<semaphore_mem>>) src(%dma_wait3A_834 : memref<7680x256xf32, #tpu.memory_space<hbm>>) dst(%dma_wait3A_829 : memref<72x256xf32, #tpu.memory_space<vmem>>)
    %dma_wait3A_835 = arith.constant 72 : i32
    %dma_wait3A_836 = arith.constant 0 : i32
    %dma_wait3A_837 = tpu.memref_slice %arg7[%dma_wait3A_835, %dma_wait3A_836] : memref<136x256xf32, #tpu.memory_space<vmem>> -> memref<64x256xf32, #tpu.memory_space<vmem>>
    %dma_wait3A_838 = arith.constant 2656 : i32
    %dma_wait3A_839 = tpu.memref_slice %arg5[%dma_wait3A_838] : memref<3128xi32, #tpu.memory_space<vmem>> -> memref<64xi32, #tpu.memory_space<vmem>>
    %dma_wait3A_840 = arith.constant 0 : i32
    %dma_wait3A_841 = arith.constant 0 : i32
    %dma_wait3A_842 = tpu.memref_slice %arg3[%dma_wait3A_840, %dma_wait3A_841] : memref<7680x256xf32, #tpu.memory_space<hbm>> -> memref<7680x256xf32, #tpu.memory_space<hbm>>
    tpu.wait_indirect_dma semaphore(%arg9 : memref<!tpu.dma_semaphore, #tpu.memory_space<semaphore_mem>>) src(%dma_wait3A_842 : memref<7680x256xf32, #tpu.memory_space<hbm>>) dst(%dma_wait3A_837 : memref<64x256xf32, #tpu.memory_space<vmem>>)
    %add3A_843 = arith.constant 2584 : i32
    %add3A_844 = arith.addi %mul3A_2, %add3A_843 : i32
    %dma_start3A_845 = arith.constant 0 : i32
    %dma_start3A_846 = tpu.memref_slice %arg4[%add3A_844, %dma_start3A_845] : memref<100000x256xf32, #tpu.memory_space<hbm>> -> memref<136x256xf32, #tpu.memory_space<hbm>>
    %dma_start3A_847 = arith.constant 0 : i32
    %dma_start3A_848 = tpu.memref_slice %arg4[%add3A_844, %dma_start3A_847] : memref<100000x256xf32, #tpu.memory_space<hbm>> -> memref<136x256xf32, #tpu.memory_space<hbm>>
    tpu.enqueue_dma source(%arg7 : memref<136x256xf32, #tpu.memory_space<vmem>>) target(%dma_start3A_848 : memref<136x256xf32, #tpu.memory_space<hbm>>) target_semaphore(%arg10 : memref<!tpu.dma_semaphore, #tpu.memory_space<semaphore_mem>>)
    %dma_wait3A_849 = arith.constant 0 : i32
    %dma_wait3A_850 = tpu.memref_slice %arg4[%add3A_802, %dma_wait3A_849] : memref<100000x256xf32, #tpu.memory_space<hbm>> -> memref<136x256xf32, #tpu.memory_space<hbm>>
    %dma_wait3A_851 = arith.constant 0 : i32
    %dma_wait3A_852 = tpu.memref_slice %arg4[%add3A_802, %dma_wait3A_851] : memref<100000x256xf32, #tpu.memory_space<hbm>> -> memref<136x256xf32, #tpu.memory_space<hbm>>
    tpu.wait_dma2 semaphore(%arg10 : memref<!tpu.dma_semaphore, #tpu.memory_space<semaphore_mem>>) src(%arg6 : memref<136x256xf32, #tpu.memory_space<vmem>>) dst(%dma_wait3A_852 : memref<136x256xf32, #tpu.memory_space<hbm>>)
    %dma_start3A_853 = arith.constant 0 : i32
    %dma_start3A_854 = arith.constant 0 : i32
    %dma_start3A_855 = tpu.memref_slice %arg6[%dma_start3A_853, %dma_start3A_854] : memref<136x256xf32, #tpu.memory_space<vmem>> -> memref<72x256xf32, #tpu.memory_space<vmem>>
    %dma_start3A_856 = arith.constant 2856 : i32
    %dma_start3A_857 = tpu.memref_slice %arg5[%dma_start3A_856] : memref<3128xi32, #tpu.memory_space<vmem>> -> memref<72xi32, #tpu.memory_space<vmem>>
    %dma_start3A_858 = arith.constant 0 : i32
    %dma_start3A_859 = arith.constant 0 : i32
    %dma_start3A_860 = tpu.memref_slice %arg3[%dma_start3A_858, %dma_start3A_859] : memref<7680x256xf32, #tpu.memory_space<hbm>> -> memref<7680x256xf32, #tpu.memory_space<hbm>>
    tpu.enqueue_indirect_dma source(%dma_start3A_860 : memref<7680x256xf32, #tpu.memory_space<hbm>>) target(%dma_start3A_855 : memref<72x256xf32, #tpu.memory_space<vmem>>) offsets(%dma_start3A_857 : memref<72xi32, #tpu.memory_space<vmem>>) semaphore(%arg9 : memref<!tpu.dma_semaphore, #tpu.memory_space<semaphore_mem>>)
    %dma_start3A_861 = arith.constant 72 : i32
    %dma_start3A_862 = arith.constant 0 : i32
    %dma_start3A_863 = tpu.memref_slice %arg6[%dma_start3A_861, %dma_start3A_862] : memref<136x256xf32, #tpu.memory_space<vmem>> -> memref<64x256xf32, #tpu.memory_space<vmem>>
    %dma_start3A_864 = arith.constant 2928 : i32
    %dma_start3A_865 = tpu.memref_slice %arg5[%dma_start3A_864] : memref<3128xi32, #tpu.memory_space<vmem>> -> memref<64xi32, #tpu.memory_space<vmem>>
    %dma_start3A_866 = arith.constant 0 : i32
    %dma_start3A_867 = arith.constant 0 : i32
    %dma_start3A_868 = tpu.memref_slice %arg3[%dma_start3A_866, %dma_start3A_867] : memref<7680x256xf32, #tpu.memory_space<hbm>> -> memref<7680x256xf32, #tpu.memory_space<hbm>>
    tpu.enqueue_indirect_dma source(%dma_start3A_868 : memref<7680x256xf32, #tpu.memory_space<hbm>>) target(%dma_start3A_863 : memref<64x256xf32, #tpu.memory_space<vmem>>) offsets(%dma_start3A_865 : memref<64xi32, #tpu.memory_space<vmem>>) semaphore(%arg9 : memref<!tpu.dma_semaphore, #tpu.memory_space<semaphore_mem>>)
    %dma_wait3A_869 = arith.constant 0 : i32
    %dma_wait3A_870 = arith.constant 0 : i32
    %dma_wait3A_871 = tpu.memref_slice %arg8[%dma_wait3A_869, %dma_wait3A_870] : memref<136x256xf32, #tpu.memory_space<vmem>> -> memref<72x256xf32, #tpu.memory_space<vmem>>
    %dma_wait3A_872 = arith.constant 2720 : i32
    %dma_wait3A_873 = tpu.memref_slice %arg5[%dma_wait3A_872] : memref<3128xi32, #tpu.memory_space<vmem>> -> memref<72xi32, #tpu.memory_space<vmem>>
    %dma_wait3A_874 = arith.constant 0 : i32
    %dma_wait3A_875 = arith.constant 0 : i32
    %dma_wait3A_876 = tpu.memref_slice %arg3[%dma_wait3A_874, %dma_wait3A_875] : memref<7680x256xf32, #tpu.memory_space<hbm>> -> memref<7680x256xf32, #tpu.memory_space<hbm>>
    tpu.wait_indirect_dma semaphore(%arg9 : memref<!tpu.dma_semaphore, #tpu.memory_space<semaphore_mem>>) src(%dma_wait3A_876 : memref<7680x256xf32, #tpu.memory_space<hbm>>) dst(%dma_wait3A_871 : memref<72x256xf32, #tpu.memory_space<vmem>>)
    %dma_wait3A_877 = arith.constant 72 : i32
    %dma_wait3A_878 = arith.constant 0 : i32
    %dma_wait3A_879 = tpu.memref_slice %arg8[%dma_wait3A_877, %dma_wait3A_878] : memref<136x256xf32, #tpu.memory_space<vmem>> -> memref<64x256xf32, #tpu.memory_space<vmem>>
    %dma_wait3A_880 = arith.constant 2792 : i32
    %dma_wait3A_881 = tpu.memref_slice %arg5[%dma_wait3A_880] : memref<3128xi32, #tpu.memory_space<vmem>> -> memref<64xi32, #tpu.memory_space<vmem>>
    %dma_wait3A_882 = arith.constant 0 : i32
    %dma_wait3A_883 = arith.constant 0 : i32
    %dma_wait3A_884 = tpu.memref_slice %arg3[%dma_wait3A_882, %dma_wait3A_883] : memref<7680x256xf32, #tpu.memory_space<hbm>> -> memref<7680x256xf32, #tpu.memory_space<hbm>>
    tpu.wait_indirect_dma semaphore(%arg9 : memref<!tpu.dma_semaphore, #tpu.memory_space<semaphore_mem>>) src(%dma_wait3A_884 : memref<7680x256xf32, #tpu.memory_space<hbm>>) dst(%dma_wait3A_879 : memref<64x256xf32, #tpu.memory_space<vmem>>)
    %add3A_885 = arith.constant 2720 : i32
    %add3A_886 = arith.addi %mul3A_2, %add3A_885 : i32
    %dma_start3A_887 = arith.constant 0 : i32
    %dma_start3A_888 = tpu.memref_slice %arg4[%add3A_886, %dma_start3A_887] : memref<100000x256xf32, #tpu.memory_space<hbm>> -> memref<136x256xf32, #tpu.memory_space<hbm>>
    %dma_start3A_889 = arith.constant 0 : i32
    %dma_start3A_890 = tpu.memref_slice %arg4[%add3A_886, %dma_start3A_889] : memref<100000x256xf32, #tpu.memory_space<hbm>> -> memref<136x256xf32, #tpu.memory_space<hbm>>
    tpu.enqueue_dma source(%arg8 : memref<136x256xf32, #tpu.memory_space<vmem>>) target(%dma_start3A_890 : memref<136x256xf32, #tpu.memory_space<hbm>>) target_semaphore(%arg10 : memref<!tpu.dma_semaphore, #tpu.memory_space<semaphore_mem>>)
    %dma_wait3A_891 = arith.constant 0 : i32
    %dma_wait3A_892 = tpu.memref_slice %arg4[%add3A_844, %dma_wait3A_891] : memref<100000x256xf32, #tpu.memory_space<hbm>> -> memref<136x256xf32, #tpu.memory_space<hbm>>
    %dma_wait3A_893 = arith.constant 0 : i32
    %dma_wait3A_894 = tpu.memref_slice %arg4[%add3A_844, %dma_wait3A_893] : memref<100000x256xf32, #tpu.memory_space<hbm>> -> memref<136x256xf32, #tpu.memory_space<hbm>>
    tpu.wait_dma2 semaphore(%arg10 : memref<!tpu.dma_semaphore, #tpu.memory_space<semaphore_mem>>) src(%arg7 : memref<136x256xf32, #tpu.memory_space<vmem>>) dst(%dma_wait3A_894 : memref<136x256xf32, #tpu.memory_space<hbm>>)
    %dma_start3A_895 = arith.constant 0 : i32
    %dma_start3A_896 = arith.constant 0 : i32
    %dma_start3A_897 = tpu.memref_slice %arg7[%dma_start3A_895, %dma_start3A_896] : memref<136x256xf32, #tpu.memory_space<vmem>> -> memref<72x256xf32, #tpu.memory_space<vmem>>
    %dma_start3A_898 = arith.constant 2992 : i32
    %dma_start3A_899 = tpu.memref_slice %arg5[%dma_start3A_898] : memref<3128xi32, #tpu.memory_space<vmem>> -> memref<72xi32, #tpu.memory_space<vmem>>
    %dma_start3A_900 = arith.constant 0 : i32
    %dma_start3A_901 = arith.constant 0 : i32
    %dma_start3A_902 = tpu.memref_slice %arg3[%dma_start3A_900, %dma_start3A_901] : memref<7680x256xf32, #tpu.memory_space<hbm>> -> memref<7680x256xf32, #tpu.memory_space<hbm>>
    tpu.enqueue_indirect_dma source(%dma_start3A_902 : memref<7680x256xf32, #tpu.memory_space<hbm>>) target(%dma_start3A_897 : memref<72x256xf32, #tpu.memory_space<vmem>>) offsets(%dma_start3A_899 : memref<72xi32, #tpu.memory_space<vmem>>) semaphore(%arg9 : memref<!tpu.dma_semaphore, #tpu.memory_space<semaphore_mem>>)
    %dma_start3A_903 = arith.constant 72 : i32
    %dma_start3A_904 = arith.constant 0 : i32
    %dma_start3A_905 = tpu.memref_slice %arg7[%dma_start3A_903, %dma_start3A_904] : memref<136x256xf32, #tpu.memory_space<vmem>> -> memref<64x256xf32, #tpu.memory_space<vmem>>
    %dma_start3A_906 = arith.constant 3064 : i32
    %dma_start3A_907 = tpu.memref_slice %arg5[%dma_start3A_906] : memref<3128xi32, #tpu.memory_space<vmem>> -> memref<64xi32, #tpu.memory_space<vmem>>
    %dma_start3A_908 = arith.constant 0 : i32
    %dma_start3A_909 = arith.constant 0 : i32
    %dma_start3A_910 = tpu.memref_slice %arg3[%dma_start3A_908, %dma_start3A_909] : memref<7680x256xf32, #tpu.memory_space<hbm>> -> memref<7680x256xf32, #tpu.memory_space<hbm>>
    tpu.enqueue_indirect_dma source(%dma_start3A_910 : memref<7680x256xf32, #tpu.memory_space<hbm>>) target(%dma_start3A_905 : memref<64x256xf32, #tpu.memory_space<vmem>>) offsets(%dma_start3A_907 : memref<64xi32, #tpu.memory_space<vmem>>) semaphore(%arg9 : memref<!tpu.dma_semaphore, #tpu.memory_space<semaphore_mem>>)
    %dma_wait3A_911 = arith.constant 0 : i32
    %dma_wait3A_912 = arith.constant 0 : i32
    %dma_wait3A_913 = tpu.memref_slice %arg6[%dma_wait3A_911, %dma_wait3A_912] : memref<136x256xf32, #tpu.memory_space<vmem>> -> memref<72x256xf32, #tpu.memory_space<vmem>>
    %dma_wait3A_914 = arith.constant 2856 : i32
    %dma_wait3A_915 = tpu.memref_slice %arg5[%dma_wait3A_914] : memref<3128xi32, #tpu.memory_space<vmem>> -> memref<72xi32, #tpu.memory_space<vmem>>
    %dma_wait3A_916 = arith.constant 0 : i32
    %dma_wait3A_917 = arith.constant 0 : i32
    %dma_wait3A_918 = tpu.memref_slice %arg3[%dma_wait3A_916, %dma_wait3A_917] : memref<7680x256xf32, #tpu.memory_space<hbm>> -> memref<7680x256xf32, #tpu.memory_space<hbm>>
    tpu.wait_indirect_dma semaphore(%arg9 : memref<!tpu.dma_semaphore, #tpu.memory_space<semaphore_mem>>) src(%dma_wait3A_918 : memref<7680x256xf32, #tpu.memory_space<hbm>>) dst(%dma_wait3A_913 : memref<72x256xf32, #tpu.memory_space<vmem>>)
    %dma_wait3A_919 = arith.constant 72 : i32
    %dma_wait3A_920 = arith.constant 0 : i32
    %dma_wait3A_921 = tpu.memref_slice %arg6[%dma_wait3A_919, %dma_wait3A_920] : memref<136x256xf32, #tpu.memory_space<vmem>> -> memref<64x256xf32, #tpu.memory_space<vmem>>
    %dma_wait3A_922 = arith.constant 2928 : i32
    %dma_wait3A_923 = tpu.memref_slice %arg5[%dma_wait3A_922] : memref<3128xi32, #tpu.memory_space<vmem>> -> memref<64xi32, #tpu.memory_space<vmem>>
    %dma_wait3A_924 = arith.constant 0 : i32
    %dma_wait3A_925 = arith.constant 0 : i32
    %dma_wait3A_926 = tpu.memref_slice %arg3[%dma_wait3A_924, %dma_wait3A_925] : memref<7680x256xf32, #tpu.memory_space<hbm>> -> memref<7680x256xf32, #tpu.memory_space<hbm>>
    tpu.wait_indirect_dma semaphore(%arg9 : memref<!tpu.dma_semaphore, #tpu.memory_space<semaphore_mem>>) src(%dma_wait3A_926 : memref<7680x256xf32, #tpu.memory_space<hbm>>) dst(%dma_wait3A_921 : memref<64x256xf32, #tpu.memory_space<vmem>>)
    %add3A_927 = arith.constant 2856 : i32
    %add3A_928 = arith.addi %mul3A_2, %add3A_927 : i32
    %dma_start3A_929 = arith.constant 0 : i32
    %dma_start3A_930 = tpu.memref_slice %arg4[%add3A_928, %dma_start3A_929] : memref<100000x256xf32, #tpu.memory_space<hbm>> -> memref<136x256xf32, #tpu.memory_space<hbm>>
    %dma_start3A_931 = arith.constant 0 : i32
    %dma_start3A_932 = tpu.memref_slice %arg4[%add3A_928, %dma_start3A_931] : memref<100000x256xf32, #tpu.memory_space<hbm>> -> memref<136x256xf32, #tpu.memory_space<hbm>>
    tpu.enqueue_dma source(%arg6 : memref<136x256xf32, #tpu.memory_space<vmem>>) target(%dma_start3A_932 : memref<136x256xf32, #tpu.memory_space<hbm>>) target_semaphore(%arg10 : memref<!tpu.dma_semaphore, #tpu.memory_space<semaphore_mem>>)
    %dma_wait3A_933 = arith.constant 0 : i32
    %dma_wait3A_934 = tpu.memref_slice %arg4[%add3A_886, %dma_wait3A_933] : memref<100000x256xf32, #tpu.memory_space<hbm>> -> memref<136x256xf32, #tpu.memory_space<hbm>>
    %dma_wait3A_935 = arith.constant 0 : i32
    %dma_wait3A_936 = tpu.memref_slice %arg4[%add3A_886, %dma_wait3A_935] : memref<100000x256xf32, #tpu.memory_space<hbm>> -> memref<136x256xf32, #tpu.memory_space<hbm>>
    tpu.wait_dma2 semaphore(%arg10 : memref<!tpu.dma_semaphore, #tpu.memory_space<semaphore_mem>>) src(%arg8 : memref<136x256xf32, #tpu.memory_space<vmem>>) dst(%dma_wait3A_936 : memref<136x256xf32, #tpu.memory_space<hbm>>)
    %dma_wait3A_937 = arith.constant 0 : i32
    %dma_wait3A_938 = tpu.memref_slice %arg4[%add3A_928, %dma_wait3A_937] : memref<100000x256xf32, #tpu.memory_space<hbm>> -> memref<136x256xf32, #tpu.memory_space<hbm>>
    %dma_wait3A_939 = arith.constant 0 : i32
    %dma_wait3A_940 = tpu.memref_slice %arg4[%add3A_928, %dma_wait3A_939] : memref<100000x256xf32, #tpu.memory_space<hbm>> -> memref<136x256xf32, #tpu.memory_space<hbm>>
    tpu.wait_dma2 semaphore(%arg10 : memref<!tpu.dma_semaphore, #tpu.memory_space<semaphore_mem>>) src(%arg6 : memref<136x256xf32, #tpu.memory_space<vmem>>) dst(%dma_wait3A_940 : memref<136x256xf32, #tpu.memory_space<hbm>>)
    %dma_wait3A_941 = arith.constant 0 : i32
    %dma_wait3A_942 = arith.constant 0 : i32
    %dma_wait3A_943 = tpu.memref_slice %arg7[%dma_wait3A_941, %dma_wait3A_942] : memref<136x256xf32, #tpu.memory_space<vmem>> -> memref<72x256xf32, #tpu.memory_space<vmem>>
    %dma_wait3A_944 = arith.constant 2992 : i32
    %dma_wait3A_945 = tpu.memref_slice %arg5[%dma_wait3A_944] : memref<3128xi32, #tpu.memory_space<vmem>> -> memref<72xi32, #tpu.memory_space<vmem>>
    %dma_wait3A_946 = arith.constant 0 : i32
    %dma_wait3A_947 = arith.constant 0 : i32
    %dma_wait3A_948 = tpu.memref_slice %arg3[%dma_wait3A_946, %dma_wait3A_947] : memref<7680x256xf32, #tpu.memory_space<hbm>> -> memref<7680x256xf32, #tpu.memory_space<hbm>>
    tpu.wait_indirect_dma semaphore(%arg9 : memref<!tpu.dma_semaphore, #tpu.memory_space<semaphore_mem>>) src(%dma_wait3A_948 : memref<7680x256xf32, #tpu.memory_space<hbm>>) dst(%dma_wait3A_943 : memref<72x256xf32, #tpu.memory_space<vmem>>)
    %dma_wait3A_949 = arith.constant 72 : i32
    %dma_wait3A_950 = arith.constant 0 : i32
    %dma_wait3A_951 = tpu.memref_slice %arg7[%dma_wait3A_949, %dma_wait3A_950] : memref<136x256xf32, #tpu.memory_space<vmem>> -> memref<64x256xf32, #tpu.memory_space<vmem>>
    %dma_wait3A_952 = arith.constant 3064 : i32
    %dma_wait3A_953 = tpu.memref_slice %arg5[%dma_wait3A_952] : memref<3128xi32, #tpu.memory_space<vmem>> -> memref<64xi32, #tpu.memory_space<vmem>>
    %dma_wait3A_954 = arith.constant 0 : i32
    %dma_wait3A_955 = arith.constant 0 : i32
    %dma_wait3A_956 = tpu.memref_slice %arg3[%dma_wait3A_954, %dma_wait3A_955] : memref<7680x256xf32, #tpu.memory_space<hbm>> -> memref<7680x256xf32, #tpu.memory_space<hbm>>
    tpu.wait_indirect_dma semaphore(%arg9 : memref<!tpu.dma_semaphore, #tpu.memory_space<semaphore_mem>>) src(%dma_wait3A_956 : memref<7680x256xf32, #tpu.memory_space<hbm>>) dst(%dma_wait3A_951 : memref<64x256xf32, #tpu.memory_space<vmem>>)
    %eq3A = arith.constant 31 : i32
    %eq3A_957 = arith.cmpi eq, %add3A, %eq3A : i32
    %convert_element_type3A = arith.extui %eq3A_957 : i1 to i32
    %cond3A = arith.constant 0 : i32
    %cond3A_958 = arith.cmpi ne, %convert_element_type3A, %cond3A : i32
    scf.if %cond3A_958 {
      %add3A_963 = arith.constant 2992 : i32
      %add3A_964 = arith.addi %mul3A_2, %add3A_963 : i32
      "tpu.region"() ({
        %run_scoped3A = tpu.sem_alloc : memref<!tpu.dma_semaphore, #tpu.memory_space<semaphore_mem>>
        %dma_start3A_965 = arith.constant 0 : i32
        %dma_start3A_966 = arith.constant 0 : i32
        %dma_start3A_967 = tpu.memref_slice %arg7[%dma_start3A_965, %dma_start3A_966] : memref<136x256xf32, #tpu.memory_space<vmem>> -> memref<40x256xf32, #tpu.memory_space<vmem>>
        %dma_start3A_968 = arith.constant 0 : i32
        %dma_start3A_969 = tpu.memref_slice %arg4[%add3A_964, %dma_start3A_968] : memref<100000x256xf32, #tpu.memory_space<hbm>> -> memref<40x256xf32, #tpu.memory_space<hbm>>
        %dma_start3A_970 = arith.constant 0 : i32
        %dma_start3A_971 = tpu.memref_slice %arg4[%add3A_964, %dma_start3A_970] : memref<100000x256xf32, #tpu.memory_space<hbm>> -> memref<40x256xf32, #tpu.memory_space<hbm>>
        %dma_start3A_972 = arith.constant 0 : i32
        %dma_start3A_973 = arith.constant 0 : i32
        %dma_start3A_974 = tpu.memref_slice %arg7[%dma_start3A_972, %dma_start3A_973] : memref<136x256xf32, #tpu.memory_space<vmem>> -> memref<40x256xf32, #tpu.memory_space<vmem>>
        tpu.enqueue_dma source(%dma_start3A_974 : memref<40x256xf32, #tpu.memory_space<vmem>>) target(%dma_start3A_971 : memref<40x256xf32, #tpu.memory_space<hbm>>) target_semaphore(%run_scoped3A : memref<!tpu.dma_semaphore, #tpu.memory_space<semaphore_mem>>)
        %dma_wait3A_975 = arith.constant 0 : i32
        %dma_wait3A_976 = arith.constant 0 : i32
        %dma_wait3A_977 = tpu.memref_slice %arg7[%dma_wait3A_975, %dma_wait3A_976] : memref<136x256xf32, #tpu.memory_space<vmem>> -> memref<40x256xf32, #tpu.memory_space<vmem>>
        %dma_wait3A_978 = arith.constant 0 : i32
        %dma_wait3A_979 = tpu.memref_slice %arg4[%add3A_964, %dma_wait3A_978] : memref<100000x256xf32, #tpu.memory_space<hbm>> -> memref<40x256xf32, #tpu.memory_space<hbm>>
        %dma_wait3A_980 = arith.constant 0 : i32
        %dma_wait3A_981 = tpu.memref_slice %arg4[%add3A_964, %dma_wait3A_980] : memref<100000x256xf32, #tpu.memory_space<hbm>> -> memref<40x256xf32, #tpu.memory_space<hbm>>
        %dma_wait3A_982 = arith.constant 0 : i32
        %dma_wait3A_983 = arith.constant 0 : i32
        %dma_wait3A_984 = tpu.memref_slice %arg7[%dma_wait3A_982, %dma_wait3A_983] : memref<136x256xf32, #tpu.memory_space<vmem>> -> memref<40x256xf32, #tpu.memory_space<vmem>>
        tpu.wait_dma2 semaphore(%run_scoped3A : memref<!tpu.dma_semaphore, #tpu.memory_space<semaphore_mem>>) src(%dma_wait3A_984 : memref<40x256xf32, #tpu.memory_space<vmem>>) dst(%dma_wait3A_981 : memref<40x256xf32, #tpu.memory_space<hbm>>)
        tpu.yield
      }) : () -> ()
    } else {
    }
    %not3A = arith.constant true
    %not3A_959 = arith.xori %eq3A_957, %not3A : i1
    %convert_element_type3A_960 = arith.extui %not3A_959 : i1 to i32
    %cond3A_961 = arith.constant 0 : i32
    %cond3A_962 = arith.cmpi ne, %convert_element_type3A_960, %cond3A_961 : i32
    scf.if %cond3A_962 {
      %add3A_963 = arith.constant 2992 : i32
      %add3A_964 = arith.addi %mul3A_2, %add3A_963 : i32
      "tpu.region"() ({
        %run_scoped3A = tpu.sem_alloc : memref<!tpu.dma_semaphore, #tpu.memory_space<semaphore_mem>>
        %dma_start3A_965 = arith.constant 0 : i32
        %dma_start3A_966 = tpu.memref_slice %arg4[%add3A_964, %dma_start3A_965] : memref<100000x256xf32, #tpu.memory_space<hbm>> -> memref<136x256xf32, #tpu.memory_space<hbm>>
        %dma_start3A_967 = arith.constant 0 : i32
        %dma_start3A_968 = tpu.memref_slice %arg4[%add3A_964, %dma_start3A_967] : memref<100000x256xf32, #tpu.memory_space<hbm>> -> memref<136x256xf32, #tpu.memory_space<hbm>>
        tpu.enqueue_dma source(%arg7 : memref<136x256xf32, #tpu.memory_space<vmem>>) target(%dma_start3A_968 : memref<136x256xf32, #tpu.memory_space<hbm>>) target_semaphore(%run_scoped3A : memref<!tpu.dma_semaphore, #tpu.memory_space<semaphore_mem>>)
        %dma_wait3A_969 = arith.constant 0 : i32
        %dma_wait3A_970 = tpu.memref_slice %arg4[%add3A_964, %dma_wait3A_969] : memref<100000x256xf32, #tpu.memory_space<hbm>> -> memref<136x256xf32, #tpu.memory_space<hbm>>
        %dma_wait3A_971 = arith.constant 0 : i32
        %dma_wait3A_972 = tpu.memref_slice %arg4[%add3A_964, %dma_wait3A_971] : memref<100000x256xf32, #tpu.memory_space<hbm>> -> memref<136x256xf32, #tpu.memory_space<hbm>>
        tpu.wait_dma2 semaphore(%run_scoped3A : memref<!tpu.dma_semaphore, #tpu.memory_space<semaphore_mem>>) src(%arg7 : memref<136x256xf32, #tpu.memory_space<vmem>>) dst(%dma_wait3A_972 : memref<136x256xf32, #tpu.memory_space<hbm>>)
        tpu.yield
      }) : () -> ()
    } else {
    }
    return
  }
}

</mosaic_0001>

<sc_bundles>
// kernel: kernel.3.cloned.1.call-start
scs
__scs_entry_jumppad:
0x0: {  	(pc) =	sbr.rel $0x88, $3  }
0x1: {  	(tag) =	ssettag $0x0;
	lr =	simm.s32 $0x1  }
0x2: {  	[smem:$0x3F9F] =	sst lr;
	_ =	strace $0xD0000000  }
0x3: {  	_ = 	snop  }
0x4: {  	_ = 	snop  }
0x5: {  	_ = 	snop  }
0x6: {  	_ = 	snop  }
0x7: {  	_ = 	snop  }
__scs_overlays_trampoline_lowered:
0x8: {  	[smem:$0x3FAE] =	sst s0  }
0x9: {  	[smem:$0x3FAF] =	sst s1  }
0xa: {  	[smem:$0x3FB0] =	sst s2  }
0xb: {  	[smem:$0x3FB1] =	sst s3  }
0xc: {  	[smem:$0x3FB2] =	sst s4  }
0xd: {  	[smem:$0x3FB3] =	sst s5  }
0xe: {  	[smem:$0x3FB4] =	sst s6  }
0xf: {  	[smem:$0x3FB5] =	sst s7  }
0x10: {  	[smem:$0x3FB6] =	sst s8  }
0x11: {  	[smem:$0x3FB7] =	sst s9;
	s0 =	simm.s32 @!p0 $0x0  }
0x12: {  	s1 =	sld [smem:$0x3F9D];
	s0 =	simm.s32 @p0 $0x1  }
0x13: {  	[smem:$0x3FB8] =	sst s0;
	s0 =	simm.s32 @!p1 $0x0  }
0x14: {  	s2 =	sld [smem:$0x3F9C];
	s0 =	simm.s32 @p1 $0x1  }
0x15: {  	[smem:$0x3FB9] =	sst s0;
	s0 =	simm.s32 @!p2 $0x0  }
0x16: {  	s3 =	sld [smem:$0x3FDB];
	s0 =	simm.s32 @p2 $0x1  }
0x17: {  	s4 =	simm.s32 $0x1BF5;
	[smem:$0x3FBB] =	sst s0  }
0x18: {  	s0 =	sld [smem:$0x3F9E];
	_ =	swait.ge [sflag:s4], $0x0  }
0x19: {  	s7 =	sld [smem:$0x3F9F]  }
0x1a: {  	s8 =	sadd.s32 $0xFFFFE003, lr  }
0x1b: {  	s9 =	sadd.s32 $0xFFFFFEF7, lr;
	s5 =	simm.s32 $0xFFFFFFFF;
	p2 =	slt.u32 s8, $0xFFFFF086  }
0x1c: {  	p1 =	slt.u32 s9, $0xF7A;
	s5 =	simm.s32 @!p2 $0x0  }
0x1d: {  	s5 =	simm.s32 @p1 $0x1;
	p0 =	seq.s32 s7, s2  }
0x1e: {  	s7 =	smul.u32 @!p0 $0xF7A, s2;
	p2 =	seq.s32 @!p0 s5, $0x0  }
0x1f: {  	s9 =	smul.u32 $0xF7A, s1;
	s8 =	simm.s32 @!p0 $0x1BF5;
	p2 =	por !p2, p0  }
0x20: {  	[sflag:s8] =	ssyncset.s32 @!p0 $0xFFFFF086;
	s6 =	sadd.s32 @!p0 s3, s7;
	s7 =	simm.s32 @!p0 $0x108  }
0x21: {  	s3 =	sadd.s32 s3, s9;
	s6 =	sadd.s32 @!p0 $0x88, s6;
	s7 =	simm.s32 @p2 $0x1082  }
0x22: {  	[simem:s7], [sflag:s8] =	dma.local @!p0 [hbm:s6], $0xF7A  }
0x23: {  	s9 =	sor.u32 $0xD0000000, s2;
	s6 =	simm.s32 $0x108;
	_ =	swait.ge @!p0 [sflag:s8], $0x0  }
0x24: {  	s3 =	sadd.s32 $0x88, s3;
	s6 =	simm.s32 @!p1 $0x1082;
	[sflag:s4] =	ssyncset.s32 $0xFFFFF086  }
0x25: {  	[simem:s6], [sflag:s4] =	dma.local [hbm:s3], $0xF7A  }
0x26: {  	[smem:$0x3F9F] =	sst s1;
	(tag) =	ssettag s2;
	_ =	strace s9  }
0x27: {  	s1 =	sld [smem:$0x3FAF]  }
0x28: {  	s2 =	sld [smem:$0x3FB0]  }
0x29: {  	s4 =	sld [smem:$0x3FB2]  }
0x2a: {  	p0 =	seq.s32 s5, $0x0;
	s5 =	sld [smem:$0x3FB3]  }
0x2b: {  	s6 =	sld [smem:$0x3FB4]  }
0x2c: {  	s7 =	sld [smem:$0x3FB5]  }
0x2d: {  	s3 =	simm.s32 $0x108;
	s8 =	sld [smem:$0x3FB6]  }
0x2e: {  	s3 =	simm.s32 @!p0 $0x1082;
	s9 =	sld [smem:$0x3FB7]  }
0x2f: {  	lr =	sadd.s32 s0, s3;
	s0 =	sld [smem:$0x3FAE]  }
0x30: {  	s3 =	sld [smem:$0x3FB1]  }
0x31: {  	[smem:$0x3FBA] =	sst s10  }
0x32: {  	s10 =	sld [smem:$0x3FB8];
	_ =	sdelay $0x3  }
0x33: {  	p0 =	seq.s32 s10, $0x1;
	s10 =	sld [smem:$0x3FBA];
	_ =	sdelay $0x3  }
0x34: {  	[smem:$0x3FBA] =	sst s10  }
0x35: {  	s10 =	sld [smem:$0x3FB9];
	_ =	sdelay $0x3  }
0x36: {  	p1 =	seq.s32 s10, $0x1;
	s10 =	sld [smem:$0x3FBA];
	_ =	sdelay $0x3  }
0x37: {  	[smem:$0x3FBA] =	sst s10  }
0x38: {  	s10 =	sld [smem:$0x3FBB]  }
0x39: {  	_ = 	snop;
	(pc) =	sbr.ind lr, $3  }
0x3a: {  	_ = 	snop  }
0x3b: {  	_ = 	snop  }
0x3c: {  	p2 =	seq.s32 s10, $0x1;
	s10 =	sld [smem:$0x3FBA]  }
0x3d: {  	_ =	shalt  }
0x3e: {  	_ =	shalt  }
0x3f: {  	_ =	shalt  }
0x40: {  	_ =	shalt  }
0x41: {  	_ =	shalt  }
0x42: {  	_ =	shalt  }
0x43: {  	_ =	shalt  }
0x44: {  	_ =	shalt  }
0x45: {  	_ =	shalt  }
0x46: {  	_ =	shalt  }
0x47: {  	_ =	shalt  }
0x48: {  	_ =	shalt  }
0x49: {  	_ =	shalt  }
0x4a: {  	_ =	shalt  }
0x4b: {  	_ =	shalt  }
0x4c: {  	_ =	shalt  }
0x4d: {  	_ =	shalt  }
0x4e: {  	_ =	shalt  }
0x4f: {  	_ =	shalt  }
0x50: {  	_ =	shalt  }
0x51: {  	_ =	shalt  }
0x52: {  	_ =	shalt  }
0x53: {  	_ =	shalt  }
0x54: {  	_ =	shalt  }
0x55: {  	_ =	shalt  }
0x56: {  	_ =	shalt  }
0x57: {  	_ =	shalt  }
0x58: {  	_ =	shalt  }
0x59: {  	_ =	shalt  }
0x5a: {  	_ =	shalt  }
0x5b: {  	_ =	shalt  }
0x5c: {  	_ =	shalt  }
0x5d: {  	_ =	shalt  }
0x5e: {  	_ =	shalt  }
0x5f: {  	_ =	shalt  }
0x60: {  	_ =	shalt  }
0x61: {  	_ =	shalt  }
0x62: {  	_ =	shalt  }
0x63: {  	_ =	shalt  }
0x64: {  	_ =	shalt  }
0x65: {  	_ =	shalt  }
0x66: {  	_ =	shalt  }
0x67: {  	_ =	shalt  }
0x68: {  	_ =	shalt  }
0x69: {  	_ =	shalt  }
0x6a: {  	_ =	shalt  }
0x6b: {  	_ =	shalt  }
0x6c: {  	_ =	shalt  }
0x6d: {  	_ =	shalt  }
0x6e: {  	_ =	shalt  }
0x6f: {  	_ =	shalt  }
0x70: {  	_ =	shalt  }
0x71: {  	_ =	shalt  }
0x72: {  	_ =	shalt  }
0x73: {  	_ =	shalt  }
0x74: {  	_ =	shalt  }
0x75: {  	_ =	shalt  }
0x76: {  	_ =	shalt  }
0x77: {  	_ =	shalt  }
0x78: {  	_ =	shalt  }
0x79: {  	_ =	shalt  }
0x7a: {  	_ =	shalt  }
0x7b: {  	_ =	shalt  }
0x7c: {  	_ =	shalt  }
0x7d: {  	_ =	shalt  }
0x7e: {  	_ =	shalt  }
0x7f: {  	_ =	shalt  }
0x80: {  	_ =	shalt  }
0x81: {  	_ =	shalt  }
0x82: {  	_ =	shalt  }
0x83: {  	_ =	shalt  }
0x84: {  	_ =	shalt  }
0x85: {  	_ =	shalt  }
0x86: {  	_ =	shalt  }
0x87: {  	_ =	shalt  }
.Lfunc_end0:
.L_simem_size_0:
called_computation_lowered:
.L_overlay_start_0:
0x88: {  	s2 =	sld [smem:$0x3FD9]  }
0x89: {  	s3 =	sld [smem:$0x3FFE];
	_ =	sdelay $0x1  }
0x8a: {  	s1 =	srdreg.scid  }
0x8b: {  	s0 =	sand.u32 $0x1, s1  }
0x8c: {  	s17 =	sshll.u32 s0, $0xA;
	s2 =	sadd.s32 s3, s2  }
0x8d: {  	s2 =	sadd.s32 s2, s17  }
0x8e: {  	[smem:$0x3FC6] =	sst s2  }
0x8f: {  	_ = 	snop  }
0x90: {  	s2 =	sld [smem:$0x3FD0];
	(tm) =	ssettm $0x1  }
0x91: {  	s18 =	sld [smem:$0x3FFB];
	_ =	sdelay $0x3  }
0x92: {  	_ =	strace s18  }
0x93: {  	s3 =	sld [smem:$0x3FFC];
	_ =	sdelay $0x3  }
0x94: {  	_ =	strace s3  }
0x95: {  	s3 =	sld [smem:$0x3FFD];
	_ =	sdelay $0x3  }
0x96: {  	_ =	strace s3  }
0x97: {  	_ =	strace $0x8FFFFFFF  }
0x98: {  	s19 =	sld [smem:$0x3FDB];
	_ =	sdelay $0x1  }
0x99: {  	s4 =	simm.s32 $_scs_section_size  }
0x9a: {  	s5 =	simm.s32 $_size__tile_overlayer_lowered;
	s6 =	simm.s32 $_tile_overlayer_lowered  }
0x9b: {  	s22 =	simm.s32 $0x1BFF;
	s21 =	sshll.u32 s6, $0x1;
	s3 =	sadd.s32 s4, s19  }
0x9c: {  	s7 =	simm.s32 $0x0;
	s20 =	sshll.u32 s5, $0x1;
	s5 =	sadd.s32 s21, s3  }
0x9d: {  	[timem:s7], [sflag:s22] =	dma.local [hbm:s5], s20  }
0x9e: {  	_ =	swait.ge [sflag:s22], s20  }
0x9f: {  	s4 =	ssub.s32 $0x0, s20;
	[sflag:s22] =	ssyncset.done $0x0  }
0xa0: {  	[sflag:s22] =	ssyncadd.s32 s4;
	_ =	sdelay $0x1  }
0xa1: {  	s23 =	simm.s32 $0x1B8B  }
0xa2: {  	_ =	swait.ge [sflag:s23], $0x1  }
0xa3: {  	[sflag:s23] =	ssyncset.done $0x0  }
0xa4: {  	s25 =	simm.s32 $0x1B8E;
	s24 =	sld [smem:$0x3FFE];
	[sflag:s23] =	ssyncadd.s32 $0xFFFFFFFF  }
0xa5: {  	s26 =	simm.s32 $execute0_lowered;
	[smem:$0x3FD2] =	sst s25  }
0xa6: {  	s5 =	sshll.u32 s26, $0x1;
	_ =	strace $0x80000046;
	[dreg:$0x1] =	wrdreg $0xFFFFFFFF  }
0xa7: {  	s28 =	simm.s32 $_size_execute0_lowered;
	s3 =	sadd.s32 s3, s5;
	[dreg:$0x0] =	wrdreg $0x0  }
0xa8: {  	s5 =	sshll.u32 s28, $0x1;
	[dreg:$0x2] =	wrdreg s3  }
0xa9: {  	[dreg:$0x3] =	wrdreg s5  }
0xaa: {  	[dreg:$0x4] =	wrdreg $0xC0  }
0xab: {  	_ =	task [dreg:s7], $0x5FFFF  }
0xac: {  	[dreg:$0x1] =	wrdreg $0xFFFFFFFF  }
0xad: {  	[dreg:$0x0] =	wrdreg $0x60  }
0xae: {  	[dreg:$0x2] =	wrdreg s24  }
0xaf: {  	[dreg:$0x3] =	wrdreg s2  }
0xb0: {  	[dreg:$0x4] =	wrdreg $0x9  }
0xb1: {  	_ =	task.clear_ibuf [dreg:s7], $0x5FFFF;
	_ =	strace $0x90000046  }
0xb2: {  	s29 =	simm.s32 $0x9;
	_ =	strace $0x80000048  }
0xb3: {  	_ =	swait.ge [sflag:s29], $0x1  }
0xb4: {  	[sflag:s29] =	ssyncadd.s32 $0xFFFFFFFF  }
0xb5: {  	_ =	strace $0x90000048  }
0xb6: {  	_ =	sfence  }
0xb7: {  	s30 =	sld [smem:$0x0];
	_ =	sdelay $0x2  }
0xb8: {  	s31 =	sshll.u32 s1, $0xD;
	s1 =	sshrl.u32 s1, $0x2  }
0xb9: {  	s3 =	sand.u32 $0x4000, s31;
	s1 =	sadd.s32 s1, s30  }
0xba: {  	s0 =	sor.u32 s3, s0;
	s1 =	sshll.u32 s1, $0x11  }
0xbb: {  	s0 =	sor.u32 s1, s0  }
0xbc: {  	s0 =	sadd.s32 $0x8F2B, s0  }
0xbd: {  	[sflag:s0] =	ssyncadd.remote.s32 $0x1  }
0xbe: {  	_ =	sfence.sel $0xFFFF  }
0xbf: {  	[dreg:$0x0] =	wrdreg $0xFFFFFFFF;
	(pc) =	sbr.abs _section_cstart, $3  }
0xc0: {  	[dreg:$0x1] =	wrdreg $0xFFFFFFFF  }
0xc1: {  	_ =	task.clear_ibuf [dreg:s7], $0x2FFFF;
	_ =	strace $0x9FFFFFFF  }
0xc2: {  	(tm) =	ssettm $0x7FFFFFFF  }
0xc3: {  	_ =	shalt  }
tec
execute0_lowered:
.L_overlay_start_1:
0x0: {  	(tag) =	ssettag $0x1  }
0x1: {  	s0 =	srdreg.scid;
	s1 =	stileid.u32  }
0x2: {  	s4 =	sand.u32 $0x1, s0;
	s6 =	sshll.u32 s1, $0x1  }
0x3: {  	s0 =	sor.u32 s4, s6  }
0x4: {  	s3 =	rddreg [dreg:$0x0];
	s5 =	smul.u32 $0x187, s0  }
0x5: {  	s2 =	simm.s32 $0x0;
	s1 =	rddreg [dreg:$0x1];
	s7 =	smul.u32 $0x18700, s0  }
0x6: {  	[smem:$0x7FF] =	sst s2;
	s6 =	smul.u32 $0xC3800, s0  }
0x7: {  	_ =	strace $0x80000047;
	s5 =	sadd.s32 s5, s3;
	s7 =	sadd.s32 s1, s7  }
0x8: {  	s6 =	sshrl.u32 s6, $0x3;
	s5 =	sadd.s32 $0x400, s5;
	[dreg:$0x4] =	wrdreg s7  }
0x9: {  	s6 =	sadd.s32 s1, s6;
	s1 =	sadd.s32 $0x30CF00, s1;
	[dreg:$0x3] =	wrdreg s5  }
0xa: {  	s8 =	sadd.s32 $0x1100, s6;
	[dreg:$0x1b] =	wrdreg s1  }
0xb: {  	s9 =	sadd.s32 $0x2200, s6;
	[dreg:$0x5] =	wrdreg s8  }
0xc: {  	s10 =	sadd.s32 $0x3300, s6;
	[dreg:$0x6] =	wrdreg s9  }
0xd: {  	s11 =	sadd.s32 $0x4400, s6;
	[dreg:$0x7] =	wrdreg s10  }
0xe: {  	s12 =	sadd.s32 $0x5500, s6;
	[dreg:$0x8] =	wrdreg s11  }
0xf: {  	s13 =	sadd.s32 $0x6600, s6;
	[dreg:$0x9] =	wrdreg s12  }
0x10: {  	s14 =	sadd.s32 $0x7700, s6;
	[dreg:$0xa] =	wrdreg s13  }
0x11: {  	s15 =	sadd.s32 $0x8800, s6;
	[dreg:$0xb] =	wrdreg s14  }
0x12: {  	s16 =	sadd.s32 $0x9900, s6;
	[dreg:$0xc] =	wrdreg s15  }
0x13: {  	s17 =	sadd.s32 $0xAA00, s6;
	[dreg:$0xd] =	wrdreg s16  }
0x14: {  	s18 =	sadd.s32 $0xBB00, s6;
	[dreg:$0xe] =	wrdreg s17  }
0x15: {  	s19 =	sadd.s32 $0xCC00, s6;
	[dreg:$0xf] =	wrdreg s18  }
0x16: {  	s20 =	sadd.s32 $0xDD00, s6;
	[dreg:$0x10] =	wrdreg s19  }
0x17: {  	s21 =	sadd.s32 $0xEE00, s6;
	[dreg:$0x11] =	wrdreg s20  }
0x18: {  	s22 =	sadd.s32 $0xFF00, s6;
	[dreg:$0x12] =	wrdreg s21  }
0x19: {  	s23 =	sadd.s32 $0x11000, s6;
	[dreg:$0x13] =	wrdreg s22  }
0x1a: {  	s4 =	ssub.s32 $0x2, s4;
	s24 =	sadd.s32 $0x12100, s6;
	[dreg:$0x14] =	wrdreg s23  }
0x1b: {  	s30 =	sshrl.u32 s4, $0x1;
	s25 =	sadd.s32 $0x13200, s6;
	[dreg:$0x15] =	wrdreg s24  }
0x1c: {  	p0 =	sne.s32 s0, $0x1F;
	s26 =	sadd.s32 $0x14300, s6;
	[dreg:$0x16] =	wrdreg s25  }
0x1d: {  	s4 =	ssub.s32 s4, s30;
	s28 =	sadd.s32 $0x15400, s6;
	[dreg:$0x17] =	wrdreg s26  }
0x1e: {  	v2 =	vlaneseq.u32;
	s3 =	sadd.s32 $0x3600, s3;
	s29 =	sadd.s32 $0x16500, s6;
	[dreg:$0x18] =	wrdreg s28  }
0x1f: {  	vm0 =	vmmov $0xffff;
	v1 =	vshrl.u32 v2, $0x3;
	s31 =	sadd.s32 $0x17600, s6;
	s1 =	smax.u32 s4, $0x1;
	[dreg:$0x19] =	wrdreg s29  }
0x20: {  	v0 =	vand.u32 $0x7, v2;
	v2 =	vor.u32 $0x8, v2;
	v1 =	vmul.u32 $0x8, v1;
	[dreg:$0x1a] =	wrdreg s31;
	s13 =	simm.s32 $0x1;
	s15 =	simm.s32 $0x2  }
.LBB2_1:
0x21: {  	[dreg:$0x1c] =	wrdreg s1  }
0x22: {  	s16 =	rddreg [dreg:$0x3];
	s11 =	simm.s32 $0x3  }
0x23: {  	[tilespmem:s2], [sflag:$0x3] =	stream.linear.gather [hbm4b:s16+s2], $0xC38, $0x38;
	[tilespmem:$0x1A480] =	vst v63  }
0x24: {  	_ =	swait.ge [sflag:s11], $0xC38  }
0x25: {  	[sflag:s11] =	ssyncset.done $0x0  }
0x26: {  	[sflag:s11] =	ssyncadd.s32 $0xFFFFF3C8  }
0x27: {  	v3 =	vld [tilespmem:$0x0];
	_ =	sdelay $0x4  }
0x28: {  	v4 =	vshll.u32 v3, $0x1  }
0x29: {  	v3 =	vand.u32 $0x7, v3;
	v4 =	vand.u32 $0xFFFFFFF0, v4  }
0x2a: {  	v3 =	vor.u32 v3, v4  }
0x2b: {  	v4 =	vperm.xlane v3, v0;
	_ =	sdelay $0x1  }
0x2c: {  	v3 =	vperm.xlane v3, v2;
	v4 =	vadd.s32 v1, v4;
	_ =	sdelay $0x1  }
0x2d: {  	v3 =	vadd.s32 v1, v3;
	_ =	sdelay $0x1  }
0x2e: {  	s0 =	simm.s32 $0xC80  }
0x2f: {  	[tilespmem:s0], [sflag:$0x1] =	stream.indirect_vreg.gather [hbm4b:s3+s2], $0x80, v4, vm0, $0xb8;
	[tilespmem:$0x1A480] =	vst v63  }
0x30: {  	s12 =	simm.s32 $0x1480  }
0x31: {  	[tilespmem:s12], [sflag:$0x1] =	stream.indirect_vreg.gather [hbm4b:s3+s2], $0x80, v3, vm0, $0xb8;
	[tilespmem:$0x1A480] =	vst v63  }
0x32: {  	v3 =	vld [tilespmem:$0x10];
	_ =	sdelay $0x4  }
0x33: {  	v26 =	vshll.u32 v3, $0x1  }
0x34: {  	v3 =	vand.u32 $0x7, v3;
	v4 =	vand.u32 $0xFFFFFFF0, v26  }
0x35: {  	v3 =	vor.u32 v3, v4  }
0x36: {  	v4 =	vperm.xlane v3, v0;
	_ =	sdelay $0x1  }
0x37: {  	v3 =	vperm.xlane v3, v2;
	v4 =	vadd.s32 v1, v4;
	_ =	sdelay $0x1  }
0x38: {  	v3 =	vadd.s32 v1, v3;
	_ =	sdelay $0x1  }
0x39: {  	s14 =	simm.s32 $0x1C80  }
0x3a: {  	[tilespmem:s14], [sflag:$0x1] =	stream.indirect_vreg.gather [hbm4b:s3+s2], $0x80, v4, vm0, $0xb8;
	[tilespmem:$0x1A480] =	vst v63  }
0x3b: {  	s16 =	simm.s32 $0x2480  }
0x3c: {  	[tilespmem:s16], [sflag:$0x1] =	stream.indirect_vreg.gather [hbm4b:s3+s2], $0x80, v3, vm0, $0xb8;
	[tilespmem:$0x1A480] =	vst v63  }
0x3d: {  	v3 =	vld [tilespmem:$0x20];
	_ =	sdelay $0x4  }
0x3e: {  	v27 =	vshll.u32 v3, $0x1  }
0x3f: {  	v3 =	vand.u32 $0x7, v3;
	v4 =	vand.u32 $0xFFFFFFF0, v27  }
0x40: {  	v3 =	vor.u32 v3, v4  }
0x41: {  	v4 =	vperm.xlane v3, v0;
	_ =	sdelay $0x1  }
0x42: {  	v3 =	vperm.xlane v3, v2;
	v4 =	vadd.s32 v1, v4;
	_ =	sdelay $0x1  }
0x43: {  	v3 =	vadd.s32 v1, v3;
	_ =	sdelay $0x1  }
0x44: {  	s17 =	simm.s32 $0x2C80  }
0x45: {  	[tilespmem:s17], [sflag:$0x1] =	stream.indirect_vreg.gather [hbm4b:s3+s2], $0x80, v4, vm0, $0xb8;
	[tilespmem:$0x1A480] =	vst v63  }
0x46: {  	s18 =	simm.s32 $0x3480  }
0x47: {  	[tilespmem:s18], [sflag:$0x1] =	stream.indirect_vreg.gather [hbm4b:s3+s2], $0x80, v3, vm0, $0xb8;
	[tilespmem:$0x1A480] =	vst v63  }
0x48: {  	v3 =	vld [tilespmem:$0x30];
	_ =	sdelay $0x4  }
0x49: {  	v28 =	vshll.u32 v3, $0x1  }
0x4a: {  	v3 =	vand.u32 $0x7, v3;
	v4 =	vand.u32 $0xFFFFFFF0, v28  }
0x4b: {  	v3 =	vor.u32 v3, v4  }
0x4c: {  	v4 =	vperm.xlane v3, v0;
	_ =	sdelay $0x1  }
0x4d: {  	v3 =	vperm.xlane v3, v2;
	v4 =	vadd.s32 v1, v4;
	_ =	sdelay $0x1  }
0x4e: {  	v3 =	vadd.s32 v1, v3;
	_ =	sdelay $0x1  }
0x4f: {  	s19 =	simm.s32 $0x3C80  }
0x50: {  	[tilespmem:s19], [sflag:$0x1] =	stream.indirect_vreg.gather [hbm4b:s3+s2], $0x80, v4, vm0, $0xb8;
	[tilespmem:$0x1A480] =	vst v63  }
0x51: {  	s20 =	simm.s32 $0x4480  }
0x52: {  	[tilespmem:s20], [sflag:$0x1] =	stream.indirect_vreg.gather [hbm4b:s3+s2], $0x80, v3, vm0, $0xb8;
	[tilespmem:$0x1A480] =	vst v63  }
0x53: {  	v3 =	vld.msk [tilespmem:$0x40], $0xff;
	_ =	sdelay $0x4  }
0x54: {  	v29 =	vshll.u32 v3, $0x1  }
0x55: {  	v3 =	vand.u32 $0x7, v3;
	v4 =	vand.u32 $0xFFFFFFF0, v29  }
0x56: {  	v3 =	vor.u32 v3, v4  }
0x57: {  	v3 =	vperm.xlane v3, v0;
	_ =	sdelay $0x1  }
0x58: {  	v3 =	vadd.s32 v1, v3;
	_ =	sdelay $0x3  }
0x59: {  	s21 =	simm.s32 $0x4C80  }
0x5a: {  	[tilespmem:s21], [sflag:$0x1] =	stream.indirect_vreg.gather [hbm4b:s3+s2], $0x80, v3, vm0, $0xb8;
	[tilespmem:$0x1A480] =	vst v63  }
0x5b: {  	v3 =	vld [tilespmem:$0x48];
	_ =	sdelay $0x4  }
0x5c: {  	v30 =	vshll.u32 v3, $0x1  }
0x5d: {  	v3 =	vand.u32 $0x7, v3;
	v4 =	vand.u32 $0xFFFFFFF0, v30  }
0x5e: {  	v3 =	vor.u32 v3, v4  }
0x5f: {  	v4 =	vperm.xlane v3, v0;
	_ =	sdelay $0x1  }
0x60: {  	v3 =	vperm.xlane v3, v2;
	v4 =	vadd.s32 v1, v4;
	_ =	sdelay $0x1  }
0x61: {  	v3 =	vadd.s32 v1, v3;
	_ =	sdelay $0x1  }
0x62: {  	s22 =	simm.s32 $0x5480  }
0x63: {  	[tilespmem:s22], [sflag:$0x1] =	stream.indirect_vreg.gather [hbm4b:s3+s2], $0x80, v4, vm0, $0xb8;
	[tilespmem:$0x1A480] =	vst v63  }
0x64: {  	s23 =	simm.s32 $0x5C80  }
0x65: {  	[tilespmem:s23], [sflag:$0x1] =	stream.indirect_vreg.gather [hbm4b:s3+s2], $0x80, v3, vm0, $0xb8;
	[tilespmem:$0x1A480] =	vst v63  }
0x66: {  	v3 =	vld [tilespmem:$0x58];
	_ =	sdelay $0x4  }
0x67: {  	v31 =	vshll.u32 v3, $0x1  }
0x68: {  	v3 =	vand.u32 $0x7, v3;
	v4 =	vand.u32 $0xFFFFFFF0, v31  }
0x69: {  	v3 =	vor.u32 v3, v4  }
0x6a: {  	v4 =	vperm.xlane v3, v0;
	_ =	sdelay $0x1  }
0x6b: {  	v3 =	vperm.xlane v3, v2;
	v4 =	vadd.s32 v1, v4;
	_ =	sdelay $0x1  }
0x6c: {  	v3 =	vadd.s32 v1, v3;
	_ =	sdelay $0x1  }
0x6d: {  	s24 =	simm.s32 $0x6480  }
0x6e: {  	[tilespmem:s24], [sflag:$0x1] =	stream.indirect_vreg.gather [hbm4b:s3+s2], $0x80, v4, vm0, $0xb8;
	[tilespmem:$0x1A480] =	vst v63  }
0x6f: {  	s25 =	simm.s32 $0x6C80  }
0x70: {  	[tilespmem:s25], [sflag:$0x1] =	stream.indirect_vreg.gather [hbm4b:s3+s2], $0x80, v3, vm0, $0xb8;
	[tilespmem:$0x1A480] =	vst v63  }
0x71: {  	v3 =	vld [tilespmem:$0x68];
	_ =	sdelay $0x4  }
0x72: {  	v32 =	vshll.u32 v3, $0x1  }
0x73: {  	v3 =	vand.u32 $0x7, v3;
	v4 =	vand.u32 $0xFFFFFFF0, v32  }
0x74: {  	v3 =	vor.u32 v3, v4  }
0x75: {  	v4 =	vperm.xlane v3, v0;
	_ =	sdelay $0x1  }
0x76: {  	v3 =	vperm.xlane v3, v2;
	v4 =	vadd.s32 v1, v4;
	_ =	sdelay $0x1  }
0x77: {  	v3 =	vadd.s32 v1, v3;
	_ =	sdelay $0x1  }
0x78: {  	s26 =	simm.s32 $0x7480  }
0x79: {  	[tilespmem:s26], [sflag:$0x1] =	stream.indirect_vreg.gather [hbm4b:s3+s2], $0x80, v4, vm0, $0xb8;
	[tilespmem:$0x1A480] =	vst v63  }
0x7a: {  	s28 =	simm.s32 $0x7C80  }
0x7b: {  	[tilespmem:s28], [sflag:$0x1] =	stream.indirect_vreg.gather [hbm4b:s3+s2], $0x80, v3, vm0, $0xb8;
	[tilespmem:$0x1A480] =	vst v63  }
0x7c: {  	v3 =	vld [tilespmem:$0x78];
	_ =	sdelay $0x4  }
0x7d: {  	v33 =	vshll.u32 v3, $0x1  }
0x7e: {  	v3 =	vand.u32 $0x7, v3;
	v4 =	vand.u32 $0xFFFFFFF0, v33  }
0x7f: {  	v3 =	vor.u32 v3, v4  }
0x80: {  	v4 =	vperm.xlane v3, v0;
	_ =	sdelay $0x1  }
0x81: {  	v3 =	vperm.xlane v3, v2;
	v4 =	vadd.s32 v1, v4;
	_ =	sdelay $0x1  }
0x82: {  	v3 =	vadd.s32 v1, v3;
	_ =	sdelay $0x1  }
0x83: {  	s29 =	simm.s32 $0x8480  }
0x84: {  	[tilespmem:s29], [sflag:$0x1] =	stream.indirect_vreg.gather [hbm4b:s3+s2], $0x80, v4, vm0, $0xb8;
	[tilespmem:$0x1A480] =	vst v63  }
0x85: {  	s30 =	simm.s32 $0x8C80  }
0x86: {  	[tilespmem:s30], [sflag:$0x1] =	stream.indirect_vreg.gather [hbm4b:s3+s2], $0x80, v3, vm0, $0xb8;
	[tilespmem:$0x1A480] =	vst v63  }
0x87: {  	v3 =	vld [tilespmem:$0x88];
	_ =	sdelay $0x4  }
0x88: {  	v34 =	vshll.u32 v3, $0x1  }
0x89: {  	v3 =	vand.u32 $0x7, v3;
	v4 =	vand.u32 $0xFFFFFFF0, v34  }
0x8a: {  	v3 =	vor.u32 v3, v4  }
0x8b: {  	v4 =	vperm.xlane v3, v0;
	_ =	sdelay $0x1  }
0x8c: {  	v3 =	vperm.xlane v3, v2;
	v4 =	vadd.s32 v1, v4;
	_ =	sdelay $0x1  }
0x8d: {  	v3 =	vadd.s32 v1, v3;
	_ =	sdelay $0x1  }
0x8e: {  	s31 =	simm.s32 $0x9480  }
0x8f: {  	[tilespmem:s31], [sflag:$0x1] =	stream.indirect_vreg.gather [hbm4b:s3+s2], $0x80, v4, vm0, $0xb8;
	[tilespmem:$0x1A480] =	vst v63  }
0x90: {  	s1 =	simm.s32 $0x9C80  }
0x91: {  	[tilespmem:s1], [sflag:$0x1] =	stream.indirect_vreg.gather [hbm4b:s3+s2], $0x80, v3, vm0, $0xb8;
	[tilespmem:$0x1A480] =	vst v63  }
0x92: {  	v3 =	vld [tilespmem:$0x98];
	_ =	sdelay $0x4  }
0x93: {  	v35 =	vshll.u32 v3, $0x1  }
0x94: {  	v3 =	vand.u32 $0x7, v3;
	v4 =	vand.u32 $0xFFFFFFF0, v35  }
0x95: {  	v3 =	vor.u32 v3, v4  }
0x96: {  	v4 =	vperm.xlane v3, v0;
	_ =	sdelay $0x1  }
0x97: {  	v3 =	vperm.xlane v3, v2;
	v4 =	vadd.s32 v1, v4;
	_ =	sdelay $0x1  }
0x98: {  	v3 =	vadd.s32 v1, v3;
	_ =	sdelay $0x1  }
0x99: {  	s4 =	simm.s32 $0xA480  }
0x9a: {  	[tilespmem:s4], [sflag:$0x1] =	stream.indirect_vreg.gather [hbm4b:s3+s2], $0x80, v4, vm0, $0xb8;
	[tilespmem:$0x1A480] =	vst v63  }
0x9b: {  	s5 =	simm.s32 $0xAC80  }
0x9c: {  	[tilespmem:s5], [sflag:$0x1] =	stream.indirect_vreg.gather [hbm4b:s3+s2], $0x80, v3, vm0, $0xb8;
	[tilespmem:$0x1A480] =	vst v63  }
0x9d: {  	v3 =	vld [tilespmem:$0xA8];
	_ =	sdelay $0x4  }
0x9e: {  	v36 =	vshll.u32 v3, $0x1  }
0x9f: {  	v3 =	vand.u32 $0x7, v3;
	v4 =	vand.u32 $0xFFFFFFF0, v36  }
0xa0: {  	v3 =	vor.u32 v3, v4  }
0xa1: {  	v4 =	vperm.xlane v3, v0;
	_ =	sdelay $0x1  }
0xa2: {  	v3 =	vperm.xlane v3, v2;
	v4 =	vadd.s32 v1, v4;
	_ =	sdelay $0x1  }
0xa3: {  	v3 =	vadd.s32 v1, v3;
	_ =	sdelay $0x1  }
0xa4: {  	s6 =	simm.s32 $0xB480  }
0xa5: {  	[tilespmem:s6], [sflag:$0x1] =	stream.indirect_vreg.gather [hbm4b:s3+s2], $0x80, v4, vm0, $0xb8;
	[tilespmem:$0x1A480] =	vst v63  }
0xa6: {  	s9 =	simm.s32 $0xBC80  }
0xa7: {  	[tilespmem:s9], [sflag:$0x1] =	stream.indirect_vreg.gather [hbm4b:s3+s2], $0x80, v3, vm0, $0xb8;
	[tilespmem:$0x1A480] =	vst v63  }
0xa8: {  	v3 =	vld [tilespmem:$0xB8];
	_ =	sdelay $0x4  }
0xa9: {  	v37 =	vshll.u32 v3, $0x1  }
0xaa: {  	v3 =	vand.u32 $0x7, v3;
	v4 =	vand.u32 $0xFFFFFFF0, v37  }
0xab: {  	v3 =	vor.u32 v3, v4  }
0xac: {  	v4 =	vperm.xlane v3, v0;
	_ =	sdelay $0x1  }
0xad: {  	v3 =	vperm.xlane v3, v2;
	v4 =	vadd.s32 v1, v4;
	_ =	sdelay $0x1  }
0xae: {  	v3 =	vadd.s32 v1, v3;
	_ =	sdelay $0x1  }
0xaf: {  	s14 =	simm.s32 $0xC480  }
0xb0: {  	[tilespmem:s14], [sflag:$0x1] =	stream.indirect_vreg.gather [hbm4b:s3+s2], $0x80, v4, vm0, $0xb8;
	[tilespmem:$0x1A480] =	vst v63  }
0xb1: {  	s16 =	simm.s32 $0xCC80  }
0xb2: {  	[tilespmem:s16], [sflag:$0x1] =	stream.indirect_vreg.gather [hbm4b:s3+s2], $0x80, v3, vm0, $0xb8;
	[tilespmem:$0x1A480] =	vst v63  }
0xb3: {  	v3 =	vld.msk [tilespmem:$0xC8], $0xff;
	_ =	sdelay $0x4  }
0xb4: {  	v38 =	vshll.u32 v3, $0x1  }
0xb5: {  	v3 =	vand.u32 $0x7, v3;
	v4 =	vand.u32 $0xFFFFFFF0, v38  }
0xb6: {  	v3 =	vor.u32 v3, v4  }
0xb7: {  	v3 =	vperm.xlane v3, v0;
	_ =	sdelay $0x1  }
0xb8: {  	v3 =	vadd.s32 v1, v3;
	_ =	sdelay $0x3  }
0xb9: {  	s17 =	simm.s32 $0xD480  }
0xba: {  	[tilespmem:s17], [sflag:$0x1] =	stream.indirect_vreg.gather [hbm4b:s3+s2], $0x80, v3, vm0, $0xb8;
	[tilespmem:$0x1A480] =	vst v63  }
0xbb: {  	v3 =	vld [tilespmem:$0xD0];
	_ =	sdelay $0x4  }
0xbc: {  	v39 =	vshll.u32 v3, $0x1  }
0xbd: {  	v3 =	vand.u32 $0x7, v3;
	v4 =	vand.u32 $0xFFFFFFF0, v39  }
0xbe: {  	v3 =	vor.u32 v3, v4  }
0xbf: {  	v4 =	vperm.xlane v3, v0;
	_ =	sdelay $0x1  }
0xc0: {  	v3 =	vperm.xlane v3, v2;
	v4 =	vadd.s32 v1, v4;
	_ =	sdelay $0x1  }
0xc1: {  	v3 =	vadd.s32 v1, v3;
	_ =	sdelay $0x1  }
0xc2: {  	s18 =	simm.s32 $0xDC80  }
0xc3: {  	[tilespmem:s18], [sflag:$0x1] =	stream.indirect_vreg.gather [hbm4b:s3+s2], $0x80, v4, vm0, $0xb8;
	[tilespmem:$0x1A480] =	vst v63  }
0xc4: {  	s21 =	simm.s32 $0xE480  }
0xc5: {  	[tilespmem:s21], [sflag:$0x1] =	stream.indirect_vreg.gather [hbm4b:s3+s2], $0x80, v3, vm0, $0xb8;
	[tilespmem:$0x1A480] =	vst v63  }
0xc6: {  	v3 =	vld [tilespmem:$0xE0];
	_ =	sdelay $0x4  }
0xc7: {  	v40 =	vshll.u32 v3, $0x1  }
0xc8: {  	v3 =	vand.u32 $0x7, v3;
	v4 =	vand.u32 $0xFFFFFFF0, v40  }
0xc9: {  	v3 =	vor.u32 v3, v4  }
0xca: {  	v4 =	vperm.xlane v3, v0;
	_ =	sdelay $0x1  }
0xcb: {  	v3 =	vperm.xlane v3, v2;
	v4 =	vadd.s32 v1, v4;
	_ =	sdelay $0x1  }
0xcc: {  	v3 =	vadd.s32 v1, v3;
	_ =	sdelay $0x1  }
0xcd: {  	s22 =	simm.s32 $0xEC80  }
0xce: {  	[tilespmem:s22], [sflag:$0x1] =	stream.indirect_vreg.gather [hbm4b:s3+s2], $0x80, v4, vm0, $0xb8;
	[tilespmem:$0x1A480] =	vst v63  }
0xcf: {  	s23 =	simm.s32 $0xF480  }
0xd0: {  	[tilespmem:s23], [sflag:$0x1] =	stream.indirect_vreg.gather [hbm4b:s3+s2], $0x80, v3, vm0, $0xb8;
	[tilespmem:$0x1A480] =	vst v63  }
0xd1: {  	v3 =	vld [tilespmem:$0xF0];
	_ =	sdelay $0x4  }
0xd2: {  	v41 =	vshll.u32 v3, $0x1  }
0xd3: {  	v3 =	vand.u32 $0x7, v3;
	v4 =	vand.u32 $0xFFFFFFF0, v41  }
0xd4: {  	v3 =	vor.u32 v3, v4  }
0xd5: {  	v4 =	vperm.xlane v3, v0;
	_ =	sdelay $0x1  }
0xd6: {  	v3 =	vperm.xlane v3, v2;
	v4 =	vadd.s32 v1, v4;
	_ =	sdelay $0x1  }
0xd7: {  	v3 =	vadd.s32 v1, v3;
	_ =	sdelay $0x1  }
0xd8: {  	s24 =	simm.s32 $0xFC80  }
0xd9: {  	[tilespmem:s24], [sflag:$0x1] =	stream.indirect_vreg.gather [hbm4b:s3+s2], $0x80, v4, vm0, $0xb8;
	[tilespmem:$0x1A480] =	vst v63  }
0xda: {  	s25 =	simm.s32 $0x10480  }
0xdb: {  	[tilespmem:s25], [sflag:$0x1] =	stream.indirect_vreg.gather [hbm4b:s3+s2], $0x80, v3, vm0, $0xb8;
	[tilespmem:$0x1A480] =	vst v63  }
0xdc: {  	v3 =	vld [tilespmem:$0x100];
	_ =	sdelay $0x4  }
0xdd: {  	v42 =	vshll.u32 v3, $0x1  }
0xde: {  	v3 =	vand.u32 $0x7, v3;
	v4 =	vand.u32 $0xFFFFFFF0, v42  }
0xdf: {  	v3 =	vor.u32 v3, v4  }
0xe0: {  	v4 =	vperm.xlane v3, v0;
	_ =	sdelay $0x1  }
0xe1: {  	v3 =	vperm.xlane v3, v2;
	v4 =	vadd.s32 v1, v4;
	_ =	sdelay $0x1  }
0xe2: {  	v3 =	vadd.s32 v1, v3;
	_ =	sdelay $0x1  }
0xe3: {  	s26 =	simm.s32 $0x10C80  }
0xe4: {  	[tilespmem:s26], [sflag:$0x1] =	stream.indirect_vreg.gather [hbm4b:s3+s2], $0x80, v4, vm0, $0xb8;
	[tilespmem:$0x1A480] =	vst v63  }
0xe5: {  	s29 =	simm.s32 $0x11480  }
0xe6: {  	[tilespmem:s29], [sflag:$0x1] =	stream.indirect_vreg.gather [hbm4b:s3+s2], $0x80, v3, vm0, $0xb8;
	[tilespmem:$0x1A480] =	vst v63  }
0xe7: {  	_ =	swait.ge [sflag:s13], $0x4800  }
0xe8: {  	[sflag:s13] =	ssyncset.done $0x0  }
0xe9: {  	[sflag:s13] =	ssyncadd.s32 $0xFFFFB800  }
0xea: {  	_ =	swait.ge [sflag:s13], $0x4000  }
0xeb: {  	[sflag:s13] =	ssyncset.done $0x0  }
0xec: {  	s6 =	simm.s32 $0xC80;
	s0 =	rddreg [dreg:$0x4];
	[sflag:s13] =	ssyncadd.s32 $0xFFFFC000  }
0xed: {  	[hbm4b:s0+s2] =	stream.linear.scatter [tilespmem:s6], [sflag:$0x2], $0x8800, $0x38;
	[tilespmem:$0x1A480] =	vst v63  }
0xee: {  	v3 =	vld [tilespmem:$0x110];
	_ =	sdelay $0x4  }
0xef: {  	v43 =	vshll.u32 v3, $0x1  }
0xf0: {  	v3 =	vand.u32 $0x7, v3;
	v4 =	vand.u32 $0xFFFFFFF0, v43  }
0xf1: {  	v3 =	vor.u32 v3, v4  }
0xf2: {  	v4 =	vperm.xlane v3, v0;
	_ =	sdelay $0x1  }
0xf3: {  	v3 =	vperm.xlane v3, v2;
	v4 =	vadd.s32 v1, v4;
	_ =	sdelay $0x1  }
0xf4: {  	v3 =	vadd.s32 v1, v3;
	_ =	sdelay $0x1  }
0xf5: {  	s9 =	simm.s32 $0x11C80  }
0xf6: {  	[tilespmem:s9], [sflag:$0x1] =	stream.indirect_vreg.gather [hbm4b:s3+s2], $0x80, v4, vm0, $0xb8;
	[tilespmem:$0x1A480] =	vst v63  }
0xf7: {  	s16 =	simm.s32 $0x12480  }
0xf8: {  	[tilespmem:s16], [sflag:$0x1] =	stream.indirect_vreg.gather [hbm4b:s3+s2], $0x80, v3, vm0, $0xb8;
	[tilespmem:$0x1A480] =	vst v63  }
0xf9: {  	v3 =	vld [tilespmem:$0x120];
	_ =	sdelay $0x4  }
0xfa: {  	v44 =	vshll.u32 v3, $0x1  }
0xfb: {  	v3 =	vand.u32 $0x7, v3;
	v4 =	vand.u32 $0xFFFFFFF0, v44  }
0xfc: {  	v3 =	vor.u32 v3, v4  }
0xfd: {  	v4 =	vperm.xlane v3, v0;
	_ =	sdelay $0x1  }
0xfe: {  	v3 =	vperm.xlane v3, v2;
	v4 =	vadd.s32 v1, v4;
	_ =	sdelay $0x1  }
0xff: {  	v3 =	vadd.s32 v1, v3;
	_ =	sdelay $0x1  }
0x100: {  	s17 =	simm.s32 $0x12C80  }
0x101: {  	[tilespmem:s17], [sflag:$0x1] =	stream.indirect_vreg.gather [hbm4b:s3+s2], $0x80, v4, vm0, $0xb8;
	[tilespmem:$0x1A480] =	vst v63  }
0x102: {  	s18 =	simm.s32 $0x13480  }
0x103: {  	[tilespmem:s18], [sflag:$0x1] =	stream.indirect_vreg.gather [hbm4b:s3+s2], $0x80, v3, vm0, $0xb8;
	[tilespmem:$0x1A480] =	vst v63  }
0x104: {  	v3 =	vld [tilespmem:$0x130];
	_ =	sdelay $0x4  }
0x105: {  	v45 =	vshll.u32 v3, $0x1  }
0x106: {  	v3 =	vand.u32 $0x7, v3;
	v4 =	vand.u32 $0xFFFFFFF0, v45  }
0x107: {  	v3 =	vor.u32 v3, v4  }
0x108: {  	v4 =	vperm.xlane v3, v0;
	_ =	sdelay $0x1  }
0x109: {  	v3 =	vperm.xlane v3, v2;
	v4 =	vadd.s32 v1, v4;
	_ =	sdelay $0x1  }
0x10a: {  	v3 =	vadd.s32 v1, v3;
	_ =	sdelay $0x1  }
0x10b: {  	s21 =	simm.s32 $0x13C80  }
0x10c: {  	[tilespmem:s21], [sflag:$0x1] =	stream.indirect_vreg.gather [hbm4b:s3+s2], $0x80, v4, vm0, $0xb8;
	[tilespmem:$0x1A480] =	vst v63  }
0x10d: {  	s22 =	simm.s32 $0x14480  }
0x10e: {  	[tilespmem:s22], [sflag:$0x1] =	stream.indirect_vreg.gather [hbm4b:s3+s2], $0x80, v3, vm0, $0xb8;
	[tilespmem:$0x1A480] =	vst v63  }
0x10f: {  	v3 =	vld [tilespmem:$0x140];
	_ =	sdelay $0x4  }
0x110: {  	v46 =	vshll.u32 v3, $0x1  }
0x111: {  	v3 =	vand.u32 $0x7, v3;
	v4 =	vand.u32 $0xFFFFFFF0, v46  }
0x112: {  	v3 =	vor.u32 v3, v4  }
0x113: {  	v4 =	vperm.xlane v3, v0;
	_ =	sdelay $0x1  }
0x114: {  	v3 =	vperm.xlane v3, v2;
	v4 =	vadd.s32 v1, v4;
	_ =	sdelay $0x1  }
0x115: {  	v3 =	vadd.s32 v1, v3;
	_ =	sdelay $0x1  }
0x116: {  	s23 =	simm.s32 $0x14C80  }
0x117: {  	[tilespmem:s23], [sflag:$0x1] =	stream.indirect_vreg.gather [hbm4b:s3+s2], $0x80, v4, vm0, $0xb8;
	[tilespmem:$0x1A480] =	vst v63  }
0x118: {  	s24 =	simm.s32 $0x15480  }
0x119: {  	[tilespmem:s24], [sflag:$0x1] =	stream.indirect_vreg.gather [hbm4b:s3+s2], $0x80, v3, vm0, $0xb8;
	[tilespmem:$0x1A480] =	vst v63  }
0x11a: {  	v3 =	vld.msk [tilespmem:$0x150], $0xff;
	_ =	sdelay $0x4  }
0x11b: {  	v47 =	vshll.u32 v3, $0x1  }
0x11c: {  	v3 =	vand.u32 $0x7, v3;
	v4 =	vand.u32 $0xFFFFFFF0, v47  }
0x11d: {  	v3 =	vor.u32 v3, v4  }
0x11e: {  	v3 =	vperm.xlane v3, v0;
	_ =	sdelay $0x1  }
0x11f: {  	v3 =	vadd.s32 v1, v3;
	_ =	sdelay $0x3  }
0x120: {  	s25 =	simm.s32 $0x15C80  }
0x121: {  	[tilespmem:s25], [sflag:$0x1] =	stream.indirect_vreg.gather [hbm4b:s3+s2], $0x80, v3, vm0, $0xb8;
	[tilespmem:$0x1A480] =	vst v63  }
0x122: {  	v3 =	vld [tilespmem:$0x158];
	_ =	sdelay $0x4  }
0x123: {  	v48 =	vshll.u32 v3, $0x1  }
0x124: {  	v3 =	vand.u32 $0x7, v3;
	v4 =	vand.u32 $0xFFFFFFF0, v48  }
0x125: {  	v3 =	vor.u32 v3, v4  }
0x126: {  	v4 =	vperm.xlane v3, v0;
	_ =	sdelay $0x1  }
0x127: {  	v3 =	vperm.xlane v3, v2;
	v4 =	vadd.s32 v1, v4;
	_ =	sdelay $0x1  }
0x128: {  	v3 =	vadd.s32 v1, v3;
	_ =	sdelay $0x1  }
0x129: {  	s26 =	simm.s32 $0x16480  }
0x12a: {  	[tilespmem:s26], [sflag:$0x1] =	stream.indirect_vreg.gather [hbm4b:s3+s2], $0x80, v4, vm0, $0xb8;
	[tilespmem:$0x1A480] =	vst v63  }
0x12b: {  	s16 =	simm.s32 $0x16C80  }
0x12c: {  	[tilespmem:s16], [sflag:$0x1] =	stream.indirect_vreg.gather [hbm4b:s3+s2], $0x80, v3, vm0, $0xb8;
	[tilespmem:$0x1A480] =	vst v63  }
0x12d: {  	v3 =	vld [tilespmem:$0x168];
	_ =	sdelay $0x4  }
0x12e: {  	v49 =	vshll.u32 v3, $0x1  }
0x12f: {  	v3 =	vand.u32 $0x7, v3;
	v4 =	vand.u32 $0xFFFFFFF0, v49  }
0x130: {  	v3 =	vor.u32 v3, v4  }
0x131: {  	v4 =	vperm.xlane v3, v0;
	_ =	sdelay $0x1  }
0x132: {  	v3 =	vperm.xlane v3, v2;
	v4 =	vadd.s32 v1, v4;
	_ =	sdelay $0x1  }
0x133: {  	v3 =	vadd.s32 v1, v3;
	_ =	sdelay $0x1  }
0x134: {  	s17 =	simm.s32 $0x17480  }
0x135: {  	[tilespmem:s17], [sflag:$0x1] =	stream.indirect_vreg.gather [hbm4b:s3+s2], $0x80, v4, vm0, $0xb8;
	[tilespmem:$0x1A480] =	vst v63  }
0x136: {  	s18 =	simm.s32 $0x17C80  }
0x137: {  	[tilespmem:s18], [sflag:$0x1] =	stream.indirect_vreg.gather [hbm4b:s3+s2], $0x80, v3, vm0, $0xb8;
	[tilespmem:$0x1A480] =	vst v63  }
0x138: {  	v3 =	vld [tilespmem:$0x178];
	_ =	sdelay $0x4  }
0x139: {  	v50 =	vshll.u32 v3, $0x1  }
0x13a: {  	v3 =	vand.u32 $0x7, v3;
	v4 =	vand.u32 $0xFFFFFFF0, v50  }
0x13b: {  	v3 =	vor.u32 v3, v4  }
0x13c: {  	v4 =	vperm.xlane v3, v0;
	_ =	sdelay $0x1  }
0x13d: {  	v3 =	vperm.xlane v3, v2;
	v4 =	vadd.s32 v1, v4;
	_ =	sdelay $0x1  }
0x13e: {  	v3 =	vadd.s32 v1, v3;
	_ =	sdelay $0x1  }
0x13f: {  	s21 =	simm.s32 $0x18480  }
0x140: {  	[tilespmem:s21], [sflag:$0x1] =	stream.indirect_vreg.gather [hbm4b:s3+s2], $0x80, v4, vm0, $0xb8;
	[tilespmem:$0x1A480] =	vst v63  }
0x141: {  	s22 =	simm.s32 $0x18C80  }
0x142: {  	[tilespmem:s22], [sflag:$0x1] =	stream.indirect_vreg.gather [hbm4b:s3+s2], $0x80, v3, vm0, $0xb8;
	[tilespmem:$0x1A480] =	vst v63  }
0x143: {  	v3 =	vld [tilespmem:$0x188];
	_ =	sdelay $0x4  }
0x144: {  	v51 =	vshll.u32 v3, $0x1  }
0x145: {  	v3 =	vand.u32 $0x7, v3;
	v4 =	vand.u32 $0xFFFFFFF0, v51  }
0x146: {  	v3 =	vor.u32 v3, v4  }
0x147: {  	v4 =	vperm.xlane v3, v0;
	_ =	sdelay $0x1  }
0x148: {  	v3 =	vperm.xlane v3, v2;
	v4 =	vadd.s32 v1, v4;
	_ =	sdelay $0x1  }
0x149: {  	v3 =	vadd.s32 v1, v3;
	_ =	sdelay $0x1  }
0x14a: {  	s23 =	simm.s32 $0x19480  }
0x14b: {  	[tilespmem:s23], [sflag:$0x1] =	stream.indirect_vreg.gather [hbm4b:s3+s2], $0x80, v4, vm0, $0xb8;
	[tilespmem:$0x1A480] =	vst v63  }
0x14c: {  	s24 =	simm.s32 $0x19C80  }
0x14d: {  	[tilespmem:s24], [sflag:$0x1] =	stream.indirect_vreg.gather [hbm4b:s3+s2], $0x80, v3, vm0, $0xb8;
	[tilespmem:$0x1A480] =	vst v63  }
0x14e: {  	_ =	swait.ge [sflag:s13], $0x4800  }
0x14f: {  	[sflag:s13] =	ssyncset.done $0x0  }
0x150: {  	[sflag:s13] =	ssyncadd.s32 $0xFFFFB800  }
0x151: {  	_ =	swait.ge [sflag:s13], $0x4000  }
0x152: {  	[sflag:s13] =	ssyncset.done $0x0  }
0x153: {  	s26 =	simm.s32 $0x9480;
	s25 =	rddreg [dreg:$0x5];
	[sflag:s13] =	ssyncadd.s32 $0xFFFFC000  }
0x154: {  	[hbm4b:s25+s2] =	stream.linear.scatter [tilespmem:s26], [sflag:$0x2], $0x8800, $0x38;
	[tilespmem:$0x1A480] =	vst v63  }
0x155: {  	_ =	swait.ge [sflag:s15], $0x8800  }
0x156: {  	[sflag:s15] =	ssyncset.done $0x0  }
0x157: {  	[sflag:s15] =	ssyncadd.s32 $0xFFFF7800  }
0x158: {  	v3 =	vld [tilespmem:$0x198];
	_ =	sdelay $0x4  }
0x159: {  	v52 =	vshll.u32 v3, $0x1  }
0x15a: {  	v3 =	vand.u32 $0x7, v3;
	v4 =	vand.u32 $0xFFFFFFF0, v52  }
0x15b: {  	v3 =	vor.u32 v3, v4  }
0x15c: {  	v4 =	vperm.xlane v3, v0;
	_ =	sdelay $0x1  }
0x15d: {  	v3 =	vperm.xlane v3, v2;
	v4 =	vadd.s32 v1, v4;
	_ =	sdelay $0x1  }
0x15e: {  	v3 =	vadd.s32 v1, v3;
	_ =	sdelay $0x2  }
0x15f: {  	[tilespmem:s6], [sflag:$0x1] =	stream.indirect_vreg.gather [hbm4b:s3+s2], $0x80, v4, vm0, $0xb8;
	[tilespmem:$0x1A480] =	vst v63  }
0x160: {  	s10 =	simm.s32 $0x1480  }
0x161: {  	[tilespmem:s10], [sflag:$0x1] =	stream.indirect_vreg.gather [hbm4b:s3+s2], $0x80, v3, vm0, $0xb8;
	[tilespmem:$0x1A480] =	vst v63  }
0x162: {  	v3 =	vld [tilespmem:$0x1A8];
	_ =	sdelay $0x4  }
0x163: {  	v53 =	vshll.u32 v3, $0x1  }
0x164: {  	v3 =	vand.u32 $0x7, v3;
	v4 =	vand.u32 $0xFFFFFFF0, v53  }
0x165: {  	v3 =	vor.u32 v3, v4  }
0x166: {  	v4 =	vperm.xlane v3, v0;
	_ =	sdelay $0x1  }
0x167: {  	v3 =	vperm.xlane v3, v2;
	v4 =	vadd.s32 v1, v4;
	_ =	sdelay $0x1  }
0x168: {  	v3 =	vadd.s32 v1, v3;
	_ =	sdelay $0x1  }
0x169: {  	s7 =	simm.s32 $0x1C80  }
0x16a: {  	[tilespmem:s7], [sflag:$0x1] =	stream.indirect_vreg.gather [hbm4b:s3+s2], $0x80, v4, vm0, $0xb8;
	[tilespmem:$0x1A480] =	vst v63  }
0x16b: {  	s11 =	simm.s32 $0x2480  }
0x16c: {  	[tilespmem:s11], [sflag:$0x1] =	stream.indirect_vreg.gather [hbm4b:s3+s2], $0x80, v3, vm0, $0xb8;
	[tilespmem:$0x1A480] =	vst v63  }
0x16d: {  	v3 =	vld [tilespmem:$0x1B8];
	_ =	sdelay $0x4  }
0x16e: {  	v54 =	vshll.u32 v3, $0x1  }
0x16f: {  	v3 =	vand.u32 $0x7, v3;
	v4 =	vand.u32 $0xFFFFFFF0, v54  }
0x170: {  	v3 =	vor.u32 v3, v4  }
0x171: {  	v4 =	vperm.xlane v3, v0;
	_ =	sdelay $0x1  }
0x172: {  	v3 =	vperm.xlane v3, v2;
	v4 =	vadd.s32 v1, v4;
	_ =	sdelay $0x1  }
0x173: {  	v3 =	vadd.s32 v1, v3;
	_ =	sdelay $0x1  }
0x174: {  	s8 =	simm.s32 $0x2C80  }
0x175: {  	[tilespmem:s8], [sflag:$0x1] =	stream.indirect_vreg.gather [hbm4b:s3+s2], $0x80, v4, vm0, $0xb8;
	[tilespmem:$0x1A480] =	vst v63  }
0x176: {  	s12 =	simm.s32 $0x3480  }
0x177: {  	[tilespmem:s12], [sflag:$0x1] =	stream.indirect_vreg.gather [hbm4b:s3+s2], $0x80, v3, vm0, $0xb8;
	[tilespmem:$0x1A480] =	vst v63  }
0x178: {  	v3 =	vld [tilespmem:$0x1C8];
	_ =	sdelay $0x4  }
0x179: {  	v55 =	vshll.u32 v3, $0x1  }
0x17a: {  	v3 =	vand.u32 $0x7, v3;
	v4 =	vand.u32 $0xFFFFFFF0, v55  }
0x17b: {  	v3 =	vor.u32 v3, v4  }
0x17c: {  	v4 =	vperm.xlane v3, v0;
	_ =	sdelay $0x1  }
0x17d: {  	v3 =	vperm.xlane v3, v2;
	v4 =	vadd.s32 v1, v4;
	_ =	sdelay $0x1  }
0x17e: {  	v3 =	vadd.s32 v1, v3;
	_ =	sdelay $0x1  }
0x17f: {  	s10 =	simm.s32 $0x3C80  }
0x180: {  	[tilespmem:s10], [sflag:$0x1] =	stream.indirect_vreg.gather [hbm4b:s3+s2], $0x80, v4, vm0, $0xb8;
	[tilespmem:$0x1A480] =	vst v63  }
0x181: {  	s19 =	simm.s32 $0x4480  }
0x182: {  	[tilespmem:s19], [sflag:$0x1] =	stream.indirect_vreg.gather [hbm4b:s3+s2], $0x80, v3, vm0, $0xb8;
	[tilespmem:$0x1A480] =	vst v63  }
0x183: {  	v3 =	vld.msk [tilespmem:$0x1D8], $0xff;
	_ =	sdelay $0x4  }
0x184: {  	v56 =	vshll.u32 v3, $0x1  }
0x185: {  	v3 =	vand.u32 $0x7, v3;
	v4 =	vand.u32 $0xFFFFFFF0, v56  }
0x186: {  	v3 =	vor.u32 v3, v4  }
0x187: {  	v3 =	vperm.xlane v3, v0;
	_ =	sdelay $0x1  }
0x188: {  	v3 =	vadd.s32 v1, v3;
	_ =	sdelay $0x3  }
0x189: {  	s20 =	simm.s32 $0x4C80  }
0x18a: {  	[tilespmem:s20], [sflag:$0x1] =	stream.indirect_vreg.gather [hbm4b:s3+s2], $0x80, v3, vm0, $0xb8;
	[tilespmem:$0x1A480] =	vst v63  }
0x18b: {  	v3 =	vld [tilespmem:$0x1E0];
	_ =	sdelay $0x4  }
0x18c: {  	v57 =	vshll.u32 v3, $0x1  }
0x18d: {  	v3 =	vand.u32 $0x7, v3;
	v4 =	vand.u32 $0xFFFFFFF0, v57  }
0x18e: {  	v3 =	vor.u32 v3, v4  }
0x18f: {  	v4 =	vperm.xlane v3, v0;
	_ =	sdelay $0x1  }
0x190: {  	v3 =	vperm.xlane v3, v2;
	v4 =	vadd.s32 v1, v4;
	_ =	sdelay $0x1  }
0x191: {  	v3 =	vadd.s32 v1, v3;
	_ =	sdelay $0x1  }
0x192: {  	s11 =	simm.s32 $0x5480  }
0x193: {  	[tilespmem:s11], [sflag:$0x1] =	stream.indirect_vreg.gather [hbm4b:s3+s2], $0x80, v4, vm0, $0xb8;
	[tilespmem:$0x1A480] =	vst v63  }
0x194: {  	s21 =	simm.s32 $0x5C80  }
0x195: {  	[tilespmem:s21], [sflag:$0x1] =	stream.indirect_vreg.gather [hbm4b:s3+s2], $0x80, v3, vm0, $0xb8;
	[tilespmem:$0x1A480] =	vst v63  }
0x196: {  	v3 =	vld [tilespmem:$0x1F0];
	_ =	sdelay $0x4  }
0x197: {  	v58 =	vshll.u32 v3, $0x1  }
0x198: {  	v3 =	vand.u32 $0x7, v3;
	v4 =	vand.u32 $0xFFFFFFF0, v58  }
0x199: {  	v3 =	vor.u32 v3, v4  }
0x19a: {  	v4 =	vperm.xlane v3, v0;
	_ =	sdelay $0x1  }
0x19b: {  	v3 =	vperm.xlane v3, v2;
	v4 =	vadd.s32 v1, v4;
	_ =	sdelay $0x1  }
0x19c: {  	v3 =	vadd.s32 v1, v3;
	_ =	sdelay $0x1  }
0x19d: {  	s12 =	simm.s32 $0x6480  }
0x19e: {  	[tilespmem:s12], [sflag:$0x1] =	stream.indirect_vreg.gather [hbm4b:s3+s2], $0x80, v4, vm0, $0xb8;
	[tilespmem:$0x1A480] =	vst v63  }
0x19f: {  	s22 =	simm.s32 $0x6C80  }
0x1a0: {  	[tilespmem:s22], [sflag:$0x1] =	stream.indirect_vreg.gather [hbm4b:s3+s2], $0x80, v3, vm0, $0xb8;
	[tilespmem:$0x1A480] =	vst v63  }
0x1a1: {  	v3 =	vld [tilespmem:$0x200];
	_ =	sdelay $0x4  }
0x1a2: {  	v59 =	vshll.u32 v3, $0x1  }
0x1a3: {  	v3 =	vand.u32 $0x7, v3;
	v4 =	vand.u32 $0xFFFFFFF0, v59  }
0x1a4: {  	v3 =	vor.u32 v3, v4  }
0x1a5: {  	v4 =	vperm.xlane v3, v0;
	_ =	sdelay $0x1  }
0x1a6: {  	v3 =	vperm.xlane v3, v2;
	v4 =	vadd.s32 v1, v4;
	_ =	sdelay $0x1  }
0x1a7: {  	v3 =	vadd.s32 v1, v3;
	_ =	sdelay $0x1  }
0x1a8: {  	s19 =	simm.s32 $0x7480  }
0x1a9: {  	[tilespmem:s19], [sflag:$0x1] =	stream.indirect_vreg.gather [hbm4b:s3+s2], $0x80, v4, vm0, $0xb8;
	[tilespmem:$0x1A480] =	vst v63  }
0x1aa: {  	s24 =	simm.s32 $0x7C80  }
0x1ab: {  	[tilespmem:s24], [sflag:$0x1] =	stream.indirect_vreg.gather [hbm4b:s3+s2], $0x80, v3, vm0, $0xb8;
	[tilespmem:$0x1A480] =	vst v63  }
0x1ac: {  	v3 =	vld [tilespmem:$0x210];
	_ =	sdelay $0x4  }
0x1ad: {  	v60 =	vshll.u32 v3, $0x1  }
0x1ae: {  	v3 =	vand.u32 $0x7, v3;
	v4 =	vand.u32 $0xFFFFFFF0, v60  }
0x1af: {  	v3 =	vor.u32 v3, v4  }
0x1b0: {  	v4 =	vperm.xlane v3, v0;
	_ =	sdelay $0x1  }
0x1b1: {  	v3 =	vperm.xlane v3, v2;
	v4 =	vadd.s32 v1, v4;
	_ =	sdelay $0x1  }
0x1b2: {  	v3 =	vadd.s32 v1, v3;
	_ =	sdelay $0x1  }
0x1b3: {  	s20 =	simm.s32 $0x8480  }
0x1b4: {  	[tilespmem:s20], [sflag:$0x1] =	stream.indirect_vreg.gather [hbm4b:s3+s2], $0x80, v4, vm0, $0xb8;
	[tilespmem:$0x1A480] =	vst v63  }
0x1b5: {  	s25 =	simm.s32 $0x8C80  }
0x1b6: {  	[tilespmem:s25], [sflag:$0x1] =	stream.indirect_vreg.gather [hbm4b:s3+s2], $0x80, v3, vm0, $0xb8;
	[tilespmem:$0x1A480] =	vst v63  }
0x1b7: {  	_ =	swait.ge [sflag:s13], $0x4800  }
0x1b8: {  	[sflag:s13] =	ssyncset.done $0x0  }
0x1b9: {  	[sflag:s13] =	ssyncadd.s32 $0xFFFFB800  }
0x1ba: {  	_ =	swait.ge [sflag:s13], $0x4000  }
0x1bb: {  	[sflag:s13] =	ssyncset.done $0x0  }
0x1bc: {  	s6 =	simm.s32 $0x11C80;
	s18 =	rddreg [dreg:$0x6];
	[sflag:s13] =	ssyncadd.s32 $0xFFFFC000  }
0x1bd: {  	[hbm4b:s18+s2] =	stream.linear.scatter [tilespmem:s6], [sflag:$0x2], $0x8800, $0x38;
	[tilespmem:$0x1A480] =	vst v63  }
0x1be: {  	_ =	swait.ge [sflag:s15], $0x8800  }
0x1bf: {  	[sflag:s15] =	ssyncset.done $0x0  }
0x1c0: {  	[sflag:s15] =	ssyncadd.s32 $0xFFFF7800  }
0x1c1: {  	v3 =	vld [tilespmem:$0x220];
	_ =	sdelay $0x4  }
0x1c2: {  	v61 =	vshll.u32 v3, $0x1  }
0x1c3: {  	v3 =	vand.u32 $0x7, v3;
	v4 =	vand.u32 $0xFFFFFFF0, v61  }
0x1c4: {  	v3 =	vor.u32 v3, v4  }
0x1c5: {  	v4 =	vperm.xlane v3, v0;
	_ =	sdelay $0x1  }
0x1c6: {  	v3 =	vperm.xlane v3, v2;
	v4 =	vadd.s32 v1, v4;
	_ =	sdelay $0x1  }
0x1c7: {  	v3 =	vadd.s32 v1, v3;
	_ =	sdelay $0x2  }
0x1c8: {  	[tilespmem:s26], [sflag:$0x1] =	stream.indirect_vreg.gather [hbm4b:s3+s2], $0x80, v4, vm0, $0xb8;
	[tilespmem:$0x1A480] =	vst v63  }
0x1c9: {  	s1 =	simm.s32 $0x9C80  }
0x1ca: {  	[tilespmem:s1], [sflag:$0x1] =	stream.indirect_vreg.gather [hbm4b:s3+s2], $0x80, v3, vm0, $0xb8;
	[tilespmem:$0x1A480] =	vst v63  }
0x1cb: {  	v3 =	vld [tilespmem:$0x230];
	_ =	sdelay $0x4  }
0x1cc: {  	v62 =	vshll.u32 v3, $0x1  }
0x1cd: {  	v3 =	vand.u32 $0x7, v3;
	v4 =	vand.u32 $0xFFFFFFF0, v62  }
0x1ce: {  	v3 =	vor.u32 v3, v4  }
0x1cf: {  	v4 =	vperm.xlane v3, v0;
	_ =	sdelay $0x1  }
0x1d0: {  	v3 =	vperm.xlane v3, v2;
	v4 =	vadd.s32 v1, v4;
	_ =	sdelay $0x1  }
0x1d1: {  	v3 =	vadd.s32 v1, v3;
	_ =	sdelay $0x1  }
0x1d2: {  	s18 =	simm.s32 $0xA480  }
0x1d3: {  	[tilespmem:s18], [sflag:$0x1] =	stream.indirect_vreg.gather [hbm4b:s3+s2], $0x80, v4, vm0, $0xb8;
	[tilespmem:$0x1A480] =	vst v63  }
0x1d4: {  	s4 =	simm.s32 $0xAC80  }
0x1d5: {  	[tilespmem:s4], [sflag:$0x1] =	stream.indirect_vreg.gather [hbm4b:s3+s2], $0x80, v3, vm0, $0xb8;
	[tilespmem:$0x1A480] =	vst v63  }
0x1d6: {  	v3 =	vld [tilespmem:$0x240];
	_ =	sdelay $0x4  }
0x1d7: {  	v63 =	vshll.u32 v3, $0x1  }
0x1d8: {  	v3 =	vand.u32 $0x7, v3;
	v4 =	vand.u32 $0xFFFFFFF0, v63  }
0x1d9: {  	v3 =	vor.u32 v3, v4  }
0x1da: {  	v4 =	vperm.xlane v3, v0;
	_ =	sdelay $0x1  }
0x1db: {  	v3 =	vperm.xlane v3, v2;
	v4 =	vadd.s32 v1, v4;
	_ =	sdelay $0x1  }
0x1dc: {  	v3 =	vadd.s32 v1, v3;
	_ =	sdelay $0x1  }
0x1dd: {  	s26 =	simm.s32 $0xB480  }
0x1de: {  	[tilespmem:s26], [sflag:$0x1] =	stream.indirect_vreg.gather [hbm4b:s3+s2], $0x80, v4, vm0, $0xb8;
	[tilespmem:$0x1A480] =	vst v63  }
0x1df: {  	s5 =	simm.s32 $0xBC80  }
0x1e0: {  	[tilespmem:s5], [sflag:$0x1] =	stream.indirect_vreg.gather [hbm4b:s3+s2], $0x80, v3, vm0, $0xb8;
	[tilespmem:$0x1A480] =	vst v63  }
0x1e1: {  	v3 =	vld [tilespmem:$0x250];
	_ =	sdelay $0x4  }
0x1e2: {  	v8 =	vshll.u32 v3, $0x1  }
0x1e3: {  	v3 =	vand.u32 $0x7, v3;
	v4 =	vand.u32 $0xFFFFFFF0, v8  }
0x1e4: {  	v3 =	vor.u32 v3, v4  }
0x1e5: {  	v4 =	vperm.xlane v3, v0;
	_ =	sdelay $0x1  }
0x1e6: {  	v3 =	vperm.xlane v3, v2;
	v4 =	vadd.s32 v1, v4;
	_ =	sdelay $0x1  }
0x1e7: {  	v3 =	vadd.s32 v1, v3;
	_ =	sdelay $0x1  }
0x1e8: {  	s4 =	simm.s32 $0xC480  }
0x1e9: {  	[tilespmem:s4], [sflag:$0x1] =	stream.indirect_vreg.gather [hbm4b:s3+s2], $0x80, v4, vm0, $0xb8;
	[tilespmem:$0x1A480] =	vst v63  }
0x1ea: {  	s28 =	simm.s32 $0xCC80  }
0x1eb: {  	[tilespmem:s28], [sflag:$0x1] =	stream.indirect_vreg.gather [hbm4b:s3+s2], $0x80, v3, vm0, $0xb8;
	[tilespmem:$0x1A480] =	vst v63  }
0x1ec: {  	v3 =	vld.msk [tilespmem:$0x260], $0xff;
	_ =	sdelay $0x4  }
0x1ed: {  	v9 =	vshll.u32 v3, $0x1  }
0x1ee: {  	v3 =	vand.u32 $0x7, v3;
	v4 =	vand.u32 $0xFFFFFFF0, v9  }
0x1ef: {  	v3 =	vor.u32 v3, v4  }
0x1f0: {  	v3 =	vperm.xlane v3, v0;
	_ =	sdelay $0x1  }
0x1f1: {  	v3 =	vadd.s32 v1, v3;
	_ =	sdelay $0x3  }
0x1f2: {  	s30 =	simm.s32 $0xD480  }
0x1f3: {  	[tilespmem:s30], [sflag:$0x1] =	stream.indirect_vreg.gather [hbm4b:s3+s2], $0x80, v3, vm0, $0xb8;
	[tilespmem:$0x1A480] =	vst v63  }
0x1f4: {  	v3 =	vld [tilespmem:$0x268];
	_ =	sdelay $0x4  }
0x1f5: {  	v10 =	vshll.u32 v3, $0x1  }
0x1f6: {  	v3 =	vand.u32 $0x7, v3;
	v4 =	vand.u32 $0xFFFFFFF0, v10  }
0x1f7: {  	v3 =	vor.u32 v3, v4  }
0x1f8: {  	v4 =	vperm.xlane v3, v0;
	_ =	sdelay $0x1  }
0x1f9: {  	v3 =	vperm.xlane v3, v2;
	v4 =	vadd.s32 v1, v4;
	_ =	sdelay $0x1  }
0x1fa: {  	v3 =	vadd.s32 v1, v3;
	_ =	sdelay $0x1  }
0x1fb: {  	s5 =	simm.s32 $0xDC80  }
0x1fc: {  	[tilespmem:s5], [sflag:$0x1] =	stream.indirect_vreg.gather [hbm4b:s3+s2], $0x80, v4, vm0, $0xb8;
	[tilespmem:$0x1A480] =	vst v63  }
0x1fd: {  	s31 =	simm.s32 $0xE480  }
0x1fe: {  	[tilespmem:s31], [sflag:$0x1] =	stream.indirect_vreg.gather [hbm4b:s3+s2], $0x80, v3, vm0, $0xb8;
	[tilespmem:$0x1A480] =	vst v63  }
0x1ff: {  	v3 =	vld [tilespmem:$0x278];
	_ =	sdelay $0x4  }
0x200: {  	v11 =	vshll.u32 v3, $0x1  }
0x201: {  	v3 =	vand.u32 $0x7, v3;
	v4 =	vand.u32 $0xFFFFFFF0, v11  }
0x202: {  	v3 =	vor.u32 v3, v4  }
0x203: {  	v4 =	vperm.xlane v3, v0;
	_ =	sdelay $0x1  }
0x204: {  	v3 =	vperm.xlane v3, v2;
	v4 =	vadd.s32 v1, v4;
	_ =	sdelay $0x1  }
0x205: {  	v3 =	vadd.s32 v1, v3;
	_ =	sdelay $0x1  }
0x206: {  	s28 =	simm.s32 $0xEC80  }
0x207: {  	[tilespmem:s28], [sflag:$0x1] =	stream.indirect_vreg.gather [hbm4b:s3+s2], $0x80, v4, vm0, $0xb8;
	[tilespmem:$0x1A480] =	vst v63  }
0x208: {  	s7 =	simm.s32 $0xF480  }
0x209: {  	[tilespmem:s7], [sflag:$0x1] =	stream.indirect_vreg.gather [hbm4b:s3+s2], $0x80, v3, vm0, $0xb8;
	[tilespmem:$0x1A480] =	vst v63  }
0x20a: {  	v3 =	vld [tilespmem:$0x288];
	_ =	sdelay $0x4  }
0x20b: {  	v12 =	vshll.u32 v3, $0x1  }
0x20c: {  	v3 =	vand.u32 $0x7, v3;
	v4 =	vand.u32 $0xFFFFFFF0, v12  }
0x20d: {  	v3 =	vor.u32 v3, v4  }
0x20e: {  	v4 =	vperm.xlane v3, v0;
	_ =	sdelay $0x1  }
0x20f: {  	v3 =	vperm.xlane v3, v2;
	v4 =	vadd.s32 v1, v4;
	_ =	sdelay $0x1  }
0x210: {  	v3 =	vadd.s32 v1, v3;
	_ =	sdelay $0x1  }
0x211: {  	s30 =	simm.s32 $0xFC80  }
0x212: {  	[tilespmem:s30], [sflag:$0x1] =	stream.indirect_vreg.gather [hbm4b:s3+s2], $0x80, v4, vm0, $0xb8;
	[tilespmem:$0x1A480] =	vst v63  }
0x213: {  	s8 =	simm.s32 $0x10480  }
0x214: {  	[tilespmem:s8], [sflag:$0x1] =	stream.indirect_vreg.gather [hbm4b:s3+s2], $0x80, v3, vm0, $0xb8;
	[tilespmem:$0x1A480] =	vst v63  }
0x215: {  	v3 =	vld [tilespmem:$0x298];
	_ =	sdelay $0x4  }
0x216: {  	v13 =	vshll.u32 v3, $0x1  }
0x217: {  	v3 =	vand.u32 $0x7, v3;
	v4 =	vand.u32 $0xFFFFFFF0, v13  }
0x218: {  	v3 =	vor.u32 v3, v4  }
0x219: {  	v4 =	vperm.xlane v3, v0;
	_ =	sdelay $0x1  }
0x21a: {  	v3 =	vperm.xlane v3, v2;
	v4 =	vadd.s32 v1, v4;
	_ =	sdelay $0x1  }
0x21b: {  	v3 =	vadd.s32 v1, v3;
	_ =	sdelay $0x1  }
0x21c: {  	s31 =	simm.s32 $0x10C80  }
0x21d: {  	[tilespmem:s31], [sflag:$0x1] =	stream.indirect_vreg.gather [hbm4b:s3+s2], $0x80, v4, vm0, $0xb8;
	[tilespmem:$0x1A480] =	vst v63  }
0x21e: {  	s14 =	simm.s32 $0x11480  }
0x21f: {  	[tilespmem:s14], [sflag:$0x1] =	stream.indirect_vreg.gather [hbm4b:s3+s2], $0x80, v3, vm0, $0xb8;
	[tilespmem:$0x1A480] =	vst v63  }
0x220: {  	_ =	swait.ge [sflag:s13], $0x4800  }
0x221: {  	[sflag:s13] =	ssyncset.done $0x0  }
0x222: {  	[sflag:s13] =	ssyncadd.s32 $0xFFFFB800  }
0x223: {  	_ =	swait.ge [sflag:s13], $0x4000  }
0x224: {  	[sflag:s13] =	ssyncset.done $0x0  }
0x225: {  	s0 =	simm.s32 $0xC80;
	s1 =	rddreg [dreg:$0x7];
	[sflag:s13] =	ssyncadd.s32 $0xFFFFC000  }
0x226: {  	[hbm4b:s1+s2] =	stream.linear.scatter [tilespmem:s0], [sflag:$0x2], $0x8800, $0x38;
	[tilespmem:$0x1A480] =	vst v63  }
0x227: {  	_ =	swait.ge [sflag:s15], $0x8800  }
0x228: {  	[sflag:s15] =	ssyncset.done $0x0  }
0x229: {  	[sflag:s15] =	ssyncadd.s32 $0xFFFF7800  }
0x22a: {  	v3 =	vld [tilespmem:$0x2A8];
	_ =	sdelay $0x4  }
0x22b: {  	v14 =	vshll.u32 v3, $0x1  }
0x22c: {  	v3 =	vand.u32 $0x7, v3;
	v4 =	vand.u32 $0xFFFFFFF0, v14  }
0x22d: {  	v3 =	vor.u32 v3, v4  }
0x22e: {  	v4 =	vperm.xlane v3, v0;
	_ =	sdelay $0x1  }
0x22f: {  	v3 =	vperm.xlane v3, v2;
	v4 =	vadd.s32 v1, v4;
	_ =	sdelay $0x1  }
0x230: {  	v3 =	vadd.s32 v1, v3;
	_ =	sdelay $0x2  }
0x231: {  	[tilespmem:s6], [sflag:$0x1] =	stream.indirect_vreg.gather [hbm4b:s3+s2], $0x80, v4, vm0, $0xb8;
	[tilespmem:$0x1A480] =	vst v63  }
0x232: {  	s9 =	simm.s32 $0x12480  }
0x233: {  	[tilespmem:s9], [sflag:$0x1] =	stream.indirect_vreg.gather [hbm4b:s3+s2], $0x80, v3, vm0, $0xb8;
	[tilespmem:$0x1A480] =	vst v63  }
0x234: {  	v3 =	vld [tilespmem:$0x2B8];
	_ =	sdelay $0x4  }
0x235: {  	v15 =	vshll.u32 v3, $0x1  }
0x236: {  	v3 =	vand.u32 $0x7, v3;
	v4 =	vand.u32 $0xFFFFFFF0, v15  }
0x237: {  	v3 =	vor.u32 v3, v4  }
0x238: {  	v4 =	vperm.xlane v3, v0;
	_ =	sdelay $0x1  }
0x239: {  	v3 =	vperm.xlane v3, v2;
	v4 =	vadd.s32 v1, v4;
	_ =	sdelay $0x1  }
0x23a: {  	v3 =	vadd.s32 v1, v3;
	_ =	sdelay $0x1  }
0x23b: {  	s26 =	simm.s32 $0x12C80  }
0x23c: {  	[tilespmem:s26], [sflag:$0x1] =	stream.indirect_vreg.gather [hbm4b:s3+s2], $0x80, v4, vm0, $0xb8;
	[tilespmem:$0x1A480] =	vst v63  }
0x23d: {  	s29 =	simm.s32 $0x13480  }
0x23e: {  	[tilespmem:s29], [sflag:$0x1] =	stream.indirect_vreg.gather [hbm4b:s3+s2], $0x80, v3, vm0, $0xb8;
	[tilespmem:$0x1A480] =	vst v63  }
0x23f: {  	v3 =	vld [tilespmem:$0x2C8];
	_ =	sdelay $0x4  }
0x240: {  	v16 =	vshll.u32 v3, $0x1  }
0x241: {  	v3 =	vand.u32 $0x7, v3;
	v4 =	vand.u32 $0xFFFFFFF0, v16  }
0x242: {  	v3 =	vor.u32 v3, v4  }
0x243: {  	v4 =	vperm.xlane v3, v0;
	_ =	sdelay $0x1  }
0x244: {  	v3 =	vperm.xlane v3, v2;
	v4 =	vadd.s32 v1, v4;
	_ =	sdelay $0x1  }
0x245: {  	v3 =	vadd.s32 v1, v3;
	_ =	sdelay $0x1  }
0x246: {  	s29 =	simm.s32 $0x13C80  }
0x247: {  	[tilespmem:s29], [sflag:$0x1] =	stream.indirect_vreg.gather [hbm4b:s3+s2], $0x80, v4, vm0, $0xb8;
	[tilespmem:$0x1A480] =	vst v63  }
0x248: {  	s6 =	simm.s32 $0x14480  }
0x249: {  	[tilespmem:s6], [sflag:$0x1] =	stream.indirect_vreg.gather [hbm4b:s3+s2], $0x80, v3, vm0, $0xb8;
	[tilespmem:$0x1A480] =	vst v63  }
0x24a: {  	v3 =	vld [tilespmem:$0x2D8];
	_ =	sdelay $0x4  }
0x24b: {  	v17 =	vshll.u32 v3, $0x1  }
0x24c: {  	v3 =	vand.u32 $0x7, v3;
	v4 =	vand.u32 $0xFFFFFFF0, v17  }
0x24d: {  	v3 =	vor.u32 v3, v4  }
0x24e: {  	v4 =	vperm.xlane v3, v0;
	_ =	sdelay $0x1  }
0x24f: {  	v3 =	vperm.xlane v3, v2;
	v4 =	vadd.s32 v1, v4;
	_ =	sdelay $0x1  }
0x250: {  	v3 =	vadd.s32 v1, v3;
	_ =	sdelay $0x1  }
0x251: {  	s14 =	simm.s32 $0x14C80  }
0x252: {  	[tilespmem:s14], [sflag:$0x1] =	stream.indirect_vreg.gather [hbm4b:s3+s2], $0x80, v4, vm0, $0xb8;
	[tilespmem:$0x1A480] =	vst v63  }
0x253: {  	s9 =	simm.s32 $0x15480  }
0x254: {  	[tilespmem:s9], [sflag:$0x1] =	stream.indirect_vreg.gather [hbm4b:s3+s2], $0x80, v3, vm0, $0xb8;
	[tilespmem:$0x1A480] =	vst v63  }
0x255: {  	v3 =	vld.msk [tilespmem:$0x2E8], $0xff;
	_ =	sdelay $0x4  }
0x256: {  	v18 =	vshll.u32 v3, $0x1  }
0x257: {  	v3 =	vand.u32 $0x7, v3;
	v4 =	vand.u32 $0xFFFFFFF0, v18  }
0x258: {  	v3 =	vor.u32 v3, v4  }
0x259: {  	v3 =	vperm.xlane v3, v0;
	_ =	sdelay $0x1  }
0x25a: {  	v3 =	vadd.s32 v1, v3;
	_ =	sdelay $0x3  }
0x25b: {  	s16 =	simm.s32 $0x15C80  }
0x25c: {  	[tilespmem:s16], [sflag:$0x1] =	stream.indirect_vreg.gather [hbm4b:s3+s2], $0x80, v3, vm0, $0xb8;
	[tilespmem:$0x1A480] =	vst v63  }
0x25d: {  	v3 =	vld [tilespmem:$0x2F0];
	_ =	sdelay $0x4  }
0x25e: {  	v19 =	vshll.u32 v3, $0x1  }
0x25f: {  	v3 =	vand.u32 $0x7, v3;
	v4 =	vand.u32 $0xFFFFFFF0, v19  }
0x260: {  	v3 =	vor.u32 v3, v4  }
0x261: {  	v4 =	vperm.xlane v3, v0;
	_ =	sdelay $0x1  }
0x262: {  	v3 =	vperm.xlane v3, v2;
	v4 =	vadd.s32 v1, v4;
	_ =	sdelay $0x1  }
0x263: {  	v3 =	vadd.s32 v1, v3;
	_ =	sdelay $0x1  }
0x264: {  	s9 =	simm.s32 $0x16480  }
0x265: {  	[tilespmem:s9], [sflag:$0x1] =	stream.indirect_vreg.gather [hbm4b:s3+s2], $0x80, v4, vm0, $0xb8;
	[tilespmem:$0x1A480] =	vst v63  }
0x266: {  	s6 =	simm.s32 $0x16C80  }
0x267: {  	[tilespmem:s6], [sflag:$0x1] =	stream.indirect_vreg.gather [hbm4b:s3+s2], $0x80, v3, vm0, $0xb8;
	[tilespmem:$0x1A480] =	vst v63  }
0x268: {  	v3 =	vld [tilespmem:$0x300];
	_ =	sdelay $0x4  }
0x269: {  	v20 =	vshll.u32 v3, $0x1  }
0x26a: {  	v3 =	vand.u32 $0x7, v3;
	v4 =	vand.u32 $0xFFFFFFF0, v20  }
0x26b: {  	v3 =	vor.u32 v3, v4  }
0x26c: {  	v4 =	vperm.xlane v3, v0;
	_ =	sdelay $0x1  }
0x26d: {  	v3 =	vperm.xlane v3, v2;
	v4 =	vadd.s32 v1, v4;
	_ =	sdelay $0x1  }
0x26e: {  	v3 =	vadd.s32 v1, v3;
	_ =	sdelay $0x1  }
0x26f: {  	s17 =	simm.s32 $0x17480  }
0x270: {  	[tilespmem:s17], [sflag:$0x1] =	stream.indirect_vreg.gather [hbm4b:s3+s2], $0x80, v4, vm0, $0xb8;
	[tilespmem:$0x1A480] =	vst v63  }
0x271: {  	s16 =	simm.s32 $0x17C80  }
0x272: {  	[tilespmem:s16], [sflag:$0x1] =	stream.indirect_vreg.gather [hbm4b:s3+s2], $0x80, v3, vm0, $0xb8;
	[tilespmem:$0x1A480] =	vst v63  }
0x273: {  	v3 =	vld [tilespmem:$0x310];
	_ =	sdelay $0x4  }
0x274: {  	v21 =	vshll.u32 v3, $0x1  }
0x275: {  	v3 =	vand.u32 $0x7, v3;
	v4 =	vand.u32 $0xFFFFFFF0, v21  }
0x276: {  	v3 =	vor.u32 v3, v4  }
0x277: {  	v4 =	vperm.xlane v3, v0;
	_ =	sdelay $0x1  }
0x278: {  	v3 =	vperm.xlane v3, v2;
	v4 =	vadd.s32 v1, v4;
	_ =	sdelay $0x1  }
0x279: {  	v3 =	vadd.s32 v1, v3;
	_ =	sdelay $0x1  }
0x27a: {  	s17 =	simm.s32 $0x18480  }
0x27b: {  	[tilespmem:s17], [sflag:$0x1] =	stream.indirect_vreg.gather [hbm4b:s3+s2], $0x80, v4, vm0, $0xb8;
	[tilespmem:$0x1A480] =	vst v63  }
0x27c: {  	s6 =	simm.s32 $0x18C80  }
0x27d: {  	[tilespmem:s6], [sflag:$0x1] =	stream.indirect_vreg.gather [hbm4b:s3+s2], $0x80, v3, vm0, $0xb8;
	[tilespmem:$0x1A480] =	vst v63  }
0x27e: {  	v3 =	vld [tilespmem:$0x320];
	_ =	sdelay $0x4  }
0x27f: {  	v22 =	vshll.u32 v3, $0x1  }
0x280: {  	v3 =	vand.u32 $0x7, v3;
	v4 =	vand.u32 $0xFFFFFFF0, v22  }
0x281: {  	v3 =	vor.u32 v3, v4  }
0x282: {  	v4 =	vperm.xlane v3, v0;
	_ =	sdelay $0x1  }
0x283: {  	v3 =	vperm.xlane v3, v2;
	v4 =	vadd.s32 v1, v4;
	_ =	sdelay $0x1  }
0x284: {  	v3 =	vadd.s32 v1, v3;
	_ =	sdelay $0x1  }
0x285: {  	s17 =	simm.s32 $0x19480  }
0x286: {  	[tilespmem:s17], [sflag:$0x1] =	stream.indirect_vreg.gather [hbm4b:s3+s2], $0x80, v4, vm0, $0xb8;
	[tilespmem:$0x1A480] =	vst v63  }
0x287: {  	s16 =	simm.s32 $0x19C80  }
0x288: {  	[tilespmem:s16], [sflag:$0x1] =	stream.indirect_vreg.gather [hbm4b:s3+s2], $0x80, v3, vm0, $0xb8;
	[tilespmem:$0x1A480] =	vst v63  }
0x289: {  	_ =	swait.ge [sflag:s13], $0x4800  }
0x28a: {  	[sflag:s13] =	ssyncset.done $0x0  }
0x28b: {  	[sflag:s13] =	ssyncadd.s32 $0xFFFFB800  }
0x28c: {  	_ =	swait.ge [sflag:s13], $0x4000  }
0x28d: {  	[sflag:s13] =	ssyncset.done $0x0  }
0x28e: {  	s1 =	simm.s32 $0x9480;
	s6 =	rddreg [dreg:$0x8];
	[sflag:s13] =	ssyncadd.s32 $0xFFFFC000  }
0x28f: {  	[hbm4b:s6+s2] =	stream.linear.scatter [tilespmem:s1], [sflag:$0x2], $0x8800, $0x38;
	[tilespmem:$0x1A480] =	vst v63  }
0x290: {  	_ =	swait.ge [sflag:s15], $0x8800  }
0x291: {  	[sflag:s15] =	ssyncset.done $0x0  }
0x292: {  	[sflag:s15] =	ssyncadd.s32 $0xFFFF7800  }
0x293: {  	v3 =	vld [tilespmem:$0x330];
	_ =	sdelay $0x4  }
0x294: {  	v23 =	vshll.u32 v3, $0x1  }
0x295: {  	v3 =	vand.u32 $0x7, v3;
	v4 =	vand.u32 $0xFFFFFFF0, v23  }
0x296: {  	v3 =	vor.u32 v3, v4  }
0x297: {  	v4 =	vperm.xlane v3, v0;
	_ =	sdelay $0x1  }
0x298: {  	v3 =	vperm.xlane v3, v2;
	v4 =	vadd.s32 v1, v4;
	_ =	sdelay $0x1  }
0x299: {  	v3 =	vadd.s32 v1, v3;
	_ =	sdelay $0x2  }
0x29a: {  	[tilespmem:s0], [sflag:$0x1] =	stream.indirect_vreg.gather [hbm4b:s3+s2], $0x80, v4, vm0, $0xb8;
	[tilespmem:$0x1A480] =	vst v63  }
0x29b: {  	s23 =	simm.s32 $0x1480  }
0x29c: {  	[tilespmem:s23], [sflag:$0x1] =	stream.indirect_vreg.gather [hbm4b:s3+s2], $0x80, v3, vm0, $0xb8;
	[tilespmem:$0x1A480] =	vst v63  }
0x29d: {  	v3 =	vld [tilespmem:$0x340];
	_ =	sdelay $0x4  }
0x29e: {  	v24 =	vshll.u32 v3, $0x1  }
0x29f: {  	v3 =	vand.u32 $0x7, v3;
	v4 =	vand.u32 $0xFFFFFFF0, v24  }
0x2a0: {  	v3 =	vor.u32 v3, v4  }
0x2a1: {  	v4 =	vperm.xlane v3, v0;
	_ =	sdelay $0x1  }
0x2a2: {  	v3 =	vperm.xlane v3, v2;
	v4 =	vadd.s32 v1, v4;
	_ =	sdelay $0x1  }
0x2a3: {  	v3 =	vadd.s32 v1, v3;
	_ =	sdelay $0x1  }
0x2a4: {  	s23 =	simm.s32 $0x1C80  }
0x2a5: {  	[tilespmem:s23], [sflag:$0x1] =	stream.indirect_vreg.gather [hbm4b:s3+s2], $0x80, v4, vm0, $0xb8;
	[tilespmem:$0x1A480] =	vst v63  }
0x2a6: {  	s6 =	simm.s32 $0x2480  }
0x2a7: {  	[tilespmem:s6], [sflag:$0x1] =	stream.indirect_vreg.gather [hbm4b:s3+s2], $0x80, v3, vm0, $0xb8;
	[tilespmem:$0x1A480] =	vst v63  }
0x2a8: {  	v3 =	vld [tilespmem:$0x350];
	_ =	sdelay $0x4  }
0x2a9: {  	v25 =	vshll.u32 v3, $0x1  }
0x2aa: {  	v3 =	vand.u32 $0x7, v3;
	v4 =	vand.u32 $0xFFFFFFF0, v25  }
0x2ab: {  	v3 =	vor.u32 v3, v4  }
0x2ac: {  	v4 =	vperm.xlane v3, v0;
	_ =	sdelay $0x1  }
0x2ad: {  	v3 =	vperm.xlane v3, v2;
	v4 =	vadd.s32 v1, v4;
	_ =	sdelay $0x1  }
0x2ae: {  	v3 =	vadd.s32 v1, v3;
	_ =	sdelay $0x1  }
0x2af: {  	s16 =	simm.s32 $0x2C80  }
0x2b0: {  	[tilespmem:s16], [sflag:$0x1] =	stream.indirect_vreg.gather [hbm4b:s3+s2], $0x80, v4, vm0, $0xb8;
	[tilespmem:$0x1A480] =	vst v63  }
0x2b1: {  	s6 =	simm.s32 $0x3480  }
0x2b2: {  	[tilespmem:s6], [sflag:$0x1] =	stream.indirect_vreg.gather [hbm4b:s3+s2], $0x80, v3, vm0, $0xb8;
	[tilespmem:$0x1A480] =	vst v63  }
0x2b3: {  	v3 =	vld [tilespmem:$0x360];
	_ =	sdelay $0x4  }
0x2b4: {  	v26 =	vshll.u32 v3, $0x1  }
0x2b5: {  	v3 =	vand.u32 $0x7, v3;
	v4 =	vand.u32 $0xFFFFFFF0, v26  }
0x2b6: {  	v3 =	vor.u32 v3, v4  }
0x2b7: {  	v4 =	vperm.xlane v3, v0;
	_ =	sdelay $0x1  }
0x2b8: {  	v3 =	vperm.xlane v3, v2;
	v4 =	vadd.s32 v1, v4;
	_ =	sdelay $0x1  }
0x2b9: {  	v3 =	vadd.s32 v1, v3;
	_ =	sdelay $0x2  }
0x2ba: {  	[tilespmem:s10], [sflag:$0x1] =	stream.indirect_vreg.gather [hbm4b:s3+s2], $0x80, v4, vm0, $0xb8;
	[tilespmem:$0x1A480] =	vst v63  }
0x2bb: {  	s6 =	simm.s32 $0x4480  }
0x2bc: {  	[tilespmem:s6], [sflag:$0x1] =	stream.indirect_vreg.gather [hbm4b:s3+s2], $0x80, v3, vm0, $0xb8;
	[tilespmem:$0x1A480] =	vst v63  }
0x2bd: {  	v3 =	vld.msk [tilespmem:$0x370], $0xff;
	_ =	sdelay $0x4  }
0x2be: {  	v27 =	vshll.u32 v3, $0x1  }
0x2bf: {  	v3 =	vand.u32 $0x7, v3;
	v4 =	vand.u32 $0xFFFFFFF0, v27  }
0x2c0: {  	v3 =	vor.u32 v3, v4  }
0x2c1: {  	v3 =	vperm.xlane v3, v0;
	_ =	sdelay $0x1  }
0x2c2: {  	v3 =	vadd.s32 v1, v3;
	_ =	sdelay $0x3  }
0x2c3: {  	s16 =	simm.s32 $0x4C80  }
0x2c4: {  	[tilespmem:s16], [sflag:$0x1] =	stream.indirect_vreg.gather [hbm4b:s3+s2], $0x80, v3, vm0, $0xb8;
	[tilespmem:$0x1A480] =	vst v63  }
0x2c5: {  	v3 =	vld [tilespmem:$0x378];
	_ =	sdelay $0x4  }
0x2c6: {  	v28 =	vshll.u32 v3, $0x1  }
0x2c7: {  	v3 =	vand.u32 $0x7, v3;
	v4 =	vand.u32 $0xFFFFFFF0, v28  }
0x2c8: {  	v3 =	vor.u32 v3, v4  }
0x2c9: {  	v4 =	vperm.xlane v3, v0;
	_ =	sdelay $0x1  }
0x2ca: {  	v3 =	vperm.xlane v3, v2;
	v4 =	vadd.s32 v1, v4;
	_ =	sdelay $0x1  }
0x2cb: {  	v3 =	vadd.s32 v1, v3;
	_ =	sdelay $0x2  }
0x2cc: {  	[tilespmem:s11], [sflag:$0x1] =	stream.indirect_vreg.gather [hbm4b:s3+s2], $0x80, v4, vm0, $0xb8;
	[tilespmem:$0x1A480] =	vst v63  }
0x2cd: {  	_ = 	snop  }
0x2ce: {  	[tilespmem:s21], [sflag:$0x1] =	stream.indirect_vreg.gather [hbm4b:s3+s2], $0x80, v3, vm0, $0xb8;
	[tilespmem:$0x1A480] =	vst v63  }
0x2cf: {  	v3 =	vld [tilespmem:$0x388];
	_ =	sdelay $0x4  }
0x2d0: {  	v29 =	vshll.u32 v3, $0x1  }
0x2d1: {  	v3 =	vand.u32 $0x7, v3;
	v4 =	vand.u32 $0xFFFFFFF0, v29  }
0x2d2: {  	v3 =	vor.u32 v3, v4  }
0x2d3: {  	v4 =	vperm.xlane v3, v0;
	_ =	sdelay $0x1  }
0x2d4: {  	v3 =	vperm.xlane v3, v2;
	v4 =	vadd.s32 v1, v4;
	_ =	sdelay $0x1  }
0x2d5: {  	v3 =	vadd.s32 v1, v3;
	_ =	sdelay $0x2  }
0x2d6: {  	[tilespmem:s12], [sflag:$0x1] =	stream.indirect_vreg.gather [hbm4b:s3+s2], $0x80, v4, vm0, $0xb8;
	[tilespmem:$0x1A480] =	vst v63  }
0x2d7: {  	_ = 	snop  }
0x2d8: {  	[tilespmem:s22], [sflag:$0x1] =	stream.indirect_vreg.gather [hbm4b:s3+s2], $0x80, v3, vm0, $0xb8;
	[tilespmem:$0x1A480] =	vst v63  }
0x2d9: {  	v3 =	vld [tilespmem:$0x398];
	_ =	sdelay $0x4  }
0x2da: {  	v30 =	vshll.u32 v3, $0x1  }
0x2db: {  	v3 =	vand.u32 $0x7, v3;
	v4 =	vand.u32 $0xFFFFFFF0, v30  }
0x2dc: {  	v3 =	vor.u32 v3, v4  }
0x2dd: {  	v4 =	vperm.xlane v3, v0;
	_ =	sdelay $0x1  }
0x2de: {  	v3 =	vperm.xlane v3, v2;
	v4 =	vadd.s32 v1, v4;
	_ =	sdelay $0x1  }
0x2df: {  	v3 =	vadd.s32 v1, v3;
	_ =	sdelay $0x2  }
0x2e0: {  	[tilespmem:s19], [sflag:$0x1] =	stream.indirect_vreg.gather [hbm4b:s3+s2], $0x80, v4, vm0, $0xb8;
	[tilespmem:$0x1A480] =	vst v63  }
0x2e1: {  	_ = 	snop  }
0x2e2: {  	[tilespmem:s24], [sflag:$0x1] =	stream.indirect_vreg.gather [hbm4b:s3+s2], $0x80, v3, vm0, $0xb8;
	[tilespmem:$0x1A480] =	vst v63  }
0x2e3: {  	v3 =	vld [tilespmem:$0x3A8];
	_ =	sdelay $0x4  }
0x2e4: {  	v31 =	vshll.u32 v3, $0x1  }
0x2e5: {  	v3 =	vand.u32 $0x7, v3;
	v4 =	vand.u32 $0xFFFFFFF0, v31  }
0x2e6: {  	v3 =	vor.u32 v3, v4  }
0x2e7: {  	v4 =	vperm.xlane v3, v0;
	_ =	sdelay $0x1  }
0x2e8: {  	v3 =	vperm.xlane v3, v2;
	v4 =	vadd.s32 v1, v4;
	_ =	sdelay $0x1  }
0x2e9: {  	v3 =	vadd.s32 v1, v3;
	_ =	sdelay $0x2  }
0x2ea: {  	[tilespmem:s20], [sflag:$0x1] =	stream.indirect_vreg.gather [hbm4b:s3+s2], $0x80, v4, vm0, $0xb8;
	[tilespmem:$0x1A480] =	vst v63  }
0x2eb: {  	_ = 	snop  }
0x2ec: {  	[tilespmem:s25], [sflag:$0x1] =	stream.indirect_vreg.gather [hbm4b:s3+s2], $0x80, v3, vm0, $0xb8;
	[tilespmem:$0x1A480] =	vst v63  }
0x2ed: {  	_ =	swait.ge [sflag:s13], $0x4800  }
0x2ee: {  	[sflag:s13] =	ssyncset.done $0x0  }
0x2ef: {  	[sflag:s13] =	ssyncadd.s32 $0xFFFFB800  }
0x2f0: {  	_ =	swait.ge [sflag:s13], $0x4000  }
0x2f1: {  	[sflag:s13] =	ssyncset.done $0x0  }
0x2f2: {  	s20 =	simm.s32 $0x11C80;
	s19 =	rddreg [dreg:$0x9];
	[sflag:s13] =	ssyncadd.s32 $0xFFFFC000  }
0x2f3: {  	[hbm4b:s19+s2] =	stream.linear.scatter [tilespmem:s20], [sflag:$0x2], $0x8800, $0x38;
	[tilespmem:$0x1A480] =	vst v63  }
0x2f4: {  	_ =	swait.ge [sflag:s15], $0x8800  }
0x2f5: {  	[sflag:s15] =	ssyncset.done $0x0  }
0x2f6: {  	[sflag:s15] =	ssyncadd.s32 $0xFFFF7800  }
0x2f7: {  	v3 =	vld [tilespmem:$0x3B8];
	_ =	sdelay $0x4  }
0x2f8: {  	v32 =	vshll.u32 v3, $0x1  }
0x2f9: {  	v3 =	vand.u32 $0x7, v3;
	v4 =	vand.u32 $0xFFFFFFF0, v32  }
0x2fa: {  	v3 =	vor.u32 v3, v4  }
0x2fb: {  	v4 =	vperm.xlane v3, v0;
	_ =	sdelay $0x1  }
0x2fc: {  	v3 =	vperm.xlane v3, v2;
	v4 =	vadd.s32 v1, v4;
	_ =	sdelay $0x1  }
0x2fd: {  	v3 =	vadd.s32 v1, v3;
	_ =	sdelay $0x2  }
0x2fe: {  	[tilespmem:s1], [sflag:$0x1] =	stream.indirect_vreg.gather [hbm4b:s3+s2], $0x80, v4, vm0, $0xb8;
	[tilespmem:$0x1A480] =	vst v63  }
0x2ff: {  	s10 =	simm.s32 $0x9C80  }
0x300: {  	[tilespmem:s10], [sflag:$0x1] =	stream.indirect_vreg.gather [hbm4b:s3+s2], $0x80, v3, vm0, $0xb8;
	[tilespmem:$0x1A480] =	vst v63  }
0x301: {  	v3 =	vld [tilespmem:$0x3C8];
	_ =	sdelay $0x4  }
0x302: {  	v33 =	vshll.u32 v3, $0x1  }
0x303: {  	v3 =	vand.u32 $0x7, v3;
	v4 =	vand.u32 $0xFFFFFFF0, v33  }
0x304: {  	v3 =	vor.u32 v3, v4  }
0x305: {  	v4 =	vperm.xlane v3, v0;
	_ =	sdelay $0x1  }
0x306: {  	v3 =	vperm.xlane v3, v2;
	v4 =	vadd.s32 v1, v4;
	_ =	sdelay $0x1  }
0x307: {  	v3 =	vadd.s32 v1, v3;
	_ =	sdelay $0x2  }
0x308: {  	[tilespmem:s18], [sflag:$0x1] =	stream.indirect_vreg.gather [hbm4b:s3+s2], $0x80, v4, vm0, $0xb8;
	[tilespmem:$0x1A480] =	vst v63  }
0x309: {  	s24 =	simm.s32 $0xAC80  }
0x30a: {  	[tilespmem:s24], [sflag:$0x1] =	stream.indirect_vreg.gather [hbm4b:s3+s2], $0x80, v3, vm0, $0xb8;
	[tilespmem:$0x1A480] =	vst v63  }
0x30b: {  	v3 =	vld [tilespmem:$0x3D8];
	_ =	sdelay $0x4  }
0x30c: {  	v34 =	vshll.u32 v3, $0x1  }
0x30d: {  	v3 =	vand.u32 $0x7, v3;
	v4 =	vand.u32 $0xFFFFFFF0, v34  }
0x30e: {  	v3 =	vor.u32 v3, v4  }
0x30f: {  	v4 =	vperm.xlane v3, v0;
	_ =	sdelay $0x1  }
0x310: {  	v3 =	vperm.xlane v3, v2;
	v4 =	vadd.s32 v1, v4;
	_ =	sdelay $0x1  }
0x311: {  	v3 =	vadd.s32 v1, v3;
	_ =	sdelay $0x1  }
0x312: {  	s21 =	simm.s32 $0xB480  }
0x313: {  	[tilespmem:s21], [sflag:$0x1] =	stream.indirect_vreg.gather [hbm4b:s3+s2], $0x80, v4, vm0, $0xb8;
	[tilespmem:$0x1A480] =	vst v63  }
0x314: {  	s25 =	simm.s32 $0xBC80  }
0x315: {  	[tilespmem:s25], [sflag:$0x1] =	stream.indirect_vreg.gather [hbm4b:s3+s2], $0x80, v3, vm0, $0xb8;
	[tilespmem:$0x1A480] =	vst v63  }
0x316: {  	v3 =	vld [tilespmem:$0x3E8];
	_ =	sdelay $0x4  }
0x317: {  	v35 =	vshll.u32 v3, $0x1  }
0x318: {  	v3 =	vand.u32 $0x7, v3;
	v4 =	vand.u32 $0xFFFFFFF0, v35  }
0x319: {  	v3 =	vor.u32 v3, v4  }
0x31a: {  	v4 =	vperm.xlane v3, v0;
	_ =	sdelay $0x1  }
0x31b: {  	v3 =	vperm.xlane v3, v2;
	v4 =	vadd.s32 v1, v4;
	_ =	sdelay $0x1  }
0x31c: {  	v3 =	vadd.s32 v1, v3;
	_ =	sdelay $0x2  }
0x31d: {  	[tilespmem:s4], [sflag:$0x1] =	stream.indirect_vreg.gather [hbm4b:s3+s2], $0x80, v4, vm0, $0xb8;
	[tilespmem:$0x1A480] =	vst v63  }
0x31e: {  	s0 =	simm.s32 $0xCC80  }
0x31f: {  	[tilespmem:s0], [sflag:$0x1] =	stream.indirect_vreg.gather [hbm4b:s3+s2], $0x80, v3, vm0, $0xb8;
	[tilespmem:$0x1A480] =	vst v63  }
0x320: {  	v3 =	vld.msk [tilespmem:$0x3F8], $0xff;
	_ =	sdelay $0x4  }
0x321: {  	v36 =	vshll.u32 v3, $0x1  }
0x322: {  	v3 =	vand.u32 $0x7, v3;
	v4 =	vand.u32 $0xFFFFFFF0, v36  }
0x323: {  	v3 =	vor.u32 v3, v4  }
0x324: {  	v3 =	vperm.xlane v3, v0;
	_ =	sdelay $0x1  }
0x325: {  	v3 =	vadd.s32 v1, v3;
	_ =	sdelay $0x3  }
0x326: {  	s11 =	simm.s32 $0xD480  }
0x327: {  	[tilespmem:s11], [sflag:$0x1] =	stream.indirect_vreg.gather [hbm4b:s3+s2], $0x80, v3, vm0, $0xb8;
	[tilespmem:$0x1A480] =	vst v63  }
0x328: {  	v3 =	vld [tilespmem:$0x400];
	_ =	sdelay $0x4  }
0x329: {  	v37 =	vshll.u32 v3, $0x1  }
0x32a: {  	v3 =	vand.u32 $0x7, v3;
	v4 =	vand.u32 $0xFFFFFFF0, v37  }
0x32b: {  	v3 =	vor.u32 v3, v4  }
0x32c: {  	v4 =	vperm.xlane v3, v0;
	_ =	sdelay $0x1  }
0x32d: {  	v3 =	vperm.xlane v3, v2;
	v4 =	vadd.s32 v1, v4;
	_ =	sdelay $0x1  }
0x32e: {  	v3 =	vadd.s32 v1, v3;
	_ =	sdelay $0x2  }
0x32f: {  	[tilespmem:s5], [sflag:$0x1] =	stream.indirect_vreg.gather [hbm4b:s3+s2], $0x80, v4, vm0, $0xb8;
	[tilespmem:$0x1A480] =	vst v63  }
0x330: {  	s4 =	simm.s32 $0xE480  }
0x331: {  	[tilespmem:s4], [sflag:$0x1] =	stream.indirect_vreg.gather [hbm4b:s3+s2], $0x80, v3, vm0, $0xb8;
	[tilespmem:$0x1A480] =	vst v63  }
0x332: {  	v3 =	vld [tilespmem:$0x410];
	_ =	sdelay $0x4  }
0x333: {  	v38 =	vshll.u32 v3, $0x1  }
0x334: {  	v3 =	vand.u32 $0x7, v3;
	v4 =	vand.u32 $0xFFFFFFF0, v38  }
0x335: {  	v3 =	vor.u32 v3, v4  }
0x336: {  	v4 =	vperm.xlane v3, v0;
	_ =	sdelay $0x1  }
0x337: {  	v3 =	vperm.xlane v3, v2;
	v4 =	vadd.s32 v1, v4;
	_ =	sdelay $0x1  }
0x338: {  	v3 =	vadd.s32 v1, v3;
	_ =	sdelay $0x2  }
0x339: {  	[tilespmem:s28], [sflag:$0x1] =	stream.indirect_vreg.gather [hbm4b:s3+s2], $0x80, v4, vm0, $0xb8;
	[tilespmem:$0x1A480] =	vst v63  }
0x33a: {  	_ = 	snop  }
0x33b: {  	[tilespmem:s7], [sflag:$0x1] =	stream.indirect_vreg.gather [hbm4b:s3+s2], $0x80, v3, vm0, $0xb8;
	[tilespmem:$0x1A480] =	vst v63  }
0x33c: {  	v3 =	vld [tilespmem:$0x420];
	_ =	sdelay $0x4  }
0x33d: {  	v39 =	vshll.u32 v3, $0x1  }
0x33e: {  	v3 =	vand.u32 $0x7, v3;
	v4 =	vand.u32 $0xFFFFFFF0, v39  }
0x33f: {  	v3 =	vor.u32 v3, v4  }
0x340: {  	v4 =	vperm.xlane v3, v0;
	_ =	sdelay $0x1  }
0x341: {  	v3 =	vperm.xlane v3, v2;
	v4 =	vadd.s32 v1, v4;
	_ =	sdelay $0x1  }
0x342: {  	v3 =	vadd.s32 v1, v3;
	_ =	sdelay $0x2  }
0x343: {  	[tilespmem:s30], [sflag:$0x1] =	stream.indirect_vreg.gather [hbm4b:s3+s2], $0x80, v4, vm0, $0xb8;
	[tilespmem:$0x1A480] =	vst v63  }
0x344: {  	_ = 	snop  }
0x345: {  	[tilespmem:s8], [sflag:$0x1] =	stream.indirect_vreg.gather [hbm4b:s3+s2], $0x80, v3, vm0, $0xb8;
	[tilespmem:$0x1A480] =	vst v63  }
0x346: {  	v3 =	vld [tilespmem:$0x430];
	_ =	sdelay $0x4  }
0x347: {  	v40 =	vshll.u32 v3, $0x1  }
0x348: {  	v3 =	vand.u32 $0x7, v3;
	v4 =	vand.u32 $0xFFFFFFF0, v40  }
0x349: {  	v3 =	vor.u32 v3, v4  }
0x34a: {  	v4 =	vperm.xlane v3, v0;
	_ =	sdelay $0x1  }
0x34b: {  	v3 =	vperm.xlane v3, v2;
	v4 =	vadd.s32 v1, v4;
	_ =	sdelay $0x1  }
0x34c: {  	v3 =	vadd.s32 v1, v3;
	_ =	sdelay $0x2  }
0x34d: {  	[tilespmem:s31], [sflag:$0x1] =	stream.indirect_vreg.gather [hbm4b:s3+s2], $0x80, v4, vm0, $0xb8;
	[tilespmem:$0x1A480] =	vst v63  }
0x34e: {  	s5 =	simm.s32 $0x11480  }
0x34f: {  	[tilespmem:s5], [sflag:$0x1] =	stream.indirect_vreg.gather [hbm4b:s3+s2], $0x80, v3, vm0, $0xb8;
	[tilespmem:$0x1A480] =	vst v63  }
0x350: {  	_ =	swait.ge [sflag:s13], $0x4800  }
0x351: {  	[sflag:s13] =	ssyncset.done $0x0  }
0x352: {  	[sflag:s13] =	ssyncadd.s32 $0xFFFFB800  }
0x353: {  	_ =	swait.ge [sflag:s13], $0x4000  }
0x354: {  	[sflag:s13] =	ssyncset.done $0x0  }
0x355: {  	s1 =	simm.s32 $0xC80;
	s22 =	rddreg [dreg:$0xa];
	[sflag:s13] =	ssyncadd.s32 $0xFFFFC000  }
0x356: {  	[hbm4b:s22+s2] =	stream.linear.scatter [tilespmem:s1], [sflag:$0x2], $0x8800, $0x38;
	[tilespmem:$0x1A480] =	vst v63  }
0x357: {  	_ =	swait.ge [sflag:s15], $0x8800  }
0x358: {  	[sflag:s15] =	ssyncset.done $0x0  }
0x359: {  	[sflag:s15] =	ssyncadd.s32 $0xFFFF7800  }
0x35a: {  	v3 =	vld [tilespmem:$0x440];
	_ =	sdelay $0x4  }
0x35b: {  	v41 =	vshll.u32 v3, $0x1  }
0x35c: {  	v3 =	vand.u32 $0x7, v3;
	v4 =	vand.u32 $0xFFFFFFF0, v41  }
0x35d: {  	v3 =	vor.u32 v3, v4  }
0x35e: {  	v4 =	vperm.xlane v3, v0;
	_ =	sdelay $0x1  }
0x35f: {  	v3 =	vperm.xlane v3, v2;
	v4 =	vadd.s32 v1, v4;
	_ =	sdelay $0x1  }
0x360: {  	v3 =	vadd.s32 v1, v3;
	_ =	sdelay $0x2  }
0x361: {  	[tilespmem:s20], [sflag:$0x1] =	stream.indirect_vreg.gather [hbm4b:s3+s2], $0x80, v4, vm0, $0xb8;
	[tilespmem:$0x1A480] =	vst v63  }
0x362: {  	s31 =	simm.s32 $0x12480  }
0x363: {  	[tilespmem:s31], [sflag:$0x1] =	stream.indirect_vreg.gather [hbm4b:s3+s2], $0x80, v3, vm0, $0xb8;
	[tilespmem:$0x1A480] =	vst v63  }
0x364: {  	v3 =	vld [tilespmem:$0x450];
	_ =	sdelay $0x4  }
0x365: {  	v42 =	vshll.u32 v3, $0x1  }
0x366: {  	v3 =	vand.u32 $0x7, v3;
	v4 =	vand.u32 $0xFFFFFFF0, v42  }
0x367: {  	v3 =	vor.u32 v3, v4  }
0x368: {  	v4 =	vperm.xlane v3, v0;
	_ =	sdelay $0x1  }
0x369: {  	v3 =	vperm.xlane v3, v2;
	v4 =	vadd.s32 v1, v4;
	_ =	sdelay $0x1  }
0x36a: {  	v3 =	vadd.s32 v1, v3;
	_ =	sdelay $0x2  }
0x36b: {  	[tilespmem:s26], [sflag:$0x1] =	stream.indirect_vreg.gather [hbm4b:s3+s2], $0x80, v4, vm0, $0xb8;
	[tilespmem:$0x1A480] =	vst v63  }
0x36c: {  	s7 =	simm.s32 $0x13480  }
0x36d: {  	[tilespmem:s7], [sflag:$0x1] =	stream.indirect_vreg.gather [hbm4b:s3+s2], $0x80, v3, vm0, $0xb8;
	[tilespmem:$0x1A480] =	vst v63  }
0x36e: {  	v3 =	vld [tilespmem:$0x460];
	_ =	sdelay $0x4  }
0x36f: {  	v43 =	vshll.u32 v3, $0x1  }
0x370: {  	v3 =	vand.u32 $0x7, v3;
	v4 =	vand.u32 $0xFFFFFFF0, v43  }
0x371: {  	v3 =	vor.u32 v3, v4  }
0x372: {  	v4 =	vperm.xlane v3, v0;
	_ =	sdelay $0x1  }
0x373: {  	v3 =	vperm.xlane v3, v2;
	v4 =	vadd.s32 v1, v4;
	_ =	sdelay $0x1  }
0x374: {  	v3 =	vadd.s32 v1, v3;
	_ =	sdelay $0x2  }
0x375: {  	[tilespmem:s29], [sflag:$0x1] =	stream.indirect_vreg.gather [hbm4b:s3+s2], $0x80, v4, vm0, $0xb8;
	[tilespmem:$0x1A480] =	vst v63  }
0x376: {  	s28 =	simm.s32 $0x14480  }
0x377: {  	[tilespmem:s28], [sflag:$0x1] =	stream.indirect_vreg.gather [hbm4b:s3+s2], $0x80, v3, vm0, $0xb8;
	[tilespmem:$0x1A480] =	vst v63  }
0x378: {  	v3 =	vld [tilespmem:$0x470];
	_ =	sdelay $0x4  }
0x379: {  	v44 =	vshll.u32 v3, $0x1  }
0x37a: {  	v3 =	vand.u32 $0x7, v3;
	v4 =	vand.u32 $0xFFFFFFF0, v44  }
0x37b: {  	v3 =	vor.u32 v3, v4  }
0x37c: {  	v4 =	vperm.xlane v3, v0;
	_ =	sdelay $0x1  }
0x37d: {  	v3 =	vperm.xlane v3, v2;
	v4 =	vadd.s32 v1, v4;
	_ =	sdelay $0x1  }
0x37e: {  	v3 =	vadd.s32 v1, v3;
	_ =	sdelay $0x2  }
0x37f: {  	[tilespmem:s14], [sflag:$0x1] =	stream.indirect_vreg.gather [hbm4b:s3+s2], $0x80, v4, vm0, $0xb8;
	[tilespmem:$0x1A480] =	vst v63  }
0x380: {  	s29 =	simm.s32 $0x15480  }
0x381: {  	[tilespmem:s29], [sflag:$0x1] =	stream.indirect_vreg.gather [hbm4b:s3+s2], $0x80, v3, vm0, $0xb8;
	[tilespmem:$0x1A480] =	vst v63  }
0x382: {  	v3 =	vld.msk [tilespmem:$0x480], $0xff;
	_ =	sdelay $0x4  }
0x383: {  	v45 =	vshll.u32 v3, $0x1  }
0x384: {  	v3 =	vand.u32 $0x7, v3;
	v4 =	vand.u32 $0xFFFFFFF0, v45  }
0x385: {  	v3 =	vor.u32 v3, v4  }
0x386: {  	v3 =	vperm.xlane v3, v0;
	_ =	sdelay $0x1  }
0x387: {  	v3 =	vadd.s32 v1, v3;
	_ =	sdelay $0x3  }
0x388: {  	s30 =	simm.s32 $0x15C80  }
0x389: {  	[tilespmem:s30], [sflag:$0x1] =	stream.indirect_vreg.gather [hbm4b:s3+s2], $0x80, v3, vm0, $0xb8;
	[tilespmem:$0x1A480] =	vst v63  }
0x38a: {  	v3 =	vld [tilespmem:$0x488];
	_ =	sdelay $0x4  }
0x38b: {  	v46 =	vshll.u32 v3, $0x1  }
0x38c: {  	v3 =	vand.u32 $0x7, v3;
	v4 =	vand.u32 $0xFFFFFFF0, v46  }
0x38d: {  	v3 =	vor.u32 v3, v4  }
0x38e: {  	v4 =	vperm.xlane v3, v0;
	_ =	sdelay $0x1  }
0x38f: {  	v3 =	vperm.xlane v3, v2;
	v4 =	vadd.s32 v1, v4;
	_ =	sdelay $0x1  }
0x390: {  	v3 =	vadd.s32 v1, v3;
	_ =	sdelay $0x2  }
0x391: {  	[tilespmem:s9], [sflag:$0x1] =	stream.indirect_vreg.gather [hbm4b:s3+s2], $0x80, v4, vm0, $0xb8;
	[tilespmem:$0x1A480] =	vst v63  }
0x392: {  	s14 =	simm.s32 $0x16C80  }
0x393: {  	[tilespmem:s14], [sflag:$0x1] =	stream.indirect_vreg.gather [hbm4b:s3+s2], $0x80, v3, vm0, $0xb8;
	[tilespmem:$0x1A480] =	vst v63  }
0x394: {  	v3 =	vld [tilespmem:$0x498];
	_ =	sdelay $0x4  }
0x395: {  	v47 =	vshll.u32 v3, $0x1  }
0x396: {  	v3 =	vand.u32 $0x7, v3;
	v4 =	vand.u32 $0xFFFFFFF0, v47  }
0x397: {  	v3 =	vor.u32 v3, v4  }
0x398: {  	v4 =	vperm.xlane v3, v0;
	_ =	sdelay $0x1  }
0x399: {  	v3 =	vperm.xlane v3, v2;
	v4 =	vadd.s32 v1, v4;
	_ =	sdelay $0x1  }
0x39a: {  	v3 =	vadd.s32 v1, v3;
	_ =	sdelay $0x1  }
0x39b: {  	s18 =	simm.s32 $0x17480  }
0x39c: {  	[tilespmem:s18], [sflag:$0x1] =	stream.indirect_vreg.gather [hbm4b:s3+s2], $0x80, v4, vm0, $0xb8;
	[tilespmem:$0x1A480] =	vst v63  }
0x39d: {  	s16 =	simm.s32 $0x17C80  }
0x39e: {  	[tilespmem:s16], [sflag:$0x1] =	stream.indirect_vreg.gather [hbm4b:s3+s2], $0x80, v3, vm0, $0xb8;
	[tilespmem:$0x1A480] =	vst v63  }
0x39f: {  	v3 =	vld [tilespmem:$0x4A8];
	_ =	sdelay $0x4  }
0x3a0: {  	v48 =	vshll.u32 v3, $0x1  }
0x3a1: {  	v3 =	vand.u32 $0x7, v3;
	v4 =	vand.u32 $0xFFFFFFF0, v48  }
0x3a2: {  	v3 =	vor.u32 v3, v4  }
0x3a3: {  	v4 =	vperm.xlane v3, v0;
	_ =	sdelay $0x1  }
0x3a4: {  	v3 =	vperm.xlane v3, v2;
	v4 =	vadd.s32 v1, v4;
	_ =	sdelay $0x1  }
0x3a5: {  	v3 =	vadd.s32 v1, v3;
	_ =	sdelay $0x1  }
0x3a6: {  	s19 =	simm.s32 $0x18480  }
0x3a7: {  	[tilespmem:s19], [sflag:$0x1] =	stream.indirect_vreg.gather [hbm4b:s3+s2], $0x80, v4, vm0, $0xb8;
	[tilespmem:$0x1A480] =	vst v63  }
0x3a8: {  	s20 =	simm.s32 $0x18C80  }
0x3a9: {  	[tilespmem:s20], [sflag:$0x1] =	stream.indirect_vreg.gather [hbm4b:s3+s2], $0x80, v3, vm0, $0xb8;
	[tilespmem:$0x1A480] =	vst v63  }
0x3aa: {  	v3 =	vld [tilespmem:$0x4B8];
	_ =	sdelay $0x4  }
0x3ab: {  	v49 =	vshll.u32 v3, $0x1  }
0x3ac: {  	v3 =	vand.u32 $0x7, v3;
	v4 =	vand.u32 $0xFFFFFFF0, v49  }
0x3ad: {  	v3 =	vor.u32 v3, v4  }
0x3ae: {  	v4 =	vperm.xlane v3, v0;
	_ =	sdelay $0x1  }
0x3af: {  	v3 =	vperm.xlane v3, v2;
	v4 =	vadd.s32 v1, v4;
	_ =	sdelay $0x1  }
0x3b0: {  	v3 =	vadd.s32 v1, v3;
	_ =	sdelay $0x2  }
0x3b1: {  	[tilespmem:s17], [sflag:$0x1] =	stream.indirect_vreg.gather [hbm4b:s3+s2], $0x80, v4, vm0, $0xb8;
	[tilespmem:$0x1A480] =	vst v63  }
0x3b2: {  	s21 =	simm.s32 $0x19C80  }
0x3b3: {  	[tilespmem:s21], [sflag:$0x1] =	stream.indirect_vreg.gather [hbm4b:s3+s2], $0x80, v3, vm0, $0xb8;
	[tilespmem:$0x1A480] =	vst v63  }
0x3b4: {  	_ =	swait.ge [sflag:s13], $0x4800  }
0x3b5: {  	[sflag:s13] =	ssyncset.done $0x0  }
0x3b6: {  	[sflag:s13] =	ssyncadd.s32 $0xFFFFB800  }
0x3b7: {  	_ =	swait.ge [sflag:s13], $0x4000  }
0x3b8: {  	[sflag:s13] =	ssyncset.done $0x0  }
0x3b9: {  	s17 =	simm.s32 $0x9480;
	s22 =	rddreg [dreg:$0xb];
	[sflag:s13] =	ssyncadd.s32 $0xFFFFC000  }
0x3ba: {  	[hbm4b:s22+s2] =	stream.linear.scatter [tilespmem:s17], [sflag:$0x2], $0x8800, $0x38;
	[tilespmem:$0x1A480] =	vst v63  }
0x3bb: {  	_ =	swait.ge [sflag:s15], $0x8800  }
0x3bc: {  	[sflag:s15] =	ssyncset.done $0x0  }
0x3bd: {  	[sflag:s15] =	ssyncadd.s32 $0xFFFF7800  }
0x3be: {  	v3 =	vld [tilespmem:$0x4C8];
	_ =	sdelay $0x4  }
0x3bf: {  	v50 =	vshll.u32 v3, $0x1  }
0x3c0: {  	v3 =	vand.u32 $0x7, v3;
	v4 =	vand.u32 $0xFFFFFFF0, v50  }
0x3c1: {  	v3 =	vor.u32 v3, v4  }
0x3c2: {  	v4 =	vperm.xlane v3, v0;
	_ =	sdelay $0x1  }
0x3c3: {  	v3 =	vperm.xlane v3, v2;
	v4 =	vadd.s32 v1, v4;
	_ =	sdelay $0x1  }
0x3c4: {  	v3 =	vadd.s32 v1, v3;
	_ =	sdelay $0x2  }
0x3c5: {  	[tilespmem:s1], [sflag:$0x1] =	stream.indirect_vreg.gather [hbm4b:s3+s2], $0x80, v4, vm0, $0xb8;
	[tilespmem:$0x1A480] =	vst v63  }
0x3c6: {  	s1 =	simm.s32 $0x1480  }
0x3c7: {  	[tilespmem:s1], [sflag:$0x1] =	stream.indirect_vreg.gather [hbm4b:s3+s2], $0x80, v3, vm0, $0xb8;
	[tilespmem:$0x1A480] =	vst v63  }
0x3c8: {  	v3 =	vld [tilespmem:$0x4D8];
	_ =	sdelay $0x4  }
0x3c9: {  	v51 =	vshll.u32 v3, $0x1  }
0x3ca: {  	v3 =	vand.u32 $0x7, v3;
	v4 =	vand.u32 $0xFFFFFFF0, v51  }
0x3cb: {  	v3 =	vor.u32 v3, v4  }
0x3cc: {  	v4 =	vperm.xlane v3, v0;
	_ =	sdelay $0x1  }
0x3cd: {  	v3 =	vperm.xlane v3, v2;
	v4 =	vadd.s32 v1, v4;
	_ =	sdelay $0x1  }
0x3ce: {  	v3 =	vadd.s32 v1, v3;
	_ =	sdelay $0x2  }
0x3cf: {  	[tilespmem:s23], [sflag:$0x1] =	stream.indirect_vreg.gather [hbm4b:s3+s2], $0x80, v4, vm0, $0xb8;
	[tilespmem:$0x1A480] =	vst v63  }
0x3d0: {  	s26 =	simm.s32 $0x2480  }
0x3d1: {  	[tilespmem:s26], [sflag:$0x1] =	stream.indirect_vreg.gather [hbm4b:s3+s2], $0x80, v3, vm0, $0xb8;
	[tilespmem:$0x1A480] =	vst v63  }
0x3d2: {  	v3 =	vld [tilespmem:$0x4E8];
	_ =	sdelay $0x4  }
0x3d3: {  	v52 =	vshll.u32 v3, $0x1  }
0x3d4: {  	v3 =	vand.u32 $0x7, v3;
	v4 =	vand.u32 $0xFFFFFFF0, v52  }
0x3d5: {  	v3 =	vor.u32 v3, v4  }
0x3d6: {  	v4 =	vperm.xlane v3, v0;
	_ =	sdelay $0x1  }
0x3d7: {  	v3 =	vperm.xlane v3, v2;
	v4 =	vadd.s32 v1, v4;
	_ =	sdelay $0x1  }
0x3d8: {  	v3 =	vadd.s32 v1, v3;
	_ =	sdelay $0x1  }
0x3d9: {  	s28 =	simm.s32 $0x2C80  }
0x3da: {  	[tilespmem:s28], [sflag:$0x1] =	stream.indirect_vreg.gather [hbm4b:s3+s2], $0x80, v4, vm0, $0xb8;
	[tilespmem:$0x1A480] =	vst v63  }
0x3db: {  	s29 =	simm.s32 $0x3480  }
0x3dc: {  	[tilespmem:s29], [sflag:$0x1] =	stream.indirect_vreg.gather [hbm4b:s3+s2], $0x80, v3, vm0, $0xb8;
	[tilespmem:$0x1A480] =	vst v63  }
0x3dd: {  	v3 =	vld [tilespmem:$0x4F8];
	_ =	sdelay $0x4  }
0x3de: {  	v53 =	vshll.u32 v3, $0x1  }
0x3df: {  	v3 =	vand.u32 $0x7, v3;
	v4 =	vand.u32 $0xFFFFFFF0, v53  }
0x3e0: {  	v3 =	vor.u32 v3, v4  }
0x3e1: {  	v4 =	vperm.xlane v3, v0;
	_ =	sdelay $0x1  }
0x3e2: {  	v3 =	vperm.xlane v3, v2;
	v4 =	vadd.s32 v1, v4;
	_ =	sdelay $0x1  }
0x3e3: {  	v3 =	vadd.s32 v1, v3;
	_ =	sdelay $0x1  }
0x3e4: {  	s9 =	simm.s32 $0x3C80  }
0x3e5: {  	[tilespmem:s9], [sflag:$0x1] =	stream.indirect_vreg.gather [hbm4b:s3+s2], $0x80, v4, vm0, $0xb8;
	[tilespmem:$0x1A480] =	vst v63  }
0x3e6: {  	_ = 	snop  }
0x3e7: {  	[tilespmem:s6], [sflag:$0x1] =	stream.indirect_vreg.gather [hbm4b:s3+s2], $0x80, v3, vm0, $0xb8;
	[tilespmem:$0x1A480] =	vst v63  }
0x3e8: {  	v3 =	vld.msk [tilespmem:$0x508], $0xff;
	_ =	sdelay $0x4  }
0x3e9: {  	v54 =	vshll.u32 v3, $0x1  }
0x3ea: {  	v3 =	vand.u32 $0x7, v3;
	v4 =	vand.u32 $0xFFFFFFF0, v54  }
0x3eb: {  	v3 =	vor.u32 v3, v4  }
0x3ec: {  	v3 =	vperm.xlane v3, v0;
	_ =	sdelay $0x1  }
0x3ed: {  	v3 =	vadd.s32 v1, v3;
	_ =	sdelay $0x3  }
0x3ee: {  	s30 =	simm.s32 $0x4C80  }
0x3ef: {  	[tilespmem:s30], [sflag:$0x1] =	stream.indirect_vreg.gather [hbm4b:s3+s2], $0x80, v3, vm0, $0xb8;
	[tilespmem:$0x1A480] =	vst v63  }
0x3f0: {  	v3 =	vld [tilespmem:$0x510];
	_ =	sdelay $0x4  }
0x3f1: {  	v55 =	vshll.u32 v3, $0x1  }
0x3f2: {  	v3 =	vand.u32 $0x7, v3;
	v4 =	vand.u32 $0xFFFFFFF0, v55  }
0x3f3: {  	v3 =	vor.u32 v3, v4  }
0x3f4: {  	v4 =	vperm.xlane v3, v0;
	_ =	sdelay $0x1  }
0x3f5: {  	v3 =	vperm.xlane v3, v2;
	v4 =	vadd.s32 v1, v4;
	_ =	sdelay $0x1  }
0x3f6: {  	v3 =	vadd.s32 v1, v3;
	_ =	sdelay $0x1  }
0x3f7: {  	s12 =	simm.s32 $0x5480  }
0x3f8: {  	[tilespmem:s12], [sflag:$0x1] =	stream.indirect_vreg.gather [hbm4b:s3+s2], $0x80, v4, vm0, $0xb8;
	[tilespmem:$0x1A480] =	vst v63  }
0x3f9: {  	s21 =	simm.s32 $0x5C80  }
0x3fa: {  	[tilespmem:s21], [sflag:$0x1] =	stream.indirect_vreg.gather [hbm4b:s3+s2], $0x80, v3, vm0, $0xb8;
	[tilespmem:$0x1A480] =	vst v63  }
0x3fb: {  	v3 =	vld [tilespmem:$0x520];
	_ =	sdelay $0x4  }
0x3fc: {  	v56 =	vshll.u32 v3, $0x1  }
0x3fd: {  	v3 =	vand.u32 $0x7, v3;
	v4 =	vand.u32 $0xFFFFFFF0, v56  }
0x3fe: {  	v3 =	vor.u32 v3, v4  }
0x3ff: {  	v4 =	vperm.xlane v3, v0;
	_ =	sdelay $0x1  }
0x400: {  	v3 =	vperm.xlane v3, v2;
	v4 =	vadd.s32 v1, v4;
	_ =	sdelay $0x1  }
0x401: {  	v3 =	vadd.s32 v1, v3;
	_ =	sdelay $0x1  }
0x402: {  	s14 =	simm.s32 $0x6480  }
0x403: {  	[tilespmem:s14], [sflag:$0x1] =	stream.indirect_vreg.gather [hbm4b:s3+s2], $0x80, v4, vm0, $0xb8;
	[tilespmem:$0x1A480] =	vst v63  }
0x404: {  	s22 =	simm.s32 $0x6C80  }
0x405: {  	[tilespmem:s22], [sflag:$0x1] =	stream.indirect_vreg.gather [hbm4b:s3+s2], $0x80, v3, vm0, $0xb8;
	[tilespmem:$0x1A480] =	vst v63  }
0x406: {  	v3 =	vld [tilespmem:$0x530];
	_ =	sdelay $0x4  }
0x407: {  	v57 =	vshll.u32 v3, $0x1  }
0x408: {  	v3 =	vand.u32 $0x7, v3;
	v4 =	vand.u32 $0xFFFFFFF0, v57  }
0x409: {  	v3 =	vor.u32 v3, v4  }
0x40a: {  	v4 =	vperm.xlane v3, v0;
	_ =	sdelay $0x1  }
0x40b: {  	v3 =	vperm.xlane v3, v2;
	v4 =	vadd.s32 v1, v4;
	_ =	sdelay $0x1  }
0x40c: {  	v3 =	vadd.s32 v1, v3;
	_ =	sdelay $0x1  }
0x40d: {  	s19 =	simm.s32 $0x7480  }
0x40e: {  	[tilespmem:s19], [sflag:$0x1] =	stream.indirect_vreg.gather [hbm4b:s3+s2], $0x80, v4, vm0, $0xb8;
	[tilespmem:$0x1A480] =	vst v63  }
0x40f: {  	s23 =	simm.s32 $0x7C80  }
0x410: {  	[tilespmem:s23], [sflag:$0x1] =	stream.indirect_vreg.gather [hbm4b:s3+s2], $0x80, v3, vm0, $0xb8;
	[tilespmem:$0x1A480] =	vst v63  }
0x411: {  	v3 =	vld [tilespmem:$0x540];
	_ =	sdelay $0x4  }
0x412: {  	v58 =	vshll.u32 v3, $0x1  }
0x413: {  	v3 =	vand.u32 $0x7, v3;
	v4 =	vand.u32 $0xFFFFFFF0, v58  }
0x414: {  	v3 =	vor.u32 v3, v4  }
0x415: {  	v4 =	vperm.xlane v3, v0;
	_ =	sdelay $0x1  }
0x416: {  	v3 =	vperm.xlane v3, v2;
	v4 =	vadd.s32 v1, v4;
	_ =	sdelay $0x1  }
0x417: {  	v3 =	vadd.s32 v1, v3;
	_ =	sdelay $0x1  }
0x418: {  	s20 =	simm.s32 $0x8480  }
0x419: {  	[tilespmem:s20], [sflag:$0x1] =	stream.indirect_vreg.gather [hbm4b:s3+s2], $0x80, v4, vm0, $0xb8;
	[tilespmem:$0x1A480] =	vst v63  }
0x41a: {  	s26 =	simm.s32 $0x8C80  }
0x41b: {  	[tilespmem:s26], [sflag:$0x1] =	stream.indirect_vreg.gather [hbm4b:s3+s2], $0x80, v3, vm0, $0xb8;
	[tilespmem:$0x1A480] =	vst v63  }
0x41c: {  	_ =	swait.ge [sflag:s13], $0x4800  }
0x41d: {  	[sflag:s13] =	ssyncset.done $0x0  }
0x41e: {  	[sflag:s13] =	ssyncadd.s32 $0xFFFFB800  }
0x41f: {  	_ =	swait.ge [sflag:s13], $0x4000  }
0x420: {  	[sflag:s13] =	ssyncset.done $0x0  }
0x421: {  	s28 =	simm.s32 $0x11C80;
	s6 =	rddreg [dreg:$0xc];
	[sflag:s13] =	ssyncadd.s32 $0xFFFFC000  }
0x422: {  	[hbm4b:s6+s2] =	stream.linear.scatter [tilespmem:s28], [sflag:$0x2], $0x8800, $0x38;
	[tilespmem:$0x1A480] =	vst v63  }
0x423: {  	_ =	swait.ge [sflag:s15], $0x8800  }
0x424: {  	[sflag:s15] =	ssyncset.done $0x0  }
0x425: {  	[sflag:s15] =	ssyncadd.s32 $0xFFFF7800  }
0x426: {  	v3 =	vld [tilespmem:$0x550];
	_ =	sdelay $0x4  }
0x427: {  	v59 =	vshll.u32 v3, $0x1  }
0x428: {  	v3 =	vand.u32 $0x7, v3;
	v4 =	vand.u32 $0xFFFFFFF0, v59  }
0x429: {  	v3 =	vor.u32 v3, v4  }
0x42a: {  	v4 =	vperm.xlane v3, v0;
	_ =	sdelay $0x1  }
0x42b: {  	v3 =	vperm.xlane v3, v2;
	v4 =	vadd.s32 v1, v4;
	_ =	sdelay $0x1  }
0x42c: {  	v3 =	vadd.s32 v1, v3;
	_ =	sdelay $0x2  }
0x42d: {  	[tilespmem:s17], [sflag:$0x1] =	stream.indirect_vreg.gather [hbm4b:s3+s2], $0x80, v4, vm0, $0xb8;
	[tilespmem:$0x1A480] =	vst v63  }
0x42e: {  	_ = 	snop  }
0x42f: {  	[tilespmem:s10], [sflag:$0x1] =	stream.indirect_vreg.gather [hbm4b:s3+s2], $0x80, v3, vm0, $0xb8;
	[tilespmem:$0x1A480] =	vst v63  }
0x430: {  	v3 =	vld [tilespmem:$0x560];
	_ =	sdelay $0x4  }
0x431: {  	v60 =	vshll.u32 v3, $0x1  }
0x432: {  	v3 =	vand.u32 $0x7, v3;
	v4 =	vand.u32 $0xFFFFFFF0, v60  }
0x433: {  	v3 =	vor.u32 v3, v4  }
0x434: {  	v4 =	vperm.xlane v3, v0;
	_ =	sdelay $0x1  }
0x435: {  	v3 =	vperm.xlane v3, v2;
	v4 =	vadd.s32 v1, v4;
	_ =	sdelay $0x1  }
0x436: {  	v3 =	vadd.s32 v1, v3;
	_ =	sdelay $0x1  }
0x437: {  	s17 =	simm.s32 $0xA480  }
0x438: {  	[tilespmem:s17], [sflag:$0x1] =	stream.indirect_vreg.gather [hbm4b:s3+s2], $0x80, v4, vm0, $0xb8;
	[tilespmem:$0x1A480] =	vst v63  }
0x439: {  	_ = 	snop  }
0x43a: {  	[tilespmem:s24], [sflag:$0x1] =	stream.indirect_vreg.gather [hbm4b:s3+s2], $0x80, v3, vm0, $0xb8;
	[tilespmem:$0x1A480] =	vst v63  }
0x43b: {  	v3 =	vld [tilespmem:$0x570];
	_ =	sdelay $0x4  }
0x43c: {  	v61 =	vshll.u32 v3, $0x1  }
0x43d: {  	v3 =	vand.u32 $0x7, v3;
	v4 =	vand.u32 $0xFFFFFFF0, v61  }
0x43e: {  	v3 =	vor.u32 v3, v4  }
0x43f: {  	v4 =	vperm.xlane v3, v0;
	_ =	sdelay $0x1  }
0x440: {  	v3 =	vperm.xlane v3, v2;
	v4 =	vadd.s32 v1, v4;
	_ =	sdelay $0x1  }
0x441: {  	v3 =	vadd.s32 v1, v3;
	_ =	sdelay $0x1  }
0x442: {  	s10 =	simm.s32 $0xB480  }
0x443: {  	[tilespmem:s10], [sflag:$0x1] =	stream.indirect_vreg.gather [hbm4b:s3+s2], $0x80, v4, vm0, $0xb8;
	[tilespmem:$0x1A480] =	vst v63  }
0x444: {  	_ = 	snop  }
0x445: {  	[tilespmem:s25], [sflag:$0x1] =	stream.indirect_vreg.gather [hbm4b:s3+s2], $0x80, v3, vm0, $0xb8;
	[tilespmem:$0x1A480] =	vst v63  }
0x446: {  	v3 =	vld [tilespmem:$0x580];
	_ =	sdelay $0x4  }
0x447: {  	v62 =	vshll.u32 v3, $0x1  }
0x448: {  	v3 =	vand.u32 $0x7, v3;
	v4 =	vand.u32 $0xFFFFFFF0, v62  }
0x449: {  	v3 =	vor.u32 v3, v4  }
0x44a: {  	v4 =	vperm.xlane v3, v0;
	_ =	sdelay $0x1  }
0x44b: {  	v3 =	vperm.xlane v3, v2;
	v4 =	vadd.s32 v1, v4;
	_ =	sdelay $0x1  }
0x44c: {  	v3 =	vadd.s32 v1, v3;
	_ =	sdelay $0x1  }
0x44d: {  	s17 =	simm.s32 $0xC480  }
0x44e: {  	[tilespmem:s17], [sflag:$0x1] =	stream.indirect_vreg.gather [hbm4b:s3+s2], $0x80, v4, vm0, $0xb8;
	[tilespmem:$0x1A480] =	vst v63  }
0x44f: {  	_ = 	snop  }
0x450: {  	[tilespmem:s0], [sflag:$0x1] =	stream.indirect_vreg.gather [hbm4b:s3+s2], $0x80, v3, vm0, $0xb8;
	[tilespmem:$0x1A480] =	vst v63  }
0x451: {  	v3 =	vld.msk [tilespmem:$0x590], $0xff;
	_ =	sdelay $0x4  }
0x452: {  	v63 =	vshll.u32 v3, $0x1  }
0x453: {  	v3 =	vand.u32 $0x7, v3;
	v4 =	vand.u32 $0xFFFFFFF0, v63  }
0x454: {  	v3 =	vor.u32 v3, v4  }
0x455: {  	v3 =	vperm.xlane v3, v0;
	_ =	sdelay $0x1  }
0x456: {  	v3 =	vadd.s32 v1, v3;
	_ =	sdelay $0x4  }
0x457: {  	[tilespmem:s11], [sflag:$0x1] =	stream.indirect_vreg.gather [hbm4b:s3+s2], $0x80, v3, vm0, $0xb8;
	[tilespmem:$0x1A480] =	vst v63  }
0x458: {  	v3 =	vld [tilespmem:$0x598];
	_ =	sdelay $0x4  }
0x459: {  	v8 =	vshll.u32 v3, $0x1  }
0x45a: {  	v3 =	vand.u32 $0x7, v3;
	v4 =	vand.u32 $0xFFFFFFF0, v8  }
0x45b: {  	v3 =	vor.u32 v3, v4  }
0x45c: {  	v4 =	vperm.xlane v3, v0;
	_ =	sdelay $0x1  }
0x45d: {  	v3 =	vperm.xlane v3, v2;
	v4 =	vadd.s32 v1, v4;
	_ =	sdelay $0x1  }
0x45e: {  	v3 =	vadd.s32 v1, v3;
	_ =	sdelay $0x1  }
0x45f: {  	s29 =	simm.s32 $0xDC80  }
0x460: {  	[tilespmem:s29], [sflag:$0x1] =	stream.indirect_vreg.gather [hbm4b:s3+s2], $0x80, v4, vm0, $0xb8;
	[tilespmem:$0x1A480] =	vst v63  }
0x461: {  	_ = 	snop  }
0x462: {  	[tilespmem:s4], [sflag:$0x1] =	stream.indirect_vreg.gather [hbm4b:s3+s2], $0x80, v3, vm0, $0xb8;
	[tilespmem:$0x1A480] =	vst v63  }
0x463: {  	v3 =	vld [tilespmem:$0x5A8];
	_ =	sdelay $0x4  }
0x464: {  	v9 =	vshll.u32 v3, $0x1  }
0x465: {  	v3 =	vand.u32 $0x7, v3;
	v4 =	vand.u32 $0xFFFFFFF0, v9  }
0x466: {  	v3 =	vor.u32 v3, v4  }
0x467: {  	v4 =	vperm.xlane v3, v0;
	_ =	sdelay $0x1  }
0x468: {  	v3 =	vperm.xlane v3, v2;
	v4 =	vadd.s32 v1, v4;
	_ =	sdelay $0x1  }
0x469: {  	v3 =	vadd.s32 v1, v3;
	_ =	sdelay $0x1  }
0x46a: {  	s25 =	simm.s32 $0xEC80  }
0x46b: {  	[tilespmem:s25], [sflag:$0x1] =	stream.indirect_vreg.gather [hbm4b:s3+s2], $0x80, v4, vm0, $0xb8;
	[tilespmem:$0x1A480] =	vst v63  }
0x46c: {  	s30 =	simm.s32 $0xF480  }
0x46d: {  	[tilespmem:s30], [sflag:$0x1] =	stream.indirect_vreg.gather [hbm4b:s3+s2], $0x80, v3, vm0, $0xb8;
	[tilespmem:$0x1A480] =	vst v63  }
0x46e: {  	v3 =	vld [tilespmem:$0x5B8];
	_ =	sdelay $0x4  }
0x46f: {  	v10 =	vshll.u32 v3, $0x1  }
0x470: {  	v3 =	vand.u32 $0x7, v3;
	v4 =	vand.u32 $0xFFFFFFF0, v10  }
0x471: {  	v3 =	vor.u32 v3, v4  }
0x472: {  	v4 =	vperm.xlane v3, v0;
	_ =	sdelay $0x1  }
0x473: {  	v3 =	vperm.xlane v3, v2;
	v4 =	vadd.s32 v1, v4;
	_ =	sdelay $0x1  }
0x474: {  	v3 =	vadd.s32 v1, v3;
	_ =	sdelay $0x1  }
0x475: {  	s11 =	simm.s32 $0xFC80  }
0x476: {  	[tilespmem:s11], [sflag:$0x1] =	stream.indirect_vreg.gather [hbm4b:s3+s2], $0x80, v4, vm0, $0xb8;
	[tilespmem:$0x1A480] =	vst v63  }
0x477: {  	s8 =	simm.s32 $0x10480  }
0x478: {  	[tilespmem:s8], [sflag:$0x1] =	stream.indirect_vreg.gather [hbm4b:s3+s2], $0x80, v3, vm0, $0xb8;
	[tilespmem:$0x1A480] =	vst v63  }
0x479: {  	v3 =	vld [tilespmem:$0x5C8];
	_ =	sdelay $0x4  }
0x47a: {  	v11 =	vshll.u32 v3, $0x1  }
0x47b: {  	v3 =	vand.u32 $0x7, v3;
	v4 =	vand.u32 $0xFFFFFFF0, v11  }
0x47c: {  	v3 =	vor.u32 v3, v4  }
0x47d: {  	v4 =	vperm.xlane v3, v0;
	_ =	sdelay $0x1  }
0x47e: {  	v3 =	vperm.xlane v3, v2;
	v4 =	vadd.s32 v1, v4;
	_ =	sdelay $0x1  }
0x47f: {  	v3 =	vadd.s32 v1, v3;
	_ =	sdelay $0x1  }
0x480: {  	s8 =	simm.s32 $0x10C80  }
0x481: {  	[tilespmem:s8], [sflag:$0x1] =	stream.indirect_vreg.gather [hbm4b:s3+s2], $0x80, v4, vm0, $0xb8;
	[tilespmem:$0x1A480] =	vst v63  }
0x482: {  	_ = 	snop  }
0x483: {  	[tilespmem:s5], [sflag:$0x1] =	stream.indirect_vreg.gather [hbm4b:s3+s2], $0x80, v3, vm0, $0xb8;
	[tilespmem:$0x1A480] =	vst v63  }
0x484: {  	_ =	swait.ge [sflag:s13], $0x4800  }
0x485: {  	[sflag:s13] =	ssyncset.done $0x0  }
0x486: {  	[sflag:s13] =	ssyncadd.s32 $0xFFFFB800  }
0x487: {  	_ =	swait.ge [sflag:s13], $0x4000  }
0x488: {  	[sflag:s13] =	ssyncset.done $0x0  }
0x489: {  	s30 =	simm.s32 $0xC80;
	s0 =	rddreg [dreg:$0xd];
	[sflag:s13] =	ssyncadd.s32 $0xFFFFC000  }
0x48a: {  	[hbm4b:s0+s2] =	stream.linear.scatter [tilespmem:s30], [sflag:$0x2], $0x8800, $0x38;
	[tilespmem:$0x1A480] =	vst v63  }
0x48b: {  	_ =	swait.ge [sflag:s15], $0x8800  }
0x48c: {  	[sflag:s15] =	ssyncset.done $0x0  }
0x48d: {  	[sflag:s15] =	ssyncadd.s32 $0xFFFF7800  }
0x48e: {  	v3 =	vld [tilespmem:$0x5D8];
	_ =	sdelay $0x4  }
0x48f: {  	v12 =	vshll.u32 v3, $0x1  }
0x490: {  	v3 =	vand.u32 $0x7, v3;
	v4 =	vand.u32 $0xFFFFFFF0, v12  }
0x491: {  	v3 =	vor.u32 v3, v4  }
0x492: {  	v4 =	vperm.xlane v3, v0;
	_ =	sdelay $0x1  }
0x493: {  	v3 =	vperm.xlane v3, v2;
	v4 =	vadd.s32 v1, v4;
	_ =	sdelay $0x1  }
0x494: {  	v3 =	vadd.s32 v1, v3;
	_ =	sdelay $0x2  }
0x495: {  	[tilespmem:s28], [sflag:$0x1] =	stream.indirect_vreg.gather [hbm4b:s3+s2], $0x80, v4, vm0, $0xb8;
	[tilespmem:$0x1A480] =	vst v63  }
0x496: {  	_ = 	snop  }
0x497: {  	[tilespmem:s31], [sflag:$0x1] =	stream.indirect_vreg.gather [hbm4b:s3+s2], $0x80, v3, vm0, $0xb8;
	[tilespmem:$0x1A480] =	vst v63  }
0x498: {  	v3 =	vld [tilespmem:$0x5E8];
	_ =	sdelay $0x4  }
0x499: {  	v13 =	vshll.u32 v3, $0x1  }
0x49a: {  	v3 =	vand.u32 $0x7, v3;
	v4 =	vand.u32 $0xFFFFFFF0, v13  }
0x49b: {  	v3 =	vor.u32 v3, v4  }
0x49c: {  	v4 =	vperm.xlane v3, v0;
	_ =	sdelay $0x1  }
0x49d: {  	v3 =	vperm.xlane v3, v2;
	v4 =	vadd.s32 v1, v4;
	_ =	sdelay $0x1  }
0x49e: {  	v3 =	vadd.s32 v1, v3;
	_ =	sdelay $0x1  }
0x49f: {  	s31 =	simm.s32 $0x12C80  }
0x4a0: {  	[tilespmem:s31], [sflag:$0x1] =	stream.indirect_vreg.gather [hbm4b:s3+s2], $0x80, v4, vm0, $0xb8;
	[tilespmem:$0x1A480] =	vst v63  }
0x4a1: {  	_ = 	snop  }
0x4a2: {  	[tilespmem:s7], [sflag:$0x1] =	stream.indirect_vreg.gather [hbm4b:s3+s2], $0x80, v3, vm0, $0xb8;
	[tilespmem:$0x1A480] =	vst v63  }
0x4a3: {  	v3 =	vld [tilespmem:$0x5F8];
	_ =	sdelay $0x4  }
0x4a4: {  	v14 =	vshll.u32 v3, $0x1  }
0x4a5: {  	v3 =	vand.u32 $0x7, v3;
	v4 =	vand.u32 $0xFFFFFFF0, v14  }
0x4a6: {  	v3 =	vor.u32 v3, v4  }
0x4a7: {  	v4 =	vperm.xlane v3, v0;
	_ =	sdelay $0x1  }
0x4a8: {  	v3 =	vperm.xlane v3, v2;
	v4 =	vadd.s32 v1, v4;
	_ =	sdelay $0x1  }
0x4a9: {  	v3 =	vadd.s32 v1, v3;
	_ =	sdelay $0x1  }
0x4aa: {  	s7 =	simm.s32 $0x13C80  }
0x4ab: {  	[tilespmem:s7], [sflag:$0x1] =	stream.indirect_vreg.gather [hbm4b:s3+s2], $0x80, v4, vm0, $0xb8;
	[tilespmem:$0x1A480] =	vst v63  }
0x4ac: {  	s4 =	simm.s32 $0x14480  }
0x4ad: {  	[tilespmem:s4], [sflag:$0x1] =	stream.indirect_vreg.gather [hbm4b:s3+s2], $0x80, v3, vm0, $0xb8;
	[tilespmem:$0x1A480] =	vst v63  }
0x4ae: {  	v3 =	vld [tilespmem:$0x608];
	_ =	sdelay $0x4  }
0x4af: {  	v15 =	vshll.u32 v3, $0x1  }
0x4b0: {  	v3 =	vand.u32 $0x7, v3;
	v4 =	vand.u32 $0xFFFFFFF0, v15  }
0x4b1: {  	v3 =	vor.u32 v3, v4  }
0x4b2: {  	v4 =	vperm.xlane v3, v0;
	_ =	sdelay $0x1  }
0x4b3: {  	v3 =	vperm.xlane v3, v2;
	v4 =	vadd.s32 v1, v4;
	_ =	sdelay $0x1  }
0x4b4: {  	v3 =	vadd.s32 v1, v3;
	_ =	sdelay $0x1  }
0x4b5: {  	s24 =	simm.s32 $0x14C80  }
0x4b6: {  	[tilespmem:s24], [sflag:$0x1] =	stream.indirect_vreg.gather [hbm4b:s3+s2], $0x80, v4, vm0, $0xb8;
	[tilespmem:$0x1A480] =	vst v63  }
0x4b7: {  	s5 =	simm.s32 $0x15480  }
0x4b8: {  	[tilespmem:s5], [sflag:$0x1] =	stream.indirect_vreg.gather [hbm4b:s3+s2], $0x80, v3, vm0, $0xb8;
	[tilespmem:$0x1A480] =	vst v63  }
0x4b9: {  	v3 =	vld.msk [tilespmem:$0x618], $0xff;
	_ =	sdelay $0x4  }
0x4ba: {  	v16 =	vshll.u32 v3, $0x1  }
0x4bb: {  	v3 =	vand.u32 $0x7, v3;
	v4 =	vand.u32 $0xFFFFFFF0, v16  }
0x4bc: {  	v3 =	vor.u32 v3, v4  }
0x4bd: {  	v3 =	vperm.xlane v3, v0;
	_ =	sdelay $0x1  }
0x4be: {  	v3 =	vadd.s32 v1, v3;
	_ =	sdelay $0x3  }
0x4bf: {  	s6 =	simm.s32 $0x15C80  }
0x4c0: {  	[tilespmem:s6], [sflag:$0x1] =	stream.indirect_vreg.gather [hbm4b:s3+s2], $0x80, v3, vm0, $0xb8;
	[tilespmem:$0x1A480] =	vst v63  }
0x4c1: {  	v3 =	vld [tilespmem:$0x620];
	_ =	sdelay $0x4  }
0x4c2: {  	v17 =	vshll.u32 v3, $0x1  }
0x4c3: {  	v3 =	vand.u32 $0x7, v3;
	v4 =	vand.u32 $0xFFFFFFF0, v17  }
0x4c4: {  	v3 =	vor.u32 v3, v4  }
0x4c5: {  	v4 =	vperm.xlane v3, v0;
	_ =	sdelay $0x1  }
0x4c6: {  	v3 =	vperm.xlane v3, v2;
	v4 =	vadd.s32 v1, v4;
	_ =	sdelay $0x1  }
0x4c7: {  	v3 =	vadd.s32 v1, v3;
	_ =	sdelay $0x1  }
0x4c8: {  	s25 =	simm.s32 $0x16480  }
0x4c9: {  	[tilespmem:s25], [sflag:$0x1] =	stream.indirect_vreg.gather [hbm4b:s3+s2], $0x80, v4, vm0, $0xb8;
	[tilespmem:$0x1A480] =	vst v63  }
0x4ca: {  	s16 =	simm.s32 $0x16C80  }
0x4cb: {  	[tilespmem:s16], [sflag:$0x1] =	stream.indirect_vreg.gather [hbm4b:s3+s2], $0x80, v3, vm0, $0xb8;
	[tilespmem:$0x1A480] =	vst v63  }
0x4cc: {  	v3 =	vld [tilespmem:$0x630];
	_ =	sdelay $0x4  }
0x4cd: {  	v18 =	vshll.u32 v3, $0x1  }
0x4ce: {  	v3 =	vand.u32 $0x7, v3;
	v4 =	vand.u32 $0xFFFFFFF0, v18  }
0x4cf: {  	v3 =	vor.u32 v3, v4  }
0x4d0: {  	v4 =	vperm.xlane v3, v0;
	_ =	sdelay $0x1  }
0x4d1: {  	v3 =	vperm.xlane v3, v2;
	v4 =	vadd.s32 v1, v4;
	_ =	sdelay $0x1  }
0x4d2: {  	v3 =	vadd.s32 v1, v3;
	_ =	sdelay $0x2  }
0x4d3: {  	[tilespmem:s18], [sflag:$0x1] =	stream.indirect_vreg.gather [hbm4b:s3+s2], $0x80, v4, vm0, $0xb8;
	[tilespmem:$0x1A480] =	vst v63  }
0x4d4: {  	s28 =	simm.s32 $0x17C80  }
0x4d5: {  	[tilespmem:s28], [sflag:$0x1] =	stream.indirect_vreg.gather [hbm4b:s3+s2], $0x80, v3, vm0, $0xb8;
	[tilespmem:$0x1A480] =	vst v63  }
0x4d6: {  	v3 =	vld [tilespmem:$0x640];
	_ =	sdelay $0x4  }
0x4d7: {  	v19 =	vshll.u32 v3, $0x1  }
0x4d8: {  	v3 =	vand.u32 $0x7, v3;
	v4 =	vand.u32 $0xFFFFFFF0, v19  }
0x4d9: {  	v3 =	vor.u32 v3, v4  }
0x4da: {  	v4 =	vperm.xlane v3, v0;
	_ =	sdelay $0x1  }
0x4db: {  	v3 =	vperm.xlane v3, v2;
	v4 =	vadd.s32 v1, v4;
	_ =	sdelay $0x1  }
0x4dc: {  	v3 =	vadd.s32 v1, v3;
	_ =	sdelay $0x1  }
0x4dd: {  	s18 =	simm.s32 $0x18480  }
0x4de: {  	[tilespmem:s18], [sflag:$0x1] =	stream.indirect_vreg.gather [hbm4b:s3+s2], $0x80, v4, vm0, $0xb8;
	[tilespmem:$0x1A480] =	vst v63  }
0x4df: {  	s4 =	simm.s32 $0x18C80  }
0x4e0: {  	[tilespmem:s4], [sflag:$0x1] =	stream.indirect_vreg.gather [hbm4b:s3+s2], $0x80, v3, vm0, $0xb8;
	[tilespmem:$0x1A480] =	vst v63  }
0x4e1: {  	v3 =	vld [tilespmem:$0x650];
	_ =	sdelay $0x4  }
0x4e2: {  	v20 =	vshll.u32 v3, $0x1  }
0x4e3: {  	v3 =	vand.u32 $0x7, v3;
	v4 =	vand.u32 $0xFFFFFFF0, v20  }
0x4e4: {  	v3 =	vor.u32 v3, v4  }
0x4e5: {  	v4 =	vperm.xlane v3, v0;
	_ =	sdelay $0x1  }
0x4e6: {  	v3 =	vperm.xlane v3, v2;
	v4 =	vadd.s32 v1, v4;
	_ =	sdelay $0x1  }
0x4e7: {  	v3 =	vadd.s32 v1, v3;
	_ =	sdelay $0x1  }
0x4e8: {  	s28 =	simm.s32 $0x19480  }
0x4e9: {  	[tilespmem:s28], [sflag:$0x1] =	stream.indirect_vreg.gather [hbm4b:s3+s2], $0x80, v4, vm0, $0xb8;
	[tilespmem:$0x1A480] =	vst v63  }
0x4ea: {  	s5 =	simm.s32 $0x19C80  }
0x4eb: {  	[tilespmem:s5], [sflag:$0x1] =	stream.indirect_vreg.gather [hbm4b:s3+s2], $0x80, v3, vm0, $0xb8;
	[tilespmem:$0x1A480] =	vst v63  }
0x4ec: {  	_ =	swait.ge [sflag:s13], $0x4800  }
0x4ed: {  	[sflag:s13] =	ssyncset.done $0x0  }
0x4ee: {  	[sflag:s13] =	ssyncadd.s32 $0xFFFFB800  }
0x4ef: {  	_ =	swait.ge [sflag:s13], $0x4000  }
0x4f0: {  	[sflag:s13] =	ssyncset.done $0x0  }
0x4f1: {  	s0 =	simm.s32 $0x9480;
	s6 =	rddreg [dreg:$0xe];
	[sflag:s13] =	ssyncadd.s32 $0xFFFFC000  }
0x4f2: {  	[hbm4b:s6+s2] =	stream.linear.scatter [tilespmem:s0], [sflag:$0x2], $0x8800, $0x38;
	[tilespmem:$0x1A480] =	vst v63  }
0x4f3: {  	_ =	swait.ge [sflag:s15], $0x8800  }
0x4f4: {  	[sflag:s15] =	ssyncset.done $0x0  }
0x4f5: {  	[sflag:s15] =	ssyncadd.s32 $0xFFFF7800  }
0x4f6: {  	v3 =	vld [tilespmem:$0x660];
	_ =	sdelay $0x4  }
0x4f7: {  	v21 =	vshll.u32 v3, $0x1  }
0x4f8: {  	v3 =	vand.u32 $0x7, v3;
	v4 =	vand.u32 $0xFFFFFFF0, v21  }
0x4f9: {  	v3 =	vor.u32 v3, v4  }
0x4fa: {  	v4 =	vperm.xlane v3, v0;
	_ =	sdelay $0x1  }
0x4fb: {  	v3 =	vperm.xlane v3, v2;
	v4 =	vadd.s32 v1, v4;
	_ =	sdelay $0x1  }
0x4fc: {  	v3 =	vadd.s32 v1, v3;
	_ =	sdelay $0x2  }
0x4fd: {  	[tilespmem:s30], [sflag:$0x1] =	stream.indirect_vreg.gather [hbm4b:s3+s2], $0x80, v4, vm0, $0xb8;
	[tilespmem:$0x1A480] =	vst v63  }
0x4fe: {  	_ = 	snop  }
0x4ff: {  	[tilespmem:s1], [sflag:$0x1] =	stream.indirect_vreg.gather [hbm4b:s3+s2], $0x80, v3, vm0, $0xb8;
	[tilespmem:$0x1A480] =	vst v63  }
0x500: {  	v3 =	vld [tilespmem:$0x670];
	_ =	sdelay $0x4  }
0x501: {  	v22 =	vshll.u32 v3, $0x1  }
0x502: {  	v3 =	vand.u32 $0x7, v3;
	v4 =	vand.u32 $0xFFFFFFF0, v22  }
0x503: {  	v3 =	vor.u32 v3, v4  }
0x504: {  	v4 =	vperm.xlane v3, v0;
	_ =	sdelay $0x1  }
0x505: {  	v3 =	vperm.xlane v3, v2;
	v4 =	vadd.s32 v1, v4;
	_ =	sdelay $0x1  }
0x506: {  	v3 =	vadd.s32 v1, v3;
	_ =	sdelay $0x1  }
0x507: {  	s30 =	simm.s32 $0x1C80  }
0x508: {  	[tilespmem:s30], [sflag:$0x1] =	stream.indirect_vreg.gather [hbm4b:s3+s2], $0x80, v4, vm0, $0xb8;
	[tilespmem:$0x1A480] =	vst v63  }
0x509: {  	s4 =	simm.s32 $0x2480  }
0x50a: {  	[tilespmem:s4], [sflag:$0x1] =	stream.indirect_vreg.gather [hbm4b:s3+s2], $0x80, v3, vm0, $0xb8;
	[tilespmem:$0x1A480] =	vst v63  }
0x50b: {  	v3 =	vld [tilespmem:$0x680];
	_ =	sdelay $0x4  }
0x50c: {  	v23 =	vshll.u32 v3, $0x1  }
0x50d: {  	v3 =	vand.u32 $0x7, v3;
	v4 =	vand.u32 $0xFFFFFFF0, v23  }
0x50e: {  	v3 =	vor.u32 v3, v4  }
0x50f: {  	v4 =	vperm.xlane v3, v0;
	_ =	sdelay $0x1  }
0x510: {  	v3 =	vperm.xlane v3, v2;
	v4 =	vadd.s32 v1, v4;
	_ =	sdelay $0x1  }
0x511: {  	v3 =	vadd.s32 v1, v3;
	_ =	sdelay $0x1  }
0x512: {  	s5 =	simm.s32 $0x2C80  }
0x513: {  	[tilespmem:s5], [sflag:$0x1] =	stream.indirect_vreg.gather [hbm4b:s3+s2], $0x80, v4, vm0, $0xb8;
	[tilespmem:$0x1A480] =	vst v63  }
0x514: {  	s6 =	simm.s32 $0x3480  }
0x515: {  	[tilespmem:s6], [sflag:$0x1] =	stream.indirect_vreg.gather [hbm4b:s3+s2], $0x80, v3, vm0, $0xb8;
	[tilespmem:$0x1A480] =	vst v63  }
0x516: {  	v3 =	vld [tilespmem:$0x690];
	_ =	sdelay $0x4  }
0x517: {  	v24 =	vshll.u32 v3, $0x1  }
0x518: {  	v3 =	vand.u32 $0x7, v3;
	v4 =	vand.u32 $0xFFFFFFF0, v24  }
0x519: {  	v3 =	vor.u32 v3, v4  }
0x51a: {  	v4 =	vperm.xlane v3, v0;
	_ =	sdelay $0x1  }
0x51b: {  	v3 =	vperm.xlane v3, v2;
	v4 =	vadd.s32 v1, v4;
	_ =	sdelay $0x1  }
0x51c: {  	v3 =	vadd.s32 v1, v3;
	_ =	sdelay $0x2  }
0x51d: {  	[tilespmem:s9], [sflag:$0x1] =	stream.indirect_vreg.gather [hbm4b:s3+s2], $0x80, v4, vm0, $0xb8;
	[tilespmem:$0x1A480] =	vst v63  }
0x51e: {  	s6 =	simm.s32 $0x4480  }
0x51f: {  	[tilespmem:s6], [sflag:$0x1] =	stream.indirect_vreg.gather [hbm4b:s3+s2], $0x80, v3, vm0, $0xb8;
	[tilespmem:$0x1A480] =	vst v63  }
0x520: {  	v3 =	vld.msk [tilespmem:$0x6A0], $0xff;
	_ =	sdelay $0x4  }
0x521: {  	v25 =	vshll.u32 v3, $0x1  }
0x522: {  	v3 =	vand.u32 $0x7, v3;
	v4 =	vand.u32 $0xFFFFFFF0, v25  }
0x523: {  	v3 =	vor.u32 v3, v4  }
0x524: {  	v3 =	vperm.xlane v3, v0;
	_ =	sdelay $0x1  }
0x525: {  	v3 =	vadd.s32 v1, v3;
	_ =	sdelay $0x3  }
0x526: {  	s9 =	simm.s32 $0x4C80  }
0x527: {  	[tilespmem:s9], [sflag:$0x1] =	stream.indirect_vreg.gather [hbm4b:s3+s2], $0x80, v3, vm0, $0xb8;
	[tilespmem:$0x1A480] =	vst v63  }
0x528: {  	v3 =	vld [tilespmem:$0x6A8];
	_ =	sdelay $0x4  }
0x529: {  	v26 =	vshll.u32 v3, $0x1  }
0x52a: {  	v3 =	vand.u32 $0x7, v3;
	v4 =	vand.u32 $0xFFFFFFF0, v26  }
0x52b: {  	v3 =	vor.u32 v3, v4  }
0x52c: {  	v4 =	vperm.xlane v3, v0;
	_ =	sdelay $0x1  }
0x52d: {  	v3 =	vperm.xlane v3, v2;
	v4 =	vadd.s32 v1, v4;
	_ =	sdelay $0x1  }
0x52e: {  	v3 =	vadd.s32 v1, v3;
	_ =	sdelay $0x2  }
0x52f: {  	[tilespmem:s12], [sflag:$0x1] =	stream.indirect_vreg.gather [hbm4b:s3+s2], $0x80, v4, vm0, $0xb8;
	[tilespmem:$0x1A480] =	vst v63  }
0x530: {  	_ = 	snop  }
0x531: {  	[tilespmem:s21], [sflag:$0x1] =	stream.indirect_vreg.gather [hbm4b:s3+s2], $0x80, v3, vm0, $0xb8;
	[tilespmem:$0x1A480] =	vst v63  }
0x532: {  	v3 =	vld [tilespmem:$0x6B8];
	_ =	sdelay $0x4  }
0x533: {  	v27 =	vshll.u32 v3, $0x1  }
0x534: {  	v3 =	vand.u32 $0x7, v3;
	v4 =	vand.u32 $0xFFFFFFF0, v27  }
0x535: {  	v3 =	vor.u32 v3, v4  }
0x536: {  	v4 =	vperm.xlane v3, v0;
	_ =	sdelay $0x1  }
0x537: {  	v3 =	vperm.xlane v3, v2;
	v4 =	vadd.s32 v1, v4;
	_ =	sdelay $0x1  }
0x538: {  	v3 =	vadd.s32 v1, v3;
	_ =	sdelay $0x2  }
0x539: {  	[tilespmem:s14], [sflag:$0x1] =	stream.indirect_vreg.gather [hbm4b:s3+s2], $0x80, v4, vm0, $0xb8;
	[tilespmem:$0x1A480] =	vst v63  }
0x53a: {  	_ = 	snop  }
0x53b: {  	[tilespmem:s22], [sflag:$0x1] =	stream.indirect_vreg.gather [hbm4b:s3+s2], $0x80, v3, vm0, $0xb8;
	[tilespmem:$0x1A480] =	vst v63  }
0x53c: {  	v3 =	vld [tilespmem:$0x6C8];
	_ =	sdelay $0x4  }
0x53d: {  	v28 =	vshll.u32 v3, $0x1  }
0x53e: {  	v3 =	vand.u32 $0x7, v3;
	v4 =	vand.u32 $0xFFFFFFF0, v28  }
0x53f: {  	v3 =	vor.u32 v3, v4  }
0x540: {  	v4 =	vperm.xlane v3, v0;
	_ =	sdelay $0x1  }
0x541: {  	v3 =	vperm.xlane v3, v2;
	v4 =	vadd.s32 v1, v4;
	_ =	sdelay $0x1  }
0x542: {  	v3 =	vadd.s32 v1, v3;
	_ =	sdelay $0x2  }
0x543: {  	[tilespmem:s19], [sflag:$0x1] =	stream.indirect_vreg.gather [hbm4b:s3+s2], $0x80, v4, vm0, $0xb8;
	[tilespmem:$0x1A480] =	vst v63  }
0x544: {  	_ = 	snop  }
0x545: {  	[tilespmem:s23], [sflag:$0x1] =	stream.indirect_vreg.gather [hbm4b:s3+s2], $0x80, v3, vm0, $0xb8;
	[tilespmem:$0x1A480] =	vst v63  }
0x546: {  	v3 =	vld [tilespmem:$0x6D8];
	_ =	sdelay $0x4  }
0x547: {  	v29 =	vshll.u32 v3, $0x1  }
0x548: {  	v3 =	vand.u32 $0x7, v3;
	v4 =	vand.u32 $0xFFFFFFF0, v29  }
0x549: {  	v3 =	vor.u32 v3, v4  }
0x54a: {  	v4 =	vperm.xlane v3, v0;
	_ =	sdelay $0x1  }
0x54b: {  	v3 =	vperm.xlane v3, v2;
	v4 =	vadd.s32 v1, v4;
	_ =	sdelay $0x1  }
0x54c: {  	v3 =	vadd.s32 v1, v3;
	_ =	sdelay $0x2  }
0x54d: {  	[tilespmem:s20], [sflag:$0x1] =	stream.indirect_vreg.gather [hbm4b:s3+s2], $0x80, v4, vm0, $0xb8;
	[tilespmem:$0x1A480] =	vst v63  }
0x54e: {  	_ = 	snop  }
0x54f: {  	[tilespmem:s26], [sflag:$0x1] =	stream.indirect_vreg.gather [hbm4b:s3+s2], $0x80, v3, vm0, $0xb8;
	[tilespmem:$0x1A480] =	vst v63  }
0x550: {  	_ =	swait.ge [sflag:s13], $0x4800  }
0x551: {  	[sflag:s13] =	ssyncset.done $0x0  }
0x552: {  	[sflag:s13] =	ssyncadd.s32 $0xFFFFB800  }
0x553: {  	_ =	swait.ge [sflag:s13], $0x4000  }
0x554: {  	[sflag:s13] =	ssyncset.done $0x0  }
0x555: {  	s9 =	simm.s32 $0x11C80;
	s14 =	rddreg [dreg:$0xf];
	[sflag:s13] =	ssyncadd.s32 $0xFFFFC000  }
0x556: {  	[hbm4b:s14+s2] =	stream.linear.scatter [tilespmem:s9], [sflag:$0x2], $0x8800, $0x38;
	[tilespmem:$0x1A480] =	vst v63  }
0x557: {  	_ =	swait.ge [sflag:s15], $0x8800  }
0x558: {  	[sflag:s15] =	ssyncset.done $0x0  }
0x559: {  	[sflag:s15] =	ssyncadd.s32 $0xFFFF7800  }
0x55a: {  	v3 =	vld [tilespmem:$0x6E8];
	_ =	sdelay $0x4  }
0x55b: {  	v30 =	vshll.u32 v3, $0x1  }
0x55c: {  	v3 =	vand.u32 $0x7, v3;
	v4 =	vand.u32 $0xFFFFFFF0, v30  }
0x55d: {  	v3 =	vor.u32 v3, v4  }
0x55e: {  	v4 =	vperm.xlane v3, v0;
	_ =	sdelay $0x1  }
0x55f: {  	v3 =	vperm.xlane v3, v2;
	v4 =	vadd.s32 v1, v4;
	_ =	sdelay $0x1  }
0x560: {  	v3 =	vadd.s32 v1, v3;
	_ =	sdelay $0x2  }
0x561: {  	[tilespmem:s0], [sflag:$0x1] =	stream.indirect_vreg.gather [hbm4b:s3+s2], $0x80, v4, vm0, $0xb8;
	[tilespmem:$0x1A480] =	vst v63  }
0x562: {  	s26 =	simm.s32 $0x9C80  }
0x563: {  	[tilespmem:s26], [sflag:$0x1] =	stream.indirect_vreg.gather [hbm4b:s3+s2], $0x80, v3, vm0, $0xb8;
	[tilespmem:$0x1A480] =	vst v63  }
0x564: {  	v3 =	vld [tilespmem:$0x6F8];
	_ =	sdelay $0x4  }
0x565: {  	v31 =	vshll.u32 v3, $0x1  }
0x566: {  	v3 =	vand.u32 $0x7, v3;
	v4 =	vand.u32 $0xFFFFFFF0, v31  }
0x567: {  	v3 =	vor.u32 v3, v4  }
0x568: {  	v4 =	vperm.xlane v3, v0;
	_ =	sdelay $0x1  }
0x569: {  	v3 =	vperm.xlane v3, v2;
	v4 =	vadd.s32 v1, v4;
	_ =	sdelay $0x1  }
0x56a: {  	v3 =	vadd.s32 v1, v3;
	_ =	sdelay $0x1  }
0x56b: {  	s16 =	simm.s32 $0xA480  }
0x56c: {  	[tilespmem:s16], [sflag:$0x1] =	stream.indirect_vreg.gather [hbm4b:s3+s2], $0x80, v4, vm0, $0xb8;
	[tilespmem:$0x1A480] =	vst v63  }
0x56d: {  	s21 =	simm.s32 $0xAC80  }
0x56e: {  	[tilespmem:s21], [sflag:$0x1] =	stream.indirect_vreg.gather [hbm4b:s3+s2], $0x80, v3, vm0, $0xb8;
	[tilespmem:$0x1A480] =	vst v63  }
0x56f: {  	v3 =	vld [tilespmem:$0x708];
	_ =	sdelay $0x4  }
0x570: {  	v32 =	vshll.u32 v3, $0x1  }
0x571: {  	v3 =	vand.u32 $0x7, v3;
	v4 =	vand.u32 $0xFFFFFFF0, v32  }
0x572: {  	v3 =	vor.u32 v3, v4  }
0x573: {  	v4 =	vperm.xlane v3, v0;
	_ =	sdelay $0x1  }
0x574: {  	v3 =	vperm.xlane v3, v2;
	v4 =	vadd.s32 v1, v4;
	_ =	sdelay $0x1  }
0x575: {  	v3 =	vadd.s32 v1, v3;
	_ =	sdelay $0x2  }
0x576: {  	[tilespmem:s10], [sflag:$0x1] =	stream.indirect_vreg.gather [hbm4b:s3+s2], $0x80, v4, vm0, $0xb8;
	[tilespmem:$0x1A480] =	vst v63  }
0x577: {  	s1 =	simm.s32 $0xBC80  }
0x578: {  	[tilespmem:s1], [sflag:$0x1] =	stream.indirect_vreg.gather [hbm4b:s3+s2], $0x80, v3, vm0, $0xb8;
	[tilespmem:$0x1A480] =	vst v63  }
0x579: {  	v3 =	vld [tilespmem:$0x718];
	_ =	sdelay $0x4  }
0x57a: {  	v33 =	vshll.u32 v3, $0x1  }
0x57b: {  	v3 =	vand.u32 $0x7, v3;
	v4 =	vand.u32 $0xFFFFFFF0, v33  }
0x57c: {  	v3 =	vor.u32 v3, v4  }
0x57d: {  	v4 =	vperm.xlane v3, v0;
	_ =	sdelay $0x1  }
0x57e: {  	v3 =	vperm.xlane v3, v2;
	v4 =	vadd.s32 v1, v4;
	_ =	sdelay $0x1  }
0x57f: {  	v3 =	vadd.s32 v1, v3;
	_ =	sdelay $0x2  }
0x580: {  	[tilespmem:s17], [sflag:$0x1] =	stream.indirect_vreg.gather [hbm4b:s3+s2], $0x80, v4, vm0, $0xb8;
	[tilespmem:$0x1A480] =	vst v63  }
0x581: {  	s17 =	simm.s32 $0xCC80  }
0x582: {  	[tilespmem:s17], [sflag:$0x1] =	stream.indirect_vreg.gather [hbm4b:s3+s2], $0x80, v3, vm0, $0xb8;
	[tilespmem:$0x1A480] =	vst v63  }
0x583: {  	v3 =	vld.msk [tilespmem:$0x728], $0xff;
	_ =	sdelay $0x4  }
0x584: {  	v34 =	vshll.u32 v3, $0x1  }
0x585: {  	v3 =	vand.u32 $0x7, v3;
	v4 =	vand.u32 $0xFFFFFFF0, v34  }
0x586: {  	v3 =	vor.u32 v3, v4  }
0x587: {  	v3 =	vperm.xlane v3, v0;
	_ =	sdelay $0x1  }
0x588: {  	v3 =	vadd.s32 v1, v3;
	_ =	sdelay $0x3  }
0x589: {  	s19 =	simm.s32 $0xD480  }
0x58a: {  	[tilespmem:s19], [sflag:$0x1] =	stream.indirect_vreg.gather [hbm4b:s3+s2], $0x80, v3, vm0, $0xb8;
	[tilespmem:$0x1A480] =	vst v63  }
0x58b: {  	v3 =	vld [tilespmem:$0x730];
	_ =	sdelay $0x4  }
0x58c: {  	v35 =	vshll.u32 v3, $0x1  }
0x58d: {  	v3 =	vand.u32 $0x7, v3;
	v4 =	vand.u32 $0xFFFFFFF0, v35  }
0x58e: {  	v3 =	vor.u32 v3, v4  }
0x58f: {  	v4 =	vperm.xlane v3, v0;
	_ =	sdelay $0x1  }
0x590: {  	v3 =	vperm.xlane v3, v2;
	v4 =	vadd.s32 v1, v4;
	_ =	sdelay $0x1  }
0x591: {  	v3 =	vadd.s32 v1, v3;
	_ =	sdelay $0x2  }
0x592: {  	[tilespmem:s29], [sflag:$0x1] =	stream.indirect_vreg.gather [hbm4b:s3+s2], $0x80, v4, vm0, $0xb8;
	[tilespmem:$0x1A480] =	vst v63  }
0x593: {  	s4 =	simm.s32 $0xE480  }
0x594: {  	[tilespmem:s4], [sflag:$0x1] =	stream.indirect_vreg.gather [hbm4b:s3+s2], $0x80, v3, vm0, $0xb8;
	[tilespmem:$0x1A480] =	vst v63  }
0x595: {  	v3 =	vld [tilespmem:$0x740];
	_ =	sdelay $0x4  }
0x596: {  	v36 =	vshll.u32 v3, $0x1  }
0x597: {  	v3 =	vand.u32 $0x7, v3;
	v4 =	vand.u32 $0xFFFFFFF0, v36  }
0x598: {  	v3 =	vor.u32 v3, v4  }
0x599: {  	v4 =	vperm.xlane v3, v0;
	_ =	sdelay $0x1  }
0x59a: {  	v3 =	vperm.xlane v3, v2;
	v4 =	vadd.s32 v1, v4;
	_ =	sdelay $0x1  }
0x59b: {  	v3 =	vadd.s32 v1, v3;
	_ =	sdelay $0x1  }
0x59c: {  	s20 =	simm.s32 $0xEC80  }
0x59d: {  	[tilespmem:s20], [sflag:$0x1] =	stream.indirect_vreg.gather [hbm4b:s3+s2], $0x80, v4, vm0, $0xb8;
	[tilespmem:$0x1A480] =	vst v63  }
0x59e: {  	s12 =	simm.s32 $0xF480  }
0x59f: {  	[tilespmem:s12], [sflag:$0x1] =	stream.indirect_vreg.gather [hbm4b:s3+s2], $0x80, v3, vm0, $0xb8;
	[tilespmem:$0x1A480] =	vst v63  }
0x5a0: {  	v3 =	vld [tilespmem:$0x750];
	_ =	sdelay $0x4  }
0x5a1: {  	v37 =	vshll.u32 v3, $0x1  }
0x5a2: {  	v3 =	vand.u32 $0x7, v3;
	v4 =	vand.u32 $0xFFFFFFF0, v37  }
0x5a3: {  	v3 =	vor.u32 v3, v4  }
0x5a4: {  	v4 =	vperm.xlane v3, v0;
	_ =	sdelay $0x1  }
0x5a5: {  	v3 =	vperm.xlane v3, v2;
	v4 =	vadd.s32 v1, v4;
	_ =	sdelay $0x1  }
0x5a6: {  	v3 =	vadd.s32 v1, v3;
	_ =	sdelay $0x2  }
0x5a7: {  	[tilespmem:s11], [sflag:$0x1] =	stream.indirect_vreg.gather [hbm4b:s3+s2], $0x80, v4, vm0, $0xb8;
	[tilespmem:$0x1A480] =	vst v63  }
0x5a8: {  	s14 =	simm.s32 $0x10480  }
0x5a9: {  	[tilespmem:s14], [sflag:$0x1] =	stream.indirect_vreg.gather [hbm4b:s3+s2], $0x80, v3, vm0, $0xb8;
	[tilespmem:$0x1A480] =	vst v63  }
0x5aa: {  	v3 =	vld [tilespmem:$0x760];
	_ =	sdelay $0x4  }
0x5ab: {  	v38 =	vshll.u32 v3, $0x1  }
0x5ac: {  	v3 =	vand.u32 $0x7, v3;
	v4 =	vand.u32 $0xFFFFFFF0, v38  }
0x5ad: {  	v3 =	vor.u32 v3, v4  }
0x5ae: {  	v4 =	vperm.xlane v3, v0;
	_ =	sdelay $0x1  }
0x5af: {  	v3 =	vperm.xlane v3, v2;
	v4 =	vadd.s32 v1, v4;
	_ =	sdelay $0x1  }
0x5b0: {  	v3 =	vadd.s32 v1, v3;
	_ =	sdelay $0x2  }
0x5b1: {  	[tilespmem:s8], [sflag:$0x1] =	stream.indirect_vreg.gather [hbm4b:s3+s2], $0x80, v4, vm0, $0xb8;
	[tilespmem:$0x1A480] =	vst v63  }
0x5b2: {  	s5 =	simm.s32 $0x11480  }
0x5b3: {  	[tilespmem:s5], [sflag:$0x1] =	stream.indirect_vreg.gather [hbm4b:s3+s2], $0x80, v3, vm0, $0xb8;
	[tilespmem:$0x1A480] =	vst v63  }
0x5b4: {  	_ =	swait.ge [sflag:s13], $0x4800  }
0x5b5: {  	[sflag:s13] =	ssyncset.done $0x0  }
0x5b6: {  	[sflag:s13] =	ssyncadd.s32 $0xFFFFB800  }
0x5b7: {  	_ =	swait.ge [sflag:s13], $0x4000  }
0x5b8: {  	[sflag:s13] =	ssyncset.done $0x0  }
0x5b9: {  	s23 =	simm.s32 $0xC80;
	s22 =	rddreg [dreg:$0x10];
	[sflag:s13] =	ssyncadd.s32 $0xFFFFC000  }
0x5ba: {  	[hbm4b:s22+s2] =	stream.linear.scatter [tilespmem:s23], [sflag:$0x2], $0x8800, $0x38;
	[tilespmem:$0x1A480] =	vst v63  }
0x5bb: {  	_ =	swait.ge [sflag:s15], $0x8800  }
0x5bc: {  	[sflag:s15] =	ssyncset.done $0x0  }
0x5bd: {  	[sflag:s15] =	ssyncadd.s32 $0xFFFF7800  }
0x5be: {  	v3 =	vld [tilespmem:$0x770];
	_ =	sdelay $0x4  }
0x5bf: {  	v39 =	vshll.u32 v3, $0x1  }
0x5c0: {  	v3 =	vand.u32 $0x7, v3;
	v4 =	vand.u32 $0xFFFFFFF0, v39  }
0x5c1: {  	v3 =	vor.u32 v3, v4  }
0x5c2: {  	v4 =	vperm.xlane v3, v0;
	_ =	sdelay $0x1  }
0x5c3: {  	v3 =	vperm.xlane v3, v2;
	v4 =	vadd.s32 v1, v4;
	_ =	sdelay $0x1  }
0x5c4: {  	v3 =	vadd.s32 v1, v3;
	_ =	sdelay $0x2  }
0x5c5: {  	[tilespmem:s9], [sflag:$0x1] =	stream.indirect_vreg.gather [hbm4b:s3+s2], $0x80, v4, vm0, $0xb8;
	[tilespmem:$0x1A480] =	vst v63  }
0x5c6: {  	s19 =	simm.s32 $0x12480  }
0x5c7: {  	[tilespmem:s19], [sflag:$0x1] =	stream.indirect_vreg.gather [hbm4b:s3+s2], $0x80, v3, vm0, $0xb8;
	[tilespmem:$0x1A480] =	vst v63  }
0x5c8: {  	v3 =	vld [tilespmem:$0x780];
	_ =	sdelay $0x4  }
0x5c9: {  	v40 =	vshll.u32 v3, $0x1  }
0x5ca: {  	v3 =	vand.u32 $0x7, v3;
	v4 =	vand.u32 $0xFFFFFFF0, v40  }
0x5cb: {  	v3 =	vor.u32 v3, v4  }
0x5cc: {  	v4 =	vperm.xlane v3, v0;
	_ =	sdelay $0x1  }
0x5cd: {  	v3 =	vperm.xlane v3, v2;
	v4 =	vadd.s32 v1, v4;
	_ =	sdelay $0x1  }
0x5ce: {  	v3 =	vadd.s32 v1, v3;
	_ =	sdelay $0x2  }
0x5cf: {  	[tilespmem:s31], [sflag:$0x1] =	stream.indirect_vreg.gather [hbm4b:s3+s2], $0x80, v4, vm0, $0xb8;
	[tilespmem:$0x1A480] =	vst v63  }
0x5d0: {  	s20 =	simm.s32 $0x13480  }
0x5d1: {  	[tilespmem:s20], [sflag:$0x1] =	stream.indirect_vreg.gather [hbm4b:s3+s2], $0x80, v3, vm0, $0xb8;
	[tilespmem:$0x1A480] =	vst v63  }
0x5d2: {  	v3 =	vld [tilespmem:$0x790];
	_ =	sdelay $0x4  }
0x5d3: {  	v41 =	vshll.u32 v3, $0x1  }
0x5d4: {  	v3 =	vand.u32 $0x7, v3;
	v4 =	vand.u32 $0xFFFFFFF0, v41  }
0x5d5: {  	v3 =	vor.u32 v3, v4  }
0x5d6: {  	v4 =	vperm.xlane v3, v0;
	_ =	sdelay $0x1  }
0x5d7: {  	v3 =	vperm.xlane v3, v2;
	v4 =	vadd.s32 v1, v4;
	_ =	sdelay $0x1  }
0x5d8: {  	v3 =	vadd.s32 v1, v3;
	_ =	sdelay $0x2  }
0x5d9: {  	[tilespmem:s7], [sflag:$0x1] =	stream.indirect_vreg.gather [hbm4b:s3+s2], $0x80, v4, vm0, $0xb8;
	[tilespmem:$0x1A480] =	vst v63  }
0x5da: {  	s7 =	simm.s32 $0x14480  }
0x5db: {  	[tilespmem:s7], [sflag:$0x1] =	stream.indirect_vreg.gather [hbm4b:s3+s2], $0x80, v3, vm0, $0xb8;
	[tilespmem:$0x1A480] =	vst v63  }
0x5dc: {  	v3 =	vld [tilespmem:$0x7A0];
	_ =	sdelay $0x4  }
0x5dd: {  	v42 =	vshll.u32 v3, $0x1  }
0x5de: {  	v3 =	vand.u32 $0x7, v3;
	v4 =	vand.u32 $0xFFFFFFF0, v42  }
0x5df: {  	v3 =	vor.u32 v3, v4  }
0x5e0: {  	v4 =	vperm.xlane v3, v0;
	_ =	sdelay $0x1  }
0x5e1: {  	v3 =	vperm.xlane v3, v2;
	v4 =	vadd.s32 v1, v4;
	_ =	sdelay $0x1  }
0x5e2: {  	v3 =	vadd.s32 v1, v3;
	_ =	sdelay $0x2  }
0x5e3: {  	[tilespmem:s24], [sflag:$0x1] =	stream.indirect_vreg.gather [hbm4b:s3+s2], $0x80, v4, vm0, $0xb8;
	[tilespmem:$0x1A480] =	vst v63  }
0x5e4: {  	s8 =	simm.s32 $0x15480  }
0x5e5: {  	[tilespmem:s8], [sflag:$0x1] =	stream.indirect_vreg.gather [hbm4b:s3+s2], $0x80, v3, vm0, $0xb8;
	[tilespmem:$0x1A480] =	vst v63  }
0x5e6: {  	v3 =	vld.msk [tilespmem:$0x7B0], $0xff;
	_ =	sdelay $0x4  }
0x5e7: {  	v43 =	vshll.u32 v3, $0x1  }
0x5e8: {  	v3 =	vand.u32 $0x7, v3;
	v4 =	vand.u32 $0xFFFFFFF0, v43  }
0x5e9: {  	v3 =	vor.u32 v3, v4  }
0x5ea: {  	v3 =	vperm.xlane v3, v0;
	_ =	sdelay $0x1  }
0x5eb: {  	v3 =	vadd.s32 v1, v3;
	_ =	sdelay $0x3  }
0x5ec: {  	s24 =	simm.s32 $0x15C80  }
0x5ed: {  	[tilespmem:s24], [sflag:$0x1] =	stream.indirect_vreg.gather [hbm4b:s3+s2], $0x80, v3, vm0, $0xb8;
	[tilespmem:$0x1A480] =	vst v63  }
0x5ee: {  	v3 =	vld [tilespmem:$0x7B8];
	_ =	sdelay $0x4  }
0x5ef: {  	v44 =	vshll.u32 v3, $0x1  }
0x5f0: {  	v3 =	vand.u32 $0x7, v3;
	v4 =	vand.u32 $0xFFFFFFF0, v44  }
0x5f1: {  	v3 =	vor.u32 v3, v4  }
0x5f2: {  	v4 =	vperm.xlane v3, v0;
	_ =	sdelay $0x1  }
0x5f3: {  	v3 =	vperm.xlane v3, v2;
	v4 =	vadd.s32 v1, v4;
	_ =	sdelay $0x1  }
0x5f4: {  	v3 =	vadd.s32 v1, v3;
	_ =	sdelay $0x2  }
0x5f5: {  	[tilespmem:s25], [sflag:$0x1] =	stream.indirect_vreg.gather [hbm4b:s3+s2], $0x80, v4, vm0, $0xb8;
	[tilespmem:$0x1A480] =	vst v63  }
0x5f6: {  	s11 =	simm.s32 $0x16C80  }
0x5f7: {  	[tilespmem:s11], [sflag:$0x1] =	stream.indirect_vreg.gather [hbm4b:s3+s2], $0x80, v3, vm0, $0xb8;
	[tilespmem:$0x1A480] =	vst v63  }
0x5f8: {  	v3 =	vld [tilespmem:$0x7C8];
	_ =	sdelay $0x4  }
0x5f9: {  	v45 =	vshll.u32 v3, $0x1  }
0x5fa: {  	v3 =	vand.u32 $0x7, v3;
	v4 =	vand.u32 $0xFFFFFFF0, v45  }
0x5fb: {  	v3 =	vor.u32 v3, v4  }
0x5fc: {  	v4 =	vperm.xlane v3, v0;
	_ =	sdelay $0x1  }
0x5fd: {  	v3 =	vperm.xlane v3, v2;
	v4 =	vadd.s32 v1, v4;
	_ =	sdelay $0x1  }
0x5fe: {  	v3 =	vadd.s32 v1, v3;
	_ =	sdelay $0x1  }
0x5ff: {  	s22 =	simm.s32 $0x17480  }
0x600: {  	[tilespmem:s22], [sflag:$0x1] =	stream.indirect_vreg.gather [hbm4b:s3+s2], $0x80, v4, vm0, $0xb8;
	[tilespmem:$0x1A480] =	vst v63  }
0x601: {  	s25 =	simm.s32 $0x17C80  }
0x602: {  	[tilespmem:s25], [sflag:$0x1] =	stream.indirect_vreg.gather [hbm4b:s3+s2], $0x80, v3, vm0, $0xb8;
	[tilespmem:$0x1A480] =	vst v63  }
0x603: {  	v3 =	vld [tilespmem:$0x7D8];
	_ =	sdelay $0x4  }
0x604: {  	v46 =	vshll.u32 v3, $0x1  }
0x605: {  	v3 =	vand.u32 $0x7, v3;
	v4 =	vand.u32 $0xFFFFFFF0, v46  }
0x606: {  	v3 =	vor.u32 v3, v4  }
0x607: {  	v4 =	vperm.xlane v3, v0;
	_ =	sdelay $0x1  }
0x608: {  	v3 =	vperm.xlane v3, v2;
	v4 =	vadd.s32 v1, v4;
	_ =	sdelay $0x1  }
0x609: {  	v3 =	vadd.s32 v1, v3;
	_ =	sdelay $0x2  }
0x60a: {  	[tilespmem:s18], [sflag:$0x1] =	stream.indirect_vreg.gather [hbm4b:s3+s2], $0x80, v4, vm0, $0xb8;
	[tilespmem:$0x1A480] =	vst v63  }
0x60b: {  	s9 =	simm.s32 $0x18C80  }
0x60c: {  	[tilespmem:s9], [sflag:$0x1] =	stream.indirect_vreg.gather [hbm4b:s3+s2], $0x80, v3, vm0, $0xb8;
	[tilespmem:$0x1A480] =	vst v63  }
0x60d: {  	v3 =	vld [tilespmem:$0x7E8];
	_ =	sdelay $0x4  }
0x60e: {  	v47 =	vshll.u32 v3, $0x1  }
0x60f: {  	v3 =	vand.u32 $0x7, v3;
	v4 =	vand.u32 $0xFFFFFFF0, v47  }
0x610: {  	v3 =	vor.u32 v3, v4  }
0x611: {  	v4 =	vperm.xlane v3, v0;
	_ =	sdelay $0x1  }
0x612: {  	v3 =	vperm.xlane v3, v2;
	v4 =	vadd.s32 v1, v4;
	_ =	sdelay $0x1  }
0x613: {  	v3 =	vadd.s32 v1, v3;
	_ =	sdelay $0x2  }
0x614: {  	[tilespmem:s28], [sflag:$0x1] =	stream.indirect_vreg.gather [hbm4b:s3+s2], $0x80, v4, vm0, $0xb8;
	[tilespmem:$0x1A480] =	vst v63  }
0x615: {  	s10 =	simm.s32 $0x19C80  }
0x616: {  	[tilespmem:s10], [sflag:$0x1] =	stream.indirect_vreg.gather [hbm4b:s3+s2], $0x80, v3, vm0, $0xb8;
	[tilespmem:$0x1A480] =	vst v63  }
0x617: {  	_ =	swait.ge [sflag:s13], $0x4800  }
0x618: {  	[sflag:s13] =	ssyncset.done $0x0  }
0x619: {  	[sflag:s13] =	ssyncadd.s32 $0xFFFFB800  }
0x61a: {  	_ =	swait.ge [sflag:s13], $0x4000  }
0x61b: {  	[sflag:s13] =	ssyncset.done $0x0  }
0x61c: {  	s24 =	simm.s32 $0x9480;
	s28 =	rddreg [dreg:$0x11];
	[sflag:s13] =	ssyncadd.s32 $0xFFFFC000  }
0x61d: {  	[hbm4b:s28+s2] =	stream.linear.scatter [tilespmem:s24], [sflag:$0x2], $0x8800, $0x38;
	[tilespmem:$0x1A480] =	vst v63  }
0x61e: {  	_ =	swait.ge [sflag:s15], $0x8800  }
0x61f: {  	[sflag:s15] =	ssyncset.done $0x0  }
0x620: {  	[sflag:s15] =	ssyncadd.s32 $0xFFFF7800  }
0x621: {  	v3 =	vld [tilespmem:$0x7F8];
	_ =	sdelay $0x4  }
0x622: {  	v48 =	vshll.u32 v3, $0x1  }
0x623: {  	v3 =	vand.u32 $0x7, v3;
	v4 =	vand.u32 $0xFFFFFFF0, v48  }
0x624: {  	v3 =	vor.u32 v3, v4  }
0x625: {  	v4 =	vperm.xlane v3, v0;
	_ =	sdelay $0x1  }
0x626: {  	v3 =	vperm.xlane v3, v2;
	v4 =	vadd.s32 v1, v4;
	_ =	sdelay $0x1  }
0x627: {  	v3 =	vadd.s32 v1, v3;
	_ =	sdelay $0x2  }
0x628: {  	[tilespmem:s23], [sflag:$0x1] =	stream.indirect_vreg.gather [hbm4b:s3+s2], $0x80, v4, vm0, $0xb8;
	[tilespmem:$0x1A480] =	vst v63  }
0x629: {  	s18 =	simm.s32 $0x1480  }
0x62a: {  	[tilespmem:s18], [sflag:$0x1] =	stream.indirect_vreg.gather [hbm4b:s3+s2], $0x80, v3, vm0, $0xb8;
	[tilespmem:$0x1A480] =	vst v63  }
0x62b: {  	v3 =	vld [tilespmem:$0x808];
	_ =	sdelay $0x4  }
0x62c: {  	v49 =	vshll.u32 v3, $0x1  }
0x62d: {  	v3 =	vand.u32 $0x7, v3;
	v4 =	vand.u32 $0xFFFFFFF0, v49  }
0x62e: {  	v3 =	vor.u32 v3, v4  }
0x62f: {  	v4 =	vperm.xlane v3, v0;
	_ =	sdelay $0x1  }
0x630: {  	v3 =	vperm.xlane v3, v2;
	v4 =	vadd.s32 v1, v4;
	_ =	sdelay $0x1  }
0x631: {  	v3 =	vadd.s32 v1, v3;
	_ =	sdelay $0x2  }
0x632: {  	[tilespmem:s30], [sflag:$0x1] =	stream.indirect_vreg.gather [hbm4b:s3+s2], $0x80, v4, vm0, $0xb8;
	[tilespmem:$0x1A480] =	vst v63  }
0x633: {  	s31 =	simm.s32 $0x2480  }
0x634: {  	[tilespmem:s31], [sflag:$0x1] =	stream.indirect_vreg.gather [hbm4b:s3+s2], $0x80, v3, vm0, $0xb8;
	[tilespmem:$0x1A480] =	vst v63  }
0x635: {  	v3 =	vld [tilespmem:$0x818];
	_ =	sdelay $0x4  }
0x636: {  	v50 =	vshll.u32 v3, $0x1  }
0x637: {  	v3 =	vand.u32 $0x7, v3;
	v4 =	vand.u32 $0xFFFFFFF0, v50  }
0x638: {  	v3 =	vor.u32 v3, v4  }
0x639: {  	v4 =	vperm.xlane v3, v0;
	_ =	sdelay $0x1  }
0x63a: {  	v3 =	vperm.xlane v3, v2;
	v4 =	vadd.s32 v1, v4;
	_ =	sdelay $0x1  }
0x63b: {  	v3 =	vadd.s32 v1, v3;
	_ =	sdelay $0x1  }
0x63c: {  	s16 =	simm.s32 $0x2C80  }
0x63d: {  	[tilespmem:s16], [sflag:$0x1] =	stream.indirect_vreg.gather [hbm4b:s3+s2], $0x80, v4, vm0, $0xb8;
	[tilespmem:$0x1A480] =	vst v63  }
0x63e: {  	s23 =	simm.s32 $0x3480  }
0x63f: {  	[tilespmem:s23], [sflag:$0x1] =	stream.indirect_vreg.gather [hbm4b:s3+s2], $0x80, v3, vm0, $0xb8;
	[tilespmem:$0x1A480] =	vst v63  }
0x640: {  	v3 =	vld [tilespmem:$0x828];
	_ =	sdelay $0x4  }
0x641: {  	v51 =	vshll.u32 v3, $0x1  }
0x642: {  	v3 =	vand.u32 $0x7, v3;
	v4 =	vand.u32 $0xFFFFFFF0, v51  }
0x643: {  	v3 =	vor.u32 v3, v4  }
0x644: {  	v4 =	vperm.xlane v3, v0;
	_ =	sdelay $0x1  }
0x645: {  	v3 =	vperm.xlane v3, v2;
	v4 =	vadd.s32 v1, v4;
	_ =	sdelay $0x1  }
0x646: {  	v3 =	vadd.s32 v1, v3;
	_ =	sdelay $0x1  }
0x647: {  	s25 =	simm.s32 $0x3C80  }
0x648: {  	[tilespmem:s25], [sflag:$0x1] =	stream.indirect_vreg.gather [hbm4b:s3+s2], $0x80, v4, vm0, $0xb8;
	[tilespmem:$0x1A480] =	vst v63  }
0x649: {  	_ = 	snop  }
0x64a: {  	[tilespmem:s6], [sflag:$0x1] =	stream.indirect_vreg.gather [hbm4b:s3+s2], $0x80, v3, vm0, $0xb8;
	[tilespmem:$0x1A480] =	vst v63  }
0x64b: {  	v3 =	vld.msk [tilespmem:$0x838], $0xff;
	_ =	sdelay $0x4  }
0x64c: {  	v52 =	vshll.u32 v3, $0x1  }
0x64d: {  	v3 =	vand.u32 $0x7, v3;
	v4 =	vand.u32 $0xFFFFFFF0, v52  }
0x64e: {  	v3 =	vor.u32 v3, v4  }
0x64f: {  	v3 =	vperm.xlane v3, v0;
	_ =	sdelay $0x1  }
0x650: {  	v3 =	vadd.s32 v1, v3;
	_ =	sdelay $0x3  }
0x651: {  	s28 =	simm.s32 $0x4C80  }
0x652: {  	[tilespmem:s28], [sflag:$0x1] =	stream.indirect_vreg.gather [hbm4b:s3+s2], $0x80, v3, vm0, $0xb8;
	[tilespmem:$0x1A480] =	vst v63  }
0x653: {  	v3 =	vld [tilespmem:$0x840];
	_ =	sdelay $0x4  }
0x654: {  	v53 =	vshll.u32 v3, $0x1  }
0x655: {  	v3 =	vand.u32 $0x7, v3;
	v4 =	vand.u32 $0xFFFFFFF0, v53  }
0x656: {  	v3 =	vor.u32 v3, v4  }
0x657: {  	v4 =	vperm.xlane v3, v0;
	_ =	sdelay $0x1  }
0x658: {  	v3 =	vperm.xlane v3, v2;
	v4 =	vadd.s32 v1, v4;
	_ =	sdelay $0x1  }
0x659: {  	v3 =	vadd.s32 v1, v3;
	_ =	sdelay $0x1  }
0x65a: {  	s23 =	simm.s32 $0x5480  }
0x65b: {  	[tilespmem:s23], [sflag:$0x1] =	stream.indirect_vreg.gather [hbm4b:s3+s2], $0x80, v4, vm0, $0xb8;
	[tilespmem:$0x1A480] =	vst v63  }
0x65c: {  	s30 =	simm.s32 $0x5C80  }
0x65d: {  	[tilespmem:s30], [sflag:$0x1] =	stream.indirect_vreg.gather [hbm4b:s3+s2], $0x80, v3, vm0, $0xb8;
	[tilespmem:$0x1A480] =	vst v63  }
0x65e: {  	v3 =	vld [tilespmem:$0x850];
	_ =	sdelay $0x4  }
0x65f: {  	v54 =	vshll.u32 v3, $0x1  }
0x660: {  	v3 =	vand.u32 $0x7, v3;
	v4 =	vand.u32 $0xFFFFFFF0, v54  }
0x661: {  	v3 =	vor.u32 v3, v4  }
0x662: {  	v4 =	vperm.xlane v3, v0;
	_ =	sdelay $0x1  }
0x663: {  	v3 =	vperm.xlane v3, v2;
	v4 =	vadd.s32 v1, v4;
	_ =	sdelay $0x1  }
0x664: {  	v3 =	vadd.s32 v1, v3;
	_ =	sdelay $0x1  }
0x665: {  	s25 =	simm.s32 $0x6480  }
0x666: {  	[tilespmem:s25], [sflag:$0x1] =	stream.indirect_vreg.gather [hbm4b:s3+s2], $0x80, v4, vm0, $0xb8;
	[tilespmem:$0x1A480] =	vst v63  }
0x667: {  	s31 =	simm.s32 $0x6C80  }
0x668: {  	[tilespmem:s31], [sflag:$0x1] =	stream.indirect_vreg.gather [hbm4b:s3+s2], $0x80, v3, vm0, $0xb8;
	[tilespmem:$0x1A480] =	vst v63  }
0x669: {  	v3 =	vld [tilespmem:$0x860];
	_ =	sdelay $0x4  }
0x66a: {  	v55 =	vshll.u32 v3, $0x1  }
0x66b: {  	v3 =	vand.u32 $0x7, v3;
	v4 =	vand.u32 $0xFFFFFFF0, v55  }
0x66c: {  	v3 =	vor.u32 v3, v4  }
0x66d: {  	v4 =	vperm.xlane v3, v0;
	_ =	sdelay $0x1  }
0x66e: {  	v3 =	vperm.xlane v3, v2;
	v4 =	vadd.s32 v1, v4;
	_ =	sdelay $0x1  }
0x66f: {  	v3 =	vadd.s32 v1, v3;
	_ =	sdelay $0x1  }
0x670: {  	s28 =	simm.s32 $0x7480  }
0x671: {  	[tilespmem:s28], [sflag:$0x1] =	stream.indirect_vreg.gather [hbm4b:s3+s2], $0x80, v4, vm0, $0xb8;
	[tilespmem:$0x1A480] =	vst v63  }
0x672: {  	s29 =	simm.s32 $0x7C80  }
0x673: {  	[tilespmem:s29], [sflag:$0x1] =	stream.indirect_vreg.gather [hbm4b:s3+s2], $0x80, v3, vm0, $0xb8;
	[tilespmem:$0x1A480] =	vst v63  }
0x674: {  	v3 =	vld [tilespmem:$0x870];
	_ =	sdelay $0x4  }
0x675: {  	v56 =	vshll.u32 v3, $0x1  }
0x676: {  	v3 =	vand.u32 $0x7, v3;
	v4 =	vand.u32 $0xFFFFFFF0, v56  }
0x677: {  	v3 =	vor.u32 v3, v4  }
0x678: {  	v4 =	vperm.xlane v3, v0;
	_ =	sdelay $0x1  }
0x679: {  	v3 =	vperm.xlane v3, v2;
	v4 =	vadd.s32 v1, v4;
	_ =	sdelay $0x1  }
0x67a: {  	v3 =	vadd.s32 v1, v3;
	_ =	sdelay $0x1  }
0x67b: {  	s29 =	simm.s32 $0x8480  }
0x67c: {  	[tilespmem:s29], [sflag:$0x1] =	stream.indirect_vreg.gather [hbm4b:s3+s2], $0x80, v4, vm0, $0xb8;
	[tilespmem:$0x1A480] =	vst v63  }
0x67d: {  	s0 =	simm.s32 $0x8C80  }
0x67e: {  	[tilespmem:s0], [sflag:$0x1] =	stream.indirect_vreg.gather [hbm4b:s3+s2], $0x80, v3, vm0, $0xb8;
	[tilespmem:$0x1A480] =	vst v63  }
0x67f: {  	_ =	swait.ge [sflag:s13], $0x4800  }
0x680: {  	[sflag:s13] =	ssyncset.done $0x0  }
0x681: {  	[sflag:s13] =	ssyncadd.s32 $0xFFFFB800  }
0x682: {  	_ =	swait.ge [sflag:s13], $0x4000  }
0x683: {  	[sflag:s13] =	ssyncset.done $0x0  }
0x684: {  	s0 =	simm.s32 $0x11C80;
	s6 =	rddreg [dreg:$0x12];
	[sflag:s13] =	ssyncadd.s32 $0xFFFFC000  }
0x685: {  	[hbm4b:s6+s2] =	stream.linear.scatter [tilespmem:s0], [sflag:$0x2], $0x8800, $0x38;
	[tilespmem:$0x1A480] =	vst v63  }
0x686: {  	_ =	swait.ge [sflag:s15], $0x8800  }
0x687: {  	[sflag:s15] =	ssyncset.done $0x0  }
0x688: {  	[sflag:s15] =	ssyncadd.s32 $0xFFFF7800  }
0x689: {  	v3 =	vld [tilespmem:$0x880];
	_ =	sdelay $0x4  }
0x68a: {  	v57 =	vshll.u32 v3, $0x1  }
0x68b: {  	v3 =	vand.u32 $0x7, v3;
	v4 =	vand.u32 $0xFFFFFFF0, v57  }
0x68c: {  	v3 =	vor.u32 v3, v4  }
0x68d: {  	v4 =	vperm.xlane v3, v0;
	_ =	sdelay $0x1  }
0x68e: {  	v3 =	vperm.xlane v3, v2;
	v4 =	vadd.s32 v1, v4;
	_ =	sdelay $0x1  }
0x68f: {  	v3 =	vadd.s32 v1, v3;
	_ =	sdelay $0x2  }
0x690: {  	[tilespmem:s24], [sflag:$0x1] =	stream.indirect_vreg.gather [hbm4b:s3+s2], $0x80, v4, vm0, $0xb8;
	[tilespmem:$0x1A480] =	vst v63  }
0x691: {  	_ = 	snop  }
0x692: {  	[tilespmem:s26], [sflag:$0x1] =	stream.indirect_vreg.gather [hbm4b:s3+s2], $0x80, v3, vm0, $0xb8;
	[tilespmem:$0x1A480] =	vst v63  }
0x693: {  	v3 =	vld [tilespmem:$0x890];
	_ =	sdelay $0x4  }
0x694: {  	v58 =	vshll.u32 v3, $0x1  }
0x695: {  	v3 =	vand.u32 $0x7, v3;
	v4 =	vand.u32 $0xFFFFFFF0, v58  }
0x696: {  	v3 =	vor.u32 v3, v4  }
0x697: {  	v4 =	vperm.xlane v3, v0;
	_ =	sdelay $0x1  }
0x698: {  	v3 =	vperm.xlane v3, v2;
	v4 =	vadd.s32 v1, v4;
	_ =	sdelay $0x1  }
0x699: {  	v3 =	vadd.s32 v1, v3;
	_ =	sdelay $0x1  }
0x69a: {  	s6 =	simm.s32 $0xA480  }
0x69b: {  	[tilespmem:s6], [sflag:$0x1] =	stream.indirect_vreg.gather [hbm4b:s3+s2], $0x80, v4, vm0, $0xb8;
	[tilespmem:$0x1A480] =	vst v63  }
0x69c: {  	_ = 	snop  }
0x69d: {  	[tilespmem:s21], [sflag:$0x1] =	stream.indirect_vreg.gather [hbm4b:s3+s2], $0x80, v3, vm0, $0xb8;
	[tilespmem:$0x1A480] =	vst v63  }
0x69e: {  	v3 =	vld [tilespmem:$0x8A0];
	_ =	sdelay $0x4  }
0x69f: {  	v59 =	vshll.u32 v3, $0x1  }
0x6a0: {  	v3 =	vand.u32 $0x7, v3;
	v4 =	vand.u32 $0xFFFFFFF0, v59  }
0x6a1: {  	v3 =	vor.u32 v3, v4  }
0x6a2: {  	v4 =	vperm.xlane v3, v0;
	_ =	sdelay $0x1  }
0x6a3: {  	v3 =	vperm.xlane v3, v2;
	v4 =	vadd.s32 v1, v4;
	_ =	sdelay $0x1  }
0x6a4: {  	v3 =	vadd.s32 v1, v3;
	_ =	sdelay $0x1  }
0x6a5: {  	s24 =	simm.s32 $0xB480  }
0x6a6: {  	[tilespmem:s24], [sflag:$0x1] =	stream.indirect_vreg.gather [hbm4b:s3+s2], $0x80, v4, vm0, $0xb8;
	[tilespmem:$0x1A480] =	vst v63  }
0x6a7: {  	_ = 	snop  }
0x6a8: {  	[tilespmem:s1], [sflag:$0x1] =	stream.indirect_vreg.gather [hbm4b:s3+s2], $0x80, v3, vm0, $0xb8;
	[tilespmem:$0x1A480] =	vst v63  }
0x6a9: {  	v3 =	vld [tilespmem:$0x8B0];
	_ =	sdelay $0x4  }
0x6aa: {  	v60 =	vshll.u32 v3, $0x1  }
0x6ab: {  	v3 =	vand.u32 $0x7, v3;
	v4 =	vand.u32 $0xFFFFFFF0, v60  }
0x6ac: {  	v3 =	vor.u32 v3, v4  }
0x6ad: {  	v4 =	vperm.xlane v3, v0;
	_ =	sdelay $0x1  }
0x6ae: {  	v3 =	vperm.xlane v3, v2;
	v4 =	vadd.s32 v1, v4;
	_ =	sdelay $0x1  }
0x6af: {  	v3 =	vadd.s32 v1, v3;
	_ =	sdelay $0x1  }
0x6b0: {  	s1 =	simm.s32 $0xC480  }
0x6b1: {  	[tilespmem:s1], [sflag:$0x1] =	stream.indirect_vreg.gather [hbm4b:s3+s2], $0x80, v4, vm0, $0xb8;
	[tilespmem:$0x1A480] =	vst v63  }
0x6b2: {  	_ = 	snop  }
0x6b3: {  	[tilespmem:s17], [sflag:$0x1] =	stream.indirect_vreg.gather [hbm4b:s3+s2], $0x80, v3, vm0, $0xb8;
	[tilespmem:$0x1A480] =	vst v63  }
0x6b4: {  	v3 =	vld.msk [tilespmem:$0x8C0], $0xff;
	_ =	sdelay $0x4  }
0x6b5: {  	v61 =	vshll.u32 v3, $0x1  }
0x6b6: {  	v3 =	vand.u32 $0x7, v3;
	v4 =	vand.u32 $0xFFFFFFF0, v61  }
0x6b7: {  	v3 =	vor.u32 v3, v4  }
0x6b8: {  	v3 =	vperm.xlane v3, v0;
	_ =	sdelay $0x1  }
0x6b9: {  	v3 =	vadd.s32 v1, v3;
	_ =	sdelay $0x3  }
0x6ba: {  	s21 =	simm.s32 $0xD480  }
0x6bb: {  	[tilespmem:s21], [sflag:$0x1] =	stream.indirect_vreg.gather [hbm4b:s3+s2], $0x80, v3, vm0, $0xb8;
	[tilespmem:$0x1A480] =	vst v63  }
0x6bc: {  	v3 =	vld [tilespmem:$0x8C8];
	_ =	sdelay $0x4  }
0x6bd: {  	v62 =	vshll.u32 v3, $0x1  }
0x6be: {  	v3 =	vand.u32 $0x7, v3;
	v4 =	vand.u32 $0xFFFFFFF0, v62  }
0x6bf: {  	v3 =	vor.u32 v3, v4  }
0x6c0: {  	v4 =	vperm.xlane v3, v0;
	_ =	sdelay $0x1  }
0x6c1: {  	v3 =	vperm.xlane v3, v2;
	v4 =	vadd.s32 v1, v4;
	_ =	sdelay $0x1  }
0x6c2: {  	v3 =	vadd.s32 v1, v3;
	_ =	sdelay $0x1  }
0x6c3: {  	s17 =	simm.s32 $0xDC80  }
0x6c4: {  	[tilespmem:s17], [sflag:$0x1] =	stream.indirect_vreg.gather [hbm4b:s3+s2], $0x80, v4, vm0, $0xb8;
	[tilespmem:$0x1A480] =	vst v63  }
0x6c5: {  	_ = 	snop  }
0x6c6: {  	[tilespmem:s4], [sflag:$0x1] =	stream.indirect_vreg.gather [hbm4b:s3+s2], $0x80, v3, vm0, $0xb8;
	[tilespmem:$0x1A480] =	vst v63  }
0x6c7: {  	v3 =	vld [tilespmem:$0x8D8];
	_ =	sdelay $0x4  }
0x6c8: {  	v63 =	vshll.u32 v3, $0x1  }
0x6c9: {  	v3 =	vand.u32 $0x7, v3;
	v4 =	vand.u32 $0xFFFFFFF0, v63  }
0x6ca: {  	v3 =	vor.u32 v3, v4  }
0x6cb: {  	v4 =	vperm.xlane v3, v0;
	_ =	sdelay $0x1  }
0x6cc: {  	v3 =	vperm.xlane v3, v2;
	v4 =	vadd.s32 v1, v4;
	_ =	sdelay $0x1  }
0x6cd: {  	v3 =	vadd.s32 v1, v3;
	_ =	sdelay $0x1  }
0x6ce: {  	s4 =	simm.s32 $0xEC80  }
0x6cf: {  	[tilespmem:s4], [sflag:$0x1] =	stream.indirect_vreg.gather [hbm4b:s3+s2], $0x80, v4, vm0, $0xb8;
	[tilespmem:$0x1A480] =	vst v63  }
0x6d0: {  	_ = 	snop  }
0x6d1: {  	[tilespmem:s12], [sflag:$0x1] =	stream.indirect_vreg.gather [hbm4b:s3+s2], $0x80, v3, vm0, $0xb8;
	[tilespmem:$0x1A480] =	vst v63  }
0x6d2: {  	v3 =	vld [tilespmem:$0x8E8];
	_ =	sdelay $0x4  }
0x6d3: {  	v8 =	vshll.u32 v3, $0x1  }
0x6d4: {  	v3 =	vand.u32 $0x7, v3;
	v4 =	vand.u32 $0xFFFFFFF0, v8  }
0x6d5: {  	v3 =	vor.u32 v3, v4  }
0x6d6: {  	v4 =	vperm.xlane v3, v0;
	_ =	sdelay $0x1  }
0x6d7: {  	v3 =	vperm.xlane v3, v2;
	v4 =	vadd.s32 v1, v4;
	_ =	sdelay $0x1  }
0x6d8: {  	v3 =	vadd.s32 v1, v3;
	_ =	sdelay $0x1  }
0x6d9: {  	s12 =	simm.s32 $0xFC80  }
0x6da: {  	[tilespmem:s12], [sflag:$0x1] =	stream.indirect_vreg.gather [hbm4b:s3+s2], $0x80, v4, vm0, $0xb8;
	[tilespmem:$0x1A480] =	vst v63  }
0x6db: {  	_ = 	snop  }
0x6dc: {  	[tilespmem:s14], [sflag:$0x1] =	stream.indirect_vreg.gather [hbm4b:s3+s2], $0x80, v3, vm0, $0xb8;
	[tilespmem:$0x1A480] =	vst v63  }
0x6dd: {  	v3 =	vld [tilespmem:$0x8F8];
	_ =	sdelay $0x4  }
0x6de: {  	v9 =	vshll.u32 v3, $0x1  }
0x6df: {  	v3 =	vand.u32 $0x7, v3;
	v4 =	vand.u32 $0xFFFFFFF0, v9  }
0x6e0: {  	v3 =	vor.u32 v3, v4  }
0x6e1: {  	v4 =	vperm.xlane v3, v0;
	_ =	sdelay $0x1  }
0x6e2: {  	v3 =	vperm.xlane v3, v2;
	v4 =	vadd.s32 v1, v4;
	_ =	sdelay $0x1  }
0x6e3: {  	v3 =	vadd.s32 v1, v3;
	_ =	sdelay $0x1  }
0x6e4: {  	s14 =	simm.s32 $0x10C80  }
0x6e5: {  	[tilespmem:s14], [sflag:$0x1] =	stream.indirect_vreg.gather [hbm4b:s3+s2], $0x80, v4, vm0, $0xb8;
	[tilespmem:$0x1A480] =	vst v63  }
0x6e6: {  	_ = 	snop  }
0x6e7: {  	[tilespmem:s5], [sflag:$0x1] =	stream.indirect_vreg.gather [hbm4b:s3+s2], $0x80, v3, vm0, $0xb8;
	[tilespmem:$0x1A480] =	vst v63  }
0x6e8: {  	_ =	swait.ge [sflag:s13], $0x4800  }
0x6e9: {  	[sflag:s13] =	ssyncset.done $0x0  }
0x6ea: {  	[sflag:s13] =	ssyncadd.s32 $0xFFFFB800  }
0x6eb: {  	_ =	swait.ge [sflag:s13], $0x4000  }
0x6ec: {  	[sflag:s13] =	ssyncset.done $0x0  }
0x6ed: {  	s5 =	simm.s32 $0xC80;
	s26 =	rddreg [dreg:$0x13];
	[sflag:s13] =	ssyncadd.s32 $0xFFFFC000  }
0x6ee: {  	[hbm4b:s26+s2] =	stream.linear.scatter [tilespmem:s5], [sflag:$0x2], $0x8800, $0x38;
	[tilespmem:$0x1A480] =	vst v63  }
0x6ef: {  	_ =	swait.ge [sflag:s15], $0x8800  }
0x6f0: {  	[sflag:s15] =	ssyncset.done $0x0  }
0x6f1: {  	[sflag:s15] =	ssyncadd.s32 $0xFFFF7800  }
0x6f2: {  	v3 =	vld [tilespmem:$0x908];
	_ =	sdelay $0x4  }
0x6f3: {  	v10 =	vshll.u32 v3, $0x1  }
0x6f4: {  	v3 =	vand.u32 $0x7, v3;
	v4 =	vand.u32 $0xFFFFFFF0, v10  }
0x6f5: {  	v3 =	vor.u32 v3, v4  }
0x6f6: {  	v4 =	vperm.xlane v3, v0;
	_ =	sdelay $0x1  }
0x6f7: {  	v3 =	vperm.xlane v3, v2;
	v4 =	vadd.s32 v1, v4;
	_ =	sdelay $0x1  }
0x6f8: {  	v3 =	vadd.s32 v1, v3;
	_ =	sdelay $0x2  }
0x6f9: {  	[tilespmem:s0], [sflag:$0x1] =	stream.indirect_vreg.gather [hbm4b:s3+s2], $0x80, v4, vm0, $0xb8;
	[tilespmem:$0x1A480] =	vst v63  }
0x6fa: {  	_ = 	snop  }
0x6fb: {  	[tilespmem:s19], [sflag:$0x1] =	stream.indirect_vreg.gather [hbm4b:s3+s2], $0x80, v3, vm0, $0xb8;
	[tilespmem:$0x1A480] =	vst v63  }
0x6fc: {  	v3 =	vld [tilespmem:$0x918];
	_ =	sdelay $0x4  }
0x6fd: {  	v11 =	vshll.u32 v3, $0x1  }
0x6fe: {  	v3 =	vand.u32 $0x7, v3;
	v4 =	vand.u32 $0xFFFFFFF0, v11  }
0x6ff: {  	v3 =	vor.u32 v3, v4  }
0x700: {  	v4 =	vperm.xlane v3, v0;
	_ =	sdelay $0x1  }
0x701: {  	v3 =	vperm.xlane v3, v2;
	v4 =	vadd.s32 v1, v4;
	_ =	sdelay $0x1  }
0x702: {  	v3 =	vadd.s32 v1, v3;
	_ =	sdelay $0x1  }
0x703: {  	s19 =	simm.s32 $0x12C80  }
0x704: {  	[tilespmem:s19], [sflag:$0x1] =	stream.indirect_vreg.gather [hbm4b:s3+s2], $0x80, v4, vm0, $0xb8;
	[tilespmem:$0x1A480] =	vst v63  }
0x705: {  	_ = 	snop  }
0x706: {  	[tilespmem:s20], [sflag:$0x1] =	stream.indirect_vreg.gather [hbm4b:s3+s2], $0x80, v3, vm0, $0xb8;
	[tilespmem:$0x1A480] =	vst v63  }
0x707: {  	v3 =	vld [tilespmem:$0x928];
	_ =	sdelay $0x4  }
0x708: {  	v12 =	vshll.u32 v3, $0x1  }
0x709: {  	v3 =	vand.u32 $0x7, v3;
	v4 =	vand.u32 $0xFFFFFFF0, v12  }
0x70a: {  	v3 =	vor.u32 v3, v4  }
0x70b: {  	v4 =	vperm.xlane v3, v0;
	_ =	sdelay $0x1  }
0x70c: {  	v3 =	vperm.xlane v3, v2;
	v4 =	vadd.s32 v1, v4;
	_ =	sdelay $0x1  }
0x70d: {  	v3 =	vadd.s32 v1, v3;
	_ =	sdelay $0x1  }
0x70e: {  	s21 =	simm.s32 $0x13C80  }
0x70f: {  	[tilespmem:s21], [sflag:$0x1] =	stream.indirect_vreg.gather [hbm4b:s3+s2], $0x80, v4, vm0, $0xb8;
	[tilespmem:$0x1A480] =	vst v63  }
0x710: {  	_ = 	snop  }
0x711: {  	[tilespmem:s7], [sflag:$0x1] =	stream.indirect_vreg.gather [hbm4b:s3+s2], $0x80, v3, vm0, $0xb8;
	[tilespmem:$0x1A480] =	vst v63  }
0x712: {  	v3 =	vld [tilespmem:$0x938];
	_ =	sdelay $0x4  }
0x713: {  	v13 =	vshll.u32 v3, $0x1  }
0x714: {  	v3 =	vand.u32 $0x7, v3;
	v4 =	vand.u32 $0xFFFFFFF0, v13  }
0x715: {  	v3 =	vor.u32 v3, v4  }
0x716: {  	v4 =	vperm.xlane v3, v0;
	_ =	sdelay $0x1  }
0x717: {  	v3 =	vperm.xlane v3, v2;
	v4 =	vadd.s32 v1, v4;
	_ =	sdelay $0x1  }
0x718: {  	v3 =	vadd.s32 v1, v3;
	_ =	sdelay $0x1  }
0x719: {  	s0 =	simm.s32 $0x14C80  }
0x71a: {  	[tilespmem:s0], [sflag:$0x1] =	stream.indirect_vreg.gather [hbm4b:s3+s2], $0x80, v4, vm0, $0xb8;
	[tilespmem:$0x1A480] =	vst v63  }
0x71b: {  	_ = 	snop  }
0x71c: {  	[tilespmem:s8], [sflag:$0x1] =	stream.indirect_vreg.gather [hbm4b:s3+s2], $0x80, v3, vm0, $0xb8;
	[tilespmem:$0x1A480] =	vst v63  }
0x71d: {  	v3 =	vld.msk [tilespmem:$0x948], $0xff;
	_ =	sdelay $0x4  }
0x71e: {  	v14 =	vshll.u32 v3, $0x1  }
0x71f: {  	v3 =	vand.u32 $0x7, v3;
	v4 =	vand.u32 $0xFFFFFFF0, v14  }
0x720: {  	v3 =	vor.u32 v3, v4  }
0x721: {  	v3 =	vperm.xlane v3, v0;
	_ =	sdelay $0x1  }
0x722: {  	v3 =	vadd.s32 v1, v3;
	_ =	sdelay $0x3  }
0x723: {  	s8 =	simm.s32 $0x15C80  }
0x724: {  	[tilespmem:s8], [sflag:$0x1] =	stream.indirect_vreg.gather [hbm4b:s3+s2], $0x80, v3, vm0, $0xb8;
	[tilespmem:$0x1A480] =	vst v63  }
0x725: {  	v3 =	vld [tilespmem:$0x950];
	_ =	sdelay $0x4  }
0x726: {  	v15 =	vshll.u32 v3, $0x1  }
0x727: {  	v3 =	vand.u32 $0x7, v3;
	v4 =	vand.u32 $0xFFFFFFF0, v15  }
0x728: {  	v3 =	vor.u32 v3, v4  }
0x729: {  	v4 =	vperm.xlane v3, v0;
	_ =	sdelay $0x1  }
0x72a: {  	v3 =	vperm.xlane v3, v2;
	v4 =	vadd.s32 v1, v4;
	_ =	sdelay $0x1  }
0x72b: {  	v3 =	vadd.s32 v1, v3;
	_ =	sdelay $0x1  }
0x72c: {  	s7 =	simm.s32 $0x16480  }
0x72d: {  	[tilespmem:s7], [sflag:$0x1] =	stream.indirect_vreg.gather [hbm4b:s3+s2], $0x80, v4, vm0, $0xb8;
	[tilespmem:$0x1A480] =	vst v63  }
0x72e: {  	_ = 	snop  }
0x72f: {  	[tilespmem:s11], [sflag:$0x1] =	stream.indirect_vreg.gather [hbm4b:s3+s2], $0x80, v3, vm0, $0xb8;
	[tilespmem:$0x1A480] =	vst v63  }
0x730: {  	v3 =	vld [tilespmem:$0x960];
	_ =	sdelay $0x4  }
0x731: {  	v16 =	vshll.u32 v3, $0x1  }
0x732: {  	v3 =	vand.u32 $0x7, v3;
	v4 =	vand.u32 $0xFFFFFFF0, v16  }
0x733: {  	v3 =	vor.u32 v3, v4  }
0x734: {  	v4 =	vperm.xlane v3, v0;
	_ =	sdelay $0x1  }
0x735: {  	v3 =	vperm.xlane v3, v2;
	v4 =	vadd.s32 v1, v4;
	_ =	sdelay $0x1  }
0x736: {  	v3 =	vadd.s32 v1, v3;
	_ =	sdelay $0x2  }
0x737: {  	[tilespmem:s22], [sflag:$0x1] =	stream.indirect_vreg.gather [hbm4b:s3+s2], $0x80, v4, vm0, $0xb8;
	[tilespmem:$0x1A480] =	vst v63  }
0x738: {  	s16 =	simm.s32 $0x17C80  }
0x739: {  	[tilespmem:s16], [sflag:$0x1] =	stream.indirect_vreg.gather [hbm4b:s3+s2], $0x80, v3, vm0, $0xb8;
	[tilespmem:$0x1A480] =	vst v63  }
0x73a: {  	v3 =	vld [tilespmem:$0x970];
	_ =	sdelay $0x4  }
0x73b: {  	v17 =	vshll.u32 v3, $0x1  }
0x73c: {  	v3 =	vand.u32 $0x7, v3;
	v4 =	vand.u32 $0xFFFFFFF0, v17  }
0x73d: {  	v3 =	vor.u32 v3, v4  }
0x73e: {  	v4 =	vperm.xlane v3, v0;
	_ =	sdelay $0x1  }
0x73f: {  	v3 =	vperm.xlane v3, v2;
	v4 =	vadd.s32 v1, v4;
	_ =	sdelay $0x1  }
0x740: {  	v3 =	vadd.s32 v1, v3;
	_ =	sdelay $0x1  }
0x741: {  	s22 =	simm.s32 $0x18480  }
0x742: {  	[tilespmem:s22], [sflag:$0x1] =	stream.indirect_vreg.gather [hbm4b:s3+s2], $0x80, v4, vm0, $0xb8;
	[tilespmem:$0x1A480] =	vst v63  }
0x743: {  	_ = 	snop  }
0x744: {  	[tilespmem:s9], [sflag:$0x1] =	stream.indirect_vreg.gather [hbm4b:s3+s2], $0x80, v3, vm0, $0xb8;
	[tilespmem:$0x1A480] =	vst v63  }
0x745: {  	v3 =	vld [tilespmem:$0x980];
	_ =	sdelay $0x4  }
0x746: {  	v18 =	vshll.u32 v3, $0x1  }
0x747: {  	v3 =	vand.u32 $0x7, v3;
	v4 =	vand.u32 $0xFFFFFFF0, v18  }
0x748: {  	v3 =	vor.u32 v3, v4  }
0x749: {  	v4 =	vperm.xlane v3, v0;
	_ =	sdelay $0x1  }
0x74a: {  	v3 =	vperm.xlane v3, v2;
	v4 =	vadd.s32 v1, v4;
	_ =	sdelay $0x1  }
0x74b: {  	v3 =	vadd.s32 v1, v3;
	_ =	sdelay $0x1  }
0x74c: {  	s0 =	simm.s32 $0x19480  }
0x74d: {  	[tilespmem:s0], [sflag:$0x1] =	stream.indirect_vreg.gather [hbm4b:s3+s2], $0x80, v4, vm0, $0xb8;
	[tilespmem:$0x1A480] =	vst v63  }
0x74e: {  	_ = 	snop  }
0x74f: {  	[tilespmem:s10], [sflag:$0x1] =	stream.indirect_vreg.gather [hbm4b:s3+s2], $0x80, v3, vm0, $0xb8;
	[tilespmem:$0x1A480] =	vst v63  }
0x750: {  	_ =	swait.ge [sflag:s13], $0x4800  }
0x751: {  	[sflag:s13] =	ssyncset.done $0x0  }
0x752: {  	[sflag:s13] =	ssyncadd.s32 $0xFFFFB800  }
0x753: {  	_ =	swait.ge [sflag:s13], $0x4000  }
0x754: {  	[sflag:s13] =	ssyncset.done $0x0  }
0x755: {  	s0 =	simm.s32 $0x9480;
	s8 =	rddreg [dreg:$0x14];
	[sflag:s13] =	ssyncadd.s32 $0xFFFFC000  }
0x756: {  	[hbm4b:s8+s2] =	stream.linear.scatter [tilespmem:s0], [sflag:$0x2], $0x8800, $0x38;
	[tilespmem:$0x1A480] =	vst v63  }
0x757: {  	_ =	swait.ge [sflag:s15], $0x8800  }
0x758: {  	[sflag:s15] =	ssyncset.done $0x0  }
0x759: {  	[sflag:s15] =	ssyncadd.s32 $0xFFFF7800  }
0x75a: {  	v3 =	vld [tilespmem:$0x990];
	_ =	sdelay $0x4  }
0x75b: {  	v19 =	vshll.u32 v3, $0x1  }
0x75c: {  	v3 =	vand.u32 $0x7, v3;
	v4 =	vand.u32 $0xFFFFFFF0, v19  }
0x75d: {  	v3 =	vor.u32 v3, v4  }
0x75e: {  	v4 =	vperm.xlane v3, v0;
	_ =	sdelay $0x1  }
0x75f: {  	v3 =	vperm.xlane v3, v2;
	v4 =	vadd.s32 v1, v4;
	_ =	sdelay $0x1  }
0x760: {  	v3 =	vadd.s32 v1, v3;
	_ =	sdelay $0x2  }
0x761: {  	[tilespmem:s5], [sflag:$0x1] =	stream.indirect_vreg.gather [hbm4b:s3+s2], $0x80, v4, vm0, $0xb8;
	[tilespmem:$0x1A480] =	vst v63  }
0x762: {  	_ = 	snop  }
0x763: {  	[tilespmem:s18], [sflag:$0x1] =	stream.indirect_vreg.gather [hbm4b:s3+s2], $0x80, v3, vm0, $0xb8;
	[tilespmem:$0x1A480] =	vst v63  }
0x764: {  	v3 =	vld [tilespmem:$0x9A0];
	_ =	sdelay $0x4  }
0x765: {  	v20 =	vshll.u32 v3, $0x1  }
0x766: {  	v3 =	vand.u32 $0x7, v3;
	v4 =	vand.u32 $0xFFFFFFF0, v20  }
0x767: {  	v3 =	vor.u32 v3, v4  }
0x768: {  	v4 =	vperm.xlane v3, v0;
	_ =	sdelay $0x1  }
0x769: {  	v3 =	vperm.xlane v3, v2;
	v4 =	vadd.s32 v1, v4;
	_ =	sdelay $0x1  }
0x76a: {  	v3 =	vadd.s32 v1, v3;
	_ =	sdelay $0x1  }
0x76b: {  	s5 =	simm.s32 $0x1C80  }
0x76c: {  	[tilespmem:s5], [sflag:$0x1] =	stream.indirect_vreg.gather [hbm4b:s3+s2], $0x80, v4, vm0, $0xb8;
	[tilespmem:$0x1A480] =	vst v63  }
0x76d: {  	s22 =	simm.s32 $0x2480  }
0x76e: {  	[tilespmem:s22], [sflag:$0x1] =	stream.indirect_vreg.gather [hbm4b:s3+s2], $0x80, v3, vm0, $0xb8;
	[tilespmem:$0x1A480] =	vst v63  }
0x76f: {  	v3 =	vld [tilespmem:$0x9B0];
	_ =	sdelay $0x4  }
0x770: {  	v21 =	vshll.u32 v3, $0x1  }
0x771: {  	v3 =	vand.u32 $0x7, v3;
	v4 =	vand.u32 $0xFFFFFFF0, v21  }
0x772: {  	v3 =	vor.u32 v3, v4  }
0x773: {  	v4 =	vperm.xlane v3, v0;
	_ =	sdelay $0x1  }
0x774: {  	v3 =	vperm.xlane v3, v2;
	v4 =	vadd.s32 v1, v4;
	_ =	sdelay $0x1  }
0x775: {  	v3 =	vadd.s32 v1, v3;
	_ =	sdelay $0x1  }
0x776: {  	s18 =	simm.s32 $0x2C80  }
0x777: {  	[tilespmem:s18], [sflag:$0x1] =	stream.indirect_vreg.gather [hbm4b:s3+s2], $0x80, v4, vm0, $0xb8;
	[tilespmem:$0x1A480] =	vst v63  }
0x778: {  	s22 =	simm.s32 $0x3480  }
0x779: {  	[tilespmem:s22], [sflag:$0x1] =	stream.indirect_vreg.gather [hbm4b:s3+s2], $0x80, v3, vm0, $0xb8;
	[tilespmem:$0x1A480] =	vst v63  }
0x77a: {  	v3 =	vld [tilespmem:$0x9C0];
	_ =	sdelay $0x4  }
0x77b: {  	v22 =	vshll.u32 v3, $0x1  }
0x77c: {  	v3 =	vand.u32 $0x7, v3;
	v4 =	vand.u32 $0xFFFFFFF0, v22  }
0x77d: {  	v3 =	vor.u32 v3, v4  }
0x77e: {  	v4 =	vperm.xlane v3, v0;
	_ =	sdelay $0x1  }
0x77f: {  	v3 =	vperm.xlane v3, v2;
	v4 =	vadd.s32 v1, v4;
	_ =	sdelay $0x1  }
0x780: {  	v3 =	vadd.s32 v1, v3;
	_ =	sdelay $0x1  }
0x781: {  	s18 =	simm.s32 $0x3C80  }
0x782: {  	[tilespmem:s18], [sflag:$0x1] =	stream.indirect_vreg.gather [hbm4b:s3+s2], $0x80, v4, vm0, $0xb8;
	[tilespmem:$0x1A480] =	vst v63  }
0x783: {  	s22 =	simm.s32 $0x4480  }
0x784: {  	[tilespmem:s22], [sflag:$0x1] =	stream.indirect_vreg.gather [hbm4b:s3+s2], $0x80, v3, vm0, $0xb8;
	[tilespmem:$0x1A480] =	vst v63  }
0x785: {  	v3 =	vld.msk [tilespmem:$0x9D0], $0xff;
	_ =	sdelay $0x4  }
0x786: {  	v23 =	vshll.u32 v3, $0x1  }
0x787: {  	v3 =	vand.u32 $0x7, v3;
	v4 =	vand.u32 $0xFFFFFFF0, v23  }
0x788: {  	v3 =	vor.u32 v3, v4  }
0x789: {  	v3 =	vperm.xlane v3, v0;
	_ =	sdelay $0x1  }
0x78a: {  	v3 =	vadd.s32 v1, v3;
	_ =	sdelay $0x3  }
0x78b: {  	s22 =	simm.s32 $0x4C80  }
0x78c: {  	[tilespmem:s22], [sflag:$0x1] =	stream.indirect_vreg.gather [hbm4b:s3+s2], $0x80, v3, vm0, $0xb8;
	[tilespmem:$0x1A480] =	vst v63  }
0x78d: {  	v3 =	vld [tilespmem:$0x9D8];
	_ =	sdelay $0x4  }
0x78e: {  	v24 =	vshll.u32 v3, $0x1  }
0x78f: {  	v3 =	vand.u32 $0x7, v3;
	v4 =	vand.u32 $0xFFFFFFF0, v24  }
0x790: {  	v3 =	vor.u32 v3, v4  }
0x791: {  	v4 =	vperm.xlane v3, v0;
	_ =	sdelay $0x1  }
0x792: {  	v3 =	vperm.xlane v3, v2;
	v4 =	vadd.s32 v1, v4;
	_ =	sdelay $0x1  }
0x793: {  	v3 =	vadd.s32 v1, v3;
	_ =	sdelay $0x2  }
0x794: {  	[tilespmem:s23], [sflag:$0x1] =	stream.indirect_vreg.gather [hbm4b:s3+s2], $0x80, v4, vm0, $0xb8;
	[tilespmem:$0x1A480] =	vst v63  }
0x795: {  	_ = 	snop  }
0x796: {  	[tilespmem:s30], [sflag:$0x1] =	stream.indirect_vreg.gather [hbm4b:s3+s2], $0x80, v3, vm0, $0xb8;
	[tilespmem:$0x1A480] =	vst v63  }
0x797: {  	v3 =	vld [tilespmem:$0x9E8];
	_ =	sdelay $0x4  }
0x798: {  	v25 =	vshll.u32 v3, $0x1  }
0x799: {  	v3 =	vand.u32 $0x7, v3;
	v4 =	vand.u32 $0xFFFFFFF0, v25  }
0x79a: {  	v3 =	vor.u32 v3, v4  }
0x79b: {  	v4 =	vperm.xlane v3, v0;
	_ =	sdelay $0x1  }
0x79c: {  	v3 =	vperm.xlane v3, v2;
	v4 =	vadd.s32 v1, v4;
	_ =	sdelay $0x1  }
0x79d: {  	v3 =	vadd.s32 v1, v3;
	_ =	sdelay $0x2  }
0x79e: {  	[tilespmem:s25], [sflag:$0x1] =	stream.indirect_vreg.gather [hbm4b:s3+s2], $0x80, v4, vm0, $0xb8;
	[tilespmem:$0x1A480] =	vst v63  }
0x79f: {  	_ = 	snop  }
0x7a0: {  	[tilespmem:s31], [sflag:$0x1] =	stream.indirect_vreg.gather [hbm4b:s3+s2], $0x80, v3, vm0, $0xb8;
	[tilespmem:$0x1A480] =	vst v63  }
0x7a1: {  	v3 =	vld [tilespmem:$0x9F8];
	_ =	sdelay $0x4  }
0x7a2: {  	v26 =	vshll.u32 v3, $0x1  }
0x7a3: {  	v3 =	vand.u32 $0x7, v3;
	v4 =	vand.u32 $0xFFFFFFF0, v26  }
0x7a4: {  	v3 =	vor.u32 v3, v4  }
0x7a5: {  	v4 =	vperm.xlane v3, v0;
	_ =	sdelay $0x1  }
0x7a6: {  	v3 =	vperm.xlane v3, v2;
	v4 =	vadd.s32 v1, v4;
	_ =	sdelay $0x1  }
0x7a7: {  	v3 =	vadd.s32 v1, v3;
	_ =	sdelay $0x2  }
0x7a8: {  	[tilespmem:s28], [sflag:$0x1] =	stream.indirect_vreg.gather [hbm4b:s3+s2], $0x80, v4, vm0, $0xb8;
	[tilespmem:$0x1A480] =	vst v63  }
0x7a9: {  	s28 =	simm.s32 $0x7C80  }
0x7aa: {  	[tilespmem:s28], [sflag:$0x1] =	stream.indirect_vreg.gather [hbm4b:s3+s2], $0x80, v3, vm0, $0xb8;
	[tilespmem:$0x1A480] =	vst v63  }
0x7ab: {  	v3 =	vld [tilespmem:$0xA08];
	_ =	sdelay $0x4  }
0x7ac: {  	v27 =	vshll.u32 v3, $0x1  }
0x7ad: {  	v3 =	vand.u32 $0x7, v3;
	v4 =	vand.u32 $0xFFFFFFF0, v27  }
0x7ae: {  	v3 =	vor.u32 v3, v4  }
0x7af: {  	v4 =	vperm.xlane v3, v0;
	_ =	sdelay $0x1  }
0x7b0: {  	v3 =	vperm.xlane v3, v2;
	v4 =	vadd.s32 v1, v4;
	_ =	sdelay $0x1  }
0x7b1: {  	v3 =	vadd.s32 v1, v3;
	_ =	sdelay $0x2  }
0x7b2: {  	[tilespmem:s29], [sflag:$0x1] =	stream.indirect_vreg.gather [hbm4b:s3+s2], $0x80, v4, vm0, $0xb8;
	[tilespmem:$0x1A480] =	vst v63  }
0x7b3: {  	s29 =	simm.s32 $0x8C80  }
0x7b4: {  	[tilespmem:s29], [sflag:$0x1] =	stream.indirect_vreg.gather [hbm4b:s3+s2], $0x80, v3, vm0, $0xb8;
	[tilespmem:$0x1A480] =	vst v63  }
0x7b5: {  	_ =	swait.ge [sflag:s13], $0x4800  }
0x7b6: {  	[sflag:s13] =	ssyncset.done $0x0  }
0x7b7: {  	[sflag:s13] =	ssyncadd.s32 $0xFFFFB800  }
0x7b8: {  	_ =	swait.ge [sflag:s13], $0x4000  }
0x7b9: {  	[sflag:s13] =	ssyncset.done $0x0  }
0x7ba: {  	s26 =	simm.s32 $0x11C80;
	s16 =	rddreg [dreg:$0x15];
	[sflag:s13] =	ssyncadd.s32 $0xFFFFC000  }
0x7bb: {  	[hbm4b:s16+s2] =	stream.linear.scatter [tilespmem:s26], [sflag:$0x2], $0x8800, $0x38;
	[tilespmem:$0x1A480] =	vst v63  }
0x7bc: {  	_ =	swait.ge [sflag:s15], $0x8800  }
0x7bd: {  	[sflag:s15] =	ssyncset.done $0x0  }
0x7be: {  	[sflag:s15] =	ssyncadd.s32 $0xFFFF7800  }
0x7bf: {  	v3 =	vld [tilespmem:$0xA18];
	_ =	sdelay $0x4  }
0x7c0: {  	v28 =	vshll.u32 v3, $0x1  }
0x7c1: {  	v3 =	vand.u32 $0x7, v3;
	v4 =	vand.u32 $0xFFFFFFF0, v28  }
0x7c2: {  	v3 =	vor.u32 v3, v4  }
0x7c3: {  	v4 =	vperm.xlane v3, v0;
	_ =	sdelay $0x1  }
0x7c4: {  	v3 =	vperm.xlane v3, v2;
	v4 =	vadd.s32 v1, v4;
	_ =	sdelay $0x1  }
0x7c5: {  	v3 =	vadd.s32 v1, v3;
	_ =	sdelay $0x2  }
0x7c6: {  	[tilespmem:s0], [sflag:$0x1] =	stream.indirect_vreg.gather [hbm4b:s3+s2], $0x80, v4, vm0, $0xb8;
	[tilespmem:$0x1A480] =	vst v63  }
0x7c7: {  	s16 =	simm.s32 $0x9C80  }
0x7c8: {  	[tilespmem:s16], [sflag:$0x1] =	stream.indirect_vreg.gather [hbm4b:s3+s2], $0x80, v3, vm0, $0xb8;
	[tilespmem:$0x1A480] =	vst v63  }
0x7c9: {  	v3 =	vld [tilespmem:$0xA28];
	_ =	sdelay $0x4  }
0x7ca: {  	v29 =	vshll.u32 v3, $0x1  }
0x7cb: {  	v3 =	vand.u32 $0x7, v3;
	v4 =	vand.u32 $0xFFFFFFF0, v29  }
0x7cc: {  	v3 =	vor.u32 v3, v4  }
0x7cd: {  	v4 =	vperm.xlane v3, v0;
	_ =	sdelay $0x1  }
0x7ce: {  	v3 =	vperm.xlane v3, v2;
	v4 =	vadd.s32 v1, v4;
	_ =	sdelay $0x1  }
0x7cf: {  	v3 =	vadd.s32 v1, v3;
	_ =	sdelay $0x2  }
0x7d0: {  	[tilespmem:s6], [sflag:$0x1] =	stream.indirect_vreg.gather [hbm4b:s3+s2], $0x80, v4, vm0, $0xb8;
	[tilespmem:$0x1A480] =	vst v63  }
0x7d1: {  	s16 =	simm.s32 $0xAC80  }
0x7d2: {  	[tilespmem:s16], [sflag:$0x1] =	stream.indirect_vreg.gather [hbm4b:s3+s2], $0x80, v3, vm0, $0xb8;
	[tilespmem:$0x1A480] =	vst v63  }
0x7d3: {  	v3 =	vld [tilespmem:$0xA38];
	_ =	sdelay $0x4  }
0x7d4: {  	v30 =	vshll.u32 v3, $0x1  }
0x7d5: {  	v3 =	vand.u32 $0x7, v3;
	v4 =	vand.u32 $0xFFFFFFF0, v30  }
0x7d6: {  	v3 =	vor.u32 v3, v4  }
0x7d7: {  	v4 =	vperm.xlane v3, v0;
	_ =	sdelay $0x1  }
0x7d8: {  	v3 =	vperm.xlane v3, v2;
	v4 =	vadd.s32 v1, v4;
	_ =	sdelay $0x1  }
0x7d9: {  	v3 =	vadd.s32 v1, v3;
	_ =	sdelay $0x2  }
0x7da: {  	[tilespmem:s24], [sflag:$0x1] =	stream.indirect_vreg.gather [hbm4b:s3+s2], $0x80, v4, vm0, $0xb8;
	[tilespmem:$0x1A480] =	vst v63  }
0x7db: {  	s16 =	simm.s32 $0xBC80  }
0x7dc: {  	[tilespmem:s16], [sflag:$0x1] =	stream.indirect_vreg.gather [hbm4b:s3+s2], $0x80, v3, vm0, $0xb8;
	[tilespmem:$0x1A480] =	vst v63  }
0x7dd: {  	v3 =	vld [tilespmem:$0xA48];
	_ =	sdelay $0x4  }
0x7de: {  	v31 =	vshll.u32 v3, $0x1  }
0x7df: {  	v3 =	vand.u32 $0x7, v3;
	v4 =	vand.u32 $0xFFFFFFF0, v31  }
0x7e0: {  	v3 =	vor.u32 v3, v4  }
0x7e1: {  	v4 =	vperm.xlane v3, v0;
	_ =	sdelay $0x1  }
0x7e2: {  	v3 =	vperm.xlane v3, v2;
	v4 =	vadd.s32 v1, v4;
	_ =	sdelay $0x1  }
0x7e3: {  	v3 =	vadd.s32 v1, v3;
	_ =	sdelay $0x2  }
0x7e4: {  	[tilespmem:s1], [sflag:$0x1] =	stream.indirect_vreg.gather [hbm4b:s3+s2], $0x80, v4, vm0, $0xb8;
	[tilespmem:$0x1A480] =	vst v63  }
0x7e5: {  	s16 =	simm.s32 $0xCC80  }
0x7e6: {  	[tilespmem:s16], [sflag:$0x1] =	stream.indirect_vreg.gather [hbm4b:s3+s2], $0x80, v3, vm0, $0xb8;
	[tilespmem:$0x1A480] =	vst v63  }
0x7e7: {  	v3 =	vld.msk [tilespmem:$0xA58], $0xff;
	_ =	sdelay $0x4  }
0x7e8: {  	v32 =	vshll.u32 v3, $0x1  }
0x7e9: {  	v3 =	vand.u32 $0x7, v3;
	v4 =	vand.u32 $0xFFFFFFF0, v32  }
0x7ea: {  	v3 =	vor.u32 v3, v4  }
0x7eb: {  	v3 =	vperm.xlane v3, v0;
	_ =	sdelay $0x1  }
0x7ec: {  	v3 =	vadd.s32 v1, v3;
	_ =	sdelay $0x3  }
0x7ed: {  	s16 =	simm.s32 $0xD480  }
0x7ee: {  	[tilespmem:s16], [sflag:$0x1] =	stream.indirect_vreg.gather [hbm4b:s3+s2], $0x80, v3, vm0, $0xb8;
	[tilespmem:$0x1A480] =	vst v63  }
0x7ef: {  	v3 =	vld [tilespmem:$0xA60];
	_ =	sdelay $0x4  }
0x7f0: {  	v33 =	vshll.u32 v3, $0x1  }
0x7f1: {  	v3 =	vand.u32 $0x7, v3;
	v4 =	vand.u32 $0xFFFFFFF0, v33  }
0x7f2: {  	v3 =	vor.u32 v3, v4  }
0x7f3: {  	v4 =	vperm.xlane v3, v0;
	_ =	sdelay $0x1  }
0x7f4: {  	v3 =	vperm.xlane v3, v2;
	v4 =	vadd.s32 v1, v4;
	_ =	sdelay $0x1  }
0x7f5: {  	v3 =	vadd.s32 v1, v3;
	_ =	sdelay $0x2  }
0x7f6: {  	[tilespmem:s17], [sflag:$0x1] =	stream.indirect_vreg.gather [hbm4b:s3+s2], $0x80, v4, vm0, $0xb8;
	[tilespmem:$0x1A480] =	vst v63  }
0x7f7: {  	s16 =	simm.s32 $0xE480  }
0x7f8: {  	[tilespmem:s16], [sflag:$0x1] =	stream.indirect_vreg.gather [hbm4b:s3+s2], $0x80, v3, vm0, $0xb8;
	[tilespmem:$0x1A480] =	vst v63  }
0x7f9: {  	v3 =	vld [tilespmem:$0xA70];
	_ =	sdelay $0x4  }
0x7fa: {  	v34 =	vshll.u32 v3, $0x1  }
0x7fb: {  	v3 =	vand.u32 $0x7, v3;
	v4 =	vand.u32 $0xFFFFFFF0, v34  }
0x7fc: {  	v3 =	vor.u32 v3, v4  }
0x7fd: {  	v4 =	vperm.xlane v3, v0;
	_ =	sdelay $0x1  }
0x7fe: {  	v3 =	vperm.xlane v3, v2;
	v4 =	vadd.s32 v1, v4;
	_ =	sdelay $0x1  }
0x7ff: {  	v3 =	vadd.s32 v1, v3;
	_ =	sdelay $0x2  }
0x800: {  	[tilespmem:s4], [sflag:$0x1] =	stream.indirect_vreg.gather [hbm4b:s3+s2], $0x80, v4, vm0, $0xb8;
	[tilespmem:$0x1A480] =	vst v63  }
0x801: {  	s16 =	simm.s32 $0xF480  }
0x802: {  	[tilespmem:s16], [sflag:$0x1] =	stream.indirect_vreg.gather [hbm4b:s3+s2], $0x80, v3, vm0, $0xb8;
	[tilespmem:$0x1A480] =	vst v63  }
0x803: {  	v3 =	vld [tilespmem:$0xA80];
	_ =	sdelay $0x4  }
0x804: {  	v35 =	vshll.u32 v3, $0x1  }
0x805: {  	v3 =	vand.u32 $0x7, v3;
	v4 =	vand.u32 $0xFFFFFFF0, v35  }
0x806: {  	v3 =	vor.u32 v3, v4  }
0x807: {  	v4 =	vperm.xlane v3, v0;
	_ =	sdelay $0x1  }
0x808: {  	v3 =	vperm.xlane v3, v2;
	v4 =	vadd.s32 v1, v4;
	_ =	sdelay $0x1  }
0x809: {  	v3 =	vadd.s32 v1, v3;
	_ =	sdelay $0x2  }
0x80a: {  	[tilespmem:s12], [sflag:$0x1] =	stream.indirect_vreg.gather [hbm4b:s3+s2], $0x80, v4, vm0, $0xb8;
	[tilespmem:$0x1A480] =	vst v63  }
0x80b: {  	s16 =	simm.s32 $0x10480  }
0x80c: {  	[tilespmem:s16], [sflag:$0x1] =	stream.indirect_vreg.gather [hbm4b:s3+s2], $0x80, v3, vm0, $0xb8;
	[tilespmem:$0x1A480] =	vst v63  }
0x80d: {  	v3 =	vld [tilespmem:$0xA90];
	_ =	sdelay $0x4  }
0x80e: {  	v36 =	vshll.u32 v3, $0x1  }
0x80f: {  	v3 =	vand.u32 $0x7, v3;
	v4 =	vand.u32 $0xFFFFFFF0, v36  }
0x810: {  	v3 =	vor.u32 v3, v4  }
0x811: {  	v4 =	vperm.xlane v3, v0;
	_ =	sdelay $0x1  }
0x812: {  	v3 =	vperm.xlane v3, v2;
	v4 =	vadd.s32 v1, v4;
	_ =	sdelay $0x1  }
0x813: {  	v3 =	vadd.s32 v1, v3;
	_ =	sdelay $0x2  }
0x814: {  	[tilespmem:s14], [sflag:$0x1] =	stream.indirect_vreg.gather [hbm4b:s3+s2], $0x80, v4, vm0, $0xb8;
	[tilespmem:$0x1A480] =	vst v63  }
0x815: {  	s16 =	simm.s32 $0x11480  }
0x816: {  	[tilespmem:s16], [sflag:$0x1] =	stream.indirect_vreg.gather [hbm4b:s3+s2], $0x80, v3, vm0, $0xb8;
	[tilespmem:$0x1A480] =	vst v63  }
0x817: {  	_ =	swait.ge [sflag:s13], $0x4800  }
0x818: {  	[sflag:s13] =	ssyncset.done $0x0  }
0x819: {  	[sflag:s13] =	ssyncadd.s32 $0xFFFFB800  }
0x81a: {  	_ =	swait.ge [sflag:s13], $0x4000  }
0x81b: {  	[sflag:s13] =	ssyncset.done $0x0  }
0x81c: {  	s8 =	simm.s32 $0xC80;
	s16 =	rddreg [dreg:$0x16];
	[sflag:s13] =	ssyncadd.s32 $0xFFFFC000  }
0x81d: {  	[hbm4b:s16+s2] =	stream.linear.scatter [tilespmem:s8], [sflag:$0x2], $0x8800, $0x38;
	[tilespmem:$0x1A480] =	vst v63  }
0x81e: {  	_ =	swait.ge [sflag:s15], $0x8800  }
0x81f: {  	[sflag:s15] =	ssyncset.done $0x0  }
0x820: {  	[sflag:s15] =	ssyncadd.s32 $0xFFFF7800  }
0x821: {  	v3 =	vld [tilespmem:$0xAA0];
	_ =	sdelay $0x4  }
0x822: {  	v37 =	vshll.u32 v3, $0x1  }
0x823: {  	v3 =	vand.u32 $0x7, v3;
	v4 =	vand.u32 $0xFFFFFFF0, v37  }
0x824: {  	v3 =	vor.u32 v3, v4  }
0x825: {  	v4 =	vperm.xlane v3, v0;
	_ =	sdelay $0x1  }
0x826: {  	v3 =	vperm.xlane v3, v2;
	v4 =	vadd.s32 v1, v4;
	_ =	sdelay $0x1  }
0x827: {  	v3 =	vadd.s32 v1, v3;
	_ =	sdelay $0x2  }
0x828: {  	[tilespmem:s26], [sflag:$0x1] =	stream.indirect_vreg.gather [hbm4b:s3+s2], $0x80, v4, vm0, $0xb8;
	[tilespmem:$0x1A480] =	vst v63  }
0x829: {  	s16 =	simm.s32 $0x12480  }
0x82a: {  	[tilespmem:s16], [sflag:$0x1] =	stream.indirect_vreg.gather [hbm4b:s3+s2], $0x80, v3, vm0, $0xb8;
	[tilespmem:$0x1A480] =	vst v63  }
0x82b: {  	v3 =	vld [tilespmem:$0xAB0];
	_ =	sdelay $0x4  }
0x82c: {  	v38 =	vshll.u32 v3, $0x1  }
0x82d: {  	v3 =	vand.u32 $0x7, v3;
	v4 =	vand.u32 $0xFFFFFFF0, v38  }
0x82e: {  	v3 =	vor.u32 v3, v4  }
0x82f: {  	v4 =	vperm.xlane v3, v0;
	_ =	sdelay $0x1  }
0x830: {  	v3 =	vperm.xlane v3, v2;
	v4 =	vadd.s32 v1, v4;
	_ =	sdelay $0x1  }
0x831: {  	v3 =	vadd.s32 v1, v3;
	_ =	sdelay $0x2  }
0x832: {  	[tilespmem:s19], [sflag:$0x1] =	stream.indirect_vreg.gather [hbm4b:s3+s2], $0x80, v4, vm0, $0xb8;
	[tilespmem:$0x1A480] =	vst v63  }
0x833: {  	s19 =	simm.s32 $0x13480  }
0x834: {  	[tilespmem:s19], [sflag:$0x1] =	stream.indirect_vreg.gather [hbm4b:s3+s2], $0x80, v3, vm0, $0xb8;
	[tilespmem:$0x1A480] =	vst v63  }
0x835: {  	v3 =	vld [tilespmem:$0xAC0];
	_ =	sdelay $0x4  }
0x836: {  	v39 =	vshll.u32 v3, $0x1  }
0x837: {  	v3 =	vand.u32 $0x7, v3;
	v4 =	vand.u32 $0xFFFFFFF0, v39  }
0x838: {  	v3 =	vor.u32 v3, v4  }
0x839: {  	v4 =	vperm.xlane v3, v0;
	_ =	sdelay $0x1  }
0x83a: {  	v3 =	vperm.xlane v3, v2;
	v4 =	vadd.s32 v1, v4;
	_ =	sdelay $0x1  }
0x83b: {  	v3 =	vadd.s32 v1, v3;
	_ =	sdelay $0x1  }
0x83c: {  	s19 =	simm.s32 $0x13C80  }
0x83d: {  	[tilespmem:s19], [sflag:$0x1] =	stream.indirect_vreg.gather [hbm4b:s3+s2], $0x80, v4, vm0, $0xb8;
	[tilespmem:$0x1A480] =	vst v63  }
0x83e: {  	s20 =	simm.s32 $0x14480  }
0x83f: {  	[tilespmem:s20], [sflag:$0x1] =	stream.indirect_vreg.gather [hbm4b:s3+s2], $0x80, v3, vm0, $0xb8;
	[tilespmem:$0x1A480] =	vst v63  }
0x840: {  	v3 =	vld [tilespmem:$0xAD0];
	_ =	sdelay $0x4  }
0x841: {  	v40 =	vshll.u32 v3, $0x1  }
0x842: {  	v3 =	vand.u32 $0x7, v3;
	v4 =	vand.u32 $0xFFFFFFF0, v40  }
0x843: {  	v3 =	vor.u32 v3, v4  }
0x844: {  	v4 =	vperm.xlane v3, v0;
	_ =	sdelay $0x1  }
0x845: {  	v3 =	vperm.xlane v3, v2;
	v4 =	vadd.s32 v1, v4;
	_ =	sdelay $0x1  }
0x846: {  	v3 =	vadd.s32 v1, v3;
	_ =	sdelay $0x1  }
0x847: {  	s20 =	simm.s32 $0x14C80  }
0x848: {  	[tilespmem:s20], [sflag:$0x1] =	stream.indirect_vreg.gather [hbm4b:s3+s2], $0x80, v4, vm0, $0xb8;
	[tilespmem:$0x1A480] =	vst v63  }
0x849: {  	s19 =	simm.s32 $0x15480  }
0x84a: {  	[tilespmem:s19], [sflag:$0x1] =	stream.indirect_vreg.gather [hbm4b:s3+s2], $0x80, v3, vm0, $0xb8;
	[tilespmem:$0x1A480] =	vst v63  }
0x84b: {  	v3 =	vld.msk [tilespmem:$0xAE0], $0xff;
	_ =	sdelay $0x4  }
0x84c: {  	v41 =	vshll.u32 v3, $0x1  }
0x84d: {  	v3 =	vand.u32 $0x7, v3;
	v4 =	vand.u32 $0xFFFFFFF0, v41  }
0x84e: {  	v3 =	vor.u32 v3, v4  }
0x84f: {  	v3 =	vperm.xlane v3, v0;
	_ =	sdelay $0x1  }
0x850: {  	v3 =	vadd.s32 v1, v3;
	_ =	sdelay $0x3  }
0x851: {  	s20 =	simm.s32 $0x15C80  }
0x852: {  	[tilespmem:s20], [sflag:$0x1] =	stream.indirect_vreg.gather [hbm4b:s3+s2], $0x80, v3, vm0, $0xb8;
	[tilespmem:$0x1A480] =	vst v63  }
0x853: {  	v3 =	vld [tilespmem:$0xAE8];
	_ =	sdelay $0x4  }
0x854: {  	v42 =	vshll.u32 v3, $0x1  }
0x855: {  	v3 =	vand.u32 $0x7, v3;
	v4 =	vand.u32 $0xFFFFFFF0, v42  }
0x856: {  	v3 =	vor.u32 v3, v4  }
0x857: {  	v4 =	vperm.xlane v3, v0;
	_ =	sdelay $0x1  }
0x858: {  	v3 =	vperm.xlane v3, v2;
	v4 =	vadd.s32 v1, v4;
	_ =	sdelay $0x1  }
0x859: {  	v3 =	vadd.s32 v1, v3;
	_ =	sdelay $0x2  }
0x85a: {  	[tilespmem:s7], [sflag:$0x1] =	stream.indirect_vreg.gather [hbm4b:s3+s2], $0x80, v4, vm0, $0xb8;
	[tilespmem:$0x1A480] =	vst v63  }
0x85b: {  	s11 =	simm.s32 $0x16C80  }
0x85c: {  	[tilespmem:s11], [sflag:$0x1] =	stream.indirect_vreg.gather [hbm4b:s3+s2], $0x80, v3, vm0, $0xb8;
	[tilespmem:$0x1A480] =	vst v63  }
0x85d: {  	v3 =	vld [tilespmem:$0xAF8];
	_ =	sdelay $0x4  }
0x85e: {  	v43 =	vshll.u32 v3, $0x1  }
0x85f: {  	v3 =	vand.u32 $0x7, v3;
	v4 =	vand.u32 $0xFFFFFFF0, v43  }
0x860: {  	v3 =	vor.u32 v3, v4  }
0x861: {  	v4 =	vperm.xlane v3, v0;
	_ =	sdelay $0x1  }
0x862: {  	v3 =	vperm.xlane v3, v2;
	v4 =	vadd.s32 v1, v4;
	_ =	sdelay $0x1  }
0x863: {  	v3 =	vadd.s32 v1, v3;
	_ =	sdelay $0x1  }
0x864: {  	s21 =	simm.s32 $0x17480  }
0x865: {  	[tilespmem:s21], [sflag:$0x1] =	stream.indirect_vreg.gather [hbm4b:s3+s2], $0x80, v4, vm0, $0xb8;
	[tilespmem:$0x1A480] =	vst v63  }
0x866: {  	s11 =	simm.s32 $0x17C80  }
0x867: {  	[tilespmem:s11], [sflag:$0x1] =	stream.indirect_vreg.gather [hbm4b:s3+s2], $0x80, v3, vm0, $0xb8;
	[tilespmem:$0x1A480] =	vst v63  }
0x868: {  	v3 =	vld [tilespmem:$0xB08];
	_ =	sdelay $0x4  }
0x869: {  	v44 =	vshll.u32 v3, $0x1  }
0x86a: {  	v3 =	vand.u32 $0x7, v3;
	v4 =	vand.u32 $0xFFFFFFF0, v44  }
0x86b: {  	v3 =	vor.u32 v3, v4  }
0x86c: {  	v4 =	vperm.xlane v3, v0;
	_ =	sdelay $0x1  }
0x86d: {  	v3 =	vperm.xlane v3, v2;
	v4 =	vadd.s32 v1, v4;
	_ =	sdelay $0x1  }
0x86e: {  	v3 =	vadd.s32 v1, v3;
	_ =	sdelay $0x1  }
0x86f: {  	s16 =	simm.s32 $0x18480  }
0x870: {  	[tilespmem:s16], [sflag:$0x1] =	stream.indirect_vreg.gather [hbm4b:s3+s2], $0x80, v4, vm0, $0xb8;
	[tilespmem:$0x1A480] =	vst v63  }
0x871: {  	s9 =	simm.s32 $0x18C80  }
0x872: {  	[tilespmem:s9], [sflag:$0x1] =	stream.indirect_vreg.gather [hbm4b:s3+s2], $0x80, v3, vm0, $0xb8;
	[tilespmem:$0x1A480] =	vst v63  }
0x873: {  	v3 =	vld [tilespmem:$0xB18];
	_ =	sdelay $0x4  }
0x874: {  	v45 =	vshll.u32 v3, $0x1  }
0x875: {  	v3 =	vand.u32 $0x7, v3;
	v4 =	vand.u32 $0xFFFFFFF0, v45  }
0x876: {  	v3 =	vor.u32 v3, v4  }
0x877: {  	v4 =	vperm.xlane v3, v0;
	_ =	sdelay $0x1  }
0x878: {  	v3 =	vperm.xlane v3, v2;
	v4 =	vadd.s32 v1, v4;
	_ =	sdelay $0x1  }
0x879: {  	v3 =	vadd.s32 v1, v3;
	_ =	sdelay $0x1  }
0x87a: {  	s19 =	simm.s32 $0x19480  }
0x87b: {  	[tilespmem:s19], [sflag:$0x1] =	stream.indirect_vreg.gather [hbm4b:s3+s2], $0x80, v4, vm0, $0xb8;
	[tilespmem:$0x1A480] =	vst v63  }
0x87c: {  	s10 =	simm.s32 $0x19C80  }
0x87d: {  	[tilespmem:s10], [sflag:$0x1] =	stream.indirect_vreg.gather [hbm4b:s3+s2], $0x80, v3, vm0, $0xb8;
	[tilespmem:$0x1A480] =	vst v63  }
0x87e: {  	_ =	swait.ge [sflag:s13], $0x4800  }
0x87f: {  	[sflag:s13] =	ssyncset.done $0x0  }
0x880: {  	[sflag:s13] =	ssyncadd.s32 $0xFFFFB800  }
0x881: {  	_ =	swait.ge [sflag:s13], $0x4000  }
0x882: {  	[sflag:s13] =	ssyncset.done $0x0  }
0x883: {  	s0 =	simm.s32 $0x9480;
	s20 =	rddreg [dreg:$0x17];
	[sflag:s13] =	ssyncadd.s32 $0xFFFFC000  }
0x884: {  	[hbm4b:s20+s2] =	stream.linear.scatter [tilespmem:s0], [sflag:$0x2], $0x8800, $0x38;
	[tilespmem:$0x1A480] =	vst v63  }
0x885: {  	_ =	swait.ge [sflag:s15], $0x8800  }
0x886: {  	[sflag:s15] =	ssyncset.done $0x0  }
0x887: {  	[sflag:s15] =	ssyncadd.s32 $0xFFFF7800  }
0x888: {  	v3 =	vld [tilespmem:$0xB28];
	_ =	sdelay $0x4  }
0x889: {  	v46 =	vshll.u32 v3, $0x1  }
0x88a: {  	v3 =	vand.u32 $0x7, v3;
	v4 =	vand.u32 $0xFFFFFFF0, v46  }
0x88b: {  	v3 =	vor.u32 v3, v4  }
0x88c: {  	v4 =	vperm.xlane v3, v0;
	_ =	sdelay $0x1  }
0x88d: {  	v3 =	vperm.xlane v3, v2;
	v4 =	vadd.s32 v1, v4;
	_ =	sdelay $0x1  }
0x88e: {  	v3 =	vadd.s32 v1, v3;
	_ =	sdelay $0x2  }
0x88f: {  	[tilespmem:s8], [sflag:$0x1] =	stream.indirect_vreg.gather [hbm4b:s3+s2], $0x80, v4, vm0, $0xb8;
	[tilespmem:$0x1A480] =	vst v63  }
0x890: {  	s21 =	simm.s32 $0x1480  }
0x891: {  	[tilespmem:s21], [sflag:$0x1] =	stream.indirect_vreg.gather [hbm4b:s3+s2], $0x80, v3, vm0, $0xb8;
	[tilespmem:$0x1A480] =	vst v63  }
0x892: {  	v3 =	vld [tilespmem:$0xB38];
	_ =	sdelay $0x4  }
0x893: {  	v47 =	vshll.u32 v3, $0x1  }
0x894: {  	v3 =	vand.u32 $0x7, v3;
	v4 =	vand.u32 $0xFFFFFFF0, v47  }
0x895: {  	v3 =	vor.u32 v3, v4  }
0x896: {  	v4 =	vperm.xlane v3, v0;
	_ =	sdelay $0x1  }
0x897: {  	v3 =	vperm.xlane v3, v2;
	v4 =	vadd.s32 v1, v4;
	_ =	sdelay $0x1  }
0x898: {  	v3 =	vadd.s32 v1, v3;
	_ =	sdelay $0x2  }
0x899: {  	[tilespmem:s5], [sflag:$0x1] =	stream.indirect_vreg.gather [hbm4b:s3+s2], $0x80, v4, vm0, $0xb8;
	[tilespmem:$0x1A480] =	vst v63  }
0x89a: {  	s7 =	simm.s32 $0x2480  }
0x89b: {  	[tilespmem:s7], [sflag:$0x1] =	stream.indirect_vreg.gather [hbm4b:s3+s2], $0x80, v3, vm0, $0xb8;
	[tilespmem:$0x1A480] =	vst v63  }
0x89c: {  	v3 =	vld [tilespmem:$0xB48];
	_ =	sdelay $0x4  }
0x89d: {  	v48 =	vshll.u32 v3, $0x1  }
0x89e: {  	v3 =	vand.u32 $0x7, v3;
	v4 =	vand.u32 $0xFFFFFFF0, v48  }
0x89f: {  	v3 =	vor.u32 v3, v4  }
0x8a0: {  	v4 =	vperm.xlane v3, v0;
	_ =	sdelay $0x1  }
0x8a1: {  	v3 =	vperm.xlane v3, v2;
	v4 =	vadd.s32 v1, v4;
	_ =	sdelay $0x1  }
0x8a2: {  	v3 =	vadd.s32 v1, v3;
	_ =	sdelay $0x1  }
0x8a3: {  	s9 =	simm.s32 $0x2C80  }
0x8a4: {  	[tilespmem:s9], [sflag:$0x1] =	stream.indirect_vreg.gather [hbm4b:s3+s2], $0x80, v4, vm0, $0xb8;
	[tilespmem:$0x1A480] =	vst v63  }
0x8a5: {  	s10 =	simm.s32 $0x3480  }
0x8a6: {  	[tilespmem:s10], [sflag:$0x1] =	stream.indirect_vreg.gather [hbm4b:s3+s2], $0x80, v3, vm0, $0xb8;
	[tilespmem:$0x1A480] =	vst v63  }
0x8a7: {  	v3 =	vld [tilespmem:$0xB58];
	_ =	sdelay $0x4  }
0x8a8: {  	v49 =	vshll.u32 v3, $0x1  }
0x8a9: {  	v3 =	vand.u32 $0x7, v3;
	v4 =	vand.u32 $0xFFFFFFF0, v49  }
0x8aa: {  	v3 =	vor.u32 v3, v4  }
0x8ab: {  	v4 =	vperm.xlane v3, v0;
	_ =	sdelay $0x1  }
0x8ac: {  	v3 =	vperm.xlane v3, v2;
	v4 =	vadd.s32 v1, v4;
	_ =	sdelay $0x1  }
0x8ad: {  	v3 =	vadd.s32 v1, v3;
	_ =	sdelay $0x1  }
0x8ae: {  	s18 =	simm.s32 $0x3C80  }
0x8af: {  	[tilespmem:s18], [sflag:$0x1] =	stream.indirect_vreg.gather [hbm4b:s3+s2], $0x80, v4, vm0, $0xb8;
	[tilespmem:$0x1A480] =	vst v63  }
0x8b0: {  	s11 =	simm.s32 $0x4480  }
0x8b1: {  	[tilespmem:s11], [sflag:$0x1] =	stream.indirect_vreg.gather [hbm4b:s3+s2], $0x80, v3, vm0, $0xb8;
	[tilespmem:$0x1A480] =	vst v63  }
0x8b2: {  	v3 =	vld.msk [tilespmem:$0xB68], $0xff;
	_ =	sdelay $0x4  }
0x8b3: {  	v50 =	vshll.u32 v3, $0x1  }
0x8b4: {  	v3 =	vand.u32 $0x7, v3;
	v4 =	vand.u32 $0xFFFFFFF0, v50  }
0x8b5: {  	v3 =	vor.u32 v3, v4  }
0x8b6: {  	v3 =	vperm.xlane v3, v0;
	_ =	sdelay $0x1  }
0x8b7: {  	v3 =	vadd.s32 v1, v3;
	_ =	sdelay $0x3  }
0x8b8: {  	s16 =	simm.s32 $0x4C80  }
0x8b9: {  	[tilespmem:s16], [sflag:$0x1] =	stream.indirect_vreg.gather [hbm4b:s3+s2], $0x80, v3, vm0, $0xb8;
	[tilespmem:$0x1A480] =	vst v63  }
0x8ba: {  	v3 =	vld [tilespmem:$0xB70];
	_ =	sdelay $0x4  }
0x8bb: {  	v51 =	vshll.u32 v3, $0x1  }
0x8bc: {  	v3 =	vand.u32 $0x7, v3;
	v4 =	vand.u32 $0xFFFFFFF0, v51  }
0x8bd: {  	v3 =	vor.u32 v3, v4  }
0x8be: {  	v4 =	vperm.xlane v3, v0;
	_ =	sdelay $0x1  }
0x8bf: {  	v3 =	vperm.xlane v3, v2;
	v4 =	vadd.s32 v1, v4;
	_ =	sdelay $0x1  }
0x8c0: {  	v3 =	vadd.s32 v1, v3;
	_ =	sdelay $0x1  }
0x8c1: {  	s18 =	simm.s32 $0x5480  }
0x8c2: {  	[tilespmem:s18], [sflag:$0x1] =	stream.indirect_vreg.gather [hbm4b:s3+s2], $0x80, v4, vm0, $0xb8;
	[tilespmem:$0x1A480] =	vst v63  }
0x8c3: {  	s30 =	simm.s32 $0x5C80  }
0x8c4: {  	[tilespmem:s30], [sflag:$0x1] =	stream.indirect_vreg.gather [hbm4b:s3+s2], $0x80, v3, vm0, $0xb8;
	[tilespmem:$0x1A480] =	vst v63  }
0x8c5: {  	v3 =	vld [tilespmem:$0xB80];
	_ =	sdelay $0x4  }
0x8c6: {  	v52 =	vshll.u32 v3, $0x1  }
0x8c7: {  	v3 =	vand.u32 $0x7, v3;
	v4 =	vand.u32 $0xFFFFFFF0, v52  }
0x8c8: {  	v3 =	vor.u32 v3, v4  }
0x8c9: {  	v4 =	vperm.xlane v3, v0;
	_ =	sdelay $0x1  }
0x8ca: {  	v3 =	vperm.xlane v3, v2;
	v4 =	vadd.s32 v1, v4;
	_ =	sdelay $0x1  }
0x8cb: {  	v3 =	vadd.s32 v1, v3;
	_ =	sdelay $0x1  }
0x8cc: {  	s22 =	simm.s32 $0x6480  }
0x8cd: {  	[tilespmem:s22], [sflag:$0x1] =	stream.indirect_vreg.gather [hbm4b:s3+s2], $0x80, v4, vm0, $0xb8;
	[tilespmem:$0x1A480] =	vst v63  }
0x8ce: {  	s31 =	simm.s32 $0x6C80  }
0x8cf: {  	[tilespmem:s31], [sflag:$0x1] =	stream.indirect_vreg.gather [hbm4b:s3+s2], $0x80, v3, vm0, $0xb8;
	[tilespmem:$0x1A480] =	vst v63  }
0x8d0: {  	v3 =	vld [tilespmem:$0xB90];
	_ =	sdelay $0x4  }
0x8d1: {  	v53 =	vshll.u32 v3, $0x1  }
0x8d2: {  	v3 =	vand.u32 $0x7, v3;
	v4 =	vand.u32 $0xFFFFFFF0, v53  }
0x8d3: {  	v3 =	vor.u32 v3, v4  }
0x8d4: {  	v4 =	vperm.xlane v3, v0;
	_ =	sdelay $0x1  }
0x8d5: {  	v3 =	vperm.xlane v3, v2;
	v4 =	vadd.s32 v1, v4;
	_ =	sdelay $0x1  }
0x8d6: {  	v3 =	vadd.s32 v1, v3;
	_ =	sdelay $0x1  }
0x8d7: {  	s23 =	simm.s32 $0x7480  }
0x8d8: {  	[tilespmem:s23], [sflag:$0x1] =	stream.indirect_vreg.gather [hbm4b:s3+s2], $0x80, v4, vm0, $0xb8;
	[tilespmem:$0x1A480] =	vst v63  }
0x8d9: {  	s28 =	simm.s32 $0x7C80  }
0x8da: {  	[tilespmem:s28], [sflag:$0x1] =	stream.indirect_vreg.gather [hbm4b:s3+s2], $0x80, v3, vm0, $0xb8;
	[tilespmem:$0x1A480] =	vst v63  }
0x8db: {  	v3 =	vld [tilespmem:$0xBA0];
	_ =	sdelay $0x4  }
0x8dc: {  	v54 =	vshll.u32 v3, $0x1  }
0x8dd: {  	v3 =	vand.u32 $0x7, v3;
	v4 =	vand.u32 $0xFFFFFFF0, v54  }
0x8de: {  	v3 =	vor.u32 v3, v4  }
0x8df: {  	v4 =	vperm.xlane v3, v0;
	_ =	sdelay $0x1  }
0x8e0: {  	v3 =	vperm.xlane v3, v2;
	v4 =	vadd.s32 v1, v4;
	_ =	sdelay $0x1  }
0x8e1: {  	v3 =	vadd.s32 v1, v3;
	_ =	sdelay $0x1  }
0x8e2: {  	s25 =	simm.s32 $0x8480  }
0x8e3: {  	[tilespmem:s25], [sflag:$0x1] =	stream.indirect_vreg.gather [hbm4b:s3+s2], $0x80, v4, vm0, $0xb8;
	[tilespmem:$0x1A480] =	vst v63  }
0x8e4: {  	s29 =	simm.s32 $0x8C80  }
0x8e5: {  	[tilespmem:s29], [sflag:$0x1] =	stream.indirect_vreg.gather [hbm4b:s3+s2], $0x80, v3, vm0, $0xb8;
	[tilespmem:$0x1A480] =	vst v63  }
0x8e6: {  	_ =	swait.ge [sflag:s13], $0x4800  }
0x8e7: {  	[sflag:s13] =	ssyncset.done $0x0  }
0x8e8: {  	[sflag:s13] =	ssyncadd.s32 $0xFFFFB800  }
0x8e9: {  	_ =	swait.ge [sflag:s13], $0x4000  }
0x8ea: {  	[sflag:s13] =	ssyncset.done $0x0  }
0x8eb: {  	s19 =	rddreg [dreg:$0x18];
	[sflag:s13] =	ssyncadd.s32 $0xFFFFC000  }
0x8ec: {  	[hbm4b:s19+s2] =	stream.linear.scatter [tilespmem:s26], [sflag:$0x2], $0x8800, $0x38;
	[tilespmem:$0x1A480] =	vst v63  }
0x8ed: {  	_ =	swait.ge [sflag:s15], $0x8800  }
0x8ee: {  	[sflag:s15] =	ssyncset.done $0x0  }
0x8ef: {  	[sflag:s15] =	ssyncadd.s32 $0xFFFF7800  }
0x8f0: {  	v3 =	vld [tilespmem:$0xBB0];
	_ =	sdelay $0x4  }
0x8f1: {  	v55 =	vshll.u32 v3, $0x1  }
0x8f2: {  	v3 =	vand.u32 $0x7, v3;
	v4 =	vand.u32 $0xFFFFFFF0, v55  }
0x8f3: {  	v3 =	vor.u32 v3, v4  }
0x8f4: {  	v4 =	vperm.xlane v3, v0;
	_ =	sdelay $0x1  }
0x8f5: {  	v3 =	vperm.xlane v3, v2;
	v4 =	vadd.s32 v1, v4;
	_ =	sdelay $0x1  }
0x8f6: {  	v3 =	vadd.s32 v1, v3;
	_ =	sdelay $0x2  }
0x8f7: {  	[tilespmem:s0], [sflag:$0x1] =	stream.indirect_vreg.gather [hbm4b:s3+s2], $0x80, v4, vm0, $0xb8;
	[tilespmem:$0x1A480] =	vst v63  }
0x8f8: {  	s20 =	simm.s32 $0x9C80  }
0x8f9: {  	[tilespmem:s20], [sflag:$0x1] =	stream.indirect_vreg.gather [hbm4b:s3+s2], $0x80, v3, vm0, $0xb8;
	[tilespmem:$0x1A480] =	vst v63  }
0x8fa: {  	v3 =	vld [tilespmem:$0xBC0];
	_ =	sdelay $0x4  }
0x8fb: {  	v56 =	vshll.u32 v3, $0x1  }
0x8fc: {  	v3 =	vand.u32 $0x7, v3;
	v4 =	vand.u32 $0xFFFFFFF0, v56  }
0x8fd: {  	v3 =	vor.u32 v3, v4  }
0x8fe: {  	v4 =	vperm.xlane v3, v0;
	_ =	sdelay $0x1  }
0x8ff: {  	v3 =	vperm.xlane v3, v2;
	v4 =	vadd.s32 v1, v4;
	_ =	sdelay $0x1  }
0x900: {  	v3 =	vadd.s32 v1, v3;
	_ =	sdelay $0x1  }
0x901: {  	s6 =	simm.s32 $0xA480  }
0x902: {  	[tilespmem:s6], [sflag:$0x1] =	stream.indirect_vreg.gather [hbm4b:s3+s2], $0x80, v4, vm0, $0xb8;
	[tilespmem:$0x1A480] =	vst v63  }
0x903: {  	s21 =	simm.s32 $0xAC80  }
0x904: {  	[tilespmem:s21], [sflag:$0x1] =	stream.indirect_vreg.gather [hbm4b:s3+s2], $0x80, v3, vm0, $0xb8;
	[tilespmem:$0x1A480] =	vst v63  }
0x905: {  	v3 =	vld [tilespmem:$0xBD0];
	_ =	sdelay $0x4  }
0x906: {  	v57 =	vshll.u32 v3, $0x1  }
0x907: {  	v3 =	vand.u32 $0x7, v3;
	v4 =	vand.u32 $0xFFFFFFF0, v57  }
0x908: {  	v3 =	vor.u32 v3, v4  }
0x909: {  	v4 =	vperm.xlane v3, v0;
	_ =	sdelay $0x1  }
0x90a: {  	v3 =	vperm.xlane v3, v2;
	v4 =	vadd.s32 v1, v4;
	_ =	sdelay $0x1  }
0x90b: {  	v3 =	vadd.s32 v1, v3;
	_ =	sdelay $0x1  }
0x90c: {  	s24 =	simm.s32 $0xB480  }
0x90d: {  	[tilespmem:s24], [sflag:$0x1] =	stream.indirect_vreg.gather [hbm4b:s3+s2], $0x80, v4, vm0, $0xb8;
	[tilespmem:$0x1A480] =	vst v63  }
0x90e: {  	s22 =	simm.s32 $0xBC80  }
0x90f: {  	[tilespmem:s22], [sflag:$0x1] =	stream.indirect_vreg.gather [hbm4b:s3+s2], $0x80, v3, vm0, $0xb8;
	[tilespmem:$0x1A480] =	vst v63  }
0x910: {  	v3 =	vld [tilespmem:$0xBE0];
	_ =	sdelay $0x4  }
0x911: {  	v58 =	vshll.u32 v3, $0x1  }
0x912: {  	v3 =	vand.u32 $0x7, v3;
	v4 =	vand.u32 $0xFFFFFFF0, v58  }
0x913: {  	v3 =	vor.u32 v3, v4  }
0x914: {  	v4 =	vperm.xlane v3, v0;
	_ =	sdelay $0x1  }
0x915: {  	v3 =	vperm.xlane v3, v2;
	v4 =	vadd.s32 v1, v4;
	_ =	sdelay $0x1  }
0x916: {  	v3 =	vadd.s32 v1, v3;
	_ =	sdelay $0x1  }
0x917: {  	s1 =	simm.s32 $0xC480  }
0x918: {  	[tilespmem:s1], [sflag:$0x1] =	stream.indirect_vreg.gather [hbm4b:s3+s2], $0x80, v4, vm0, $0xb8;
	[tilespmem:$0x1A480] =	vst v63  }
0x919: {  	s24 =	simm.s32 $0xCC80  }
0x91a: {  	[tilespmem:s24], [sflag:$0x1] =	stream.indirect_vreg.gather [hbm4b:s3+s2], $0x80, v3, vm0, $0xb8;
	[tilespmem:$0x1A480] =	vst v63  }
0x91b: {  	v3 =	vld.msk [tilespmem:$0xBF0], $0xff;
	_ =	sdelay $0x4  }
0x91c: {  	v59 =	vshll.u32 v3, $0x1  }
0x91d: {  	v3 =	vand.u32 $0x7, v3;
	v4 =	vand.u32 $0xFFFFFFF0, v59  }
0x91e: {  	v3 =	vor.u32 v3, v4  }
0x91f: {  	v3 =	vperm.xlane v3, v0;
	_ =	sdelay $0x1  }
0x920: {  	v3 =	vadd.s32 v1, v3;
	_ =	sdelay $0x3  }
0x921: {  	s25 =	simm.s32 $0xD480  }
0x922: {  	[tilespmem:s25], [sflag:$0x1] =	stream.indirect_vreg.gather [hbm4b:s3+s2], $0x80, v3, vm0, $0xb8;
	[tilespmem:$0x1A480] =	vst v63  }
0x923: {  	v3 =	vld [tilespmem:$0xBF8];
	_ =	sdelay $0x4  }
0x924: {  	v60 =	vshll.u32 v3, $0x1  }
0x925: {  	v3 =	vand.u32 $0x7, v3;
	v4 =	vand.u32 $0xFFFFFFF0, v60  }
0x926: {  	v3 =	vor.u32 v3, v4  }
0x927: {  	v4 =	vperm.xlane v3, v0;
	_ =	sdelay $0x1  }
0x928: {  	v3 =	vperm.xlane v3, v2;
	v4 =	vadd.s32 v1, v4;
	_ =	sdelay $0x1  }
0x929: {  	v3 =	vadd.s32 v1, v3;
	_ =	sdelay $0x1  }
0x92a: {  	s17 =	simm.s32 $0xDC80  }
0x92b: {  	[tilespmem:s17], [sflag:$0x1] =	stream.indirect_vreg.gather [hbm4b:s3+s2], $0x80, v4, vm0, $0xb8;
	[tilespmem:$0x1A480] =	vst v63  }
0x92c: {  	s26 =	simm.s32 $0xE480  }
0x92d: {  	[tilespmem:s26], [sflag:$0x1] =	stream.indirect_vreg.gather [hbm4b:s3+s2], $0x80, v3, vm0, $0xb8;
	[tilespmem:$0x1A480] =	vst v63  }
0x92e: {  	v3 =	vld [tilespmem:$0xC08];
	_ =	sdelay $0x4  }
0x92f: {  	v61 =	vshll.u32 v3, $0x1  }
0x930: {  	v3 =	vand.u32 $0x7, v3;
	v4 =	vand.u32 $0xFFFFFFF0, v61  }
0x931: {  	v3 =	vor.u32 v3, v4  }
0x932: {  	v4 =	vperm.xlane v3, v0;
	_ =	sdelay $0x1  }
0x933: {  	v3 =	vperm.xlane v3, v2;
	v4 =	vadd.s32 v1, v4;
	_ =	sdelay $0x1  }
0x934: {  	v3 =	vadd.s32 v1, v3;
	_ =	sdelay $0x1  }
0x935: {  	s4 =	simm.s32 $0xEC80  }
0x936: {  	[tilespmem:s4], [sflag:$0x1] =	stream.indirect_vreg.gather [hbm4b:s3+s2], $0x80, v4, vm0, $0xb8;
	[tilespmem:$0x1A480] =	vst v63  }
0x937: {  	s28 =	simm.s32 $0xF480  }
0x938: {  	[tilespmem:s28], [sflag:$0x1] =	stream.indirect_vreg.gather [hbm4b:s3+s2], $0x80, v3, vm0, $0xb8;
	[tilespmem:$0x1A480] =	vst v63  }
0x939: {  	v3 =	vld [tilespmem:$0xC18];
	_ =	sdelay $0x4  }
0x93a: {  	v62 =	vshll.u32 v3, $0x1  }
0x93b: {  	v3 =	vand.u32 $0x7, v3;
	v4 =	vand.u32 $0xFFFFFFF0, v62  }
0x93c: {  	v3 =	vor.u32 v3, v4  }
0x93d: {  	v4 =	vperm.xlane v3, v0;
	_ =	sdelay $0x1  }
0x93e: {  	v3 =	vperm.xlane v3, v2;
	v4 =	vadd.s32 v1, v4;
	_ =	sdelay $0x1  }
0x93f: {  	v3 =	vadd.s32 v1, v3;
	_ =	sdelay $0x1  }
0x940: {  	s12 =	simm.s32 $0xFC80  }
0x941: {  	[tilespmem:s12], [sflag:$0x1] =	stream.indirect_vreg.gather [hbm4b:s3+s2], $0x80, v4, vm0, $0xb8;
	[tilespmem:$0x1A480] =	vst v63  }
0x942: {  	s29 =	simm.s32 $0x10480  }
0x943: {  	[tilespmem:s29], [sflag:$0x1] =	stream.indirect_vreg.gather [hbm4b:s3+s2], $0x80, v3, vm0, $0xb8;
	[tilespmem:$0x1A480] =	vst v63  }
0x944: {  	v3 =	vld [tilespmem:$0xC28];
	_ =	sdelay $0x4  }
0x945: {  	v63 =	vshll.u32 v3, $0x1  }
0x946: {  	v3 =	vand.u32 $0x7, v3;
	v4 =	vand.u32 $0xFFFFFFF0, v63  }
0x947: {  	v3 =	vor.u32 v3, v4  }
0x948: {  	v4 =	vperm.xlane v3, v0;
	_ =	sdelay $0x1  }
0x949: {  	v3 =	vperm.xlane v3, v2;
	v4 =	vadd.s32 v1, v4;
	_ =	sdelay $0x1  }
0x94a: {  	v3 =	vadd.s32 v1, v3;
	_ =	sdelay $0x1  }
0x94b: {  	s14 =	simm.s32 $0x10C80  }
0x94c: {  	[tilespmem:s14], [sflag:$0x1] =	stream.indirect_vreg.gather [hbm4b:s3+s2], $0x80, v4, vm0, $0xb8;
	[tilespmem:$0x1A480] =	vst v63  }
0x94d: {  	s30 =	simm.s32 $0x11480  }
0x94e: {  	[tilespmem:s30], [sflag:$0x1] =	stream.indirect_vreg.gather [hbm4b:s3+s2], $0x80, v3, vm0, $0xb8;
	[tilespmem:$0x1A480] =	vst v63  }
0x94f: {  	s23 =	rddreg [dreg:$0x1c];
	_ =	swait.ge [sflag:s13], $0x4800  }
0x950: {  	[sflag:s13] =	ssyncset.done $0x0  }
0x951: {  	[sflag:s13] =	ssyncadd.s32 $0xFFFFB800  }
0x952: {  	_ =	swait.ge [sflag:s13], $0x4000  }
0x953: {  	[sflag:s13] =	ssyncset.done $0x0  }
0x954: {  	s31 =	rddreg [dreg:$0x19];
	[sflag:s13] =	ssyncadd.s32 $0xFFFFC000  }
0x955: {  	[hbm4b:s31+s2] =	stream.linear.scatter [tilespmem:s8], [sflag:$0x2], $0x8800, $0x38;
	[tilespmem:$0x1A480] =	vst v63  }
0x956: {  	_ =	swait.ge [sflag:s15], $0x8800  }
0x957: {  	[sflag:s15] =	ssyncset.done $0x0  }
0x958: {  	[sflag:s15] =	ssyncadd.s32 $0xFFFF7800  }
0x959: {  	_ =	swait.ge [sflag:s15], $0x8800  }
0x95a: {  	[sflag:s15] =	ssyncset.done $0x0  }
0x95b: {  	[sflag:s15] =	ssyncadd.s32 $0xFFFF7800  }
0x95c: {  	_ =	swait.ge [sflag:s13], $0x4800  }
0x95d: {  	[sflag:s13] =	ssyncset.done $0x0  }
0x95e: {  	[sflag:s13] =	ssyncadd.s32 $0xFFFFB800  }
0x95f: {  	_ =	swait.ge [sflag:s13], $0x4000  }
0x960: {  	s18 =	simm.s32 @p0 $0x9480;
	[sflag:s13] =	ssyncset.done $0x0  }
0x961: {  	s17 =	simm.s32 @p0 $0x0;
	s16 =	rddreg [dreg:$0x1a];
	[sflag:s13] =	ssyncadd.s32 $0xFFFFC000  }
0x962: {  	[hbm4b:s16+s17] =	stream.linear.scatter @p0 [tilespmem:s18], [sflag:$0x3], $0x8800, $0x38;
	[tilespmem:$0x1A480] =	vst v63  }
0x963: {  	s16 =	simm.s32 @p0 $0x3  }
0x964: {  	s1 =	sadd.s32 $0xFFFFFFFF, s23;
	_ =	swait.ge @p0 [sflag:s16], $0x8800  }
0x965: {  	p1 =	sne.s32 s1, $0x0;
	s18 =	simm.s32 @!p0 $0x9480;
	[sflag:s16] =	ssyncset.done @p0 $0x0  }
0x966: {  	s17 =	rddreg [dreg:$0x1b];
	[sflag:s16] =	ssyncadd.s32 @p0 $0xFFFF7800;
	s16 =	simm.s32 @!p0 $0x0  }
0x967: {  	[hbm4b:s17+s16] =	stream.linear.scatter @!p0 [tilespmem:s18], [sflag:$0x3], $0x2800, $0x38;
	[tilespmem:$0x1A480] =	vst v63  }
.Ltmp0:
0x968: {  	_ = 	snop;
	(pc) =	sbr.rel @p1 .LBB2_1-.Ltmp0, $4  }
0x969: {  	s16 =	simm.s32 @!p0 $0x3  }
0x96a: {  	_ =	swait.ge @!p0 [sflag:s16], $0x2800  }
0x96b: {  	[sflag:s16] =	ssyncset.done @!p0 $0x0  }
0x96c: {  	[sflag:s16] =	ssyncadd.s32 @!p0 $0xFFFFD800  }
0x96d: {  	_ =	sfence.sel $0x180000  }
0x96e: {  	[bflag:$0x0] =	sbarrier.arrive $0xFFFF  }
0x96f: {  	_ =	strace $0x90000047  }
0x970: {  	s0 =	stileid.u32;
	[bflag:$0x2] =	sbarrier.arrive $0xFFFF  }
0x971: {  	p0 =	sne.s32 s0, $0x0;
	s0 =	rddreg [dreg:$0x2]  }
0x972: {  	s0 =	sadd.s32 @!p0 $0x100000, s0  }
0x973: {  	[sflag:s0] =	ssyncadd.tile.s32 @!p0 $0x1;
	_ =	shalt  }
.Lfunc_end2:
_tile_overlayer_lowered:
.L_overlay_start_2:
0x974: {  	(tag) =	ssettag $0x2  }
0x975: {  	s0 =	rddreg [dreg:$0x0];
	s2 =	stileid.u32  }
0x976: {  	s1 =	rddreg [dreg:$0x1];
	p0 =	sne.s32 s2, $0x0  }
0x977: {  	s3 =	rddreg [dreg:$0x2];
	[bflag:$0x3] =	sbarrier.arrive $0xFFFF;
	s2 =	simm.s32 @!p0 $0x1C03  }
0x978: {  	[timem:s3], [sflag:s2] =	dma.local @!p0 [hbm:s0], s1  }
0x979: {  	s0 =	simm.s32 @!p0 $0x3  }
0x97a: {  	_ =	swait.ge @!p0 [sflag:s0], s1  }
0x97b: {  	s1 =	ssub.s32 @!p0 $0x0, s1;
	[sflag:s0] =	ssyncset.done @!p0 $0x0  }
0x97c: {  	[sflag:s0] =	ssyncadd.s32 @!p0 s1  }
0x97d: {  	[bflag:$0x3] =	sbarrier.arrive $0xFFFF  }
0x97e: {  	_ =	shalt  }

</sc_bundles>
